<compile_context>
chip_gen: v7x
topology: tpu7x:2x2x1
jax: 0.10.2.dev20260603
libtpu: 0.0.44.dev20260713+nightly
codegen_flags: <defaults>
</compile_context>

<pallas_src>
import jax
import jax.numpy as jnp
from jax import lax
from jax.experimental import pallas as pl
from jax.experimental.pallas import tpu as pltpu
from jax.experimental.pallas import tpu_sc as plsc

VOCAB = 1000000
DIM = 64
BATCH = 4096
HIST = 200

NC = 2
NS = 16
NW = NC * NS
LANES = 16

TOTAL = BATCH * HIST
PER_W = TOTAL // NW
GROUP = 128
NGROUP = PER_W // GROUP
NB = 8
PADW = 128
LAG = 4


def _emb_kernel(x_hbm, null_hbm, oov_hbm, fixed_hbm, out_hbm,
                xbuf, sbuf, rowbuf, mini, *sems):
    gsems = sems[:NB]
    osems = sems[NB:]
    wid = lax.axis_index("s") * NC + lax.axis_index("c")

    pltpu.sync_copy(x_hbm.at[wid], xbuf)
    pltpu.sync_copy(null_hbm, mini.at[pl.ds(0, 1)])
    pltpu.sync_copy(oov_hbm, mini.at[pl.ds(1, 1)])

    rid0 = lax.iota(jnp.int32, LANES)

    def issue(g, b):
        for k in range(GROUP // LANES):
            xv = xbuf[g, pl.ds(k * LANES, LANES)]
            sbuf[g, pl.ds(k * LANES, LANES)] = jnp.maximum(xv - 2, 0) * 2
        pltpu.async_copy(fixed_hbm.at[sbuf.at[g]], rowbuf.at[b], gsems[b])

    def wait_gather(g, b):
        pltpu.make_async_copy(
            fixed_hbm.at[sbuf.at[g]], rowbuf.at[b], gsems[b]).wait()

    def fixup(g, b):
        acc = jnp.zeros((LANES,), jnp.bool_)
        for k in range(GROUP // LANES):
            acc = jnp.logical_or(acc, xbuf[g, pl.ds(k * LANES, LANES)] < 2)

        @pl.when(jnp.any(acc))
        def _fix_group():
            def sub_body(k, carry):
                xv = xbuf[g, pl.ds(k * LANES, LANES)]

                @pl.when(jnp.any(xv < 2))
                def _fix_sub():
                    m = xv < 2
                    p = jnp.minimum(xv, 1)
                    rids = rid0 + k * LANES

                    def col_body(c, carry2):
                        cs = jnp.full((LANES,), 0, jnp.int32) + c
                        patch = plsc.load_gather(mini, [p, cs])
                        plsc.store_scatter(
                            rowbuf.at[b], [rids, cs], patch, mask=m)
                        return carry2

                    lax.fori_loop(0, DIM, col_body, 0)

                return carry

            lax.fori_loop(0, GROUP // LANES, sub_body, 0)

    def start_out(g, b):
        pltpu.async_copy(rowbuf.at[b], out_hbm.at[wid, g, :, pl.ds(0, DIM)], osems[b])

    def wait_out(g, b):
        pltpu.make_async_copy(
            rowbuf.at[b], out_hbm.at[wid, g, :, pl.ds(0, DIM)], osems[b]).wait()

    def block_body(blk, carry):
        for b in range(NB):
            g = blk * NB + b

            @pl.when(g >= NB)
            def _drain_out():
                wait_out(g - NB, b)

            issue(g, b)

            b2 = (b - LAG) % NB

            @pl.when(g >= LAG)
            def _consume():
                gm = g - LAG
                wait_gather(gm, b2)
                fixup(gm, b2)
                start_out(gm, b2)

        return carry

    lax.fori_loop(0, NGROUP // NB, block_body, 0)

    for g in range(NGROUP - LAG, NGROUP):
        b = g % NB
        wait_gather(g, b)
        fixup(g, b)
        start_out(g, b)
    for g in range(NGROUP - NB, NGROUP):
        wait_out(g, g % NB)


@jax.jit
def kernel(x, null_emb, oov_weight, fixed_weight):
    xg = x.reshape(NW, NGROUP, GROUP)
    fp = jnp.pad(fixed_weight, ((0, 2), (0, DIM)))
    mesh = plsc.VectorSubcoreMesh(core_axis_name="c", subcore_axis_name="s")
    out = pl.kernel(
        _emb_kernel,
        mesh=mesh,
        compiler_params=pltpu.CompilerParams(
            needs_layout_passes=False, use_tc_tiling_on_sc=False),
        out_type=jax.ShapeDtypeStruct((NW, NGROUP, GROUP, PADW), jnp.float32),
        scratch_types=[
            pltpu.VMEM((NGROUP, GROUP), jnp.int32),
            pltpu.VMEM((NGROUP, GROUP), jnp.int32),
            pltpu.VMEM((NB, GROUP, DIM), jnp.float32),
            pltpu.VMEM((2, DIM), jnp.float32),
        ] + [pltpu.SemaphoreType.DMA] * (2 * NB),
    )(xg, null_emb, oov_weight, fp.reshape(2 * VOCAB, DIM))
    return out[..., :DIM].reshape(BATCH, HIST, DIM)

# --- scband reference (transcript-rebuilt; emitter-appended) ---
"""Pipeline reference for scband-word-embedding-72258529788257 (READ-ONLY COPY).

The authoritative reference and input builder live on the scoring server;
editing this copy changes nothing except your own understanding.
"""

import jax, jax.numpy as jnp
import numpy as np

VOCAB = 1000000
DIM = 64
BATCH = 4096
HIST = 200

def setup_inputs(seed: int = 0) -> dict:
    key = jax.random.key(seed)
    k1, k2 = jax.random.split(key)
    x = jax.random.randint(k1, (BATCH, HIST), 0, VOCAB, dtype=jnp.int32)
    word_mat = jax.random.normal(k2, (VOCAB, DIM), dtype=jnp.float32) * 0.02
    null_emb = word_mat[0:1]
    oov_weight = word_mat[1:2]
    fixed_weight = word_mat[2:]
    return {"x": x, "null_emb": null_emb, "oov_weight": oov_weight, "fixed_weight": fixed_weight}

def reference(x, null_emb, oov_weight, fixed_weight):
    # out = zeros(*x.shape, dim); filled by three disjoint masks (x==0, x==1, x>=2).
    # Since x >= 0 always, the masks fully partition the output, so a nested where is exact.
    safe_idx = jnp.clip(x - 2, 0, fixed_weight.shape[0] - 1)
    fixed_out = jnp.take(fixed_weight, safe_idx, axis=0)  # gather -> SparseCore friendly
    null_mask = (x == 0)[..., None]
    oov_mask = (x == 1)[..., None]
    out = jnp.where(null_mask, null_emb[0],
          jnp.where(oov_mask, oov_weight[0], fixed_out))
    return out

if __name__ == "__main__":
    import jax
    _d = setup_inputs()
    print(jax.jit(kernel)(*tuple(_d.values())))

</pallas_src>

<mosaic_0001>
#map = affine_map<(d0, d1) -> (0, 0, 0)>
#map1 = affine_map<(d0, d1) -> (0, 0)>
#map2 = affine_map<(d0, d1) -> (0, 0, 0, 0)>
module attributes {stable_mosaic.version = 14 : i64} {
  func.func @_emb_kernel(%arg0: i32, %arg1: i32, %arg2: memref<32x200x128xi32, #tpu.memory_space<hbm>>, %arg3: memref<1x64xf32, #tpu.memory_space<hbm>>, %arg4: memref<1x64xf32, #tpu.memory_space<hbm>>, %arg5: memref<2000000x64xf32, #tpu.memory_space<hbm>>, %arg6: memref<32x200x128x128xf32, #tpu.memory_space<hbm>>, %arg7: memref<200x128xi32, #tpu.memory_space<vmem>>, %arg8: memref<200x128xi32, #tpu.memory_space<vmem>>, %arg9: memref<8x128x64xf32, #tpu.memory_space<vmem>>, %arg10: memref<2x64xf32, #tpu.memory_space<vmem>>, %arg11: memref<!tpu.dma_semaphore, #tpu.memory_space<semaphore_mem>>, %arg12: memref<!tpu.dma_semaphore, #tpu.memory_space<semaphore_mem>>, %arg13: memref<!tpu.dma_semaphore, #tpu.memory_space<semaphore_mem>>, %arg14: memref<!tpu.dma_semaphore, #tpu.memory_space<semaphore_mem>>, %arg15: memref<!tpu.dma_semaphore, #tpu.memory_space<semaphore_mem>>, %arg16: memref<!tpu.dma_semaphore, #tpu.memory_space<semaphore_mem>>, %arg17: memref<!tpu.dma_semaphore, #tpu.memory_space<semaphore_mem>>, %arg18: memref<!tpu.dma_semaphore, #tpu.memory_space<semaphore_mem>>, %arg19: memref<!tpu.dma_semaphore, #tpu.memory_space<semaphore_mem>>, %arg20: memref<!tpu.dma_semaphore, #tpu.memory_space<semaphore_mem>>, %arg21: memref<!tpu.dma_semaphore, #tpu.memory_space<semaphore_mem>>, %arg22: memref<!tpu.dma_semaphore, #tpu.memory_space<semaphore_mem>>, %arg23: memref<!tpu.dma_semaphore, #tpu.memory_space<semaphore_mem>>, %arg24: memref<!tpu.dma_semaphore, #tpu.memory_space<semaphore_mem>>, %arg25: memref<!tpu.dma_semaphore, #tpu.memory_space<semaphore_mem>>, %arg26: memref<!tpu.dma_semaphore, #tpu.memory_space<semaphore_mem>>) attributes {dimension_semantics = [#tpu.dimension_semantics<core_parallel>, #tpu.dimension_semantics<subcore_parallel>], iteration_bounds = array<i64: 2, 16>, scalar_prefetch = 0 : i64, scratch_operands = 20 : i64, tpu.core_type = #tpu.core_type<sc_vector_subcore>, window_params = [{transform_indices = #map}, {transform_indices = #map1}, {transform_indices = #map1}, {transform_indices = #map1}, {transform_indices = #map2}]} {
    %mul3A = arith.constant 2 : i32
    %mul3A_0 = arith.muli %arg1, %mul3A : i32
    %add3A = arith.addi %mul3A_0, %arg0 : i32
    "tpu.region"() ({
      %run_scoped3A = tpu.sem_alloc : memref<!tpu.dma_semaphore, #tpu.memory_space<semaphore_mem>>
      %dma_start3A_581 = arith.constant 0 : i32
      %dma_start3A_582 = arith.constant 0 : i32
      %dma_start3A_583 = tpu.memref_slice %arg2[%add3A, %dma_start3A_581, %dma_start3A_582] : memref<32x200x128xi32, #tpu.memory_space<hbm>> -> memref<1x200x128xi32, #tpu.memory_space<hbm>>
      %dma_start3A_584 = tpu.memref_squeeze %dma_start3A_583 : memref<1x200x128xi32, #tpu.memory_space<hbm>> -> memref<200x128xi32, #tpu.memory_space<hbm>>
      %dma_start3A_585 = arith.constant 0 : i32
      %dma_start3A_586 = arith.constant 0 : i32
      %dma_start3A_587 = tpu.memref_slice %arg2[%add3A, %dma_start3A_585, %dma_start3A_586] : memref<32x200x128xi32, #tpu.memory_space<hbm>> -> memref<1x200x128xi32, #tpu.memory_space<hbm>>
      %dma_start3A_588 = tpu.memref_squeeze %dma_start3A_587 : memref<1x200x128xi32, #tpu.memory_space<hbm>> -> memref<200x128xi32, #tpu.memory_space<hbm>>
      tpu.enqueue_dma source(%dma_start3A_588 : memref<200x128xi32, #tpu.memory_space<hbm>>) target(%arg7 : memref<200x128xi32, #tpu.memory_space<vmem>>) target_semaphore(%run_scoped3A : memref<!tpu.dma_semaphore, #tpu.memory_space<semaphore_mem>>)
      %dma_wait3A_589 = arith.constant 0 : i32
      %dma_wait3A_590 = arith.constant 0 : i32
      %dma_wait3A_591 = tpu.memref_slice %arg2[%add3A, %dma_wait3A_589, %dma_wait3A_590] : memref<32x200x128xi32, #tpu.memory_space<hbm>> -> memref<1x200x128xi32, #tpu.memory_space<hbm>>
      %dma_wait3A_592 = tpu.memref_squeeze %dma_wait3A_591 : memref<1x200x128xi32, #tpu.memory_space<hbm>> -> memref<200x128xi32, #tpu.memory_space<hbm>>
      %dma_wait3A_593 = arith.constant 0 : i32
      %dma_wait3A_594 = arith.constant 0 : i32
      %dma_wait3A_595 = tpu.memref_slice %arg2[%add3A, %dma_wait3A_593, %dma_wait3A_594] : memref<32x200x128xi32, #tpu.memory_space<hbm>> -> memref<1x200x128xi32, #tpu.memory_space<hbm>>
      %dma_wait3A_596 = tpu.memref_squeeze %dma_wait3A_595 : memref<1x200x128xi32, #tpu.memory_space<hbm>> -> memref<200x128xi32, #tpu.memory_space<hbm>>
      tpu.wait_dma2 semaphore(%run_scoped3A : memref<!tpu.dma_semaphore, #tpu.memory_space<semaphore_mem>>) src(%dma_wait3A_596 : memref<200x128xi32, #tpu.memory_space<hbm>>) dst(%arg7 : memref<200x128xi32, #tpu.memory_space<vmem>>)
      tpu.yield
    }) : () -> ()
    "tpu.region"() ({
      %run_scoped3A = tpu.sem_alloc : memref<!tpu.dma_semaphore, #tpu.memory_space<semaphore_mem>>
      %dma_start3A_581 = arith.constant 0 : i32
      %dma_start3A_582 = arith.constant 0 : i32
      %dma_start3A_583 = tpu.memref_slice %arg10[%dma_start3A_581, %dma_start3A_582] : memref<2x64xf32, #tpu.memory_space<vmem>> -> memref<1x64xf32, #tpu.memory_space<vmem>>
      %dma_start3A_584 = arith.constant 0 : i32
      %dma_start3A_585 = arith.constant 0 : i32
      %dma_start3A_586 = tpu.memref_slice %arg10[%dma_start3A_584, %dma_start3A_585] : memref<2x64xf32, #tpu.memory_space<vmem>> -> memref<1x64xf32, #tpu.memory_space<vmem>>
      tpu.enqueue_dma source(%arg3 : memref<1x64xf32, #tpu.memory_space<hbm>>) target(%dma_start3A_586 : memref<1x64xf32, #tpu.memory_space<vmem>>) target_semaphore(%run_scoped3A : memref<!tpu.dma_semaphore, #tpu.memory_space<semaphore_mem>>)
      %dma_wait3A_587 = arith.constant 0 : i32
      %dma_wait3A_588 = arith.constant 0 : i32
      %dma_wait3A_589 = tpu.memref_slice %arg10[%dma_wait3A_587, %dma_wait3A_588] : memref<2x64xf32, #tpu.memory_space<vmem>> -> memref<1x64xf32, #tpu.memory_space<vmem>>
      %dma_wait3A_590 = arith.constant 0 : i32
      %dma_wait3A_591 = arith.constant 0 : i32
      %dma_wait3A_592 = tpu.memref_slice %arg10[%dma_wait3A_590, %dma_wait3A_591] : memref<2x64xf32, #tpu.memory_space<vmem>> -> memref<1x64xf32, #tpu.memory_space<vmem>>
      tpu.wait_dma2 semaphore(%run_scoped3A : memref<!tpu.dma_semaphore, #tpu.memory_space<semaphore_mem>>) src(%arg3 : memref<1x64xf32, #tpu.memory_space<hbm>>) dst(%dma_wait3A_592 : memref<1x64xf32, #tpu.memory_space<vmem>>)
      tpu.yield
    }) : () -> ()
    "tpu.region"() ({
      %run_scoped3A = tpu.sem_alloc : memref<!tpu.dma_semaphore, #tpu.memory_space<semaphore_mem>>
      %dma_start3A_581 = arith.constant 1 : i32
      %dma_start3A_582 = arith.constant 0 : i32
      %dma_start3A_583 = tpu.memref_slice %arg10[%dma_start3A_581, %dma_start3A_582] : memref<2x64xf32, #tpu.memory_space<vmem>> -> memref<1x64xf32, #tpu.memory_space<vmem>>
      %dma_start3A_584 = arith.constant 1 : i32
      %dma_start3A_585 = arith.constant 0 : i32
      %dma_start3A_586 = tpu.memref_slice %arg10[%dma_start3A_584, %dma_start3A_585] : memref<2x64xf32, #tpu.memory_space<vmem>> -> memref<1x64xf32, #tpu.memory_space<vmem>>
      tpu.enqueue_dma source(%arg4 : memref<1x64xf32, #tpu.memory_space<hbm>>) target(%dma_start3A_586 : memref<1x64xf32, #tpu.memory_space<vmem>>) target_semaphore(%run_scoped3A : memref<!tpu.dma_semaphore, #tpu.memory_space<semaphore_mem>>)
      %dma_wait3A_587 = arith.constant 1 : i32
      %dma_wait3A_588 = arith.constant 0 : i32
      %dma_wait3A_589 = tpu.memref_slice %arg10[%dma_wait3A_587, %dma_wait3A_588] : memref<2x64xf32, #tpu.memory_space<vmem>> -> memref<1x64xf32, #tpu.memory_space<vmem>>
      %dma_wait3A_590 = arith.constant 1 : i32
      %dma_wait3A_591 = arith.constant 0 : i32
      %dma_wait3A_592 = tpu.memref_slice %arg10[%dma_wait3A_590, %dma_wait3A_591] : memref<2x64xf32, #tpu.memory_space<vmem>> -> memref<1x64xf32, #tpu.memory_space<vmem>>
      tpu.wait_dma2 semaphore(%run_scoped3A : memref<!tpu.dma_semaphore, #tpu.memory_space<semaphore_mem>>) src(%arg4 : memref<1x64xf32, #tpu.memory_space<hbm>>) dst(%dma_wait3A_592 : memref<1x64xf32, #tpu.memory_space<vmem>>)
      tpu.yield
    }) : () -> ()
    %iota3A = tpu.iota {dimensions = array<i32: 0>} : vector<16xi32>
    %scan3A = arith.constant 0 : i32
    %scan3A_1 = arith.constant 0 : i32
    %scan3A_2 = arith.constant 25 : i32
    %scan3A_3 = arith.addi %scan3A_1, %scan3A_2 : i32
    %scan3A_4 = arith.constant 1 : i32
    scf.for %scan3A_581 = %scan3A_1 to %scan3A_3 step %scan3A_4  : i32 {
      %mul3A_582 = arith.constant 8 : i32
      %mul3A_583 = arith.muli %scan3A_581, %mul3A_582 : i32
      %add3A_584 = arith.constant 0 : i32
      %add3A_585 = arith.addi %mul3A_583, %add3A_584 : i32
      %ge3A = arith.constant 8 : i32
      %ge3A_586 = arith.cmpi sge, %add3A_585, %ge3A : i32
      %convert_element_type3A_587 = arith.extui %ge3A_586 : i1 to i32
      %cond3A_588 = arith.constant 0 : i32
      %cond3A_589 = arith.cmpi ne, %convert_element_type3A_587, %cond3A_588 : i32
      scf.if %cond3A_589 {
        %sub3A_1738 = arith.constant 8 : i32
        %sub3A_1739 = arith.subi %add3A_585, %sub3A_1738 : i32
        %dma_wait3A_1740 = arith.constant 0 : i32
        %dma_wait3A_1741 = arith.constant 0 : i32
        %dma_wait3A_1742 = arith.constant 0 : i32
        %dma_wait3A_1743 = tpu.memref_slice %arg9[%dma_wait3A_1740, %dma_wait3A_1741, %dma_wait3A_1742] : memref<8x128x64xf32, #tpu.memory_space<vmem>> -> memref<1x128x64xf32, #tpu.memory_space<vmem>>
        %dma_wait3A_1744 = tpu.memref_squeeze %dma_wait3A_1743 : memref<1x128x64xf32, #tpu.memory_space<vmem>> -> memref<128x64xf32, #tpu.memory_space<vmem>>
        %dma_wait3A_1745 = arith.constant 0 : i32
        %dma_wait3A_1746 = arith.constant 0 : i32
        %dma_wait3A_1747 = tpu.memref_slice %arg6[%add3A, %sub3A_1739, %dma_wait3A_1745, %dma_wait3A_1746] : memref<32x200x128x128xf32, #tpu.memory_space<hbm>> -> memref<1x1x128x64xf32, #tpu.memory_space<hbm>>
        %dma_wait3A_1748 = tpu.memref_squeeze %dma_wait3A_1747 : memref<1x1x128x64xf32, #tpu.memory_space<hbm>> -> memref<128x64xf32, #tpu.memory_space<hbm>>
        %dma_wait3A_1749 = arith.constant 0 : i32
        %dma_wait3A_1750 = arith.constant 0 : i32
        %dma_wait3A_1751 = tpu.memref_slice %arg6[%add3A, %sub3A_1739, %dma_wait3A_1749, %dma_wait3A_1750] : memref<32x200x128x128xf32, #tpu.memory_space<hbm>> -> memref<1x1x128x64xf32, #tpu.memory_space<hbm>>
        %dma_wait3A_1752 = tpu.memref_squeeze %dma_wait3A_1751 : memref<1x1x128x64xf32, #tpu.memory_space<hbm>> -> memref<128x64xf32, #tpu.memory_space<hbm>>
        %dma_wait3A_1753 = arith.constant 0 : i32
        %dma_wait3A_1754 = arith.constant 0 : i32
        %dma_wait3A_1755 = tpu.memref_slice %arg9[%dma_wait3A_1740, %dma_wait3A_1753, %dma_wait3A_1754] : memref<8x128x64xf32, #tpu.memory_space<vmem>> -> memref<1x128x64xf32, #tpu.memory_space<vmem>>
        %dma_wait3A_1756 = tpu.memref_squeeze %dma_wait3A_1755 : memref<1x128x64xf32, #tpu.memory_space<vmem>> -> memref<128x64xf32, #tpu.memory_space<vmem>>
        tpu.wait_dma2 semaphore(%arg19 : memref<!tpu.dma_semaphore, #tpu.memory_space<semaphore_mem>>) src(%dma_wait3A_1756 : memref<128x64xf32, #tpu.memory_space<vmem>>) dst(%dma_wait3A_1752 : memref<128x64xf32, #tpu.memory_space<hbm>>)
      } else {
      }
      %get3A_590 = arith.index_cast %add3A_585 : i32 to index
      %get3A_591 = arith.constant 0 : index
      %get3A_592 = tpu.vector_load %arg7[%get3A_590, %get3A_591] {strides = array<i32>} : memref<200x128xi32, #tpu.memory_space<vmem>>, vector<16xi32>,
      %sub3A = arith.constant 2 : i32
      %sub3A_593 = vector.broadcast %sub3A : i32 to vector<16xi32>
      %sub3A_594 = arith.subi %get3A_592, %sub3A_593 : vector<16xi32>
      %max3A = arith.constant 0 : i32
      %max3A_595 = vector.broadcast %max3A : i32 to vector<16xi32>
      %max3A_596 = arith.maxsi %sub3A_594, %max3A_595 : vector<16xi32>
      %mul3A_597 = arith.constant 2 : i32
      %mul3A_598 = vector.broadcast %mul3A_597 : i32 to vector<16xi32>
      %mul3A_599 = arith.muli %max3A_596, %mul3A_598 : vector<16xi32>
      %swap3A = arith.index_cast %add3A_585 : i32 to index
      %swap3A_600 = arith.constant 0 : index
      %swap3A_601 = tpu.vector_load %arg8[%swap3A, %swap3A_600] {strides = array<i32>} : memref<200x128xi32, #tpu.memory_space<vmem>>, vector<16xi32>,
      tpu.vector_store %arg8[%swap3A, %swap3A_600], %mul3A_599 {strides = array<i32>} : memref<200x128xi32, #tpu.memory_space<vmem>>, vector<16xi32>,
      %get3A_602 = arith.index_cast %add3A_585 : i32 to index
      %get3A_603 = arith.constant 16 : index
      %get3A_604 = tpu.vector_load %arg7[%get3A_602, %get3A_603] {strides = array<i32>} : memref<200x128xi32, #tpu.memory_space<vmem>>, vector<16xi32>,
      %sub3A_605 = arith.constant 2 : i32
      %sub3A_606 = vector.broadcast %sub3A_605 : i32 to vector<16xi32>
      %sub3A_607 = arith.subi %get3A_604, %sub3A_606 : vector<16xi32>
      %max3A_608 = arith.constant 0 : i32
      %max3A_609 = vector.broadcast %max3A_608 : i32 to vector<16xi32>
      %max3A_610 = arith.maxsi %sub3A_607, %max3A_609 : vector<16xi32>
      %mul3A_611 = arith.constant 2 : i32
      %mul3A_612 = vector.broadcast %mul3A_611 : i32 to vector<16xi32>
      %mul3A_613 = arith.muli %max3A_610, %mul3A_612 : vector<16xi32>
      %swap3A_614 = arith.index_cast %add3A_585 : i32 to index
      %swap3A_615 = arith.constant 16 : index
      %swap3A_616 = tpu.vector_load %arg8[%swap3A_614, %swap3A_615] {strides = array<i32>} : memref<200x128xi32, #tpu.memory_space<vmem>>, vector<16xi32>,
      tpu.vector_store %arg8[%swap3A_614, %swap3A_615], %mul3A_613 {strides = array<i32>} : memref<200x128xi32, #tpu.memory_space<vmem>>, vector<16xi32>,
      %get3A_617 = arith.index_cast %add3A_585 : i32 to index
      %get3A_618 = arith.constant 32 : index
      %get3A_619 = tpu.vector_load %arg7[%get3A_617, %get3A_618] {strides = array<i32>} : memref<200x128xi32, #tpu.memory_space<vmem>>, vector<16xi32>,
      %sub3A_620 = arith.constant 2 : i32
      %sub3A_621 = vector.broadcast %sub3A_620 : i32 to vector<16xi32>
      %sub3A_622 = arith.subi %get3A_619, %sub3A_621 : vector<16xi32>
      %max3A_623 = arith.constant 0 : i32
      %max3A_624 = vector.broadcast %max3A_623 : i32 to vector<16xi32>
      %max3A_625 = arith.maxsi %sub3A_622, %max3A_624 : vector<16xi32>
      %mul3A_626 = arith.constant 2 : i32
      %mul3A_627 = vector.broadcast %mul3A_626 : i32 to vector<16xi32>
      %mul3A_628 = arith.muli %max3A_625, %mul3A_627 : vector<16xi32>
      %swap3A_629 = arith.index_cast %add3A_585 : i32 to index
      %swap3A_630 = arith.constant 32 : index
      %swap3A_631 = tpu.vector_load %arg8[%swap3A_629, %swap3A_630] {strides = array<i32>} : memref<200x128xi32, #tpu.memory_space<vmem>>, vector<16xi32>,
      tpu.vector_store %arg8[%swap3A_629, %swap3A_630], %mul3A_628 {strides = array<i32>} : memref<200x128xi32, #tpu.memory_space<vmem>>, vector<16xi32>,
      %get3A_632 = arith.index_cast %add3A_585 : i32 to index
      %get3A_633 = arith.constant 48 : index
      %get3A_634 = tpu.vector_load %arg7[%get3A_632, %get3A_633] {strides = array<i32>} : memref<200x128xi32, #tpu.memory_space<vmem>>, vector<16xi32>,
      %sub3A_635 = arith.constant 2 : i32
      %sub3A_636 = vector.broadcast %sub3A_635 : i32 to vector<16xi32>
      %sub3A_637 = arith.subi %get3A_634, %sub3A_636 : vector<16xi32>
      %max3A_638 = arith.constant 0 : i32
      %max3A_639 = vector.broadcast %max3A_638 : i32 to vector<16xi32>
      %max3A_640 = arith.maxsi %sub3A_637, %max3A_639 : vector<16xi32>
      %mul3A_641 = arith.constant 2 : i32
      %mul3A_642 = vector.broadcast %mul3A_641 : i32 to vector<16xi32>
      %mul3A_643 = arith.muli %max3A_640, %mul3A_642 : vector<16xi32>
      %swap3A_644 = arith.index_cast %add3A_585 : i32 to index
      %swap3A_645 = arith.constant 48 : index
      %swap3A_646 = tpu.vector_load %arg8[%swap3A_644, %swap3A_645] {strides = array<i32>} : memref<200x128xi32, #tpu.memory_space<vmem>>, vector<16xi32>,
      tpu.vector_store %arg8[%swap3A_644, %swap3A_645], %mul3A_643 {strides = array<i32>} : memref<200x128xi32, #tpu.memory_space<vmem>>, vector<16xi32>,
      %get3A_647 = arith.index_cast %add3A_585 : i32 to index
      %get3A_648 = arith.constant 64 : index
      %get3A_649 = tpu.vector_load %arg7[%get3A_647, %get3A_648] {strides = array<i32>} : memref<200x128xi32, #tpu.memory_space<vmem>>, vector<16xi32>,
      %sub3A_650 = arith.constant 2 : i32
      %sub3A_651 = vector.broadcast %sub3A_650 : i32 to vector<16xi32>
      %sub3A_652 = arith.subi %get3A_649, %sub3A_651 : vector<16xi32>
      %max3A_653 = arith.constant 0 : i32
      %max3A_654 = vector.broadcast %max3A_653 : i32 to vector<16xi32>
      %max3A_655 = arith.maxsi %sub3A_652, %max3A_654 : vector<16xi32>
      %mul3A_656 = arith.constant 2 : i32
      %mul3A_657 = vector.broadcast %mul3A_656 : i32 to vector<16xi32>
      %mul3A_658 = arith.muli %max3A_655, %mul3A_657 : vector<16xi32>
      %swap3A_659 = arith.index_cast %add3A_585 : i32 to index
      %swap3A_660 = arith.constant 64 : index
      %swap3A_661 = tpu.vector_load %arg8[%swap3A_659, %swap3A_660] {strides = array<i32>} : memref<200x128xi32, #tpu.memory_space<vmem>>, vector<16xi32>,
      tpu.vector_store %arg8[%swap3A_659, %swap3A_660], %mul3A_658 {strides = array<i32>} : memref<200x128xi32, #tpu.memory_space<vmem>>, vector<16xi32>,
      %get3A_662 = arith.index_cast %add3A_585 : i32 to index
      %get3A_663 = arith.constant 80 : index
      %get3A_664 = tpu.vector_load %arg7[%get3A_662, %get3A_663] {strides = array<i32>} : memref<200x128xi32, #tpu.memory_space<vmem>>, vector<16xi32>,
      %sub3A_665 = arith.constant 2 : i32
      %sub3A_666 = vector.broadcast %sub3A_665 : i32 to vector<16xi32>
      %sub3A_667 = arith.subi %get3A_664, %sub3A_666 : vector<16xi32>
      %max3A_668 = arith.constant 0 : i32
      %max3A_669 = vector.broadcast %max3A_668 : i32 to vector<16xi32>
      %max3A_670 = arith.maxsi %sub3A_667, %max3A_669 : vector<16xi32>
      %mul3A_671 = arith.constant 2 : i32
      %mul3A_672 = vector.broadcast %mul3A_671 : i32 to vector<16xi32>
      %mul3A_673 = arith.muli %max3A_670, %mul3A_672 : vector<16xi32>
      %swap3A_674 = arith.index_cast %add3A_585 : i32 to index
      %swap3A_675 = arith.constant 80 : index
      %swap3A_676 = tpu.vector_load %arg8[%swap3A_674, %swap3A_675] {strides = array<i32>} : memref<200x128xi32, #tpu.memory_space<vmem>>, vector<16xi32>,
      tpu.vector_store %arg8[%swap3A_674, %swap3A_675], %mul3A_673 {strides = array<i32>} : memref<200x128xi32, #tpu.memory_space<vmem>>, vector<16xi32>,
      %get3A_677 = arith.index_cast %add3A_585 : i32 to index
      %get3A_678 = arith.constant 96 : index
      %get3A_679 = tpu.vector_load %arg7[%get3A_677, %get3A_678] {strides = array<i32>} : memref<200x128xi32, #tpu.memory_space<vmem>>, vector<16xi32>,
      %sub3A_680 = arith.constant 2 : i32
      %sub3A_681 = vector.broadcast %sub3A_680 : i32 to vector<16xi32>
      %sub3A_682 = arith.subi %get3A_679, %sub3A_681 : vector<16xi32>
      %max3A_683 = arith.constant 0 : i32
      %max3A_684 = vector.broadcast %max3A_683 : i32 to vector<16xi32>
      %max3A_685 = arith.maxsi %sub3A_682, %max3A_684 : vector<16xi32>
      %mul3A_686 = arith.constant 2 : i32
      %mul3A_687 = vector.broadcast %mul3A_686 : i32 to vector<16xi32>
      %mul3A_688 = arith.muli %max3A_685, %mul3A_687 : vector<16xi32>
      %swap3A_689 = arith.index_cast %add3A_585 : i32 to index
      %swap3A_690 = arith.constant 96 : index
      %swap3A_691 = tpu.vector_load %arg8[%swap3A_689, %swap3A_690] {strides = array<i32>} : memref<200x128xi32, #tpu.memory_space<vmem>>, vector<16xi32>,
      tpu.vector_store %arg8[%swap3A_689, %swap3A_690], %mul3A_688 {strides = array<i32>} : memref<200x128xi32, #tpu.memory_space<vmem>>, vector<16xi32>,
      %get3A_692 = arith.index_cast %add3A_585 : i32 to index
      %get3A_693 = arith.constant 112 : index
      %get3A_694 = tpu.vector_load %arg7[%get3A_692, %get3A_693] {strides = array<i32>} : memref<200x128xi32, #tpu.memory_space<vmem>>, vector<16xi32>,
      %sub3A_695 = arith.constant 2 : i32
      %sub3A_696 = vector.broadcast %sub3A_695 : i32 to vector<16xi32>
      %sub3A_697 = arith.subi %get3A_694, %sub3A_696 : vector<16xi32>
      %max3A_698 = arith.constant 0 : i32
      %max3A_699 = vector.broadcast %max3A_698 : i32 to vector<16xi32>
      %max3A_700 = arith.maxsi %sub3A_697, %max3A_699 : vector<16xi32>
      %mul3A_701 = arith.constant 2 : i32
      %mul3A_702 = vector.broadcast %mul3A_701 : i32 to vector<16xi32>
      %mul3A_703 = arith.muli %max3A_700, %mul3A_702 : vector<16xi32>
      %swap3A_704 = arith.index_cast %add3A_585 : i32 to index
      %swap3A_705 = arith.constant 112 : index
      %swap3A_706 = tpu.vector_load %arg8[%swap3A_704, %swap3A_705] {strides = array<i32>} : memref<200x128xi32, #tpu.memory_space<vmem>>, vector<16xi32>,
      tpu.vector_store %arg8[%swap3A_704, %swap3A_705], %mul3A_703 {strides = array<i32>} : memref<200x128xi32, #tpu.memory_space<vmem>>, vector<16xi32>,
      %dma_start3A_707 = arith.constant 0 : i32
      %dma_start3A_708 = arith.constant 0 : i32
      %dma_start3A_709 = arith.constant 0 : i32
      %dma_start3A_710 = tpu.memref_slice %arg9[%dma_start3A_707, %dma_start3A_708, %dma_start3A_709] : memref<8x128x64xf32, #tpu.memory_space<vmem>> -> memref<1x128x64xf32, #tpu.memory_space<vmem>>
      %dma_start3A_711 = tpu.memref_squeeze %dma_start3A_710 : memref<1x128x64xf32, #tpu.memory_space<vmem>> -> memref<128x64xf32, #tpu.memory_space<vmem>>
      %dma_start3A_712 = arith.constant 0 : i32
      %dma_start3A_713 = tpu.memref_slice %arg8[%add3A_585, %dma_start3A_712] : memref<200x128xi32, #tpu.memory_space<vmem>> -> memref<1x128xi32, #tpu.memory_space<vmem>>
      %dma_start3A_714 = tpu.memref_squeeze %dma_start3A_713 : memref<1x128xi32, #tpu.memory_space<vmem>> -> memref<128xi32, #tpu.memory_space<vmem>>
      %dma_start3A_715 = arith.constant 0 : i32
      %dma_start3A_716 = arith.constant 0 : i32
      %dma_start3A_717 = tpu.memref_slice %arg5[%dma_start3A_715, %dma_start3A_716] : memref<2000000x64xf32, #tpu.memory_space<hbm>> -> memref<2000000x64xf32, #tpu.memory_space<hbm>>
      tpu.enqueue_indirect_dma source(%dma_start3A_717 : memref<2000000x64xf32, #tpu.memory_space<hbm>>) target(%dma_start3A_711 : memref<128x64xf32, #tpu.memory_space<vmem>>) offsets(%dma_start3A_714 : memref<128xi32, #tpu.memory_space<vmem>>) semaphore(%arg11 : memref<!tpu.dma_semaphore, #tpu.memory_space<semaphore_mem>>)
      %ge3A_718 = arith.constant 4 : i32
      %ge3A_719 = arith.cmpi sge, %add3A_585, %ge3A_718 : i32
      %convert_element_type3A_720 = arith.extui %ge3A_719 : i1 to i32
      %cond3A_721 = arith.constant 0 : i32
      %cond3A_722 = arith.cmpi ne, %convert_element_type3A_720, %cond3A_721 : i32
      scf.if %cond3A_722 {
        %sub3A_1738 = arith.constant 4 : i32
        %sub3A_1739 = arith.subi %add3A_585, %sub3A_1738 : i32
        %dma_wait3A_1740 = arith.constant 4 : i32
        %dma_wait3A_1741 = arith.constant 0 : i32
        %dma_wait3A_1742 = arith.constant 0 : i32
        %dma_wait3A_1743 = tpu.memref_slice %arg9[%dma_wait3A_1740, %dma_wait3A_1741, %dma_wait3A_1742] : memref<8x128x64xf32, #tpu.memory_space<vmem>> -> memref<1x128x64xf32, #tpu.memory_space<vmem>>
        %dma_wait3A_1744 = tpu.memref_squeeze %dma_wait3A_1743 : memref<1x128x64xf32, #tpu.memory_space<vmem>> -> memref<128x64xf32, #tpu.memory_space<vmem>>
        %dma_wait3A_1745 = arith.constant 0 : i32
        %dma_wait3A_1746 = tpu.memref_slice %arg8[%sub3A_1739, %dma_wait3A_1745] : memref<200x128xi32, #tpu.memory_space<vmem>> -> memref<1x128xi32, #tpu.memory_space<vmem>>
        %dma_wait3A_1747 = tpu.memref_squeeze %dma_wait3A_1746 : memref<1x128xi32, #tpu.memory_space<vmem>> -> memref<128xi32, #tpu.memory_space<vmem>>
        %dma_wait3A_1748 = arith.constant 0 : i32
        %dma_wait3A_1749 = arith.constant 0 : i32
        %dma_wait3A_1750 = tpu.memref_slice %arg5[%dma_wait3A_1748, %dma_wait3A_1749] : memref<2000000x64xf32, #tpu.memory_space<hbm>> -> memref<2000000x64xf32, #tpu.memory_space<hbm>>
        tpu.wait_indirect_dma semaphore(%arg15 : memref<!tpu.dma_semaphore, #tpu.memory_space<semaphore_mem>>) src(%dma_wait3A_1750 : memref<2000000x64xf32, #tpu.memory_space<hbm>>) dst(%dma_wait3A_1744 : memref<128x64xf32, #tpu.memory_space<vmem>>)
        %broadcast_in_dim3A_1751 = arith.constant false
        %broadcast_in_dim3A_1752 = vector.broadcast %broadcast_in_dim3A_1751 : i1 to vector<16xi1>
        %get3A_1753 = arith.index_cast %sub3A_1739 : i32 to index
        %get3A_1754 = arith.constant 0 : index
        %get3A_1755 = tpu.vector_load %arg7[%get3A_1753, %get3A_1754] {strides = array<i32>} : memref<200x128xi32, #tpu.memory_space<vmem>>, vector<16xi32>,
        %lt3A_1756 = arith.constant 2 : i32
        %lt3A_1757 = vector.broadcast %lt3A_1756 : i32 to vector<16xi32>
        %lt3A_1758 = arith.cmpi slt, %get3A_1755, %lt3A_1757 : vector<16xi32>
        %or3A_1759 = arith.ori %broadcast_in_dim3A_1752, %lt3A_1758 : vector<16xi1>
        %get3A_1760 = arith.index_cast %sub3A_1739 : i32 to index
        %get3A_1761 = arith.constant 16 : index
        %get3A_1762 = tpu.vector_load %arg7[%get3A_1760, %get3A_1761] {strides = array<i32>} : memref<200x128xi32, #tpu.memory_space<vmem>>, vector<16xi32>,
        %lt3A_1763 = arith.constant 2 : i32
        %lt3A_1764 = vector.broadcast %lt3A_1763 : i32 to vector<16xi32>
        %lt3A_1765 = arith.cmpi slt, %get3A_1762, %lt3A_1764 : vector<16xi32>
        %or3A_1766 = arith.ori %or3A_1759, %lt3A_1765 : vector<16xi1>
        %get3A_1767 = arith.index_cast %sub3A_1739 : i32 to index
        %get3A_1768 = arith.constant 32 : index
        %get3A_1769 = tpu.vector_load %arg7[%get3A_1767, %get3A_1768] {strides = array<i32>} : memref<200x128xi32, #tpu.memory_space<vmem>>, vector<16xi32>,
        %lt3A_1770 = arith.constant 2 : i32
        %lt3A_1771 = vector.broadcast %lt3A_1770 : i32 to vector<16xi32>
        %lt3A_1772 = arith.cmpi slt, %get3A_1769, %lt3A_1771 : vector<16xi32>
        %or3A_1773 = arith.ori %or3A_1766, %lt3A_1772 : vector<16xi1>
        %get3A_1774 = arith.index_cast %sub3A_1739 : i32 to index
        %get3A_1775 = arith.constant 48 : index
        %get3A_1776 = tpu.vector_load %arg7[%get3A_1774, %get3A_1775] {strides = array<i32>} : memref<200x128xi32, #tpu.memory_space<vmem>>, vector<16xi32>,
        %lt3A_1777 = arith.constant 2 : i32
        %lt3A_1778 = vector.broadcast %lt3A_1777 : i32 to vector<16xi32>
        %lt3A_1779 = arith.cmpi slt, %get3A_1776, %lt3A_1778 : vector<16xi32>
        %or3A_1780 = arith.ori %or3A_1773, %lt3A_1779 : vector<16xi1>
        %get3A_1781 = arith.index_cast %sub3A_1739 : i32 to index
        %get3A_1782 = arith.constant 64 : index
        %get3A_1783 = tpu.vector_load %arg7[%get3A_1781, %get3A_1782] {strides = array<i32>} : memref<200x128xi32, #tpu.memory_space<vmem>>, vector<16xi32>,
        %lt3A_1784 = arith.constant 2 : i32
        %lt3A_1785 = vector.broadcast %lt3A_1784 : i32 to vector<16xi32>
        %lt3A_1786 = arith.cmpi slt, %get3A_1783, %lt3A_1785 : vector<16xi32>
        %or3A_1787 = arith.ori %or3A_1780, %lt3A_1786 : vector<16xi1>
        %get3A_1788 = arith.index_cast %sub3A_1739 : i32 to index
        %get3A_1789 = arith.constant 80 : index
        %get3A_1790 = tpu.vector_load %arg7[%get3A_1788, %get3A_1789] {strides = array<i32>} : memref<200x128xi32, #tpu.memory_space<vmem>>, vector<16xi32>,
        %lt3A_1791 = arith.constant 2 : i32
        %lt3A_1792 = vector.broadcast %lt3A_1791 : i32 to vector<16xi32>
        %lt3A_1793 = arith.cmpi slt, %get3A_1790, %lt3A_1792 : vector<16xi32>
        %or3A_1794 = arith.ori %or3A_1787, %lt3A_1793 : vector<16xi1>
        %get3A_1795 = arith.index_cast %sub3A_1739 : i32 to index
        %get3A_1796 = arith.constant 96 : index
        %get3A_1797 = tpu.vector_load %arg7[%get3A_1795, %get3A_1796] {strides = array<i32>} : memref<200x128xi32, #tpu.memory_space<vmem>>, vector<16xi32>,
        %lt3A_1798 = arith.constant 2 : i32
        %lt3A_1799 = vector.broadcast %lt3A_1798 : i32 to vector<16xi32>
        %lt3A_1800 = arith.cmpi slt, %get3A_1797, %lt3A_1799 : vector<16xi32>
        %or3A_1801 = arith.ori %or3A_1794, %lt3A_1800 : vector<16xi1>
        %get3A_1802 = arith.index_cast %sub3A_1739 : i32 to index
        %get3A_1803 = arith.constant 112 : index
        %get3A_1804 = tpu.vector_load %arg7[%get3A_1802, %get3A_1803] {strides = array<i32>} : memref<200x128xi32, #tpu.memory_space<vmem>>, vector<16xi32>,
        %lt3A_1805 = arith.constant 2 : i32
        %lt3A_1806 = vector.broadcast %lt3A_1805 : i32 to vector<16xi32>
        %lt3A_1807 = arith.cmpi slt, %get3A_1804, %lt3A_1806 : vector<16xi32>
        %or3A_1808 = arith.ori %or3A_1801, %lt3A_1807 : vector<16xi1>
        %reduce_or3A_1809 = arith.constant 1.000000e+00 : f32
        %reduce_or3A_1810 = arith.constant 0.000000e+00 : f32
        %reduce_or3A_1811 = vector.broadcast %reduce_or3A_1809 : f32 to vector<16xf32>
        %reduce_or3A_1812 = vector.broadcast %reduce_or3A_1810 : f32 to vector<16xf32>
        %reduce_or3A_1813 = arith.select %or3A_1808, %reduce_or3A_1811, %reduce_or3A_1812 : vector<16xi1>, vector<16xf32>
        %reduce_or3A_1814 = arith.constant true
        %reduce_or3A_1815 = vector.broadcast %reduce_or3A_1814 : i1 to vector<16xi1>
        %reduce_or3A_1816 = tpu.scan <max>, %reduce_or3A_1813 masked %reduce_or3A_1815 : vector<16xf32>, vector<16xi1> -> vector<16xf32>
        %reduce_or3A_1817 = vector.extract %reduce_or3A_1816[15] : f32 from vector<16xf32>
        %reduce_or3A_1818 = arith.constant 0.000000e+00 : f32
        %reduce_or3A_1819 = arith.cmpf ogt, %reduce_or3A_1817, %reduce_or3A_1818 : f32
        %convert_element_type3A_1820 = arith.extui %reduce_or3A_1819 : i1 to i32
        %cond3A_1821 = arith.constant 0 : i32
        %cond3A_1822 = arith.cmpi ne, %convert_element_type3A_1820, %cond3A_1821 : i32
        scf.if %cond3A_1822 {
          %scan3A_1840 = arith.constant 0 : i32
          %scan3A_1841 = arith.constant 0 : i32
          %scan3A_1842 = arith.constant 8 : i32
          %scan3A_1843 = arith.addi %scan3A_1841, %scan3A_1842 : i32
          %scan3A_1844 = arith.constant 1 : i32
          scf.for %scan3A_1846 = %scan3A_1841 to %scan3A_1843 step %scan3A_1844  : i32 {
            %mul3A_1847 = arith.constant 16 : i32
            %mul3A_1848 = arith.muli %scan3A_1846, %mul3A_1847 : i32
            %get3A_1849 = arith.index_cast %sub3A_1739 : i32 to index
            %get3A_1850 = arith.index_cast %mul3A_1848 : i32 to index
            %get3A_1851 = tpu.vector_load %arg7[%get3A_1849, %get3A_1850] {strides = array<i32>} : memref<200x128xi32, #tpu.memory_space<vmem>>, vector<16xi32>,
            %lt3A_1852 = arith.constant 2 : i32
            %lt3A_1853 = vector.broadcast %lt3A_1852 : i32 to vector<16xi32>
            %lt3A_1854 = arith.cmpi slt, %get3A_1851, %lt3A_1853 : vector<16xi32>
            %reduce_or3A_1855 = arith.constant 1.000000e+00 : f32
            %reduce_or3A_1856 = arith.constant 0.000000e+00 : f32
            %reduce_or3A_1857 = vector.broadcast %reduce_or3A_1855 : f32 to vector<16xf32>
            %reduce_or3A_1858 = vector.broadcast %reduce_or3A_1856 : f32 to vector<16xf32>
            %reduce_or3A_1859 = arith.select %lt3A_1854, %reduce_or3A_1857, %reduce_or3A_1858 : vector<16xi1>, vector<16xf32>
            %reduce_or3A_1860 = arith.constant true
            %reduce_or3A_1861 = vector.broadcast %reduce_or3A_1860 : i1 to vector<16xi1>
            %reduce_or3A_1862 = tpu.scan <max>, %reduce_or3A_1859 masked %reduce_or3A_1861 : vector<16xf32>, vector<16xi1> -> vector<16xf32>
            %reduce_or3A_1863 = vector.extract %reduce_or3A_1862[15] : f32 from vector<16xf32>
            %reduce_or3A_1864 = arith.constant 0.000000e+00 : f32
            %reduce_or3A_1865 = arith.cmpf ogt, %reduce_or3A_1863, %reduce_or3A_1864 : f32
            %convert_element_type3A_1866 = arith.extui %reduce_or3A_1865 : i1 to i32
            %cond3A_1867 = arith.constant 0 : i32
            %cond3A_1868 = arith.cmpi ne, %convert_element_type3A_1866, %cond3A_1867 : i32
            scf.if %cond3A_1868 {
              %lt3A_1869 = arith.constant 2 : i32
              %lt3A_1870 = vector.broadcast %lt3A_1869 : i32 to vector<16xi32>
              %lt3A_1871 = arith.cmpi slt, %get3A_1851, %lt3A_1870 : vector<16xi32>
              %min3A = arith.constant 1 : i32
              %min3A_1872 = vector.broadcast %min3A : i32 to vector<16xi32>
              %min3A_1873 = arith.minsi %get3A_1851, %min3A_1872 : vector<16xi32>
              %mul3A_1874 = arith.constant 16 : i32
              %mul3A_1875 = arith.muli %scan3A_1846, %mul3A_1874 : i32
              %add3A_1876 = vector.broadcast %mul3A_1875 : i32 to vector<16xi32>
              %add3A_1877 = arith.addi %iota3A, %add3A_1876 : vector<16xi32>
              %scan3A_1878 = arith.constant 0 : i32
              %scan3A_1879 = arith.constant 0 : i32
              %scan3A_1880 = arith.constant 64 : i32
              %scan3A_1881 = arith.addi %scan3A_1879, %scan3A_1880 : i32
              %scan3A_1882 = arith.constant 1 : i32
              scf.for %scan3A_1884 = %scan3A_1879 to %scan3A_1881 step %scan3A_1882  : i32 {
                %broadcast_in_dim3A_1885 = arith.constant 0 : i32
                %broadcast_in_dim3A_1886 = vector.broadcast %broadcast_in_dim3A_1885 : i32 to vector<16xi32>
                %add3A_1887 = vector.broadcast %scan3A_1884 : i32 to vector<16xi32>
                %add3A_1888 = arith.addi %broadcast_in_dim3A_1886, %add3A_1887 : vector<16xi32>
                %gather3A = tpu.vector_load_idx %arg10[%min3A_1873, %add3A_1888] : memref<2x64xf32, #tpu.memory_space<vmem>>[vector<16xi32>, vector<16xi32>], vector<16xf32>,
                %scatter3A = arith.constant 4 : i32
                %scatter3A_1889 = arith.constant 0 : i32
                %scatter3A_1890 = arith.constant 0 : i32
                %scatter3A_1891 = tpu.memref_slice %arg9[%scatter3A, %scatter3A_1889, %scatter3A_1890] : memref<8x128x64xf32, #tpu.memory_space<vmem>> -> memref<1x128x64xf32, #tpu.memory_space<vmem>>
                %scatter3A_1892 = tpu.memref_squeeze %scatter3A_1891 : memref<1x128x64xf32, #tpu.memory_space<vmem>> -> memref<128x64xf32, #tpu.memory_space<vmem>>
                tpu.vector_store_idx %scatter3A_1892[%add3A_1877, %add3A_1888], %gather3A masked %lt3A_1871 : memref<128x64xf32, #tpu.memory_space<vmem>>[vector<16xi32>, vector<16xi32>], vector<16xf32>, vector<16xi1>
              }
              %scan3A_1883 = arith.constant 64 : i32
            } else {
            }
          }
          %scan3A_1845 = arith.constant 8 : i32
        } else {
        }
        %dma_start3A_1823 = arith.constant 4 : i32
        %dma_start3A_1824 = arith.constant 0 : i32
        %dma_start3A_1825 = arith.constant 0 : i32
        %dma_start3A_1826 = tpu.memref_slice %arg9[%dma_start3A_1823, %dma_start3A_1824, %dma_start3A_1825] : memref<8x128x64xf32, #tpu.memory_space<vmem>> -> memref<1x128x64xf32, #tpu.memory_space<vmem>>
        %dma_start3A_1827 = tpu.memref_squeeze %dma_start3A_1826 : memref<1x128x64xf32, #tpu.memory_space<vmem>> -> memref<128x64xf32, #tpu.memory_space<vmem>>
        %dma_start3A_1828 = arith.constant 0 : i32
        %dma_start3A_1829 = arith.constant 0 : i32
        %dma_start3A_1830 = tpu.memref_slice %arg6[%add3A, %sub3A_1739, %dma_start3A_1828, %dma_start3A_1829] : memref<32x200x128x128xf32, #tpu.memory_space<hbm>> -> memref<1x1x128x64xf32, #tpu.memory_space<hbm>>
        %dma_start3A_1831 = tpu.memref_squeeze %dma_start3A_1830 : memref<1x1x128x64xf32, #tpu.memory_space<hbm>> -> memref<128x64xf32, #tpu.memory_space<hbm>>
        %dma_start3A_1832 = arith.constant 0 : i32
        %dma_start3A_1833 = arith.constant 0 : i32
        %dma_start3A_1834 = tpu.memref_slice %arg6[%add3A, %sub3A_1739, %dma_start3A_1832, %dma_start3A_1833] : memref<32x200x128x128xf32, #tpu.memory_space<hbm>> -> memref<1x1x128x64xf32, #tpu.memory_space<hbm>>
        %dma_start3A_1835 = tpu.memref_squeeze %dma_start3A_1834 : memref<1x1x128x64xf32, #tpu.memory_space<hbm>> -> memref<128x64xf32, #tpu.memory_space<hbm>>
        %dma_start3A_1836 = arith.constant 0 : i32
        %dma_start3A_1837 = arith.constant 0 : i32
        %dma_start3A_1838 = tpu.memref_slice %arg9[%dma_start3A_1823, %dma_start3A_1836, %dma_start3A_1837] : memref<8x128x64xf32, #tpu.memory_space<vmem>> -> memref<1x128x64xf32, #tpu.memory_space<vmem>>
        %dma_start3A_1839 = tpu.memref_squeeze %dma_start3A_1838 : memref<1x128x64xf32, #tpu.memory_space<vmem>> -> memref<128x64xf32, #tpu.memory_space<vmem>>
        tpu.enqueue_dma source(%dma_start3A_1839 : memref<128x64xf32, #tpu.memory_space<vmem>>) target(%dma_start3A_1835 : memref<128x64xf32, #tpu.memory_space<hbm>>) target_semaphore(%arg23 : memref<!tpu.dma_semaphore, #tpu.memory_space<semaphore_mem>>)
      } else {
      }
      %mul3A_723 = arith.constant 8 : i32
      %mul3A_724 = arith.muli %scan3A_581, %mul3A_723 : i32
      %add3A_725 = arith.constant 1 : i32
      %add3A_726 = arith.addi %mul3A_724, %add3A_725 : i32
      %ge3A_727 = arith.constant 8 : i32
      %ge3A_728 = arith.cmpi sge, %add3A_726, %ge3A_727 : i32
      %convert_element_type3A_729 = arith.extui %ge3A_728 : i1 to i32
      %cond3A_730 = arith.constant 0 : i32
      %cond3A_731 = arith.cmpi ne, %convert_element_type3A_729, %cond3A_730 : i32
      scf.if %cond3A_731 {
        %sub3A_1738 = arith.constant 8 : i32
        %sub3A_1739 = arith.subi %add3A_726, %sub3A_1738 : i32
        %dma_wait3A_1740 = arith.constant 1 : i32
        %dma_wait3A_1741 = arith.constant 0 : i32
        %dma_wait3A_1742 = arith.constant 0 : i32
        %dma_wait3A_1743 = tpu.memref_slice %arg9[%dma_wait3A_1740, %dma_wait3A_1741, %dma_wait3A_1742] : memref<8x128x64xf32, #tpu.memory_space<vmem>> -> memref<1x128x64xf32, #tpu.memory_space<vmem>>
        %dma_wait3A_1744 = tpu.memref_squeeze %dma_wait3A_1743 : memref<1x128x64xf32, #tpu.memory_space<vmem>> -> memref<128x64xf32, #tpu.memory_space<vmem>>
        %dma_wait3A_1745 = arith.constant 0 : i32
        %dma_wait3A_1746 = arith.constant 0 : i32
        %dma_wait3A_1747 = tpu.memref_slice %arg6[%add3A, %sub3A_1739, %dma_wait3A_1745, %dma_wait3A_1746] : memref<32x200x128x128xf32, #tpu.memory_space<hbm>> -> memref<1x1x128x64xf32, #tpu.memory_space<hbm>>
        %dma_wait3A_1748 = tpu.memref_squeeze %dma_wait3A_1747 : memref<1x1x128x64xf32, #tpu.memory_space<hbm>> -> memref<128x64xf32, #tpu.memory_space<hbm>>
        %dma_wait3A_1749 = arith.constant 0 : i32
        %dma_wait3A_1750 = arith.constant 0 : i32
        %dma_wait3A_1751 = tpu.memref_slice %arg6[%add3A, %sub3A_1739, %dma_wait3A_1749, %dma_wait3A_1750] : memref<32x200x128x128xf32, #tpu.memory_space<hbm>> -> memref<1x1x128x64xf32, #tpu.memory_space<hbm>>
        %dma_wait3A_1752 = tpu.memref_squeeze %dma_wait3A_1751 : memref<1x1x128x64xf32, #tpu.memory_space<hbm>> -> memref<128x64xf32, #tpu.memory_space<hbm>>
        %dma_wait3A_1753 = arith.constant 0 : i32
        %dma_wait3A_1754 = arith.constant 0 : i32
        %dma_wait3A_1755 = tpu.memref_slice %arg9[%dma_wait3A_1740, %dma_wait3A_1753, %dma_wait3A_1754] : memref<8x128x64xf32, #tpu.memory_space<vmem>> -> memref<1x128x64xf32, #tpu.memory_space<vmem>>
        %dma_wait3A_1756 = tpu.memref_squeeze %dma_wait3A_1755 : memref<1x128x64xf32, #tpu.memory_space<vmem>> -> memref<128x64xf32, #tpu.memory_space<vmem>>
        tpu.wait_dma2 semaphore(%arg20 : memref<!tpu.dma_semaphore, #tpu.memory_space<semaphore_mem>>) src(%dma_wait3A_1756 : memref<128x64xf32, #tpu.memory_space<vmem>>) dst(%dma_wait3A_1752 : memref<128x64xf32, #tpu.memory_space<hbm>>)
      } else {
      }
      %get3A_732 = arith.index_cast %add3A_726 : i32 to index
      %get3A_733 = arith.constant 0 : index
      %get3A_734 = tpu.vector_load %arg7[%get3A_732, %get3A_733] {strides = array<i32>} : memref<200x128xi32, #tpu.memory_space<vmem>>, vector<16xi32>,
      %sub3A_735 = arith.constant 2 : i32
      %sub3A_736 = vector.broadcast %sub3A_735 : i32 to vector<16xi32>
      %sub3A_737 = arith.subi %get3A_734, %sub3A_736 : vector<16xi32>
      %max3A_738 = arith.constant 0 : i32
      %max3A_739 = vector.broadcast %max3A_738 : i32 to vector<16xi32>
      %max3A_740 = arith.maxsi %sub3A_737, %max3A_739 : vector<16xi32>
      %mul3A_741 = arith.constant 2 : i32
      %mul3A_742 = vector.broadcast %mul3A_741 : i32 to vector<16xi32>
      %mul3A_743 = arith.muli %max3A_740, %mul3A_742 : vector<16xi32>
      %swap3A_744 = arith.index_cast %add3A_726 : i32 to index
      %swap3A_745 = arith.constant 0 : index
      %swap3A_746 = tpu.vector_load %arg8[%swap3A_744, %swap3A_745] {strides = array<i32>} : memref<200x128xi32, #tpu.memory_space<vmem>>, vector<16xi32>,
      tpu.vector_store %arg8[%swap3A_744, %swap3A_745], %mul3A_743 {strides = array<i32>} : memref<200x128xi32, #tpu.memory_space<vmem>>, vector<16xi32>,
      %get3A_747 = arith.index_cast %add3A_726 : i32 to index
      %get3A_748 = arith.constant 16 : index
      %get3A_749 = tpu.vector_load %arg7[%get3A_747, %get3A_748] {strides = array<i32>} : memref<200x128xi32, #tpu.memory_space<vmem>>, vector<16xi32>,
      %sub3A_750 = arith.constant 2 : i32
      %sub3A_751 = vector.broadcast %sub3A_750 : i32 to vector<16xi32>
      %sub3A_752 = arith.subi %get3A_749, %sub3A_751 : vector<16xi32>
      %max3A_753 = arith.constant 0 : i32
      %max3A_754 = vector.broadcast %max3A_753 : i32 to vector<16xi32>
      %max3A_755 = arith.maxsi %sub3A_752, %max3A_754 : vector<16xi32>
      %mul3A_756 = arith.constant 2 : i32
      %mul3A_757 = vector.broadcast %mul3A_756 : i32 to vector<16xi32>
      %mul3A_758 = arith.muli %max3A_755, %mul3A_757 : vector<16xi32>
      %swap3A_759 = arith.index_cast %add3A_726 : i32 to index
      %swap3A_760 = arith.constant 16 : index
      %swap3A_761 = tpu.vector_load %arg8[%swap3A_759, %swap3A_760] {strides = array<i32>} : memref<200x128xi32, #tpu.memory_space<vmem>>, vector<16xi32>,
      tpu.vector_store %arg8[%swap3A_759, %swap3A_760], %mul3A_758 {strides = array<i32>} : memref<200x128xi32, #tpu.memory_space<vmem>>, vector<16xi32>,
      %get3A_762 = arith.index_cast %add3A_726 : i32 to index
      %get3A_763 = arith.constant 32 : index
      %get3A_764 = tpu.vector_load %arg7[%get3A_762, %get3A_763] {strides = array<i32>} : memref<200x128xi32, #tpu.memory_space<vmem>>, vector<16xi32>,
      %sub3A_765 = arith.constant 2 : i32
      %sub3A_766 = vector.broadcast %sub3A_765 : i32 to vector<16xi32>
      %sub3A_767 = arith.subi %get3A_764, %sub3A_766 : vector<16xi32>
      %max3A_768 = arith.constant 0 : i32
      %max3A_769 = vector.broadcast %max3A_768 : i32 to vector<16xi32>
      %max3A_770 = arith.maxsi %sub3A_767, %max3A_769 : vector<16xi32>
      %mul3A_771 = arith.constant 2 : i32
      %mul3A_772 = vector.broadcast %mul3A_771 : i32 to vector<16xi32>
      %mul3A_773 = arith.muli %max3A_770, %mul3A_772 : vector<16xi32>
      %swap3A_774 = arith.index_cast %add3A_726 : i32 to index
      %swap3A_775 = arith.constant 32 : index
      %swap3A_776 = tpu.vector_load %arg8[%swap3A_774, %swap3A_775] {strides = array<i32>} : memref<200x128xi32, #tpu.memory_space<vmem>>, vector<16xi32>,
      tpu.vector_store %arg8[%swap3A_774, %swap3A_775], %mul3A_773 {strides = array<i32>} : memref<200x128xi32, #tpu.memory_space<vmem>>, vector<16xi32>,
      %get3A_777 = arith.index_cast %add3A_726 : i32 to index
      %get3A_778 = arith.constant 48 : index
      %get3A_779 = tpu.vector_load %arg7[%get3A_777, %get3A_778] {strides = array<i32>} : memref<200x128xi32, #tpu.memory_space<vmem>>, vector<16xi32>,
      %sub3A_780 = arith.constant 2 : i32
      %sub3A_781 = vector.broadcast %sub3A_780 : i32 to vector<16xi32>
      %sub3A_782 = arith.subi %get3A_779, %sub3A_781 : vector<16xi32>
      %max3A_783 = arith.constant 0 : i32
      %max3A_784 = vector.broadcast %max3A_783 : i32 to vector<16xi32>
      %max3A_785 = arith.maxsi %sub3A_782, %max3A_784 : vector<16xi32>
      %mul3A_786 = arith.constant 2 : i32
      %mul3A_787 = vector.broadcast %mul3A_786 : i32 to vector<16xi32>
      %mul3A_788 = arith.muli %max3A_785, %mul3A_787 : vector<16xi32>
      %swap3A_789 = arith.index_cast %add3A_726 : i32 to index
      %swap3A_790 = arith.constant 48 : index
      %swap3A_791 = tpu.vector_load %arg8[%swap3A_789, %swap3A_790] {strides = array<i32>} : memref<200x128xi32, #tpu.memory_space<vmem>>, vector<16xi32>,
      tpu.vector_store %arg8[%swap3A_789, %swap3A_790], %mul3A_788 {strides = array<i32>} : memref<200x128xi32, #tpu.memory_space<vmem>>, vector<16xi32>,
      %get3A_792 = arith.index_cast %add3A_726 : i32 to index
      %get3A_793 = arith.constant 64 : index
      %get3A_794 = tpu.vector_load %arg7[%get3A_792, %get3A_793] {strides = array<i32>} : memref<200x128xi32, #tpu.memory_space<vmem>>, vector<16xi32>,
      %sub3A_795 = arith.constant 2 : i32
      %sub3A_796 = vector.broadcast %sub3A_795 : i32 to vector<16xi32>
      %sub3A_797 = arith.subi %get3A_794, %sub3A_796 : vector<16xi32>
      %max3A_798 = arith.constant 0 : i32
      %max3A_799 = vector.broadcast %max3A_798 : i32 to vector<16xi32>
      %max3A_800 = arith.maxsi %sub3A_797, %max3A_799 : vector<16xi32>
      %mul3A_801 = arith.constant 2 : i32
      %mul3A_802 = vector.broadcast %mul3A_801 : i32 to vector<16xi32>
      %mul3A_803 = arith.muli %max3A_800, %mul3A_802 : vector<16xi32>
      %swap3A_804 = arith.index_cast %add3A_726 : i32 to index
      %swap3A_805 = arith.constant 64 : index
      %swap3A_806 = tpu.vector_load %arg8[%swap3A_804, %swap3A_805] {strides = array<i32>} : memref<200x128xi32, #tpu.memory_space<vmem>>, vector<16xi32>,
      tpu.vector_store %arg8[%swap3A_804, %swap3A_805], %mul3A_803 {strides = array<i32>} : memref<200x128xi32, #tpu.memory_space<vmem>>, vector<16xi32>,
      %get3A_807 = arith.index_cast %add3A_726 : i32 to index
      %get3A_808 = arith.constant 80 : index
      %get3A_809 = tpu.vector_load %arg7[%get3A_807, %get3A_808] {strides = array<i32>} : memref<200x128xi32, #tpu.memory_space<vmem>>, vector<16xi32>,
      %sub3A_810 = arith.constant 2 : i32
      %sub3A_811 = vector.broadcast %sub3A_810 : i32 to vector<16xi32>
      %sub3A_812 = arith.subi %get3A_809, %sub3A_811 : vector<16xi32>
      %max3A_813 = arith.constant 0 : i32
      %max3A_814 = vector.broadcast %max3A_813 : i32 to vector<16xi32>
      %max3A_815 = arith.maxsi %sub3A_812, %max3A_814 : vector<16xi32>
      %mul3A_816 = arith.constant 2 : i32
      %mul3A_817 = vector.broadcast %mul3A_816 : i32 to vector<16xi32>
      %mul3A_818 = arith.muli %max3A_815, %mul3A_817 : vector<16xi32>
      %swap3A_819 = arith.index_cast %add3A_726 : i32 to index
      %swap3A_820 = arith.constant 80 : index
      %swap3A_821 = tpu.vector_load %arg8[%swap3A_819, %swap3A_820] {strides = array<i32>} : memref<200x128xi32, #tpu.memory_space<vmem>>, vector<16xi32>,
      tpu.vector_store %arg8[%swap3A_819, %swap3A_820], %mul3A_818 {strides = array<i32>} : memref<200x128xi32, #tpu.memory_space<vmem>>, vector<16xi32>,
      %get3A_822 = arith.index_cast %add3A_726 : i32 to index
      %get3A_823 = arith.constant 96 : index
      %get3A_824 = tpu.vector_load %arg7[%get3A_822, %get3A_823] {strides = array<i32>} : memref<200x128xi32, #tpu.memory_space<vmem>>, vector<16xi32>,
      %sub3A_825 = arith.constant 2 : i32
      %sub3A_826 = vector.broadcast %sub3A_825 : i32 to vector<16xi32>
      %sub3A_827 = arith.subi %get3A_824, %sub3A_826 : vector<16xi32>
      %max3A_828 = arith.constant 0 : i32
      %max3A_829 = vector.broadcast %max3A_828 : i32 to vector<16xi32>
      %max3A_830 = arith.maxsi %sub3A_827, %max3A_829 : vector<16xi32>
      %mul3A_831 = arith.constant 2 : i32
      %mul3A_832 = vector.broadcast %mul3A_831 : i32 to vector<16xi32>
      %mul3A_833 = arith.muli %max3A_830, %mul3A_832 : vector<16xi32>
      %swap3A_834 = arith.index_cast %add3A_726 : i32 to index
      %swap3A_835 = arith.constant 96 : index
      %swap3A_836 = tpu.vector_load %arg8[%swap3A_834, %swap3A_835] {strides = array<i32>} : memref<200x128xi32, #tpu.memory_space<vmem>>, vector<16xi32>,
      tpu.vector_store %arg8[%swap3A_834, %swap3A_835], %mul3A_833 {strides = array<i32>} : memref<200x128xi32, #tpu.memory_space<vmem>>, vector<16xi32>,
      %get3A_837 = arith.index_cast %add3A_726 : i32 to index
      %get3A_838 = arith.constant 112 : index
      %get3A_839 = tpu.vector_load %arg7[%get3A_837, %get3A_838] {strides = array<i32>} : memref<200x128xi32, #tpu.memory_space<vmem>>, vector<16xi32>,
      %sub3A_840 = arith.constant 2 : i32
      %sub3A_841 = vector.broadcast %sub3A_840 : i32 to vector<16xi32>
      %sub3A_842 = arith.subi %get3A_839, %sub3A_841 : vector<16xi32>
      %max3A_843 = arith.constant 0 : i32
      %max3A_844 = vector.broadcast %max3A_843 : i32 to vector<16xi32>
      %max3A_845 = arith.maxsi %sub3A_842, %max3A_844 : vector<16xi32>
      %mul3A_846 = arith.constant 2 : i32
      %mul3A_847 = vector.broadcast %mul3A_846 : i32 to vector<16xi32>
      %mul3A_848 = arith.muli %max3A_845, %mul3A_847 : vector<16xi32>
      %swap3A_849 = arith.index_cast %add3A_726 : i32 to index
      %swap3A_850 = arith.constant 112 : index
      %swap3A_851 = tpu.vector_load %arg8[%swap3A_849, %swap3A_850] {strides = array<i32>} : memref<200x128xi32, #tpu.memory_space<vmem>>, vector<16xi32>,
      tpu.vector_store %arg8[%swap3A_849, %swap3A_850], %mul3A_848 {strides = array<i32>} : memref<200x128xi32, #tpu.memory_space<vmem>>, vector<16xi32>,
      %dma_start3A_852 = arith.constant 1 : i32
      %dma_start3A_853 = arith.constant 0 : i32
      %dma_start3A_854 = arith.constant 0 : i32
      %dma_start3A_855 = tpu.memref_slice %arg9[%dma_start3A_852, %dma_start3A_853, %dma_start3A_854] : memref<8x128x64xf32, #tpu.memory_space<vmem>> -> memref<1x128x64xf32, #tpu.memory_space<vmem>>
      %dma_start3A_856 = tpu.memref_squeeze %dma_start3A_855 : memref<1x128x64xf32, #tpu.memory_space<vmem>> -> memref<128x64xf32, #tpu.memory_space<vmem>>
      %dma_start3A_857 = arith.constant 0 : i32
      %dma_start3A_858 = tpu.memref_slice %arg8[%add3A_726, %dma_start3A_857] : memref<200x128xi32, #tpu.memory_space<vmem>> -> memref<1x128xi32, #tpu.memory_space<vmem>>
      %dma_start3A_859 = tpu.memref_squeeze %dma_start3A_858 : memref<1x128xi32, #tpu.memory_space<vmem>> -> memref<128xi32, #tpu.memory_space<vmem>>
      %dma_start3A_860 = arith.constant 0 : i32
      %dma_start3A_861 = arith.constant 0 : i32
      %dma_start3A_862 = tpu.memref_slice %arg5[%dma_start3A_860, %dma_start3A_861] : memref<2000000x64xf32, #tpu.memory_space<hbm>> -> memref<2000000x64xf32, #tpu.memory_space<hbm>>
      tpu.enqueue_indirect_dma source(%dma_start3A_862 : memref<2000000x64xf32, #tpu.memory_space<hbm>>) target(%dma_start3A_856 : memref<128x64xf32, #tpu.memory_space<vmem>>) offsets(%dma_start3A_859 : memref<128xi32, #tpu.memory_space<vmem>>) semaphore(%arg12 : memref<!tpu.dma_semaphore, #tpu.memory_space<semaphore_mem>>)
      %ge3A_863 = arith.constant 4 : i32
      %ge3A_864 = arith.cmpi sge, %add3A_726, %ge3A_863 : i32
      %convert_element_type3A_865 = arith.extui %ge3A_864 : i1 to i32
      %cond3A_866 = arith.constant 0 : i32
      %cond3A_867 = arith.cmpi ne, %convert_element_type3A_865, %cond3A_866 : i32
      scf.if %cond3A_867 {
        %sub3A_1738 = arith.constant 4 : i32
        %sub3A_1739 = arith.subi %add3A_726, %sub3A_1738 : i32
        %dma_wait3A_1740 = arith.constant 5 : i32
        %dma_wait3A_1741 = arith.constant 0 : i32
        %dma_wait3A_1742 = arith.constant 0 : i32
        %dma_wait3A_1743 = tpu.memref_slice %arg9[%dma_wait3A_1740, %dma_wait3A_1741, %dma_wait3A_1742] : memref<8x128x64xf32, #tpu.memory_space<vmem>> -> memref<1x128x64xf32, #tpu.memory_space<vmem>>
        %dma_wait3A_1744 = tpu.memref_squeeze %dma_wait3A_1743 : memref<1x128x64xf32, #tpu.memory_space<vmem>> -> memref<128x64xf32, #tpu.memory_space<vmem>>
        %dma_wait3A_1745 = arith.constant 0 : i32
        %dma_wait3A_1746 = tpu.memref_slice %arg8[%sub3A_1739, %dma_wait3A_1745] : memref<200x128xi32, #tpu.memory_space<vmem>> -> memref<1x128xi32, #tpu.memory_space<vmem>>
        %dma_wait3A_1747 = tpu.memref_squeeze %dma_wait3A_1746 : memref<1x128xi32, #tpu.memory_space<vmem>> -> memref<128xi32, #tpu.memory_space<vmem>>
        %dma_wait3A_1748 = arith.constant 0 : i32
        %dma_wait3A_1749 = arith.constant 0 : i32
        %dma_wait3A_1750 = tpu.memref_slice %arg5[%dma_wait3A_1748, %dma_wait3A_1749] : memref<2000000x64xf32, #tpu.memory_space<hbm>> -> memref<2000000x64xf32, #tpu.memory_space<hbm>>
        tpu.wait_indirect_dma semaphore(%arg16 : memref<!tpu.dma_semaphore, #tpu.memory_space<semaphore_mem>>) src(%dma_wait3A_1750 : memref<2000000x64xf32, #tpu.memory_space<hbm>>) dst(%dma_wait3A_1744 : memref<128x64xf32, #tpu.memory_space<vmem>>)
        %broadcast_in_dim3A_1751 = arith.constant false
        %broadcast_in_dim3A_1752 = vector.broadcast %broadcast_in_dim3A_1751 : i1 to vector<16xi1>
        %get3A_1753 = arith.index_cast %sub3A_1739 : i32 to index
        %get3A_1754 = arith.constant 0 : index
        %get3A_1755 = tpu.vector_load %arg7[%get3A_1753, %get3A_1754] {strides = array<i32>} : memref<200x128xi32, #tpu.memory_space<vmem>>, vector<16xi32>,
        %lt3A_1756 = arith.constant 2 : i32
        %lt3A_1757 = vector.broadcast %lt3A_1756 : i32 to vector<16xi32>
        %lt3A_1758 = arith.cmpi slt, %get3A_1755, %lt3A_1757 : vector<16xi32>
        %or3A_1759 = arith.ori %broadcast_in_dim3A_1752, %lt3A_1758 : vector<16xi1>
        %get3A_1760 = arith.index_cast %sub3A_1739 : i32 to index
        %get3A_1761 = arith.constant 16 : index
        %get3A_1762 = tpu.vector_load %arg7[%get3A_1760, %get3A_1761] {strides = array<i32>} : memref<200x128xi32, #tpu.memory_space<vmem>>, vector<16xi32>,
        %lt3A_1763 = arith.constant 2 : i32
        %lt3A_1764 = vector.broadcast %lt3A_1763 : i32 to vector<16xi32>
        %lt3A_1765 = arith.cmpi slt, %get3A_1762, %lt3A_1764 : vector<16xi32>
        %or3A_1766 = arith.ori %or3A_1759, %lt3A_1765 : vector<16xi1>
        %get3A_1767 = arith.index_cast %sub3A_1739 : i32 to index
        %get3A_1768 = arith.constant 32 : index
        %get3A_1769 = tpu.vector_load %arg7[%get3A_1767, %get3A_1768] {strides = array<i32>} : memref<200x128xi32, #tpu.memory_space<vmem>>, vector<16xi32>,
        %lt3A_1770 = arith.constant 2 : i32
        %lt3A_1771 = vector.broadcast %lt3A_1770 : i32 to vector<16xi32>
        %lt3A_1772 = arith.cmpi slt, %get3A_1769, %lt3A_1771 : vector<16xi32>
        %or3A_1773 = arith.ori %or3A_1766, %lt3A_1772 : vector<16xi1>
        %get3A_1774 = arith.index_cast %sub3A_1739 : i32 to index
        %get3A_1775 = arith.constant 48 : index
        %get3A_1776 = tpu.vector_load %arg7[%get3A_1774, %get3A_1775] {strides = array<i32>} : memref<200x128xi32, #tpu.memory_space<vmem>>, vector<16xi32>,
        %lt3A_1777 = arith.constant 2 : i32
        %lt3A_1778 = vector.broadcast %lt3A_1777 : i32 to vector<16xi32>
        %lt3A_1779 = arith.cmpi slt, %get3A_1776, %lt3A_1778 : vector<16xi32>
        %or3A_1780 = arith.ori %or3A_1773, %lt3A_1779 : vector<16xi1>
        %get3A_1781 = arith.index_cast %sub3A_1739 : i32 to index
        %get3A_1782 = arith.constant 64 : index
        %get3A_1783 = tpu.vector_load %arg7[%get3A_1781, %get3A_1782] {strides = array<i32>} : memref<200x128xi32, #tpu.memory_space<vmem>>, vector<16xi32>,
        %lt3A_1784 = arith.constant 2 : i32
        %lt3A_1785 = vector.broadcast %lt3A_1784 : i32 to vector<16xi32>
        %lt3A_1786 = arith.cmpi slt, %get3A_1783, %lt3A_1785 : vector<16xi32>
        %or3A_1787 = arith.ori %or3A_1780, %lt3A_1786 : vector<16xi1>
        %get3A_1788 = arith.index_cast %sub3A_1739 : i32 to index
        %get3A_1789 = arith.constant 80 : index
        %get3A_1790 = tpu.vector_load %arg7[%get3A_1788, %get3A_1789] {strides = array<i32>} : memref<200x128xi32, #tpu.memory_space<vmem>>, vector<16xi32>,
        %lt3A_1791 = arith.constant 2 : i32
        %lt3A_1792 = vector.broadcast %lt3A_1791 : i32 to vector<16xi32>
        %lt3A_1793 = arith.cmpi slt, %get3A_1790, %lt3A_1792 : vector<16xi32>
        %or3A_1794 = arith.ori %or3A_1787, %lt3A_1793 : vector<16xi1>
        %get3A_1795 = arith.index_cast %sub3A_1739 : i32 to index
        %get3A_1796 = arith.constant 96 : index
        %get3A_1797 = tpu.vector_load %arg7[%get3A_1795, %get3A_1796] {strides = array<i32>} : memref<200x128xi32, #tpu.memory_space<vmem>>, vector<16xi32>,
        %lt3A_1798 = arith.constant 2 : i32
        %lt3A_1799 = vector.broadcast %lt3A_1798 : i32 to vector<16xi32>
        %lt3A_1800 = arith.cmpi slt, %get3A_1797, %lt3A_1799 : vector<16xi32>
        %or3A_1801 = arith.ori %or3A_1794, %lt3A_1800 : vector<16xi1>
        %get3A_1802 = arith.index_cast %sub3A_1739 : i32 to index
        %get3A_1803 = arith.constant 112 : index
        %get3A_1804 = tpu.vector_load %arg7[%get3A_1802, %get3A_1803] {strides = array<i32>} : memref<200x128xi32, #tpu.memory_space<vmem>>, vector<16xi32>,
        %lt3A_1805 = arith.constant 2 : i32
        %lt3A_1806 = vector.broadcast %lt3A_1805 : i32 to vector<16xi32>
        %lt3A_1807 = arith.cmpi slt, %get3A_1804, %lt3A_1806 : vector<16xi32>
        %or3A_1808 = arith.ori %or3A_1801, %lt3A_1807 : vector<16xi1>
        %reduce_or3A_1809 = arith.constant 1.000000e+00 : f32
        %reduce_or3A_1810 = arith.constant 0.000000e+00 : f32
        %reduce_or3A_1811 = vector.broadcast %reduce_or3A_1809 : f32 to vector<16xf32>
        %reduce_or3A_1812 = vector.broadcast %reduce_or3A_1810 : f32 to vector<16xf32>
        %reduce_or3A_1813 = arith.select %or3A_1808, %reduce_or3A_1811, %reduce_or3A_1812 : vector<16xi1>, vector<16xf32>
        %reduce_or3A_1814 = arith.constant true
        %reduce_or3A_1815 = vector.broadcast %reduce_or3A_1814 : i1 to vector<16xi1>
        %reduce_or3A_1816 = tpu.scan <max>, %reduce_or3A_1813 masked %reduce_or3A_1815 : vector<16xf32>, vector<16xi1> -> vector<16xf32>
        %reduce_or3A_1817 = vector.extract %reduce_or3A_1816[15] : f32 from vector<16xf32>
        %reduce_or3A_1818 = arith.constant 0.000000e+00 : f32
        %reduce_or3A_1819 = arith.cmpf ogt, %reduce_or3A_1817, %reduce_or3A_1818 : f32
        %convert_element_type3A_1820 = arith.extui %reduce_or3A_1819 : i1 to i32
        %cond3A_1821 = arith.constant 0 : i32
        %cond3A_1822 = arith.cmpi ne, %convert_element_type3A_1820, %cond3A_1821 : i32
        scf.if %cond3A_1822 {
          %scan3A_1840 = arith.constant 0 : i32
          %scan3A_1841 = arith.constant 0 : i32
          %scan3A_1842 = arith.constant 8 : i32
          %scan3A_1843 = arith.addi %scan3A_1841, %scan3A_1842 : i32
          %scan3A_1844 = arith.constant 1 : i32
          scf.for %scan3A_1846 = %scan3A_1841 to %scan3A_1843 step %scan3A_1844  : i32 {
            %mul3A_1847 = arith.constant 16 : i32
            %mul3A_1848 = arith.muli %scan3A_1846, %mul3A_1847 : i32
            %get3A_1849 = arith.index_cast %sub3A_1739 : i32 to index
            %get3A_1850 = arith.index_cast %mul3A_1848 : i32 to index
            %get3A_1851 = tpu.vector_load %arg7[%get3A_1849, %get3A_1850] {strides = array<i32>} : memref<200x128xi32, #tpu.memory_space<vmem>>, vector<16xi32>,
            %lt3A_1852 = arith.constant 2 : i32
            %lt3A_1853 = vector.broadcast %lt3A_1852 : i32 to vector<16xi32>
            %lt3A_1854 = arith.cmpi slt, %get3A_1851, %lt3A_1853 : vector<16xi32>
            %reduce_or3A_1855 = arith.constant 1.000000e+00 : f32
            %reduce_or3A_1856 = arith.constant 0.000000e+00 : f32
            %reduce_or3A_1857 = vector.broadcast %reduce_or3A_1855 : f32 to vector<16xf32>
            %reduce_or3A_1858 = vector.broadcast %reduce_or3A_1856 : f32 to vector<16xf32>
            %reduce_or3A_1859 = arith.select %lt3A_1854, %reduce_or3A_1857, %reduce_or3A_1858 : vector<16xi1>, vector<16xf32>
            %reduce_or3A_1860 = arith.constant true
            %reduce_or3A_1861 = vector.broadcast %reduce_or3A_1860 : i1 to vector<16xi1>
            %reduce_or3A_1862 = tpu.scan <max>, %reduce_or3A_1859 masked %reduce_or3A_1861 : vector<16xf32>, vector<16xi1> -> vector<16xf32>
            %reduce_or3A_1863 = vector.extract %reduce_or3A_1862[15] : f32 from vector<16xf32>
            %reduce_or3A_1864 = arith.constant 0.000000e+00 : f32
            %reduce_or3A_1865 = arith.cmpf ogt, %reduce_or3A_1863, %reduce_or3A_1864 : f32
            %convert_element_type3A_1866 = arith.extui %reduce_or3A_1865 : i1 to i32
            %cond3A_1867 = arith.constant 0 : i32
            %cond3A_1868 = arith.cmpi ne, %convert_element_type3A_1866, %cond3A_1867 : i32
            scf.if %cond3A_1868 {
              %lt3A_1869 = arith.constant 2 : i32
              %lt3A_1870 = vector.broadcast %lt3A_1869 : i32 to vector<16xi32>
              %lt3A_1871 = arith.cmpi slt, %get3A_1851, %lt3A_1870 : vector<16xi32>
              %min3A = arith.constant 1 : i32
              %min3A_1872 = vector.broadcast %min3A : i32 to vector<16xi32>
              %min3A_1873 = arith.minsi %get3A_1851, %min3A_1872 : vector<16xi32>
              %mul3A_1874 = arith.constant 16 : i32
              %mul3A_1875 = arith.muli %scan3A_1846, %mul3A_1874 : i32
              %add3A_1876 = vector.broadcast %mul3A_1875 : i32 to vector<16xi32>
              %add3A_1877 = arith.addi %iota3A, %add3A_1876 : vector<16xi32>
              %scan3A_1878 = arith.constant 0 : i32
              %scan3A_1879 = arith.constant 0 : i32
              %scan3A_1880 = arith.constant 64 : i32
              %scan3A_1881 = arith.addi %scan3A_1879, %scan3A_1880 : i32
              %scan3A_1882 = arith.constant 1 : i32
              scf.for %scan3A_1884 = %scan3A_1879 to %scan3A_1881 step %scan3A_1882  : i32 {
                %broadcast_in_dim3A_1885 = arith.constant 0 : i32
                %broadcast_in_dim3A_1886 = vector.broadcast %broadcast_in_dim3A_1885 : i32 to vector<16xi32>
                %add3A_1887 = vector.broadcast %scan3A_1884 : i32 to vector<16xi32>
                %add3A_1888 = arith.addi %broadcast_in_dim3A_1886, %add3A_1887 : vector<16xi32>
                %gather3A = tpu.vector_load_idx %arg10[%min3A_1873, %add3A_1888] : memref<2x64xf32, #tpu.memory_space<vmem>>[vector<16xi32>, vector<16xi32>], vector<16xf32>,
                %scatter3A = arith.constant 5 : i32
                %scatter3A_1889 = arith.constant 0 : i32
                %scatter3A_1890 = arith.constant 0 : i32
                %scatter3A_1891 = tpu.memref_slice %arg9[%scatter3A, %scatter3A_1889, %scatter3A_1890] : memref<8x128x64xf32, #tpu.memory_space<vmem>> -> memref<1x128x64xf32, #tpu.memory_space<vmem>>
                %scatter3A_1892 = tpu.memref_squeeze %scatter3A_1891 : memref<1x128x64xf32, #tpu.memory_space<vmem>> -> memref<128x64xf32, #tpu.memory_space<vmem>>
                tpu.vector_store_idx %scatter3A_1892[%add3A_1877, %add3A_1888], %gather3A masked %lt3A_1871 : memref<128x64xf32, #tpu.memory_space<vmem>>[vector<16xi32>, vector<16xi32>], vector<16xf32>, vector<16xi1>
              }
              %scan3A_1883 = arith.constant 64 : i32
            } else {
            }
          }
          %scan3A_1845 = arith.constant 8 : i32
        } else {
        }
        %dma_start3A_1823 = arith.constant 5 : i32
        %dma_start3A_1824 = arith.constant 0 : i32
        %dma_start3A_1825 = arith.constant 0 : i32
        %dma_start3A_1826 = tpu.memref_slice %arg9[%dma_start3A_1823, %dma_start3A_1824, %dma_start3A_1825] : memref<8x128x64xf32, #tpu.memory_space<vmem>> -> memref<1x128x64xf32, #tpu.memory_space<vmem>>
        %dma_start3A_1827 = tpu.memref_squeeze %dma_start3A_1826 : memref<1x128x64xf32, #tpu.memory_space<vmem>> -> memref<128x64xf32, #tpu.memory_space<vmem>>
        %dma_start3A_1828 = arith.constant 0 : i32
        %dma_start3A_1829 = arith.constant 0 : i32
        %dma_start3A_1830 = tpu.memref_slice %arg6[%add3A, %sub3A_1739, %dma_start3A_1828, %dma_start3A_1829] : memref<32x200x128x128xf32, #tpu.memory_space<hbm>> -> memref<1x1x128x64xf32, #tpu.memory_space<hbm>>
        %dma_start3A_1831 = tpu.memref_squeeze %dma_start3A_1830 : memref<1x1x128x64xf32, #tpu.memory_space<hbm>> -> memref<128x64xf32, #tpu.memory_space<hbm>>
        %dma_start3A_1832 = arith.constant 0 : i32
        %dma_start3A_1833 = arith.constant 0 : i32
        %dma_start3A_1834 = tpu.memref_slice %arg6[%add3A, %sub3A_1739, %dma_start3A_1832, %dma_start3A_1833] : memref<32x200x128x128xf32, #tpu.memory_space<hbm>> -> memref<1x1x128x64xf32, #tpu.memory_space<hbm>>
        %dma_start3A_1835 = tpu.memref_squeeze %dma_start3A_1834 : memref<1x1x128x64xf32, #tpu.memory_space<hbm>> -> memref<128x64xf32, #tpu.memory_space<hbm>>
        %dma_start3A_1836 = arith.constant 0 : i32
        %dma_start3A_1837 = arith.constant 0 : i32
        %dma_start3A_1838 = tpu.memref_slice %arg9[%dma_start3A_1823, %dma_start3A_1836, %dma_start3A_1837] : memref<8x128x64xf32, #tpu.memory_space<vmem>> -> memref<1x128x64xf32, #tpu.memory_space<vmem>>
        %dma_start3A_1839 = tpu.memref_squeeze %dma_start3A_1838 : memref<1x128x64xf32, #tpu.memory_space<vmem>> -> memref<128x64xf32, #tpu.memory_space<vmem>>
        tpu.enqueue_dma source(%dma_start3A_1839 : memref<128x64xf32, #tpu.memory_space<vmem>>) target(%dma_start3A_1835 : memref<128x64xf32, #tpu.memory_space<hbm>>) target_semaphore(%arg24 : memref<!tpu.dma_semaphore, #tpu.memory_space<semaphore_mem>>)
      } else {
      }
      %mul3A_868 = arith.constant 8 : i32
      %mul3A_869 = arith.muli %scan3A_581, %mul3A_868 : i32
      %add3A_870 = arith.constant 2 : i32
      %add3A_871 = arith.addi %mul3A_869, %add3A_870 : i32
      %ge3A_872 = arith.constant 8 : i32
      %ge3A_873 = arith.cmpi sge, %add3A_871, %ge3A_872 : i32
      %convert_element_type3A_874 = arith.extui %ge3A_873 : i1 to i32
      %cond3A_875 = arith.constant 0 : i32
      %cond3A_876 = arith.cmpi ne, %convert_element_type3A_874, %cond3A_875 : i32
      scf.if %cond3A_876 {
        %sub3A_1738 = arith.constant 8 : i32
        %sub3A_1739 = arith.subi %add3A_871, %sub3A_1738 : i32
        %dma_wait3A_1740 = arith.constant 2 : i32
        %dma_wait3A_1741 = arith.constant 0 : i32
        %dma_wait3A_1742 = arith.constant 0 : i32
        %dma_wait3A_1743 = tpu.memref_slice %arg9[%dma_wait3A_1740, %dma_wait3A_1741, %dma_wait3A_1742] : memref<8x128x64xf32, #tpu.memory_space<vmem>> -> memref<1x128x64xf32, #tpu.memory_space<vmem>>
        %dma_wait3A_1744 = tpu.memref_squeeze %dma_wait3A_1743 : memref<1x128x64xf32, #tpu.memory_space<vmem>> -> memref<128x64xf32, #tpu.memory_space<vmem>>
        %dma_wait3A_1745 = arith.constant 0 : i32
        %dma_wait3A_1746 = arith.constant 0 : i32
        %dma_wait3A_1747 = tpu.memref_slice %arg6[%add3A, %sub3A_1739, %dma_wait3A_1745, %dma_wait3A_1746] : memref<32x200x128x128xf32, #tpu.memory_space<hbm>> -> memref<1x1x128x64xf32, #tpu.memory_space<hbm>>
        %dma_wait3A_1748 = tpu.memref_squeeze %dma_wait3A_1747 : memref<1x1x128x64xf32, #tpu.memory_space<hbm>> -> memref<128x64xf32, #tpu.memory_space<hbm>>
        %dma_wait3A_1749 = arith.constant 0 : i32
        %dma_wait3A_1750 = arith.constant 0 : i32
        %dma_wait3A_1751 = tpu.memref_slice %arg6[%add3A, %sub3A_1739, %dma_wait3A_1749, %dma_wait3A_1750] : memref<32x200x128x128xf32, #tpu.memory_space<hbm>> -> memref<1x1x128x64xf32, #tpu.memory_space<hbm>>
        %dma_wait3A_1752 = tpu.memref_squeeze %dma_wait3A_1751 : memref<1x1x128x64xf32, #tpu.memory_space<hbm>> -> memref<128x64xf32, #tpu.memory_space<hbm>>
        %dma_wait3A_1753 = arith.constant 0 : i32
        %dma_wait3A_1754 = arith.constant 0 : i32
        %dma_wait3A_1755 = tpu.memref_slice %arg9[%dma_wait3A_1740, %dma_wait3A_1753, %dma_wait3A_1754] : memref<8x128x64xf32, #tpu.memory_space<vmem>> -> memref<1x128x64xf32, #tpu.memory_space<vmem>>
        %dma_wait3A_1756 = tpu.memref_squeeze %dma_wait3A_1755 : memref<1x128x64xf32, #tpu.memory_space<vmem>> -> memref<128x64xf32, #tpu.memory_space<vmem>>
        tpu.wait_dma2 semaphore(%arg21 : memref<!tpu.dma_semaphore, #tpu.memory_space<semaphore_mem>>) src(%dma_wait3A_1756 : memref<128x64xf32, #tpu.memory_space<vmem>>) dst(%dma_wait3A_1752 : memref<128x64xf32, #tpu.memory_space<hbm>>)
      } else {
      }
      %get3A_877 = arith.index_cast %add3A_871 : i32 to index
      %get3A_878 = arith.constant 0 : index
      %get3A_879 = tpu.vector_load %arg7[%get3A_877, %get3A_878] {strides = array<i32>} : memref<200x128xi32, #tpu.memory_space<vmem>>, vector<16xi32>,
      %sub3A_880 = arith.constant 2 : i32
      %sub3A_881 = vector.broadcast %sub3A_880 : i32 to vector<16xi32>
      %sub3A_882 = arith.subi %get3A_879, %sub3A_881 : vector<16xi32>
      %max3A_883 = arith.constant 0 : i32
      %max3A_884 = vector.broadcast %max3A_883 : i32 to vector<16xi32>
      %max3A_885 = arith.maxsi %sub3A_882, %max3A_884 : vector<16xi32>
      %mul3A_886 = arith.constant 2 : i32
      %mul3A_887 = vector.broadcast %mul3A_886 : i32 to vector<16xi32>
      %mul3A_888 = arith.muli %max3A_885, %mul3A_887 : vector<16xi32>
      %swap3A_889 = arith.index_cast %add3A_871 : i32 to index
      %swap3A_890 = arith.constant 0 : index
      %swap3A_891 = tpu.vector_load %arg8[%swap3A_889, %swap3A_890] {strides = array<i32>} : memref<200x128xi32, #tpu.memory_space<vmem>>, vector<16xi32>,
      tpu.vector_store %arg8[%swap3A_889, %swap3A_890], %mul3A_888 {strides = array<i32>} : memref<200x128xi32, #tpu.memory_space<vmem>>, vector<16xi32>,
      %get3A_892 = arith.index_cast %add3A_871 : i32 to index
      %get3A_893 = arith.constant 16 : index
      %get3A_894 = tpu.vector_load %arg7[%get3A_892, %get3A_893] {strides = array<i32>} : memref<200x128xi32, #tpu.memory_space<vmem>>, vector<16xi32>,
      %sub3A_895 = arith.constant 2 : i32
      %sub3A_896 = vector.broadcast %sub3A_895 : i32 to vector<16xi32>
      %sub3A_897 = arith.subi %get3A_894, %sub3A_896 : vector<16xi32>
      %max3A_898 = arith.constant 0 : i32
      %max3A_899 = vector.broadcast %max3A_898 : i32 to vector<16xi32>
      %max3A_900 = arith.maxsi %sub3A_897, %max3A_899 : vector<16xi32>
      %mul3A_901 = arith.constant 2 : i32
      %mul3A_902 = vector.broadcast %mul3A_901 : i32 to vector<16xi32>
      %mul3A_903 = arith.muli %max3A_900, %mul3A_902 : vector<16xi32>
      %swap3A_904 = arith.index_cast %add3A_871 : i32 to index
      %swap3A_905 = arith.constant 16 : index
      %swap3A_906 = tpu.vector_load %arg8[%swap3A_904, %swap3A_905] {strides = array<i32>} : memref<200x128xi32, #tpu.memory_space<vmem>>, vector<16xi32>,
      tpu.vector_store %arg8[%swap3A_904, %swap3A_905], %mul3A_903 {strides = array<i32>} : memref<200x128xi32, #tpu.memory_space<vmem>>, vector<16xi32>,
      %get3A_907 = arith.index_cast %add3A_871 : i32 to index
      %get3A_908 = arith.constant 32 : index
      %get3A_909 = tpu.vector_load %arg7[%get3A_907, %get3A_908] {strides = array<i32>} : memref<200x128xi32, #tpu.memory_space<vmem>>, vector<16xi32>,
      %sub3A_910 = arith.constant 2 : i32
      %sub3A_911 = vector.broadcast %sub3A_910 : i32 to vector<16xi32>
      %sub3A_912 = arith.subi %get3A_909, %sub3A_911 : vector<16xi32>
      %max3A_913 = arith.constant 0 : i32
      %max3A_914 = vector.broadcast %max3A_913 : i32 to vector<16xi32>
      %max3A_915 = arith.maxsi %sub3A_912, %max3A_914 : vector<16xi32>
      %mul3A_916 = arith.constant 2 : i32
      %mul3A_917 = vector.broadcast %mul3A_916 : i32 to vector<16xi32>
      %mul3A_918 = arith.muli %max3A_915, %mul3A_917 : vector<16xi32>
      %swap3A_919 = arith.index_cast %add3A_871 : i32 to index
      %swap3A_920 = arith.constant 32 : index
      %swap3A_921 = tpu.vector_load %arg8[%swap3A_919, %swap3A_920] {strides = array<i32>} : memref<200x128xi32, #tpu.memory_space<vmem>>, vector<16xi32>,
      tpu.vector_store %arg8[%swap3A_919, %swap3A_920], %mul3A_918 {strides = array<i32>} : memref<200x128xi32, #tpu.memory_space<vmem>>, vector<16xi32>,
      %get3A_922 = arith.index_cast %add3A_871 : i32 to index
      %get3A_923 = arith.constant 48 : index
      %get3A_924 = tpu.vector_load %arg7[%get3A_922, %get3A_923] {strides = array<i32>} : memref<200x128xi32, #tpu.memory_space<vmem>>, vector<16xi32>,
      %sub3A_925 = arith.constant 2 : i32
      %sub3A_926 = vector.broadcast %sub3A_925 : i32 to vector<16xi32>
      %sub3A_927 = arith.subi %get3A_924, %sub3A_926 : vector<16xi32>
      %max3A_928 = arith.constant 0 : i32
      %max3A_929 = vector.broadcast %max3A_928 : i32 to vector<16xi32>
      %max3A_930 = arith.maxsi %sub3A_927, %max3A_929 : vector<16xi32>
      %mul3A_931 = arith.constant 2 : i32
      %mul3A_932 = vector.broadcast %mul3A_931 : i32 to vector<16xi32>
      %mul3A_933 = arith.muli %max3A_930, %mul3A_932 : vector<16xi32>
      %swap3A_934 = arith.index_cast %add3A_871 : i32 to index
      %swap3A_935 = arith.constant 48 : index
      %swap3A_936 = tpu.vector_load %arg8[%swap3A_934, %swap3A_935] {strides = array<i32>} : memref<200x128xi32, #tpu.memory_space<vmem>>, vector<16xi32>,
      tpu.vector_store %arg8[%swap3A_934, %swap3A_935], %mul3A_933 {strides = array<i32>} : memref<200x128xi32, #tpu.memory_space<vmem>>, vector<16xi32>,
      %get3A_937 = arith.index_cast %add3A_871 : i32 to index
      %get3A_938 = arith.constant 64 : index
      %get3A_939 = tpu.vector_load %arg7[%get3A_937, %get3A_938] {strides = array<i32>} : memref<200x128xi32, #tpu.memory_space<vmem>>, vector<16xi32>,
      %sub3A_940 = arith.constant 2 : i32
      %sub3A_941 = vector.broadcast %sub3A_940 : i32 to vector<16xi32>
      %sub3A_942 = arith.subi %get3A_939, %sub3A_941 : vector<16xi32>
      %max3A_943 = arith.constant 0 : i32
      %max3A_944 = vector.broadcast %max3A_943 : i32 to vector<16xi32>
      %max3A_945 = arith.maxsi %sub3A_942, %max3A_944 : vector<16xi32>
      %mul3A_946 = arith.constant 2 : i32
      %mul3A_947 = vector.broadcast %mul3A_946 : i32 to vector<16xi32>
      %mul3A_948 = arith.muli %max3A_945, %mul3A_947 : vector<16xi32>
      %swap3A_949 = arith.index_cast %add3A_871 : i32 to index
      %swap3A_950 = arith.constant 64 : index
      %swap3A_951 = tpu.vector_load %arg8[%swap3A_949, %swap3A_950] {strides = array<i32>} : memref<200x128xi32, #tpu.memory_space<vmem>>, vector<16xi32>,
      tpu.vector_store %arg8[%swap3A_949, %swap3A_950], %mul3A_948 {strides = array<i32>} : memref<200x128xi32, #tpu.memory_space<vmem>>, vector<16xi32>,
      %get3A_952 = arith.index_cast %add3A_871 : i32 to index
      %get3A_953 = arith.constant 80 : index
      %get3A_954 = tpu.vector_load %arg7[%get3A_952, %get3A_953] {strides = array<i32>} : memref<200x128xi32, #tpu.memory_space<vmem>>, vector<16xi32>,
      %sub3A_955 = arith.constant 2 : i32
      %sub3A_956 = vector.broadcast %sub3A_955 : i32 to vector<16xi32>
      %sub3A_957 = arith.subi %get3A_954, %sub3A_956 : vector<16xi32>
      %max3A_958 = arith.constant 0 : i32
      %max3A_959 = vector.broadcast %max3A_958 : i32 to vector<16xi32>
      %max3A_960 = arith.maxsi %sub3A_957, %max3A_959 : vector<16xi32>
      %mul3A_961 = arith.constant 2 : i32
      %mul3A_962 = vector.broadcast %mul3A_961 : i32 to vector<16xi32>
      %mul3A_963 = arith.muli %max3A_960, %mul3A_962 : vector<16xi32>
      %swap3A_964 = arith.index_cast %add3A_871 : i32 to index
      %swap3A_965 = arith.constant 80 : index
      %swap3A_966 = tpu.vector_load %arg8[%swap3A_964, %swap3A_965] {strides = array<i32>} : memref<200x128xi32, #tpu.memory_space<vmem>>, vector<16xi32>,
      tpu.vector_store %arg8[%swap3A_964, %swap3A_965], %mul3A_963 {strides = array<i32>} : memref<200x128xi32, #tpu.memory_space<vmem>>, vector<16xi32>,
      %get3A_967 = arith.index_cast %add3A_871 : i32 to index
      %get3A_968 = arith.constant 96 : index
      %get3A_969 = tpu.vector_load %arg7[%get3A_967, %get3A_968] {strides = array<i32>} : memref<200x128xi32, #tpu.memory_space<vmem>>, vector<16xi32>,
      %sub3A_970 = arith.constant 2 : i32
      %sub3A_971 = vector.broadcast %sub3A_970 : i32 to vector<16xi32>
      %sub3A_972 = arith.subi %get3A_969, %sub3A_971 : vector<16xi32>
      %max3A_973 = arith.constant 0 : i32
      %max3A_974 = vector.broadcast %max3A_973 : i32 to vector<16xi32>
      %max3A_975 = arith.maxsi %sub3A_972, %max3A_974 : vector<16xi32>
      %mul3A_976 = arith.constant 2 : i32
      %mul3A_977 = vector.broadcast %mul3A_976 : i32 to vector<16xi32>
      %mul3A_978 = arith.muli %max3A_975, %mul3A_977 : vector<16xi32>
      %swap3A_979 = arith.index_cast %add3A_871 : i32 to index
      %swap3A_980 = arith.constant 96 : index
      %swap3A_981 = tpu.vector_load %arg8[%swap3A_979, %swap3A_980] {strides = array<i32>} : memref<200x128xi32, #tpu.memory_space<vmem>>, vector<16xi32>,
      tpu.vector_store %arg8[%swap3A_979, %swap3A_980], %mul3A_978 {strides = array<i32>} : memref<200x128xi32, #tpu.memory_space<vmem>>, vector<16xi32>,
      %get3A_982 = arith.index_cast %add3A_871 : i32 to index
      %get3A_983 = arith.constant 112 : index
      %get3A_984 = tpu.vector_load %arg7[%get3A_982, %get3A_983] {strides = array<i32>} : memref<200x128xi32, #tpu.memory_space<vmem>>, vector<16xi32>,
      %sub3A_985 = arith.constant 2 : i32
      %sub3A_986 = vector.broadcast %sub3A_985 : i32 to vector<16xi32>
      %sub3A_987 = arith.subi %get3A_984, %sub3A_986 : vector<16xi32>
      %max3A_988 = arith.constant 0 : i32
      %max3A_989 = vector.broadcast %max3A_988 : i32 to vector<16xi32>
      %max3A_990 = arith.maxsi %sub3A_987, %max3A_989 : vector<16xi32>
      %mul3A_991 = arith.constant 2 : i32
      %mul3A_992 = vector.broadcast %mul3A_991 : i32 to vector<16xi32>
      %mul3A_993 = arith.muli %max3A_990, %mul3A_992 : vector<16xi32>
      %swap3A_994 = arith.index_cast %add3A_871 : i32 to index
      %swap3A_995 = arith.constant 112 : index
      %swap3A_996 = tpu.vector_load %arg8[%swap3A_994, %swap3A_995] {strides = array<i32>} : memref<200x128xi32, #tpu.memory_space<vmem>>, vector<16xi32>,
      tpu.vector_store %arg8[%swap3A_994, %swap3A_995], %mul3A_993 {strides = array<i32>} : memref<200x128xi32, #tpu.memory_space<vmem>>, vector<16xi32>,
      %dma_start3A_997 = arith.constant 2 : i32
      %dma_start3A_998 = arith.constant 0 : i32
      %dma_start3A_999 = arith.constant 0 : i32
      %dma_start3A_1000 = tpu.memref_slice %arg9[%dma_start3A_997, %dma_start3A_998, %dma_start3A_999] : memref<8x128x64xf32, #tpu.memory_space<vmem>> -> memref<1x128x64xf32, #tpu.memory_space<vmem>>
      %dma_start3A_1001 = tpu.memref_squeeze %dma_start3A_1000 : memref<1x128x64xf32, #tpu.memory_space<vmem>> -> memref<128x64xf32, #tpu.memory_space<vmem>>
      %dma_start3A_1002 = arith.constant 0 : i32
      %dma_start3A_1003 = tpu.memref_slice %arg8[%add3A_871, %dma_start3A_1002] : memref<200x128xi32, #tpu.memory_space<vmem>> -> memref<1x128xi32, #tpu.memory_space<vmem>>
      %dma_start3A_1004 = tpu.memref_squeeze %dma_start3A_1003 : memref<1x128xi32, #tpu.memory_space<vmem>> -> memref<128xi32, #tpu.memory_space<vmem>>
      %dma_start3A_1005 = arith.constant 0 : i32
      %dma_start3A_1006 = arith.constant 0 : i32
      %dma_start3A_1007 = tpu.memref_slice %arg5[%dma_start3A_1005, %dma_start3A_1006] : memref<2000000x64xf32, #tpu.memory_space<hbm>> -> memref<2000000x64xf32, #tpu.memory_space<hbm>>
      tpu.enqueue_indirect_dma source(%dma_start3A_1007 : memref<2000000x64xf32, #tpu.memory_space<hbm>>) target(%dma_start3A_1001 : memref<128x64xf32, #tpu.memory_space<vmem>>) offsets(%dma_start3A_1004 : memref<128xi32, #tpu.memory_space<vmem>>) semaphore(%arg13 : memref<!tpu.dma_semaphore, #tpu.memory_space<semaphore_mem>>)
      %ge3A_1008 = arith.constant 4 : i32
      %ge3A_1009 = arith.cmpi sge, %add3A_871, %ge3A_1008 : i32
      %convert_element_type3A_1010 = arith.extui %ge3A_1009 : i1 to i32
      %cond3A_1011 = arith.constant 0 : i32
      %cond3A_1012 = arith.cmpi ne, %convert_element_type3A_1010, %cond3A_1011 : i32
      scf.if %cond3A_1012 {
        %sub3A_1738 = arith.constant 4 : i32
        %sub3A_1739 = arith.subi %add3A_871, %sub3A_1738 : i32
        %dma_wait3A_1740 = arith.constant 6 : i32
        %dma_wait3A_1741 = arith.constant 0 : i32
        %dma_wait3A_1742 = arith.constant 0 : i32
        %dma_wait3A_1743 = tpu.memref_slice %arg9[%dma_wait3A_1740, %dma_wait3A_1741, %dma_wait3A_1742] : memref<8x128x64xf32, #tpu.memory_space<vmem>> -> memref<1x128x64xf32, #tpu.memory_space<vmem>>
        %dma_wait3A_1744 = tpu.memref_squeeze %dma_wait3A_1743 : memref<1x128x64xf32, #tpu.memory_space<vmem>> -> memref<128x64xf32, #tpu.memory_space<vmem>>
        %dma_wait3A_1745 = arith.constant 0 : i32
        %dma_wait3A_1746 = tpu.memref_slice %arg8[%sub3A_1739, %dma_wait3A_1745] : memref<200x128xi32, #tpu.memory_space<vmem>> -> memref<1x128xi32, #tpu.memory_space<vmem>>
        %dma_wait3A_1747 = tpu.memref_squeeze %dma_wait3A_1746 : memref<1x128xi32, #tpu.memory_space<vmem>> -> memref<128xi32, #tpu.memory_space<vmem>>
        %dma_wait3A_1748 = arith.constant 0 : i32
        %dma_wait3A_1749 = arith.constant 0 : i32
        %dma_wait3A_1750 = tpu.memref_slice %arg5[%dma_wait3A_1748, %dma_wait3A_1749] : memref<2000000x64xf32, #tpu.memory_space<hbm>> -> memref<2000000x64xf32, #tpu.memory_space<hbm>>
        tpu.wait_indirect_dma semaphore(%arg17 : memref<!tpu.dma_semaphore, #tpu.memory_space<semaphore_mem>>) src(%dma_wait3A_1750 : memref<2000000x64xf32, #tpu.memory_space<hbm>>) dst(%dma_wait3A_1744 : memref<128x64xf32, #tpu.memory_space<vmem>>)
        %broadcast_in_dim3A_1751 = arith.constant false
        %broadcast_in_dim3A_1752 = vector.broadcast %broadcast_in_dim3A_1751 : i1 to vector<16xi1>
        %get3A_1753 = arith.index_cast %sub3A_1739 : i32 to index
        %get3A_1754 = arith.constant 0 : index
        %get3A_1755 = tpu.vector_load %arg7[%get3A_1753, %get3A_1754] {strides = array<i32>} : memref<200x128xi32, #tpu.memory_space<vmem>>, vector<16xi32>,
        %lt3A_1756 = arith.constant 2 : i32
        %lt3A_1757 = vector.broadcast %lt3A_1756 : i32 to vector<16xi32>
        %lt3A_1758 = arith.cmpi slt, %get3A_1755, %lt3A_1757 : vector<16xi32>
        %or3A_1759 = arith.ori %broadcast_in_dim3A_1752, %lt3A_1758 : vector<16xi1>
        %get3A_1760 = arith.index_cast %sub3A_1739 : i32 to index
        %get3A_1761 = arith.constant 16 : index
        %get3A_1762 = tpu.vector_load %arg7[%get3A_1760, %get3A_1761] {strides = array<i32>} : memref<200x128xi32, #tpu.memory_space<vmem>>, vector<16xi32>,
        %lt3A_1763 = arith.constant 2 : i32
        %lt3A_1764 = vector.broadcast %lt3A_1763 : i32 to vector<16xi32>
        %lt3A_1765 = arith.cmpi slt, %get3A_1762, %lt3A_1764 : vector<16xi32>
        %or3A_1766 = arith.ori %or3A_1759, %lt3A_1765 : vector<16xi1>
        %get3A_1767 = arith.index_cast %sub3A_1739 : i32 to index
        %get3A_1768 = arith.constant 32 : index
        %get3A_1769 = tpu.vector_load %arg7[%get3A_1767, %get3A_1768] {strides = array<i32>} : memref<200x128xi32, #tpu.memory_space<vmem>>, vector<16xi32>,
        %lt3A_1770 = arith.constant 2 : i32
        %lt3A_1771 = vector.broadcast %lt3A_1770 : i32 to vector<16xi32>
        %lt3A_1772 = arith.cmpi slt, %get3A_1769, %lt3A_1771 : vector<16xi32>
        %or3A_1773 = arith.ori %or3A_1766, %lt3A_1772 : vector<16xi1>
        %get3A_1774 = arith.index_cast %sub3A_1739 : i32 to index
        %get3A_1775 = arith.constant 48 : index
        %get3A_1776 = tpu.vector_load %arg7[%get3A_1774, %get3A_1775] {strides = array<i32>} : memref<200x128xi32, #tpu.memory_space<vmem>>, vector<16xi32>,
        %lt3A_1777 = arith.constant 2 : i32
        %lt3A_1778 = vector.broadcast %lt3A_1777 : i32 to vector<16xi32>
        %lt3A_1779 = arith.cmpi slt, %get3A_1776, %lt3A_1778 : vector<16xi32>
        %or3A_1780 = arith.ori %or3A_1773, %lt3A_1779 : vector<16xi1>
        %get3A_1781 = arith.index_cast %sub3A_1739 : i32 to index
        %get3A_1782 = arith.constant 64 : index
        %get3A_1783 = tpu.vector_load %arg7[%get3A_1781, %get3A_1782] {strides = array<i32>} : memref<200x128xi32, #tpu.memory_space<vmem>>, vector<16xi32>,
        %lt3A_1784 = arith.constant 2 : i32
        %lt3A_1785 = vector.broadcast %lt3A_1784 : i32 to vector<16xi32>
        %lt3A_1786 = arith.cmpi slt, %get3A_1783, %lt3A_1785 : vector<16xi32>
        %or3A_1787 = arith.ori %or3A_1780, %lt3A_1786 : vector<16xi1>
        %get3A_1788 = arith.index_cast %sub3A_1739 : i32 to index
        %get3A_1789 = arith.constant 80 : index
        %get3A_1790 = tpu.vector_load %arg7[%get3A_1788, %get3A_1789] {strides = array<i32>} : memref<200x128xi32, #tpu.memory_space<vmem>>, vector<16xi32>,
        %lt3A_1791 = arith.constant 2 : i32
        %lt3A_1792 = vector.broadcast %lt3A_1791 : i32 to vector<16xi32>
        %lt3A_1793 = arith.cmpi slt, %get3A_1790, %lt3A_1792 : vector<16xi32>
        %or3A_1794 = arith.ori %or3A_1787, %lt3A_1793 : vector<16xi1>
        %get3A_1795 = arith.index_cast %sub3A_1739 : i32 to index
        %get3A_1796 = arith.constant 96 : index
        %get3A_1797 = tpu.vector_load %arg7[%get3A_1795, %get3A_1796] {strides = array<i32>} : memref<200x128xi32, #tpu.memory_space<vmem>>, vector<16xi32>,
        %lt3A_1798 = arith.constant 2 : i32
        %lt3A_1799 = vector.broadcast %lt3A_1798 : i32 to vector<16xi32>
        %lt3A_1800 = arith.cmpi slt, %get3A_1797, %lt3A_1799 : vector<16xi32>
        %or3A_1801 = arith.ori %or3A_1794, %lt3A_1800 : vector<16xi1>
        %get3A_1802 = arith.index_cast %sub3A_1739 : i32 to index
        %get3A_1803 = arith.constant 112 : index
        %get3A_1804 = tpu.vector_load %arg7[%get3A_1802, %get3A_1803] {strides = array<i32>} : memref<200x128xi32, #tpu.memory_space<vmem>>, vector<16xi32>,
        %lt3A_1805 = arith.constant 2 : i32
        %lt3A_1806 = vector.broadcast %lt3A_1805 : i32 to vector<16xi32>
        %lt3A_1807 = arith.cmpi slt, %get3A_1804, %lt3A_1806 : vector<16xi32>
        %or3A_1808 = arith.ori %or3A_1801, %lt3A_1807 : vector<16xi1>
        %reduce_or3A_1809 = arith.constant 1.000000e+00 : f32
        %reduce_or3A_1810 = arith.constant 0.000000e+00 : f32
        %reduce_or3A_1811 = vector.broadcast %reduce_or3A_1809 : f32 to vector<16xf32>
        %reduce_or3A_1812 = vector.broadcast %reduce_or3A_1810 : f32 to vector<16xf32>
        %reduce_or3A_1813 = arith.select %or3A_1808, %reduce_or3A_1811, %reduce_or3A_1812 : vector<16xi1>, vector<16xf32>
        %reduce_or3A_1814 = arith.constant true
        %reduce_or3A_1815 = vector.broadcast %reduce_or3A_1814 : i1 to vector<16xi1>
        %reduce_or3A_1816 = tpu.scan <max>, %reduce_or3A_1813 masked %reduce_or3A_1815 : vector<16xf32>, vector<16xi1> -> vector<16xf32>
        %reduce_or3A_1817 = vector.extract %reduce_or3A_1816[15] : f32 from vector<16xf32>
        %reduce_or3A_1818 = arith.constant 0.000000e+00 : f32
        %reduce_or3A_1819 = arith.cmpf ogt, %reduce_or3A_1817, %reduce_or3A_1818 : f32
        %convert_element_type3A_1820 = arith.extui %reduce_or3A_1819 : i1 to i32
        %cond3A_1821 = arith.constant 0 : i32
        %cond3A_1822 = arith.cmpi ne, %convert_element_type3A_1820, %cond3A_1821 : i32
        scf.if %cond3A_1822 {
          %scan3A_1840 = arith.constant 0 : i32
          %scan3A_1841 = arith.constant 0 : i32
          %scan3A_1842 = arith.constant 8 : i32
          %scan3A_1843 = arith.addi %scan3A_1841, %scan3A_1842 : i32
          %scan3A_1844 = arith.constant 1 : i32
          scf.for %scan3A_1846 = %scan3A_1841 to %scan3A_1843 step %scan3A_1844  : i32 {
            %mul3A_1847 = arith.constant 16 : i32
            %mul3A_1848 = arith.muli %scan3A_1846, %mul3A_1847 : i32
            %get3A_1849 = arith.index_cast %sub3A_1739 : i32 to index
            %get3A_1850 = arith.index_cast %mul3A_1848 : i32 to index
            %get3A_1851 = tpu.vector_load %arg7[%get3A_1849, %get3A_1850] {strides = array<i32>} : memref<200x128xi32, #tpu.memory_space<vmem>>, vector<16xi32>,
            %lt3A_1852 = arith.constant 2 : i32
            %lt3A_1853 = vector.broadcast %lt3A_1852 : i32 to vector<16xi32>
            %lt3A_1854 = arith.cmpi slt, %get3A_1851, %lt3A_1853 : vector<16xi32>
            %reduce_or3A_1855 = arith.constant 1.000000e+00 : f32
            %reduce_or3A_1856 = arith.constant 0.000000e+00 : f32
            %reduce_or3A_1857 = vector.broadcast %reduce_or3A_1855 : f32 to vector<16xf32>
            %reduce_or3A_1858 = vector.broadcast %reduce_or3A_1856 : f32 to vector<16xf32>
            %reduce_or3A_1859 = arith.select %lt3A_1854, %reduce_or3A_1857, %reduce_or3A_1858 : vector<16xi1>, vector<16xf32>
            %reduce_or3A_1860 = arith.constant true
            %reduce_or3A_1861 = vector.broadcast %reduce_or3A_1860 : i1 to vector<16xi1>
            %reduce_or3A_1862 = tpu.scan <max>, %reduce_or3A_1859 masked %reduce_or3A_1861 : vector<16xf32>, vector<16xi1> -> vector<16xf32>
            %reduce_or3A_1863 = vector.extract %reduce_or3A_1862[15] : f32 from vector<16xf32>
            %reduce_or3A_1864 = arith.constant 0.000000e+00 : f32
            %reduce_or3A_1865 = arith.cmpf ogt, %reduce_or3A_1863, %reduce_or3A_1864 : f32
            %convert_element_type3A_1866 = arith.extui %reduce_or3A_1865 : i1 to i32
            %cond3A_1867 = arith.constant 0 : i32
            %cond3A_1868 = arith.cmpi ne, %convert_element_type3A_1866, %cond3A_1867 : i32
            scf.if %cond3A_1868 {
              %lt3A_1869 = arith.constant 2 : i32
              %lt3A_1870 = vector.broadcast %lt3A_1869 : i32 to vector<16xi32>
              %lt3A_1871 = arith.cmpi slt, %get3A_1851, %lt3A_1870 : vector<16xi32>
              %min3A = arith.constant 1 : i32
              %min3A_1872 = vector.broadcast %min3A : i32 to vector<16xi32>
              %min3A_1873 = arith.minsi %get3A_1851, %min3A_1872 : vector<16xi32>
              %mul3A_1874 = arith.constant 16 : i32
              %mul3A_1875 = arith.muli %scan3A_1846, %mul3A_1874 : i32
              %add3A_1876 = vector.broadcast %mul3A_1875 : i32 to vector<16xi32>
              %add3A_1877 = arith.addi %iota3A, %add3A_1876 : vector<16xi32>
              %scan3A_1878 = arith.constant 0 : i32
              %scan3A_1879 = arith.constant 0 : i32
              %scan3A_1880 = arith.constant 64 : i32
              %scan3A_1881 = arith.addi %scan3A_1879, %scan3A_1880 : i32
              %scan3A_1882 = arith.constant 1 : i32
              scf.for %scan3A_1884 = %scan3A_1879 to %scan3A_1881 step %scan3A_1882  : i32 {
                %broadcast_in_dim3A_1885 = arith.constant 0 : i32
                %broadcast_in_dim3A_1886 = vector.broadcast %broadcast_in_dim3A_1885 : i32 to vector<16xi32>
                %add3A_1887 = vector.broadcast %scan3A_1884 : i32 to vector<16xi32>
                %add3A_1888 = arith.addi %broadcast_in_dim3A_1886, %add3A_1887 : vector<16xi32>
                %gather3A = tpu.vector_load_idx %arg10[%min3A_1873, %add3A_1888] : memref<2x64xf32, #tpu.memory_space<vmem>>[vector<16xi32>, vector<16xi32>], vector<16xf32>,
                %scatter3A = arith.constant 6 : i32
                %scatter3A_1889 = arith.constant 0 : i32
                %scatter3A_1890 = arith.constant 0 : i32
                %scatter3A_1891 = tpu.memref_slice %arg9[%scatter3A, %scatter3A_1889, %scatter3A_1890] : memref<8x128x64xf32, #tpu.memory_space<vmem>> -> memref<1x128x64xf32, #tpu.memory_space<vmem>>
                %scatter3A_1892 = tpu.memref_squeeze %scatter3A_1891 : memref<1x128x64xf32, #tpu.memory_space<vmem>> -> memref<128x64xf32, #tpu.memory_space<vmem>>
                tpu.vector_store_idx %scatter3A_1892[%add3A_1877, %add3A_1888], %gather3A masked %lt3A_1871 : memref<128x64xf32, #tpu.memory_space<vmem>>[vector<16xi32>, vector<16xi32>], vector<16xf32>, vector<16xi1>
              }
              %scan3A_1883 = arith.constant 64 : i32
            } else {
            }
          }
          %scan3A_1845 = arith.constant 8 : i32
        } else {
        }
        %dma_start3A_1823 = arith.constant 6 : i32
        %dma_start3A_1824 = arith.constant 0 : i32
        %dma_start3A_1825 = arith.constant 0 : i32
        %dma_start3A_1826 = tpu.memref_slice %arg9[%dma_start3A_1823, %dma_start3A_1824, %dma_start3A_1825] : memref<8x128x64xf32, #tpu.memory_space<vmem>> -> memref<1x128x64xf32, #tpu.memory_space<vmem>>
        %dma_start3A_1827 = tpu.memref_squeeze %dma_start3A_1826 : memref<1x128x64xf32, #tpu.memory_space<vmem>> -> memref<128x64xf32, #tpu.memory_space<vmem>>
        %dma_start3A_1828 = arith.constant 0 : i32
        %dma_start3A_1829 = arith.constant 0 : i32
        %dma_start3A_1830 = tpu.memref_slice %arg6[%add3A, %sub3A_1739, %dma_start3A_1828, %dma_start3A_1829] : memref<32x200x128x128xf32, #tpu.memory_space<hbm>> -> memref<1x1x128x64xf32, #tpu.memory_space<hbm>>
        %dma_start3A_1831 = tpu.memref_squeeze %dma_start3A_1830 : memref<1x1x128x64xf32, #tpu.memory_space<hbm>> -> memref<128x64xf32, #tpu.memory_space<hbm>>
        %dma_start3A_1832 = arith.constant 0 : i32
        %dma_start3A_1833 = arith.constant 0 : i32
        %dma_start3A_1834 = tpu.memref_slice %arg6[%add3A, %sub3A_1739, %dma_start3A_1832, %dma_start3A_1833] : memref<32x200x128x128xf32, #tpu.memory_space<hbm>> -> memref<1x1x128x64xf32, #tpu.memory_space<hbm>>
        %dma_start3A_1835 = tpu.memref_squeeze %dma_start3A_1834 : memref<1x1x128x64xf32, #tpu.memory_space<hbm>> -> memref<128x64xf32, #tpu.memory_space<hbm>>
        %dma_start3A_1836 = arith.constant 0 : i32
        %dma_start3A_1837 = arith.constant 0 : i32
        %dma_start3A_1838 = tpu.memref_slice %arg9[%dma_start3A_1823, %dma_start3A_1836, %dma_start3A_1837] : memref<8x128x64xf32, #tpu.memory_space<vmem>> -> memref<1x128x64xf32, #tpu.memory_space<vmem>>
        %dma_start3A_1839 = tpu.memref_squeeze %dma_start3A_1838 : memref<1x128x64xf32, #tpu.memory_space<vmem>> -> memref<128x64xf32, #tpu.memory_space<vmem>>
        tpu.enqueue_dma source(%dma_start3A_1839 : memref<128x64xf32, #tpu.memory_space<vmem>>) target(%dma_start3A_1835 : memref<128x64xf32, #tpu.memory_space<hbm>>) target_semaphore(%arg25 : memref<!tpu.dma_semaphore, #tpu.memory_space<semaphore_mem>>)
      } else {
      }
      %mul3A_1013 = arith.constant 8 : i32
      %mul3A_1014 = arith.muli %scan3A_581, %mul3A_1013 : i32
      %add3A_1015 = arith.constant 3 : i32
      %add3A_1016 = arith.addi %mul3A_1014, %add3A_1015 : i32
      %ge3A_1017 = arith.constant 8 : i32
      %ge3A_1018 = arith.cmpi sge, %add3A_1016, %ge3A_1017 : i32
      %convert_element_type3A_1019 = arith.extui %ge3A_1018 : i1 to i32
      %cond3A_1020 = arith.constant 0 : i32
      %cond3A_1021 = arith.cmpi ne, %convert_element_type3A_1019, %cond3A_1020 : i32
      scf.if %cond3A_1021 {
        %sub3A_1738 = arith.constant 8 : i32
        %sub3A_1739 = arith.subi %add3A_1016, %sub3A_1738 : i32
        %dma_wait3A_1740 = arith.constant 3 : i32
        %dma_wait3A_1741 = arith.constant 0 : i32
        %dma_wait3A_1742 = arith.constant 0 : i32
        %dma_wait3A_1743 = tpu.memref_slice %arg9[%dma_wait3A_1740, %dma_wait3A_1741, %dma_wait3A_1742] : memref<8x128x64xf32, #tpu.memory_space<vmem>> -> memref<1x128x64xf32, #tpu.memory_space<vmem>>
        %dma_wait3A_1744 = tpu.memref_squeeze %dma_wait3A_1743 : memref<1x128x64xf32, #tpu.memory_space<vmem>> -> memref<128x64xf32, #tpu.memory_space<vmem>>
        %dma_wait3A_1745 = arith.constant 0 : i32
        %dma_wait3A_1746 = arith.constant 0 : i32
        %dma_wait3A_1747 = tpu.memref_slice %arg6[%add3A, %sub3A_1739, %dma_wait3A_1745, %dma_wait3A_1746] : memref<32x200x128x128xf32, #tpu.memory_space<hbm>> -> memref<1x1x128x64xf32, #tpu.memory_space<hbm>>
        %dma_wait3A_1748 = tpu.memref_squeeze %dma_wait3A_1747 : memref<1x1x128x64xf32, #tpu.memory_space<hbm>> -> memref<128x64xf32, #tpu.memory_space<hbm>>
        %dma_wait3A_1749 = arith.constant 0 : i32
        %dma_wait3A_1750 = arith.constant 0 : i32
        %dma_wait3A_1751 = tpu.memref_slice %arg6[%add3A, %sub3A_1739, %dma_wait3A_1749, %dma_wait3A_1750] : memref<32x200x128x128xf32, #tpu.memory_space<hbm>> -> memref<1x1x128x64xf32, #tpu.memory_space<hbm>>
        %dma_wait3A_1752 = tpu.memref_squeeze %dma_wait3A_1751 : memref<1x1x128x64xf32, #tpu.memory_space<hbm>> -> memref<128x64xf32, #tpu.memory_space<hbm>>
        %dma_wait3A_1753 = arith.constant 0 : i32
        %dma_wait3A_1754 = arith.constant 0 : i32
        %dma_wait3A_1755 = tpu.memref_slice %arg9[%dma_wait3A_1740, %dma_wait3A_1753, %dma_wait3A_1754] : memref<8x128x64xf32, #tpu.memory_space<vmem>> -> memref<1x128x64xf32, #tpu.memory_space<vmem>>
        %dma_wait3A_1756 = tpu.memref_squeeze %dma_wait3A_1755 : memref<1x128x64xf32, #tpu.memory_space<vmem>> -> memref<128x64xf32, #tpu.memory_space<vmem>>
        tpu.wait_dma2 semaphore(%arg22 : memref<!tpu.dma_semaphore, #tpu.memory_space<semaphore_mem>>) src(%dma_wait3A_1756 : memref<128x64xf32, #tpu.memory_space<vmem>>) dst(%dma_wait3A_1752 : memref<128x64xf32, #tpu.memory_space<hbm>>)
      } else {
      }
      %get3A_1022 = arith.index_cast %add3A_1016 : i32 to index
      %get3A_1023 = arith.constant 0 : index
      %get3A_1024 = tpu.vector_load %arg7[%get3A_1022, %get3A_1023] {strides = array<i32>} : memref<200x128xi32, #tpu.memory_space<vmem>>, vector<16xi32>,
      %sub3A_1025 = arith.constant 2 : i32
      %sub3A_1026 = vector.broadcast %sub3A_1025 : i32 to vector<16xi32>
      %sub3A_1027 = arith.subi %get3A_1024, %sub3A_1026 : vector<16xi32>
      %max3A_1028 = arith.constant 0 : i32
      %max3A_1029 = vector.broadcast %max3A_1028 : i32 to vector<16xi32>
      %max3A_1030 = arith.maxsi %sub3A_1027, %max3A_1029 : vector<16xi32>
      %mul3A_1031 = arith.constant 2 : i32
      %mul3A_1032 = vector.broadcast %mul3A_1031 : i32 to vector<16xi32>
      %mul3A_1033 = arith.muli %max3A_1030, %mul3A_1032 : vector<16xi32>
      %swap3A_1034 = arith.index_cast %add3A_1016 : i32 to index
      %swap3A_1035 = arith.constant 0 : index
      %swap3A_1036 = tpu.vector_load %arg8[%swap3A_1034, %swap3A_1035] {strides = array<i32>} : memref<200x128xi32, #tpu.memory_space<vmem>>, vector<16xi32>,
      tpu.vector_store %arg8[%swap3A_1034, %swap3A_1035], %mul3A_1033 {strides = array<i32>} : memref<200x128xi32, #tpu.memory_space<vmem>>, vector<16xi32>,
      %get3A_1037 = arith.index_cast %add3A_1016 : i32 to index
      %get3A_1038 = arith.constant 16 : index
      %get3A_1039 = tpu.vector_load %arg7[%get3A_1037, %get3A_1038] {strides = array<i32>} : memref<200x128xi32, #tpu.memory_space<vmem>>, vector<16xi32>,
      %sub3A_1040 = arith.constant 2 : i32
      %sub3A_1041 = vector.broadcast %sub3A_1040 : i32 to vector<16xi32>
      %sub3A_1042 = arith.subi %get3A_1039, %sub3A_1041 : vector<16xi32>
      %max3A_1043 = arith.constant 0 : i32
      %max3A_1044 = vector.broadcast %max3A_1043 : i32 to vector<16xi32>
      %max3A_1045 = arith.maxsi %sub3A_1042, %max3A_1044 : vector<16xi32>
      %mul3A_1046 = arith.constant 2 : i32
      %mul3A_1047 = vector.broadcast %mul3A_1046 : i32 to vector<16xi32>
      %mul3A_1048 = arith.muli %max3A_1045, %mul3A_1047 : vector<16xi32>
      %swap3A_1049 = arith.index_cast %add3A_1016 : i32 to index
      %swap3A_1050 = arith.constant 16 : index
      %swap3A_1051 = tpu.vector_load %arg8[%swap3A_1049, %swap3A_1050] {strides = array<i32>} : memref<200x128xi32, #tpu.memory_space<vmem>>, vector<16xi32>,
      tpu.vector_store %arg8[%swap3A_1049, %swap3A_1050], %mul3A_1048 {strides = array<i32>} : memref<200x128xi32, #tpu.memory_space<vmem>>, vector<16xi32>,
      %get3A_1052 = arith.index_cast %add3A_1016 : i32 to index
      %get3A_1053 = arith.constant 32 : index
      %get3A_1054 = tpu.vector_load %arg7[%get3A_1052, %get3A_1053] {strides = array<i32>} : memref<200x128xi32, #tpu.memory_space<vmem>>, vector<16xi32>,
      %sub3A_1055 = arith.constant 2 : i32
      %sub3A_1056 = vector.broadcast %sub3A_1055 : i32 to vector<16xi32>
      %sub3A_1057 = arith.subi %get3A_1054, %sub3A_1056 : vector<16xi32>
      %max3A_1058 = arith.constant 0 : i32
      %max3A_1059 = vector.broadcast %max3A_1058 : i32 to vector<16xi32>
      %max3A_1060 = arith.maxsi %sub3A_1057, %max3A_1059 : vector<16xi32>
      %mul3A_1061 = arith.constant 2 : i32
      %mul3A_1062 = vector.broadcast %mul3A_1061 : i32 to vector<16xi32>
      %mul3A_1063 = arith.muli %max3A_1060, %mul3A_1062 : vector<16xi32>
      %swap3A_1064 = arith.index_cast %add3A_1016 : i32 to index
      %swap3A_1065 = arith.constant 32 : index
      %swap3A_1066 = tpu.vector_load %arg8[%swap3A_1064, %swap3A_1065] {strides = array<i32>} : memref<200x128xi32, #tpu.memory_space<vmem>>, vector<16xi32>,
      tpu.vector_store %arg8[%swap3A_1064, %swap3A_1065], %mul3A_1063 {strides = array<i32>} : memref<200x128xi32, #tpu.memory_space<vmem>>, vector<16xi32>,
      %get3A_1067 = arith.index_cast %add3A_1016 : i32 to index
      %get3A_1068 = arith.constant 48 : index
      %get3A_1069 = tpu.vector_load %arg7[%get3A_1067, %get3A_1068] {strides = array<i32>} : memref<200x128xi32, #tpu.memory_space<vmem>>, vector<16xi32>,
      %sub3A_1070 = arith.constant 2 : i32
      %sub3A_1071 = vector.broadcast %sub3A_1070 : i32 to vector<16xi32>
      %sub3A_1072 = arith.subi %get3A_1069, %sub3A_1071 : vector<16xi32>
      %max3A_1073 = arith.constant 0 : i32
      %max3A_1074 = vector.broadcast %max3A_1073 : i32 to vector<16xi32>
      %max3A_1075 = arith.maxsi %sub3A_1072, %max3A_1074 : vector<16xi32>
      %mul3A_1076 = arith.constant 2 : i32
      %mul3A_1077 = vector.broadcast %mul3A_1076 : i32 to vector<16xi32>
      %mul3A_1078 = arith.muli %max3A_1075, %mul3A_1077 : vector<16xi32>
      %swap3A_1079 = arith.index_cast %add3A_1016 : i32 to index
      %swap3A_1080 = arith.constant 48 : index
      %swap3A_1081 = tpu.vector_load %arg8[%swap3A_1079, %swap3A_1080] {strides = array<i32>} : memref<200x128xi32, #tpu.memory_space<vmem>>, vector<16xi32>,
      tpu.vector_store %arg8[%swap3A_1079, %swap3A_1080], %mul3A_1078 {strides = array<i32>} : memref<200x128xi32, #tpu.memory_space<vmem>>, vector<16xi32>,
      %get3A_1082 = arith.index_cast %add3A_1016 : i32 to index
      %get3A_1083 = arith.constant 64 : index
      %get3A_1084 = tpu.vector_load %arg7[%get3A_1082, %get3A_1083] {strides = array<i32>} : memref<200x128xi32, #tpu.memory_space<vmem>>, vector<16xi32>,
      %sub3A_1085 = arith.constant 2 : i32
      %sub3A_1086 = vector.broadcast %sub3A_1085 : i32 to vector<16xi32>
      %sub3A_1087 = arith.subi %get3A_1084, %sub3A_1086 : vector<16xi32>
      %max3A_1088 = arith.constant 0 : i32
      %max3A_1089 = vector.broadcast %max3A_1088 : i32 to vector<16xi32>
      %max3A_1090 = arith.maxsi %sub3A_1087, %max3A_1089 : vector<16xi32>
      %mul3A_1091 = arith.constant 2 : i32
      %mul3A_1092 = vector.broadcast %mul3A_1091 : i32 to vector<16xi32>
      %mul3A_1093 = arith.muli %max3A_1090, %mul3A_1092 : vector<16xi32>
      %swap3A_1094 = arith.index_cast %add3A_1016 : i32 to index
      %swap3A_1095 = arith.constant 64 : index
      %swap3A_1096 = tpu.vector_load %arg8[%swap3A_1094, %swap3A_1095] {strides = array<i32>} : memref<200x128xi32, #tpu.memory_space<vmem>>, vector<16xi32>,
      tpu.vector_store %arg8[%swap3A_1094, %swap3A_1095], %mul3A_1093 {strides = array<i32>} : memref<200x128xi32, #tpu.memory_space<vmem>>, vector<16xi32>,
      %get3A_1097 = arith.index_cast %add3A_1016 : i32 to index
      %get3A_1098 = arith.constant 80 : index
      %get3A_1099 = tpu.vector_load %arg7[%get3A_1097, %get3A_1098] {strides = array<i32>} : memref<200x128xi32, #tpu.memory_space<vmem>>, vector<16xi32>,
      %sub3A_1100 = arith.constant 2 : i32
      %sub3A_1101 = vector.broadcast %sub3A_1100 : i32 to vector<16xi32>
      %sub3A_1102 = arith.subi %get3A_1099, %sub3A_1101 : vector<16xi32>
      %max3A_1103 = arith.constant 0 : i32
      %max3A_1104 = vector.broadcast %max3A_1103 : i32 to vector<16xi32>
      %max3A_1105 = arith.maxsi %sub3A_1102, %max3A_1104 : vector<16xi32>
      %mul3A_1106 = arith.constant 2 : i32
      %mul3A_1107 = vector.broadcast %mul3A_1106 : i32 to vector<16xi32>
      %mul3A_1108 = arith.muli %max3A_1105, %mul3A_1107 : vector<16xi32>
      %swap3A_1109 = arith.index_cast %add3A_1016 : i32 to index
      %swap3A_1110 = arith.constant 80 : index
      %swap3A_1111 = tpu.vector_load %arg8[%swap3A_1109, %swap3A_1110] {strides = array<i32>} : memref<200x128xi32, #tpu.memory_space<vmem>>, vector<16xi32>,
      tpu.vector_store %arg8[%swap3A_1109, %swap3A_1110], %mul3A_1108 {strides = array<i32>} : memref<200x128xi32, #tpu.memory_space<vmem>>, vector<16xi32>,
      %get3A_1112 = arith.index_cast %add3A_1016 : i32 to index
      %get3A_1113 = arith.constant 96 : index
      %get3A_1114 = tpu.vector_load %arg7[%get3A_1112, %get3A_1113] {strides = array<i32>} : memref<200x128xi32, #tpu.memory_space<vmem>>, vector<16xi32>,
      %sub3A_1115 = arith.constant 2 : i32
      %sub3A_1116 = vector.broadcast %sub3A_1115 : i32 to vector<16xi32>
      %sub3A_1117 = arith.subi %get3A_1114, %sub3A_1116 : vector<16xi32>
      %max3A_1118 = arith.constant 0 : i32
      %max3A_1119 = vector.broadcast %max3A_1118 : i32 to vector<16xi32>
      %max3A_1120 = arith.maxsi %sub3A_1117, %max3A_1119 : vector<16xi32>
      %mul3A_1121 = arith.constant 2 : i32
      %mul3A_1122 = vector.broadcast %mul3A_1121 : i32 to vector<16xi32>
      %mul3A_1123 = arith.muli %max3A_1120, %mul3A_1122 : vector<16xi32>
      %swap3A_1124 = arith.index_cast %add3A_1016 : i32 to index
      %swap3A_1125 = arith.constant 96 : index
      %swap3A_1126 = tpu.vector_load %arg8[%swap3A_1124, %swap3A_1125] {strides = array<i32>} : memref<200x128xi32, #tpu.memory_space<vmem>>, vector<16xi32>,
      tpu.vector_store %arg8[%swap3A_1124, %swap3A_1125], %mul3A_1123 {strides = array<i32>} : memref<200x128xi32, #tpu.memory_space<vmem>>, vector<16xi32>,
      %get3A_1127 = arith.index_cast %add3A_1016 : i32 to index
      %get3A_1128 = arith.constant 112 : index
      %get3A_1129 = tpu.vector_load %arg7[%get3A_1127, %get3A_1128] {strides = array<i32>} : memref<200x128xi32, #tpu.memory_space<vmem>>, vector<16xi32>,
      %sub3A_1130 = arith.constant 2 : i32
      %sub3A_1131 = vector.broadcast %sub3A_1130 : i32 to vector<16xi32>
      %sub3A_1132 = arith.subi %get3A_1129, %sub3A_1131 : vector<16xi32>
      %max3A_1133 = arith.constant 0 : i32
      %max3A_1134 = vector.broadcast %max3A_1133 : i32 to vector<16xi32>
      %max3A_1135 = arith.maxsi %sub3A_1132, %max3A_1134 : vector<16xi32>
      %mul3A_1136 = arith.constant 2 : i32
      %mul3A_1137 = vector.broadcast %mul3A_1136 : i32 to vector<16xi32>
      %mul3A_1138 = arith.muli %max3A_1135, %mul3A_1137 : vector<16xi32>
      %swap3A_1139 = arith.index_cast %add3A_1016 : i32 to index
      %swap3A_1140 = arith.constant 112 : index
      %swap3A_1141 = tpu.vector_load %arg8[%swap3A_1139, %swap3A_1140] {strides = array<i32>} : memref<200x128xi32, #tpu.memory_space<vmem>>, vector<16xi32>,
      tpu.vector_store %arg8[%swap3A_1139, %swap3A_1140], %mul3A_1138 {strides = array<i32>} : memref<200x128xi32, #tpu.memory_space<vmem>>, vector<16xi32>,
      %dma_start3A_1142 = arith.constant 3 : i32
      %dma_start3A_1143 = arith.constant 0 : i32
      %dma_start3A_1144 = arith.constant 0 : i32
      %dma_start3A_1145 = tpu.memref_slice %arg9[%dma_start3A_1142, %dma_start3A_1143, %dma_start3A_1144] : memref<8x128x64xf32, #tpu.memory_space<vmem>> -> memref<1x128x64xf32, #tpu.memory_space<vmem>>
      %dma_start3A_1146 = tpu.memref_squeeze %dma_start3A_1145 : memref<1x128x64xf32, #tpu.memory_space<vmem>> -> memref<128x64xf32, #tpu.memory_space<vmem>>
      %dma_start3A_1147 = arith.constant 0 : i32
      %dma_start3A_1148 = tpu.memref_slice %arg8[%add3A_1016, %dma_start3A_1147] : memref<200x128xi32, #tpu.memory_space<vmem>> -> memref<1x128xi32, #tpu.memory_space<vmem>>
      %dma_start3A_1149 = tpu.memref_squeeze %dma_start3A_1148 : memref<1x128xi32, #tpu.memory_space<vmem>> -> memref<128xi32, #tpu.memory_space<vmem>>
      %dma_start3A_1150 = arith.constant 0 : i32
      %dma_start3A_1151 = arith.constant 0 : i32
      %dma_start3A_1152 = tpu.memref_slice %arg5[%dma_start3A_1150, %dma_start3A_1151] : memref<2000000x64xf32, #tpu.memory_space<hbm>> -> memref<2000000x64xf32, #tpu.memory_space<hbm>>
      tpu.enqueue_indirect_dma source(%dma_start3A_1152 : memref<2000000x64xf32, #tpu.memory_space<hbm>>) target(%dma_start3A_1146 : memref<128x64xf32, #tpu.memory_space<vmem>>) offsets(%dma_start3A_1149 : memref<128xi32, #tpu.memory_space<vmem>>) semaphore(%arg14 : memref<!tpu.dma_semaphore, #tpu.memory_space<semaphore_mem>>)
      %ge3A_1153 = arith.constant 4 : i32
      %ge3A_1154 = arith.cmpi sge, %add3A_1016, %ge3A_1153 : i32
      %convert_element_type3A_1155 = arith.extui %ge3A_1154 : i1 to i32
      %cond3A_1156 = arith.constant 0 : i32
      %cond3A_1157 = arith.cmpi ne, %convert_element_type3A_1155, %cond3A_1156 : i32
      scf.if %cond3A_1157 {
        %sub3A_1738 = arith.constant 4 : i32
        %sub3A_1739 = arith.subi %add3A_1016, %sub3A_1738 : i32
        %dma_wait3A_1740 = arith.constant 7 : i32
        %dma_wait3A_1741 = arith.constant 0 : i32
        %dma_wait3A_1742 = arith.constant 0 : i32
        %dma_wait3A_1743 = tpu.memref_slice %arg9[%dma_wait3A_1740, %dma_wait3A_1741, %dma_wait3A_1742] : memref<8x128x64xf32, #tpu.memory_space<vmem>> -> memref<1x128x64xf32, #tpu.memory_space<vmem>>
        %dma_wait3A_1744 = tpu.memref_squeeze %dma_wait3A_1743 : memref<1x128x64xf32, #tpu.memory_space<vmem>> -> memref<128x64xf32, #tpu.memory_space<vmem>>
        %dma_wait3A_1745 = arith.constant 0 : i32
        %dma_wait3A_1746 = tpu.memref_slice %arg8[%sub3A_1739, %dma_wait3A_1745] : memref<200x128xi32, #tpu.memory_space<vmem>> -> memref<1x128xi32, #tpu.memory_space<vmem>>
        %dma_wait3A_1747 = tpu.memref_squeeze %dma_wait3A_1746 : memref<1x128xi32, #tpu.memory_space<vmem>> -> memref<128xi32, #tpu.memory_space<vmem>>
        %dma_wait3A_1748 = arith.constant 0 : i32
        %dma_wait3A_1749 = arith.constant 0 : i32
        %dma_wait3A_1750 = tpu.memref_slice %arg5[%dma_wait3A_1748, %dma_wait3A_1749] : memref<2000000x64xf32, #tpu.memory_space<hbm>> -> memref<2000000x64xf32, #tpu.memory_space<hbm>>
        tpu.wait_indirect_dma semaphore(%arg18 : memref<!tpu.dma_semaphore, #tpu.memory_space<semaphore_mem>>) src(%dma_wait3A_1750 : memref<2000000x64xf32, #tpu.memory_space<hbm>>) dst(%dma_wait3A_1744 : memref<128x64xf32, #tpu.memory_space<vmem>>)
        %broadcast_in_dim3A_1751 = arith.constant false
        %broadcast_in_dim3A_1752 = vector.broadcast %broadcast_in_dim3A_1751 : i1 to vector<16xi1>
        %get3A_1753 = arith.index_cast %sub3A_1739 : i32 to index
        %get3A_1754 = arith.constant 0 : index
        %get3A_1755 = tpu.vector_load %arg7[%get3A_1753, %get3A_1754] {strides = array<i32>} : memref<200x128xi32, #tpu.memory_space<vmem>>, vector<16xi32>,
        %lt3A_1756 = arith.constant 2 : i32
        %lt3A_1757 = vector.broadcast %lt3A_1756 : i32 to vector<16xi32>
        %lt3A_1758 = arith.cmpi slt, %get3A_1755, %lt3A_1757 : vector<16xi32>
        %or3A_1759 = arith.ori %broadcast_in_dim3A_1752, %lt3A_1758 : vector<16xi1>
        %get3A_1760 = arith.index_cast %sub3A_1739 : i32 to index
        %get3A_1761 = arith.constant 16 : index
        %get3A_1762 = tpu.vector_load %arg7[%get3A_1760, %get3A_1761] {strides = array<i32>} : memref<200x128xi32, #tpu.memory_space<vmem>>, vector<16xi32>,
        %lt3A_1763 = arith.constant 2 : i32
        %lt3A_1764 = vector.broadcast %lt3A_1763 : i32 to vector<16xi32>
        %lt3A_1765 = arith.cmpi slt, %get3A_1762, %lt3A_1764 : vector<16xi32>
        %or3A_1766 = arith.ori %or3A_1759, %lt3A_1765 : vector<16xi1>
        %get3A_1767 = arith.index_cast %sub3A_1739 : i32 to index
        %get3A_1768 = arith.constant 32 : index
        %get3A_1769 = tpu.vector_load %arg7[%get3A_1767, %get3A_1768] {strides = array<i32>} : memref<200x128xi32, #tpu.memory_space<vmem>>, vector<16xi32>,
        %lt3A_1770 = arith.constant 2 : i32
        %lt3A_1771 = vector.broadcast %lt3A_1770 : i32 to vector<16xi32>
        %lt3A_1772 = arith.cmpi slt, %get3A_1769, %lt3A_1771 : vector<16xi32>
        %or3A_1773 = arith.ori %or3A_1766, %lt3A_1772 : vector<16xi1>
        %get3A_1774 = arith.index_cast %sub3A_1739 : i32 to index
        %get3A_1775 = arith.constant 48 : index
        %get3A_1776 = tpu.vector_load %arg7[%get3A_1774, %get3A_1775] {strides = array<i32>} : memref<200x128xi32, #tpu.memory_space<vmem>>, vector<16xi32>,
        %lt3A_1777 = arith.constant 2 : i32
        %lt3A_1778 = vector.broadcast %lt3A_1777 : i32 to vector<16xi32>
        %lt3A_1779 = arith.cmpi slt, %get3A_1776, %lt3A_1778 : vector<16xi32>
        %or3A_1780 = arith.ori %or3A_1773, %lt3A_1779 : vector<16xi1>
        %get3A_1781 = arith.index_cast %sub3A_1739 : i32 to index
        %get3A_1782 = arith.constant 64 : index
        %get3A_1783 = tpu.vector_load %arg7[%get3A_1781, %get3A_1782] {strides = array<i32>} : memref<200x128xi32, #tpu.memory_space<vmem>>, vector<16xi32>,
        %lt3A_1784 = arith.constant 2 : i32
        %lt3A_1785 = vector.broadcast %lt3A_1784 : i32 to vector<16xi32>
        %lt3A_1786 = arith.cmpi slt, %get3A_1783, %lt3A_1785 : vector<16xi32>
        %or3A_1787 = arith.ori %or3A_1780, %lt3A_1786 : vector<16xi1>
        %get3A_1788 = arith.index_cast %sub3A_1739 : i32 to index
        %get3A_1789 = arith.constant 80 : index
        %get3A_1790 = tpu.vector_load %arg7[%get3A_1788, %get3A_1789] {strides = array<i32>} : memref<200x128xi32, #tpu.memory_space<vmem>>, vector<16xi32>,
        %lt3A_1791 = arith.constant 2 : i32
        %lt3A_1792 = vector.broadcast %lt3A_1791 : i32 to vector<16xi32>
        %lt3A_1793 = arith.cmpi slt, %get3A_1790, %lt3A_1792 : vector<16xi32>
        %or3A_1794 = arith.ori %or3A_1787, %lt3A_1793 : vector<16xi1>
        %get3A_1795 = arith.index_cast %sub3A_1739 : i32 to index
        %get3A_1796 = arith.constant 96 : index
        %get3A_1797 = tpu.vector_load %arg7[%get3A_1795, %get3A_1796] {strides = array<i32>} : memref<200x128xi32, #tpu.memory_space<vmem>>, vector<16xi32>,
        %lt3A_1798 = arith.constant 2 : i32
        %lt3A_1799 = vector.broadcast %lt3A_1798 : i32 to vector<16xi32>
        %lt3A_1800 = arith.cmpi slt, %get3A_1797, %lt3A_1799 : vector<16xi32>
        %or3A_1801 = arith.ori %or3A_1794, %lt3A_1800 : vector<16xi1>
        %get3A_1802 = arith.index_cast %sub3A_1739 : i32 to index
        %get3A_1803 = arith.constant 112 : index
        %get3A_1804 = tpu.vector_load %arg7[%get3A_1802, %get3A_1803] {strides = array<i32>} : memref<200x128xi32, #tpu.memory_space<vmem>>, vector<16xi32>,
        %lt3A_1805 = arith.constant 2 : i32
        %lt3A_1806 = vector.broadcast %lt3A_1805 : i32 to vector<16xi32>
        %lt3A_1807 = arith.cmpi slt, %get3A_1804, %lt3A_1806 : vector<16xi32>
        %or3A_1808 = arith.ori %or3A_1801, %lt3A_1807 : vector<16xi1>
        %reduce_or3A_1809 = arith.constant 1.000000e+00 : f32
        %reduce_or3A_1810 = arith.constant 0.000000e+00 : f32
        %reduce_or3A_1811 = vector.broadcast %reduce_or3A_1809 : f32 to vector<16xf32>
        %reduce_or3A_1812 = vector.broadcast %reduce_or3A_1810 : f32 to vector<16xf32>
        %reduce_or3A_1813 = arith.select %or3A_1808, %reduce_or3A_1811, %reduce_or3A_1812 : vector<16xi1>, vector<16xf32>
        %reduce_or3A_1814 = arith.constant true
        %reduce_or3A_1815 = vector.broadcast %reduce_or3A_1814 : i1 to vector<16xi1>
        %reduce_or3A_1816 = tpu.scan <max>, %reduce_or3A_1813 masked %reduce_or3A_1815 : vector<16xf32>, vector<16xi1> -> vector<16xf32>
        %reduce_or3A_1817 = vector.extract %reduce_or3A_1816[15] : f32 from vector<16xf32>
        %reduce_or3A_1818 = arith.constant 0.000000e+00 : f32
        %reduce_or3A_1819 = arith.cmpf ogt, %reduce_or3A_1817, %reduce_or3A_1818 : f32
        %convert_element_type3A_1820 = arith.extui %reduce_or3A_1819 : i1 to i32
        %cond3A_1821 = arith.constant 0 : i32
        %cond3A_1822 = arith.cmpi ne, %convert_element_type3A_1820, %cond3A_1821 : i32
        scf.if %cond3A_1822 {
          %scan3A_1840 = arith.constant 0 : i32
          %scan3A_1841 = arith.constant 0 : i32
          %scan3A_1842 = arith.constant 8 : i32
          %scan3A_1843 = arith.addi %scan3A_1841, %scan3A_1842 : i32
          %scan3A_1844 = arith.constant 1 : i32
          scf.for %scan3A_1846 = %scan3A_1841 to %scan3A_1843 step %scan3A_1844  : i32 {
            %mul3A_1847 = arith.constant 16 : i32
            %mul3A_1848 = arith.muli %scan3A_1846, %mul3A_1847 : i32
            %get3A_1849 = arith.index_cast %sub3A_1739 : i32 to index
            %get3A_1850 = arith.index_cast %mul3A_1848 : i32 to index
            %get3A_1851 = tpu.vector_load %arg7[%get3A_1849, %get3A_1850] {strides = array<i32>} : memref<200x128xi32, #tpu.memory_space<vmem>>, vector<16xi32>,
            %lt3A_1852 = arith.constant 2 : i32
            %lt3A_1853 = vector.broadcast %lt3A_1852 : i32 to vector<16xi32>
            %lt3A_1854 = arith.cmpi slt, %get3A_1851, %lt3A_1853 : vector<16xi32>
            %reduce_or3A_1855 = arith.constant 1.000000e+00 : f32
            %reduce_or3A_1856 = arith.constant 0.000000e+00 : f32
            %reduce_or3A_1857 = vector.broadcast %reduce_or3A_1855 : f32 to vector<16xf32>
            %reduce_or3A_1858 = vector.broadcast %reduce_or3A_1856 : f32 to vector<16xf32>
            %reduce_or3A_1859 = arith.select %lt3A_1854, %reduce_or3A_1857, %reduce_or3A_1858 : vector<16xi1>, vector<16xf32>
            %reduce_or3A_1860 = arith.constant true
            %reduce_or3A_1861 = vector.broadcast %reduce_or3A_1860 : i1 to vector<16xi1>
            %reduce_or3A_1862 = tpu.scan <max>, %reduce_or3A_1859 masked %reduce_or3A_1861 : vector<16xf32>, vector<16xi1> -> vector<16xf32>
            %reduce_or3A_1863 = vector.extract %reduce_or3A_1862[15] : f32 from vector<16xf32>
            %reduce_or3A_1864 = arith.constant 0.000000e+00 : f32
            %reduce_or3A_1865 = arith.cmpf ogt, %reduce_or3A_1863, %reduce_or3A_1864 : f32
            %convert_element_type3A_1866 = arith.extui %reduce_or3A_1865 : i1 to i32
            %cond3A_1867 = arith.constant 0 : i32
            %cond3A_1868 = arith.cmpi ne, %convert_element_type3A_1866, %cond3A_1867 : i32
            scf.if %cond3A_1868 {
              %lt3A_1869 = arith.constant 2 : i32
              %lt3A_1870 = vector.broadcast %lt3A_1869 : i32 to vector<16xi32>
              %lt3A_1871 = arith.cmpi slt, %get3A_1851, %lt3A_1870 : vector<16xi32>
              %min3A = arith.constant 1 : i32
              %min3A_1872 = vector.broadcast %min3A : i32 to vector<16xi32>
              %min3A_1873 = arith.minsi %get3A_1851, %min3A_1872 : vector<16xi32>
              %mul3A_1874 = arith.constant 16 : i32
              %mul3A_1875 = arith.muli %scan3A_1846, %mul3A_1874 : i32
              %add3A_1876 = vector.broadcast %mul3A_1875 : i32 to vector<16xi32>
              %add3A_1877 = arith.addi %iota3A, %add3A_1876 : vector<16xi32>
              %scan3A_1878 = arith.constant 0 : i32
              %scan3A_1879 = arith.constant 0 : i32
              %scan3A_1880 = arith.constant 64 : i32
              %scan3A_1881 = arith.addi %scan3A_1879, %scan3A_1880 : i32
              %scan3A_1882 = arith.constant 1 : i32
              scf.for %scan3A_1884 = %scan3A_1879 to %scan3A_1881 step %scan3A_1882  : i32 {
                %broadcast_in_dim3A_1885 = arith.constant 0 : i32
                %broadcast_in_dim3A_1886 = vector.broadcast %broadcast_in_dim3A_1885 : i32 to vector<16xi32>
                %add3A_1887 = vector.broadcast %scan3A_1884 : i32 to vector<16xi32>
                %add3A_1888 = arith.addi %broadcast_in_dim3A_1886, %add3A_1887 : vector<16xi32>
                %gather3A = tpu.vector_load_idx %arg10[%min3A_1873, %add3A_1888] : memref<2x64xf32, #tpu.memory_space<vmem>>[vector<16xi32>, vector<16xi32>], vector<16xf32>,
                %scatter3A = arith.constant 7 : i32
                %scatter3A_1889 = arith.constant 0 : i32
                %scatter3A_1890 = arith.constant 0 : i32
                %scatter3A_1891 = tpu.memref_slice %arg9[%scatter3A, %scatter3A_1889, %scatter3A_1890] : memref<8x128x64xf32, #tpu.memory_space<vmem>> -> memref<1x128x64xf32, #tpu.memory_space<vmem>>
                %scatter3A_1892 = tpu.memref_squeeze %scatter3A_1891 : memref<1x128x64xf32, #tpu.memory_space<vmem>> -> memref<128x64xf32, #tpu.memory_space<vmem>>
                tpu.vector_store_idx %scatter3A_1892[%add3A_1877, %add3A_1888], %gather3A masked %lt3A_1871 : memref<128x64xf32, #tpu.memory_space<vmem>>[vector<16xi32>, vector<16xi32>], vector<16xf32>, vector<16xi1>
              }
              %scan3A_1883 = arith.constant 64 : i32
            } else {
            }
          }
          %scan3A_1845 = arith.constant 8 : i32
        } else {
        }
        %dma_start3A_1823 = arith.constant 7 : i32
        %dma_start3A_1824 = arith.constant 0 : i32
        %dma_start3A_1825 = arith.constant 0 : i32
        %dma_start3A_1826 = tpu.memref_slice %arg9[%dma_start3A_1823, %dma_start3A_1824, %dma_start3A_1825] : memref<8x128x64xf32, #tpu.memory_space<vmem>> -> memref<1x128x64xf32, #tpu.memory_space<vmem>>
        %dma_start3A_1827 = tpu.memref_squeeze %dma_start3A_1826 : memref<1x128x64xf32, #tpu.memory_space<vmem>> -> memref<128x64xf32, #tpu.memory_space<vmem>>
        %dma_start3A_1828 = arith.constant 0 : i32
        %dma_start3A_1829 = arith.constant 0 : i32
        %dma_start3A_1830 = tpu.memref_slice %arg6[%add3A, %sub3A_1739, %dma_start3A_1828, %dma_start3A_1829] : memref<32x200x128x128xf32, #tpu.memory_space<hbm>> -> memref<1x1x128x64xf32, #tpu.memory_space<hbm>>
        %dma_start3A_1831 = tpu.memref_squeeze %dma_start3A_1830 : memref<1x1x128x64xf32, #tpu.memory_space<hbm>> -> memref<128x64xf32, #tpu.memory_space<hbm>>
        %dma_start3A_1832 = arith.constant 0 : i32
        %dma_start3A_1833 = arith.constant 0 : i32
        %dma_start3A_1834 = tpu.memref_slice %arg6[%add3A, %sub3A_1739, %dma_start3A_1832, %dma_start3A_1833] : memref<32x200x128x128xf32, #tpu.memory_space<hbm>> -> memref<1x1x128x64xf32, #tpu.memory_space<hbm>>
        %dma_start3A_1835 = tpu.memref_squeeze %dma_start3A_1834 : memref<1x1x128x64xf32, #tpu.memory_space<hbm>> -> memref<128x64xf32, #tpu.memory_space<hbm>>
        %dma_start3A_1836 = arith.constant 0 : i32
        %dma_start3A_1837 = arith.constant 0 : i32
        %dma_start3A_1838 = tpu.memref_slice %arg9[%dma_start3A_1823, %dma_start3A_1836, %dma_start3A_1837] : memref<8x128x64xf32, #tpu.memory_space<vmem>> -> memref<1x128x64xf32, #tpu.memory_space<vmem>>
        %dma_start3A_1839 = tpu.memref_squeeze %dma_start3A_1838 : memref<1x128x64xf32, #tpu.memory_space<vmem>> -> memref<128x64xf32, #tpu.memory_space<vmem>>
        tpu.enqueue_dma source(%dma_start3A_1839 : memref<128x64xf32, #tpu.memory_space<vmem>>) target(%dma_start3A_1835 : memref<128x64xf32, #tpu.memory_space<hbm>>) target_semaphore(%arg26 : memref<!tpu.dma_semaphore, #tpu.memory_space<semaphore_mem>>)
      } else {
      }
      %mul3A_1158 = arith.constant 8 : i32
      %mul3A_1159 = arith.muli %scan3A_581, %mul3A_1158 : i32
      %add3A_1160 = arith.constant 4 : i32
      %add3A_1161 = arith.addi %mul3A_1159, %add3A_1160 : i32
      %ge3A_1162 = arith.constant 8 : i32
      %ge3A_1163 = arith.cmpi sge, %add3A_1161, %ge3A_1162 : i32
      %convert_element_type3A_1164 = arith.extui %ge3A_1163 : i1 to i32
      %cond3A_1165 = arith.constant 0 : i32
      %cond3A_1166 = arith.cmpi ne, %convert_element_type3A_1164, %cond3A_1165 : i32
      scf.if %cond3A_1166 {
        %sub3A_1738 = arith.constant 8 : i32
        %sub3A_1739 = arith.subi %add3A_1161, %sub3A_1738 : i32
        %dma_wait3A_1740 = arith.constant 4 : i32
        %dma_wait3A_1741 = arith.constant 0 : i32
        %dma_wait3A_1742 = arith.constant 0 : i32
        %dma_wait3A_1743 = tpu.memref_slice %arg9[%dma_wait3A_1740, %dma_wait3A_1741, %dma_wait3A_1742] : memref<8x128x64xf32, #tpu.memory_space<vmem>> -> memref<1x128x64xf32, #tpu.memory_space<vmem>>
        %dma_wait3A_1744 = tpu.memref_squeeze %dma_wait3A_1743 : memref<1x128x64xf32, #tpu.memory_space<vmem>> -> memref<128x64xf32, #tpu.memory_space<vmem>>
        %dma_wait3A_1745 = arith.constant 0 : i32
        %dma_wait3A_1746 = arith.constant 0 : i32
        %dma_wait3A_1747 = tpu.memref_slice %arg6[%add3A, %sub3A_1739, %dma_wait3A_1745, %dma_wait3A_1746] : memref<32x200x128x128xf32, #tpu.memory_space<hbm>> -> memref<1x1x128x64xf32, #tpu.memory_space<hbm>>
        %dma_wait3A_1748 = tpu.memref_squeeze %dma_wait3A_1747 : memref<1x1x128x64xf32, #tpu.memory_space<hbm>> -> memref<128x64xf32, #tpu.memory_space<hbm>>
        %dma_wait3A_1749 = arith.constant 0 : i32
        %dma_wait3A_1750 = arith.constant 0 : i32
        %dma_wait3A_1751 = tpu.memref_slice %arg6[%add3A, %sub3A_1739, %dma_wait3A_1749, %dma_wait3A_1750] : memref<32x200x128x128xf32, #tpu.memory_space<hbm>> -> memref<1x1x128x64xf32, #tpu.memory_space<hbm>>
        %dma_wait3A_1752 = tpu.memref_squeeze %dma_wait3A_1751 : memref<1x1x128x64xf32, #tpu.memory_space<hbm>> -> memref<128x64xf32, #tpu.memory_space<hbm>>
        %dma_wait3A_1753 = arith.constant 0 : i32
        %dma_wait3A_1754 = arith.constant 0 : i32
        %dma_wait3A_1755 = tpu.memref_slice %arg9[%dma_wait3A_1740, %dma_wait3A_1753, %dma_wait3A_1754] : memref<8x128x64xf32, #tpu.memory_space<vmem>> -> memref<1x128x64xf32, #tpu.memory_space<vmem>>
        %dma_wait3A_1756 = tpu.memref_squeeze %dma_wait3A_1755 : memref<1x128x64xf32, #tpu.memory_space<vmem>> -> memref<128x64xf32, #tpu.memory_space<vmem>>
        tpu.wait_dma2 semaphore(%arg23 : memref<!tpu.dma_semaphore, #tpu.memory_space<semaphore_mem>>) src(%dma_wait3A_1756 : memref<128x64xf32, #tpu.memory_space<vmem>>) dst(%dma_wait3A_1752 : memref<128x64xf32, #tpu.memory_space<hbm>>)
      } else {
      }
      %get3A_1167 = arith.index_cast %add3A_1161 : i32 to index
      %get3A_1168 = arith.constant 0 : index
      %get3A_1169 = tpu.vector_load %arg7[%get3A_1167, %get3A_1168] {strides = array<i32>} : memref<200x128xi32, #tpu.memory_space<vmem>>, vector<16xi32>,
      %sub3A_1170 = arith.constant 2 : i32
      %sub3A_1171 = vector.broadcast %sub3A_1170 : i32 to vector<16xi32>
      %sub3A_1172 = arith.subi %get3A_1169, %sub3A_1171 : vector<16xi32>
      %max3A_1173 = arith.constant 0 : i32
      %max3A_1174 = vector.broadcast %max3A_1173 : i32 to vector<16xi32>
      %max3A_1175 = arith.maxsi %sub3A_1172, %max3A_1174 : vector<16xi32>
      %mul3A_1176 = arith.constant 2 : i32
      %mul3A_1177 = vector.broadcast %mul3A_1176 : i32 to vector<16xi32>
      %mul3A_1178 = arith.muli %max3A_1175, %mul3A_1177 : vector<16xi32>
      %swap3A_1179 = arith.index_cast %add3A_1161 : i32 to index
      %swap3A_1180 = arith.constant 0 : index
      %swap3A_1181 = tpu.vector_load %arg8[%swap3A_1179, %swap3A_1180] {strides = array<i32>} : memref<200x128xi32, #tpu.memory_space<vmem>>, vector<16xi32>,
      tpu.vector_store %arg8[%swap3A_1179, %swap3A_1180], %mul3A_1178 {strides = array<i32>} : memref<200x128xi32, #tpu.memory_space<vmem>>, vector<16xi32>,
      %get3A_1182 = arith.index_cast %add3A_1161 : i32 to index
      %get3A_1183 = arith.constant 16 : index
      %get3A_1184 = tpu.vector_load %arg7[%get3A_1182, %get3A_1183] {strides = array<i32>} : memref<200x128xi32, #tpu.memory_space<vmem>>, vector<16xi32>,
      %sub3A_1185 = arith.constant 2 : i32
      %sub3A_1186 = vector.broadcast %sub3A_1185 : i32 to vector<16xi32>
      %sub3A_1187 = arith.subi %get3A_1184, %sub3A_1186 : vector<16xi32>
      %max3A_1188 = arith.constant 0 : i32
      %max3A_1189 = vector.broadcast %max3A_1188 : i32 to vector<16xi32>
      %max3A_1190 = arith.maxsi %sub3A_1187, %max3A_1189 : vector<16xi32>
      %mul3A_1191 = arith.constant 2 : i32
      %mul3A_1192 = vector.broadcast %mul3A_1191 : i32 to vector<16xi32>
      %mul3A_1193 = arith.muli %max3A_1190, %mul3A_1192 : vector<16xi32>
      %swap3A_1194 = arith.index_cast %add3A_1161 : i32 to index
      %swap3A_1195 = arith.constant 16 : index
      %swap3A_1196 = tpu.vector_load %arg8[%swap3A_1194, %swap3A_1195] {strides = array<i32>} : memref<200x128xi32, #tpu.memory_space<vmem>>, vector<16xi32>,
      tpu.vector_store %arg8[%swap3A_1194, %swap3A_1195], %mul3A_1193 {strides = array<i32>} : memref<200x128xi32, #tpu.memory_space<vmem>>, vector<16xi32>,
      %get3A_1197 = arith.index_cast %add3A_1161 : i32 to index
      %get3A_1198 = arith.constant 32 : index
      %get3A_1199 = tpu.vector_load %arg7[%get3A_1197, %get3A_1198] {strides = array<i32>} : memref<200x128xi32, #tpu.memory_space<vmem>>, vector<16xi32>,
      %sub3A_1200 = arith.constant 2 : i32
      %sub3A_1201 = vector.broadcast %sub3A_1200 : i32 to vector<16xi32>
      %sub3A_1202 = arith.subi %get3A_1199, %sub3A_1201 : vector<16xi32>
      %max3A_1203 = arith.constant 0 : i32
      %max3A_1204 = vector.broadcast %max3A_1203 : i32 to vector<16xi32>
      %max3A_1205 = arith.maxsi %sub3A_1202, %max3A_1204 : vector<16xi32>
      %mul3A_1206 = arith.constant 2 : i32
      %mul3A_1207 = vector.broadcast %mul3A_1206 : i32 to vector<16xi32>
      %mul3A_1208 = arith.muli %max3A_1205, %mul3A_1207 : vector<16xi32>
      %swap3A_1209 = arith.index_cast %add3A_1161 : i32 to index
      %swap3A_1210 = arith.constant 32 : index
      %swap3A_1211 = tpu.vector_load %arg8[%swap3A_1209, %swap3A_1210] {strides = array<i32>} : memref<200x128xi32, #tpu.memory_space<vmem>>, vector<16xi32>,
      tpu.vector_store %arg8[%swap3A_1209, %swap3A_1210], %mul3A_1208 {strides = array<i32>} : memref<200x128xi32, #tpu.memory_space<vmem>>, vector<16xi32>,
      %get3A_1212 = arith.index_cast %add3A_1161 : i32 to index
      %get3A_1213 = arith.constant 48 : index
      %get3A_1214 = tpu.vector_load %arg7[%get3A_1212, %get3A_1213] {strides = array<i32>} : memref<200x128xi32, #tpu.memory_space<vmem>>, vector<16xi32>,
      %sub3A_1215 = arith.constant 2 : i32
      %sub3A_1216 = vector.broadcast %sub3A_1215 : i32 to vector<16xi32>
      %sub3A_1217 = arith.subi %get3A_1214, %sub3A_1216 : vector<16xi32>
      %max3A_1218 = arith.constant 0 : i32
      %max3A_1219 = vector.broadcast %max3A_1218 : i32 to vector<16xi32>
      %max3A_1220 = arith.maxsi %sub3A_1217, %max3A_1219 : vector<16xi32>
      %mul3A_1221 = arith.constant 2 : i32
      %mul3A_1222 = vector.broadcast %mul3A_1221 : i32 to vector<16xi32>
      %mul3A_1223 = arith.muli %max3A_1220, %mul3A_1222 : vector<16xi32>
      %swap3A_1224 = arith.index_cast %add3A_1161 : i32 to index
      %swap3A_1225 = arith.constant 48 : index
      %swap3A_1226 = tpu.vector_load %arg8[%swap3A_1224, %swap3A_1225] {strides = array<i32>} : memref<200x128xi32, #tpu.memory_space<vmem>>, vector<16xi32>,
      tpu.vector_store %arg8[%swap3A_1224, %swap3A_1225], %mul3A_1223 {strides = array<i32>} : memref<200x128xi32, #tpu.memory_space<vmem>>, vector<16xi32>,
      %get3A_1227 = arith.index_cast %add3A_1161 : i32 to index
      %get3A_1228 = arith.constant 64 : index
      %get3A_1229 = tpu.vector_load %arg7[%get3A_1227, %get3A_1228] {strides = array<i32>} : memref<200x128xi32, #tpu.memory_space<vmem>>, vector<16xi32>,
      %sub3A_1230 = arith.constant 2 : i32
      %sub3A_1231 = vector.broadcast %sub3A_1230 : i32 to vector<16xi32>
      %sub3A_1232 = arith.subi %get3A_1229, %sub3A_1231 : vector<16xi32>
      %max3A_1233 = arith.constant 0 : i32
      %max3A_1234 = vector.broadcast %max3A_1233 : i32 to vector<16xi32>
      %max3A_1235 = arith.maxsi %sub3A_1232, %max3A_1234 : vector<16xi32>
      %mul3A_1236 = arith.constant 2 : i32
      %mul3A_1237 = vector.broadcast %mul3A_1236 : i32 to vector<16xi32>
      %mul3A_1238 = arith.muli %max3A_1235, %mul3A_1237 : vector<16xi32>
      %swap3A_1239 = arith.index_cast %add3A_1161 : i32 to index
      %swap3A_1240 = arith.constant 64 : index
      %swap3A_1241 = tpu.vector_load %arg8[%swap3A_1239, %swap3A_1240] {strides = array<i32>} : memref<200x128xi32, #tpu.memory_space<vmem>>, vector<16xi32>,
      tpu.vector_store %arg8[%swap3A_1239, %swap3A_1240], %mul3A_1238 {strides = array<i32>} : memref<200x128xi32, #tpu.memory_space<vmem>>, vector<16xi32>,
      %get3A_1242 = arith.index_cast %add3A_1161 : i32 to index
      %get3A_1243 = arith.constant 80 : index
      %get3A_1244 = tpu.vector_load %arg7[%get3A_1242, %get3A_1243] {strides = array<i32>} : memref<200x128xi32, #tpu.memory_space<vmem>>, vector<16xi32>,
      %sub3A_1245 = arith.constant 2 : i32
      %sub3A_1246 = vector.broadcast %sub3A_1245 : i32 to vector<16xi32>
      %sub3A_1247 = arith.subi %get3A_1244, %sub3A_1246 : vector<16xi32>
      %max3A_1248 = arith.constant 0 : i32
      %max3A_1249 = vector.broadcast %max3A_1248 : i32 to vector<16xi32>
      %max3A_1250 = arith.maxsi %sub3A_1247, %max3A_1249 : vector<16xi32>
      %mul3A_1251 = arith.constant 2 : i32
      %mul3A_1252 = vector.broadcast %mul3A_1251 : i32 to vector<16xi32>
      %mul3A_1253 = arith.muli %max3A_1250, %mul3A_1252 : vector<16xi32>
      %swap3A_1254 = arith.index_cast %add3A_1161 : i32 to index
      %swap3A_1255 = arith.constant 80 : index
      %swap3A_1256 = tpu.vector_load %arg8[%swap3A_1254, %swap3A_1255] {strides = array<i32>} : memref<200x128xi32, #tpu.memory_space<vmem>>, vector<16xi32>,
      tpu.vector_store %arg8[%swap3A_1254, %swap3A_1255], %mul3A_1253 {strides = array<i32>} : memref<200x128xi32, #tpu.memory_space<vmem>>, vector<16xi32>,
      %get3A_1257 = arith.index_cast %add3A_1161 : i32 to index
      %get3A_1258 = arith.constant 96 : index
      %get3A_1259 = tpu.vector_load %arg7[%get3A_1257, %get3A_1258] {strides = array<i32>} : memref<200x128xi32, #tpu.memory_space<vmem>>, vector<16xi32>,
      %sub3A_1260 = arith.constant 2 : i32
      %sub3A_1261 = vector.broadcast %sub3A_1260 : i32 to vector<16xi32>
      %sub3A_1262 = arith.subi %get3A_1259, %sub3A_1261 : vector<16xi32>
      %max3A_1263 = arith.constant 0 : i32
      %max3A_1264 = vector.broadcast %max3A_1263 : i32 to vector<16xi32>
      %max3A_1265 = arith.maxsi %sub3A_1262, %max3A_1264 : vector<16xi32>
      %mul3A_1266 = arith.constant 2 : i32
      %mul3A_1267 = vector.broadcast %mul3A_1266 : i32 to vector<16xi32>
      %mul3A_1268 = arith.muli %max3A_1265, %mul3A_1267 : vector<16xi32>
      %swap3A_1269 = arith.index_cast %add3A_1161 : i32 to index
      %swap3A_1270 = arith.constant 96 : index
      %swap3A_1271 = tpu.vector_load %arg8[%swap3A_1269, %swap3A_1270] {strides = array<i32>} : memref<200x128xi32, #tpu.memory_space<vmem>>, vector<16xi32>,
      tpu.vector_store %arg8[%swap3A_1269, %swap3A_1270], %mul3A_1268 {strides = array<i32>} : memref<200x128xi32, #tpu.memory_space<vmem>>, vector<16xi32>,
      %get3A_1272 = arith.index_cast %add3A_1161 : i32 to index
      %get3A_1273 = arith.constant 112 : index
      %get3A_1274 = tpu.vector_load %arg7[%get3A_1272, %get3A_1273] {strides = array<i32>} : memref<200x128xi32, #tpu.memory_space<vmem>>, vector<16xi32>,
      %sub3A_1275 = arith.constant 2 : i32
      %sub3A_1276 = vector.broadcast %sub3A_1275 : i32 to vector<16xi32>
      %sub3A_1277 = arith.subi %get3A_1274, %sub3A_1276 : vector<16xi32>
      %max3A_1278 = arith.constant 0 : i32
      %max3A_1279 = vector.broadcast %max3A_1278 : i32 to vector<16xi32>
      %max3A_1280 = arith.maxsi %sub3A_1277, %max3A_1279 : vector<16xi32>
      %mul3A_1281 = arith.constant 2 : i32
      %mul3A_1282 = vector.broadcast %mul3A_1281 : i32 to vector<16xi32>
      %mul3A_1283 = arith.muli %max3A_1280, %mul3A_1282 : vector<16xi32>
      %swap3A_1284 = arith.index_cast %add3A_1161 : i32 to index
      %swap3A_1285 = arith.constant 112 : index
      %swap3A_1286 = tpu.vector_load %arg8[%swap3A_1284, %swap3A_1285] {strides = array<i32>} : memref<200x128xi32, #tpu.memory_space<vmem>>, vector<16xi32>,
      tpu.vector_store %arg8[%swap3A_1284, %swap3A_1285], %mul3A_1283 {strides = array<i32>} : memref<200x128xi32, #tpu.memory_space<vmem>>, vector<16xi32>,
      %dma_start3A_1287 = arith.constant 4 : i32
      %dma_start3A_1288 = arith.constant 0 : i32
      %dma_start3A_1289 = arith.constant 0 : i32
      %dma_start3A_1290 = tpu.memref_slice %arg9[%dma_start3A_1287, %dma_start3A_1288, %dma_start3A_1289] : memref<8x128x64xf32, #tpu.memory_space<vmem>> -> memref<1x128x64xf32, #tpu.memory_space<vmem>>
      %dma_start3A_1291 = tpu.memref_squeeze %dma_start3A_1290 : memref<1x128x64xf32, #tpu.memory_space<vmem>> -> memref<128x64xf32, #tpu.memory_space<vmem>>
      %dma_start3A_1292 = arith.constant 0 : i32
      %dma_start3A_1293 = tpu.memref_slice %arg8[%add3A_1161, %dma_start3A_1292] : memref<200x128xi32, #tpu.memory_space<vmem>> -> memref<1x128xi32, #tpu.memory_space<vmem>>
      %dma_start3A_1294 = tpu.memref_squeeze %dma_start3A_1293 : memref<1x128xi32, #tpu.memory_space<vmem>> -> memref<128xi32, #tpu.memory_space<vmem>>
      %dma_start3A_1295 = arith.constant 0 : i32
      %dma_start3A_1296 = arith.constant 0 : i32
      %dma_start3A_1297 = tpu.memref_slice %arg5[%dma_start3A_1295, %dma_start3A_1296] : memref<2000000x64xf32, #tpu.memory_space<hbm>> -> memref<2000000x64xf32, #tpu.memory_space<hbm>>
      tpu.enqueue_indirect_dma source(%dma_start3A_1297 : memref<2000000x64xf32, #tpu.memory_space<hbm>>) target(%dma_start3A_1291 : memref<128x64xf32, #tpu.memory_space<vmem>>) offsets(%dma_start3A_1294 : memref<128xi32, #tpu.memory_space<vmem>>) semaphore(%arg15 : memref<!tpu.dma_semaphore, #tpu.memory_space<semaphore_mem>>)
      %ge3A_1298 = arith.constant 4 : i32
      %ge3A_1299 = arith.cmpi sge, %add3A_1161, %ge3A_1298 : i32
      %convert_element_type3A_1300 = arith.extui %ge3A_1299 : i1 to i32
      %cond3A_1301 = arith.constant 0 : i32
      %cond3A_1302 = arith.cmpi ne, %convert_element_type3A_1300, %cond3A_1301 : i32
      scf.if %cond3A_1302 {
        %sub3A_1738 = arith.constant 4 : i32
        %sub3A_1739 = arith.subi %add3A_1161, %sub3A_1738 : i32
        %dma_wait3A_1740 = arith.constant 0 : i32
        %dma_wait3A_1741 = arith.constant 0 : i32
        %dma_wait3A_1742 = arith.constant 0 : i32
        %dma_wait3A_1743 = tpu.memref_slice %arg9[%dma_wait3A_1740, %dma_wait3A_1741, %dma_wait3A_1742] : memref<8x128x64xf32, #tpu.memory_space<vmem>> -> memref<1x128x64xf32, #tpu.memory_space<vmem>>
        %dma_wait3A_1744 = tpu.memref_squeeze %dma_wait3A_1743 : memref<1x128x64xf32, #tpu.memory_space<vmem>> -> memref<128x64xf32, #tpu.memory_space<vmem>>
        %dma_wait3A_1745 = arith.constant 0 : i32
        %dma_wait3A_1746 = tpu.memref_slice %arg8[%sub3A_1739, %dma_wait3A_1745] : memref<200x128xi32, #tpu.memory_space<vmem>> -> memref<1x128xi32, #tpu.memory_space<vmem>>
        %dma_wait3A_1747 = tpu.memref_squeeze %dma_wait3A_1746 : memref<1x128xi32, #tpu.memory_space<vmem>> -> memref<128xi32, #tpu.memory_space<vmem>>
        %dma_wait3A_1748 = arith.constant 0 : i32
        %dma_wait3A_1749 = arith.constant 0 : i32
        %dma_wait3A_1750 = tpu.memref_slice %arg5[%dma_wait3A_1748, %dma_wait3A_1749] : memref<2000000x64xf32, #tpu.memory_space<hbm>> -> memref<2000000x64xf32, #tpu.memory_space<hbm>>
        tpu.wait_indirect_dma semaphore(%arg11 : memref<!tpu.dma_semaphore, #tpu.memory_space<semaphore_mem>>) src(%dma_wait3A_1750 : memref<2000000x64xf32, #tpu.memory_space<hbm>>) dst(%dma_wait3A_1744 : memref<128x64xf32, #tpu.memory_space<vmem>>)
        %broadcast_in_dim3A_1751 = arith.constant false
        %broadcast_in_dim3A_1752 = vector.broadcast %broadcast_in_dim3A_1751 : i1 to vector<16xi1>
        %get3A_1753 = arith.index_cast %sub3A_1739 : i32 to index
        %get3A_1754 = arith.constant 0 : index
        %get3A_1755 = tpu.vector_load %arg7[%get3A_1753, %get3A_1754] {strides = array<i32>} : memref<200x128xi32, #tpu.memory_space<vmem>>, vector<16xi32>,
        %lt3A_1756 = arith.constant 2 : i32
        %lt3A_1757 = vector.broadcast %lt3A_1756 : i32 to vector<16xi32>
        %lt3A_1758 = arith.cmpi slt, %get3A_1755, %lt3A_1757 : vector<16xi32>
        %or3A_1759 = arith.ori %broadcast_in_dim3A_1752, %lt3A_1758 : vector<16xi1>
        %get3A_1760 = arith.index_cast %sub3A_1739 : i32 to index
        %get3A_1761 = arith.constant 16 : index
        %get3A_1762 = tpu.vector_load %arg7[%get3A_1760, %get3A_1761] {strides = array<i32>} : memref<200x128xi32, #tpu.memory_space<vmem>>, vector<16xi32>,
        %lt3A_1763 = arith.constant 2 : i32
        %lt3A_1764 = vector.broadcast %lt3A_1763 : i32 to vector<16xi32>
        %lt3A_1765 = arith.cmpi slt, %get3A_1762, %lt3A_1764 : vector<16xi32>
        %or3A_1766 = arith.ori %or3A_1759, %lt3A_1765 : vector<16xi1>
        %get3A_1767 = arith.index_cast %sub3A_1739 : i32 to index
        %get3A_1768 = arith.constant 32 : index
        %get3A_1769 = tpu.vector_load %arg7[%get3A_1767, %get3A_1768] {strides = array<i32>} : memref<200x128xi32, #tpu.memory_space<vmem>>, vector<16xi32>,
        %lt3A_1770 = arith.constant 2 : i32
        %lt3A_1771 = vector.broadcast %lt3A_1770 : i32 to vector<16xi32>
        %lt3A_1772 = arith.cmpi slt, %get3A_1769, %lt3A_1771 : vector<16xi32>
        %or3A_1773 = arith.ori %or3A_1766, %lt3A_1772 : vector<16xi1>
        %get3A_1774 = arith.index_cast %sub3A_1739 : i32 to index
        %get3A_1775 = arith.constant 48 : index
        %get3A_1776 = tpu.vector_load %arg7[%get3A_1774, %get3A_1775] {strides = array<i32>} : memref<200x128xi32, #tpu.memory_space<vmem>>, vector<16xi32>,
        %lt3A_1777 = arith.constant 2 : i32
        %lt3A_1778 = vector.broadcast %lt3A_1777 : i32 to vector<16xi32>
        %lt3A_1779 = arith.cmpi slt, %get3A_1776, %lt3A_1778 : vector<16xi32>
        %or3A_1780 = arith.ori %or3A_1773, %lt3A_1779 : vector<16xi1>
        %get3A_1781 = arith.index_cast %sub3A_1739 : i32 to index
        %get3A_1782 = arith.constant 64 : index
        %get3A_1783 = tpu.vector_load %arg7[%get3A_1781, %get3A_1782] {strides = array<i32>} : memref<200x128xi32, #tpu.memory_space<vmem>>, vector<16xi32>,
        %lt3A_1784 = arith.constant 2 : i32
        %lt3A_1785 = vector.broadcast %lt3A_1784 : i32 to vector<16xi32>
        %lt3A_1786 = arith.cmpi slt, %get3A_1783, %lt3A_1785 : vector<16xi32>
        %or3A_1787 = arith.ori %or3A_1780, %lt3A_1786 : vector<16xi1>
        %get3A_1788 = arith.index_cast %sub3A_1739 : i32 to index
        %get3A_1789 = arith.constant 80 : index
        %get3A_1790 = tpu.vector_load %arg7[%get3A_1788, %get3A_1789] {strides = array<i32>} : memref<200x128xi32, #tpu.memory_space<vmem>>, vector<16xi32>,
        %lt3A_1791 = arith.constant 2 : i32
        %lt3A_1792 = vector.broadcast %lt3A_1791 : i32 to vector<16xi32>
        %lt3A_1793 = arith.cmpi slt, %get3A_1790, %lt3A_1792 : vector<16xi32>
        %or3A_1794 = arith.ori %or3A_1787, %lt3A_1793 : vector<16xi1>
        %get3A_1795 = arith.index_cast %sub3A_1739 : i32 to index
        %get3A_1796 = arith.constant 96 : index
        %get3A_1797 = tpu.vector_load %arg7[%get3A_1795, %get3A_1796] {strides = array<i32>} : memref<200x128xi32, #tpu.memory_space<vmem>>, vector<16xi32>,
        %lt3A_1798 = arith.constant 2 : i32
        %lt3A_1799 = vector.broadcast %lt3A_1798 : i32 to vector<16xi32>
        %lt3A_1800 = arith.cmpi slt, %get3A_1797, %lt3A_1799 : vector<16xi32>
        %or3A_1801 = arith.ori %or3A_1794, %lt3A_1800 : vector<16xi1>
        %get3A_1802 = arith.index_cast %sub3A_1739 : i32 to index
        %get3A_1803 = arith.constant 112 : index
        %get3A_1804 = tpu.vector_load %arg7[%get3A_1802, %get3A_1803] {strides = array<i32>} : memref<200x128xi32, #tpu.memory_space<vmem>>, vector<16xi32>,
        %lt3A_1805 = arith.constant 2 : i32
        %lt3A_1806 = vector.broadcast %lt3A_1805 : i32 to vector<16xi32>
        %lt3A_1807 = arith.cmpi slt, %get3A_1804, %lt3A_1806 : vector<16xi32>
        %or3A_1808 = arith.ori %or3A_1801, %lt3A_1807 : vector<16xi1>
        %reduce_or3A_1809 = arith.constant 1.000000e+00 : f32
        %reduce_or3A_1810 = arith.constant 0.000000e+00 : f32
        %reduce_or3A_1811 = vector.broadcast %reduce_or3A_1809 : f32 to vector<16xf32>
        %reduce_or3A_1812 = vector.broadcast %reduce_or3A_1810 : f32 to vector<16xf32>
        %reduce_or3A_1813 = arith.select %or3A_1808, %reduce_or3A_1811, %reduce_or3A_1812 : vector<16xi1>, vector<16xf32>
        %reduce_or3A_1814 = arith.constant true
        %reduce_or3A_1815 = vector.broadcast %reduce_or3A_1814 : i1 to vector<16xi1>
        %reduce_or3A_1816 = tpu.scan <max>, %reduce_or3A_1813 masked %reduce_or3A_1815 : vector<16xf32>, vector<16xi1> -> vector<16xf32>
        %reduce_or3A_1817 = vector.extract %reduce_or3A_1816[15] : f32 from vector<16xf32>
        %reduce_or3A_1818 = arith.constant 0.000000e+00 : f32
        %reduce_or3A_1819 = arith.cmpf ogt, %reduce_or3A_1817, %reduce_or3A_1818 : f32
        %convert_element_type3A_1820 = arith.extui %reduce_or3A_1819 : i1 to i32
        %cond3A_1821 = arith.constant 0 : i32
        %cond3A_1822 = arith.cmpi ne, %convert_element_type3A_1820, %cond3A_1821 : i32
        scf.if %cond3A_1822 {
          %scan3A_1840 = arith.constant 0 : i32
          %scan3A_1841 = arith.constant 0 : i32
          %scan3A_1842 = arith.constant 8 : i32
          %scan3A_1843 = arith.addi %scan3A_1841, %scan3A_1842 : i32
          %scan3A_1844 = arith.constant 1 : i32
          scf.for %scan3A_1846 = %scan3A_1841 to %scan3A_1843 step %scan3A_1844  : i32 {
            %mul3A_1847 = arith.constant 16 : i32
            %mul3A_1848 = arith.muli %scan3A_1846, %mul3A_1847 : i32
            %get3A_1849 = arith.index_cast %sub3A_1739 : i32 to index
            %get3A_1850 = arith.index_cast %mul3A_1848 : i32 to index
            %get3A_1851 = tpu.vector_load %arg7[%get3A_1849, %get3A_1850] {strides = array<i32>} : memref<200x128xi32, #tpu.memory_space<vmem>>, vector<16xi32>,
            %lt3A_1852 = arith.constant 2 : i32
            %lt3A_1853 = vector.broadcast %lt3A_1852 : i32 to vector<16xi32>
            %lt3A_1854 = arith.cmpi slt, %get3A_1851, %lt3A_1853 : vector<16xi32>
            %reduce_or3A_1855 = arith.constant 1.000000e+00 : f32
            %reduce_or3A_1856 = arith.constant 0.000000e+00 : f32
            %reduce_or3A_1857 = vector.broadcast %reduce_or3A_1855 : f32 to vector<16xf32>
            %reduce_or3A_1858 = vector.broadcast %reduce_or3A_1856 : f32 to vector<16xf32>
            %reduce_or3A_1859 = arith.select %lt3A_1854, %reduce_or3A_1857, %reduce_or3A_1858 : vector<16xi1>, vector<16xf32>
            %reduce_or3A_1860 = arith.constant true
            %reduce_or3A_1861 = vector.broadcast %reduce_or3A_1860 : i1 to vector<16xi1>
            %reduce_or3A_1862 = tpu.scan <max>, %reduce_or3A_1859 masked %reduce_or3A_1861 : vector<16xf32>, vector<16xi1> -> vector<16xf32>
            %reduce_or3A_1863 = vector.extract %reduce_or3A_1862[15] : f32 from vector<16xf32>
            %reduce_or3A_1864 = arith.constant 0.000000e+00 : f32
            %reduce_or3A_1865 = arith.cmpf ogt, %reduce_or3A_1863, %reduce_or3A_1864 : f32
            %convert_element_type3A_1866 = arith.extui %reduce_or3A_1865 : i1 to i32
            %cond3A_1867 = arith.constant 0 : i32
            %cond3A_1868 = arith.cmpi ne, %convert_element_type3A_1866, %cond3A_1867 : i32
            scf.if %cond3A_1868 {
              %lt3A_1869 = arith.constant 2 : i32
              %lt3A_1870 = vector.broadcast %lt3A_1869 : i32 to vector<16xi32>
              %lt3A_1871 = arith.cmpi slt, %get3A_1851, %lt3A_1870 : vector<16xi32>
              %min3A = arith.constant 1 : i32
              %min3A_1872 = vector.broadcast %min3A : i32 to vector<16xi32>
              %min3A_1873 = arith.minsi %get3A_1851, %min3A_1872 : vector<16xi32>
              %mul3A_1874 = arith.constant 16 : i32
              %mul3A_1875 = arith.muli %scan3A_1846, %mul3A_1874 : i32
              %add3A_1876 = vector.broadcast %mul3A_1875 : i32 to vector<16xi32>
              %add3A_1877 = arith.addi %iota3A, %add3A_1876 : vector<16xi32>
              %scan3A_1878 = arith.constant 0 : i32
              %scan3A_1879 = arith.constant 0 : i32
              %scan3A_1880 = arith.constant 64 : i32
              %scan3A_1881 = arith.addi %scan3A_1879, %scan3A_1880 : i32
              %scan3A_1882 = arith.constant 1 : i32
              scf.for %scan3A_1884 = %scan3A_1879 to %scan3A_1881 step %scan3A_1882  : i32 {
                %broadcast_in_dim3A_1885 = arith.constant 0 : i32
                %broadcast_in_dim3A_1886 = vector.broadcast %broadcast_in_dim3A_1885 : i32 to vector<16xi32>
                %add3A_1887 = vector.broadcast %scan3A_1884 : i32 to vector<16xi32>
                %add3A_1888 = arith.addi %broadcast_in_dim3A_1886, %add3A_1887 : vector<16xi32>
                %gather3A = tpu.vector_load_idx %arg10[%min3A_1873, %add3A_1888] : memref<2x64xf32, #tpu.memory_space<vmem>>[vector<16xi32>, vector<16xi32>], vector<16xf32>,
                %scatter3A = arith.constant 0 : i32
                %scatter3A_1889 = arith.constant 0 : i32
                %scatter3A_1890 = arith.constant 0 : i32
                %scatter3A_1891 = tpu.memref_slice %arg9[%scatter3A, %scatter3A_1889, %scatter3A_1890] : memref<8x128x64xf32, #tpu.memory_space<vmem>> -> memref<1x128x64xf32, #tpu.memory_space<vmem>>
                %scatter3A_1892 = tpu.memref_squeeze %scatter3A_1891 : memref<1x128x64xf32, #tpu.memory_space<vmem>> -> memref<128x64xf32, #tpu.memory_space<vmem>>
                tpu.vector_store_idx %scatter3A_1892[%add3A_1877, %add3A_1888], %gather3A masked %lt3A_1871 : memref<128x64xf32, #tpu.memory_space<vmem>>[vector<16xi32>, vector<16xi32>], vector<16xf32>, vector<16xi1>
              }
              %scan3A_1883 = arith.constant 64 : i32
            } else {
            }
          }
          %scan3A_1845 = arith.constant 8 : i32
        } else {
        }
        %dma_start3A_1823 = arith.constant 0 : i32
        %dma_start3A_1824 = arith.constant 0 : i32
        %dma_start3A_1825 = arith.constant 0 : i32
        %dma_start3A_1826 = tpu.memref_slice %arg9[%dma_start3A_1823, %dma_start3A_1824, %dma_start3A_1825] : memref<8x128x64xf32, #tpu.memory_space<vmem>> -> memref<1x128x64xf32, #tpu.memory_space<vmem>>
        %dma_start3A_1827 = tpu.memref_squeeze %dma_start3A_1826 : memref<1x128x64xf32, #tpu.memory_space<vmem>> -> memref<128x64xf32, #tpu.memory_space<vmem>>
        %dma_start3A_1828 = arith.constant 0 : i32
        %dma_start3A_1829 = arith.constant 0 : i32
        %dma_start3A_1830 = tpu.memref_slice %arg6[%add3A, %sub3A_1739, %dma_start3A_1828, %dma_start3A_1829] : memref<32x200x128x128xf32, #tpu.memory_space<hbm>> -> memref<1x1x128x64xf32, #tpu.memory_space<hbm>>
        %dma_start3A_1831 = tpu.memref_squeeze %dma_start3A_1830 : memref<1x1x128x64xf32, #tpu.memory_space<hbm>> -> memref<128x64xf32, #tpu.memory_space<hbm>>
        %dma_start3A_1832 = arith.constant 0 : i32
        %dma_start3A_1833 = arith.constant 0 : i32
        %dma_start3A_1834 = tpu.memref_slice %arg6[%add3A, %sub3A_1739, %dma_start3A_1832, %dma_start3A_1833] : memref<32x200x128x128xf32, #tpu.memory_space<hbm>> -> memref<1x1x128x64xf32, #tpu.memory_space<hbm>>
        %dma_start3A_1835 = tpu.memref_squeeze %dma_start3A_1834 : memref<1x1x128x64xf32, #tpu.memory_space<hbm>> -> memref<128x64xf32, #tpu.memory_space<hbm>>
        %dma_start3A_1836 = arith.constant 0 : i32
        %dma_start3A_1837 = arith.constant 0 : i32
        %dma_start3A_1838 = tpu.memref_slice %arg9[%dma_start3A_1823, %dma_start3A_1836, %dma_start3A_1837] : memref<8x128x64xf32, #tpu.memory_space<vmem>> -> memref<1x128x64xf32, #tpu.memory_space<vmem>>
        %dma_start3A_1839 = tpu.memref_squeeze %dma_start3A_1838 : memref<1x128x64xf32, #tpu.memory_space<vmem>> -> memref<128x64xf32, #tpu.memory_space<vmem>>
        tpu.enqueue_dma source(%dma_start3A_1839 : memref<128x64xf32, #tpu.memory_space<vmem>>) target(%dma_start3A_1835 : memref<128x64xf32, #tpu.memory_space<hbm>>) target_semaphore(%arg19 : memref<!tpu.dma_semaphore, #tpu.memory_space<semaphore_mem>>)
      } else {
      }
      %mul3A_1303 = arith.constant 8 : i32
      %mul3A_1304 = arith.muli %scan3A_581, %mul3A_1303 : i32
      %add3A_1305 = arith.constant 5 : i32
      %add3A_1306 = arith.addi %mul3A_1304, %add3A_1305 : i32
      %ge3A_1307 = arith.constant 8 : i32
      %ge3A_1308 = arith.cmpi sge, %add3A_1306, %ge3A_1307 : i32
      %convert_element_type3A_1309 = arith.extui %ge3A_1308 : i1 to i32
      %cond3A_1310 = arith.constant 0 : i32
      %cond3A_1311 = arith.cmpi ne, %convert_element_type3A_1309, %cond3A_1310 : i32
      scf.if %cond3A_1311 {
        %sub3A_1738 = arith.constant 8 : i32
        %sub3A_1739 = arith.subi %add3A_1306, %sub3A_1738 : i32
        %dma_wait3A_1740 = arith.constant 5 : i32
        %dma_wait3A_1741 = arith.constant 0 : i32
        %dma_wait3A_1742 = arith.constant 0 : i32
        %dma_wait3A_1743 = tpu.memref_slice %arg9[%dma_wait3A_1740, %dma_wait3A_1741, %dma_wait3A_1742] : memref<8x128x64xf32, #tpu.memory_space<vmem>> -> memref<1x128x64xf32, #tpu.memory_space<vmem>>
        %dma_wait3A_1744 = tpu.memref_squeeze %dma_wait3A_1743 : memref<1x128x64xf32, #tpu.memory_space<vmem>> -> memref<128x64xf32, #tpu.memory_space<vmem>>
        %dma_wait3A_1745 = arith.constant 0 : i32
        %dma_wait3A_1746 = arith.constant 0 : i32
        %dma_wait3A_1747 = tpu.memref_slice %arg6[%add3A, %sub3A_1739, %dma_wait3A_1745, %dma_wait3A_1746] : memref<32x200x128x128xf32, #tpu.memory_space<hbm>> -> memref<1x1x128x64xf32, #tpu.memory_space<hbm>>
        %dma_wait3A_1748 = tpu.memref_squeeze %dma_wait3A_1747 : memref<1x1x128x64xf32, #tpu.memory_space<hbm>> -> memref<128x64xf32, #tpu.memory_space<hbm>>
        %dma_wait3A_1749 = arith.constant 0 : i32
        %dma_wait3A_1750 = arith.constant 0 : i32
        %dma_wait3A_1751 = tpu.memref_slice %arg6[%add3A, %sub3A_1739, %dma_wait3A_1749, %dma_wait3A_1750] : memref<32x200x128x128xf32, #tpu.memory_space<hbm>> -> memref<1x1x128x64xf32, #tpu.memory_space<hbm>>
        %dma_wait3A_1752 = tpu.memref_squeeze %dma_wait3A_1751 : memref<1x1x128x64xf32, #tpu.memory_space<hbm>> -> memref<128x64xf32, #tpu.memory_space<hbm>>
        %dma_wait3A_1753 = arith.constant 0 : i32
        %dma_wait3A_1754 = arith.constant 0 : i32
        %dma_wait3A_1755 = tpu.memref_slice %arg9[%dma_wait3A_1740, %dma_wait3A_1753, %dma_wait3A_1754] : memref<8x128x64xf32, #tpu.memory_space<vmem>> -> memref<1x128x64xf32, #tpu.memory_space<vmem>>
        %dma_wait3A_1756 = tpu.memref_squeeze %dma_wait3A_1755 : memref<1x128x64xf32, #tpu.memory_space<vmem>> -> memref<128x64xf32, #tpu.memory_space<vmem>>
        tpu.wait_dma2 semaphore(%arg24 : memref<!tpu.dma_semaphore, #tpu.memory_space<semaphore_mem>>) src(%dma_wait3A_1756 : memref<128x64xf32, #tpu.memory_space<vmem>>) dst(%dma_wait3A_1752 : memref<128x64xf32, #tpu.memory_space<hbm>>)
      } else {
      }
      %get3A_1312 = arith.index_cast %add3A_1306 : i32 to index
      %get3A_1313 = arith.constant 0 : index
      %get3A_1314 = tpu.vector_load %arg7[%get3A_1312, %get3A_1313] {strides = array<i32>} : memref<200x128xi32, #tpu.memory_space<vmem>>, vector<16xi32>,
      %sub3A_1315 = arith.constant 2 : i32
      %sub3A_1316 = vector.broadcast %sub3A_1315 : i32 to vector<16xi32>
      %sub3A_1317 = arith.subi %get3A_1314, %sub3A_1316 : vector<16xi32>
      %max3A_1318 = arith.constant 0 : i32
      %max3A_1319 = vector.broadcast %max3A_1318 : i32 to vector<16xi32>
      %max3A_1320 = arith.maxsi %sub3A_1317, %max3A_1319 : vector<16xi32>
      %mul3A_1321 = arith.constant 2 : i32
      %mul3A_1322 = vector.broadcast %mul3A_1321 : i32 to vector<16xi32>
      %mul3A_1323 = arith.muli %max3A_1320, %mul3A_1322 : vector<16xi32>
      %swap3A_1324 = arith.index_cast %add3A_1306 : i32 to index
      %swap3A_1325 = arith.constant 0 : index
      %swap3A_1326 = tpu.vector_load %arg8[%swap3A_1324, %swap3A_1325] {strides = array<i32>} : memref<200x128xi32, #tpu.memory_space<vmem>>, vector<16xi32>,
      tpu.vector_store %arg8[%swap3A_1324, %swap3A_1325], %mul3A_1323 {strides = array<i32>} : memref<200x128xi32, #tpu.memory_space<vmem>>, vector<16xi32>,
      %get3A_1327 = arith.index_cast %add3A_1306 : i32 to index
      %get3A_1328 = arith.constant 16 : index
      %get3A_1329 = tpu.vector_load %arg7[%get3A_1327, %get3A_1328] {strides = array<i32>} : memref<200x128xi32, #tpu.memory_space<vmem>>, vector<16xi32>,
      %sub3A_1330 = arith.constant 2 : i32
      %sub3A_1331 = vector.broadcast %sub3A_1330 : i32 to vector<16xi32>
      %sub3A_1332 = arith.subi %get3A_1329, %sub3A_1331 : vector<16xi32>
      %max3A_1333 = arith.constant 0 : i32
      %max3A_1334 = vector.broadcast %max3A_1333 : i32 to vector<16xi32>
      %max3A_1335 = arith.maxsi %sub3A_1332, %max3A_1334 : vector<16xi32>
      %mul3A_1336 = arith.constant 2 : i32
      %mul3A_1337 = vector.broadcast %mul3A_1336 : i32 to vector<16xi32>
      %mul3A_1338 = arith.muli %max3A_1335, %mul3A_1337 : vector<16xi32>
      %swap3A_1339 = arith.index_cast %add3A_1306 : i32 to index
      %swap3A_1340 = arith.constant 16 : index
      %swap3A_1341 = tpu.vector_load %arg8[%swap3A_1339, %swap3A_1340] {strides = array<i32>} : memref<200x128xi32, #tpu.memory_space<vmem>>, vector<16xi32>,
      tpu.vector_store %arg8[%swap3A_1339, %swap3A_1340], %mul3A_1338 {strides = array<i32>} : memref<200x128xi32, #tpu.memory_space<vmem>>, vector<16xi32>,
      %get3A_1342 = arith.index_cast %add3A_1306 : i32 to index
      %get3A_1343 = arith.constant 32 : index
      %get3A_1344 = tpu.vector_load %arg7[%get3A_1342, %get3A_1343] {strides = array<i32>} : memref<200x128xi32, #tpu.memory_space<vmem>>, vector<16xi32>,
      %sub3A_1345 = arith.constant 2 : i32
      %sub3A_1346 = vector.broadcast %sub3A_1345 : i32 to vector<16xi32>
      %sub3A_1347 = arith.subi %get3A_1344, %sub3A_1346 : vector<16xi32>
      %max3A_1348 = arith.constant 0 : i32
      %max3A_1349 = vector.broadcast %max3A_1348 : i32 to vector<16xi32>
      %max3A_1350 = arith.maxsi %sub3A_1347, %max3A_1349 : vector<16xi32>
      %mul3A_1351 = arith.constant 2 : i32
      %mul3A_1352 = vector.broadcast %mul3A_1351 : i32 to vector<16xi32>
      %mul3A_1353 = arith.muli %max3A_1350, %mul3A_1352 : vector<16xi32>
      %swap3A_1354 = arith.index_cast %add3A_1306 : i32 to index
      %swap3A_1355 = arith.constant 32 : index
      %swap3A_1356 = tpu.vector_load %arg8[%swap3A_1354, %swap3A_1355] {strides = array<i32>} : memref<200x128xi32, #tpu.memory_space<vmem>>, vector<16xi32>,
      tpu.vector_store %arg8[%swap3A_1354, %swap3A_1355], %mul3A_1353 {strides = array<i32>} : memref<200x128xi32, #tpu.memory_space<vmem>>, vector<16xi32>,
      %get3A_1357 = arith.index_cast %add3A_1306 : i32 to index
      %get3A_1358 = arith.constant 48 : index
      %get3A_1359 = tpu.vector_load %arg7[%get3A_1357, %get3A_1358] {strides = array<i32>} : memref<200x128xi32, #tpu.memory_space<vmem>>, vector<16xi32>,
      %sub3A_1360 = arith.constant 2 : i32
      %sub3A_1361 = vector.broadcast %sub3A_1360 : i32 to vector<16xi32>
      %sub3A_1362 = arith.subi %get3A_1359, %sub3A_1361 : vector<16xi32>
      %max3A_1363 = arith.constant 0 : i32
      %max3A_1364 = vector.broadcast %max3A_1363 : i32 to vector<16xi32>
      %max3A_1365 = arith.maxsi %sub3A_1362, %max3A_1364 : vector<16xi32>
      %mul3A_1366 = arith.constant 2 : i32
      %mul3A_1367 = vector.broadcast %mul3A_1366 : i32 to vector<16xi32>
      %mul3A_1368 = arith.muli %max3A_1365, %mul3A_1367 : vector<16xi32>
      %swap3A_1369 = arith.index_cast %add3A_1306 : i32 to index
      %swap3A_1370 = arith.constant 48 : index
      %swap3A_1371 = tpu.vector_load %arg8[%swap3A_1369, %swap3A_1370] {strides = array<i32>} : memref<200x128xi32, #tpu.memory_space<vmem>>, vector<16xi32>,
      tpu.vector_store %arg8[%swap3A_1369, %swap3A_1370], %mul3A_1368 {strides = array<i32>} : memref<200x128xi32, #tpu.memory_space<vmem>>, vector<16xi32>,
      %get3A_1372 = arith.index_cast %add3A_1306 : i32 to index
      %get3A_1373 = arith.constant 64 : index
      %get3A_1374 = tpu.vector_load %arg7[%get3A_1372, %get3A_1373] {strides = array<i32>} : memref<200x128xi32, #tpu.memory_space<vmem>>, vector<16xi32>,
      %sub3A_1375 = arith.constant 2 : i32
      %sub3A_1376 = vector.broadcast %sub3A_1375 : i32 to vector<16xi32>
      %sub3A_1377 = arith.subi %get3A_1374, %sub3A_1376 : vector<16xi32>
      %max3A_1378 = arith.constant 0 : i32
      %max3A_1379 = vector.broadcast %max3A_1378 : i32 to vector<16xi32>
      %max3A_1380 = arith.maxsi %sub3A_1377, %max3A_1379 : vector<16xi32>
      %mul3A_1381 = arith.constant 2 : i32
      %mul3A_1382 = vector.broadcast %mul3A_1381 : i32 to vector<16xi32>
      %mul3A_1383 = arith.muli %max3A_1380, %mul3A_1382 : vector<16xi32>
      %swap3A_1384 = arith.index_cast %add3A_1306 : i32 to index
      %swap3A_1385 = arith.constant 64 : index
      %swap3A_1386 = tpu.vector_load %arg8[%swap3A_1384, %swap3A_1385] {strides = array<i32>} : memref<200x128xi32, #tpu.memory_space<vmem>>, vector<16xi32>,
      tpu.vector_store %arg8[%swap3A_1384, %swap3A_1385], %mul3A_1383 {strides = array<i32>} : memref<200x128xi32, #tpu.memory_space<vmem>>, vector<16xi32>,
      %get3A_1387 = arith.index_cast %add3A_1306 : i32 to index
      %get3A_1388 = arith.constant 80 : index
      %get3A_1389 = tpu.vector_load %arg7[%get3A_1387, %get3A_1388] {strides = array<i32>} : memref<200x128xi32, #tpu.memory_space<vmem>>, vector<16xi32>,
      %sub3A_1390 = arith.constant 2 : i32
      %sub3A_1391 = vector.broadcast %sub3A_1390 : i32 to vector<16xi32>
      %sub3A_1392 = arith.subi %get3A_1389, %sub3A_1391 : vector<16xi32>
      %max3A_1393 = arith.constant 0 : i32
      %max3A_1394 = vector.broadcast %max3A_1393 : i32 to vector<16xi32>
      %max3A_1395 = arith.maxsi %sub3A_1392, %max3A_1394 : vector<16xi32>
      %mul3A_1396 = arith.constant 2 : i32
      %mul3A_1397 = vector.broadcast %mul3A_1396 : i32 to vector<16xi32>
      %mul3A_1398 = arith.muli %max3A_1395, %mul3A_1397 : vector<16xi32>
      %swap3A_1399 = arith.index_cast %add3A_1306 : i32 to index
      %swap3A_1400 = arith.constant 80 : index
      %swap3A_1401 = tpu.vector_load %arg8[%swap3A_1399, %swap3A_1400] {strides = array<i32>} : memref<200x128xi32, #tpu.memory_space<vmem>>, vector<16xi32>,
      tpu.vector_store %arg8[%swap3A_1399, %swap3A_1400], %mul3A_1398 {strides = array<i32>} : memref<200x128xi32, #tpu.memory_space<vmem>>, vector<16xi32>,
      %get3A_1402 = arith.index_cast %add3A_1306 : i32 to index
      %get3A_1403 = arith.constant 96 : index
      %get3A_1404 = tpu.vector_load %arg7[%get3A_1402, %get3A_1403] {strides = array<i32>} : memref<200x128xi32, #tpu.memory_space<vmem>>, vector<16xi32>,
      %sub3A_1405 = arith.constant 2 : i32
      %sub3A_1406 = vector.broadcast %sub3A_1405 : i32 to vector<16xi32>
      %sub3A_1407 = arith.subi %get3A_1404, %sub3A_1406 : vector<16xi32>
      %max3A_1408 = arith.constant 0 : i32
      %max3A_1409 = vector.broadcast %max3A_1408 : i32 to vector<16xi32>
      %max3A_1410 = arith.maxsi %sub3A_1407, %max3A_1409 : vector<16xi32>
      %mul3A_1411 = arith.constant 2 : i32
      %mul3A_1412 = vector.broadcast %mul3A_1411 : i32 to vector<16xi32>
      %mul3A_1413 = arith.muli %max3A_1410, %mul3A_1412 : vector<16xi32>
      %swap3A_1414 = arith.index_cast %add3A_1306 : i32 to index
      %swap3A_1415 = arith.constant 96 : index
      %swap3A_1416 = tpu.vector_load %arg8[%swap3A_1414, %swap3A_1415] {strides = array<i32>} : memref<200x128xi32, #tpu.memory_space<vmem>>, vector<16xi32>,
      tpu.vector_store %arg8[%swap3A_1414, %swap3A_1415], %mul3A_1413 {strides = array<i32>} : memref<200x128xi32, #tpu.memory_space<vmem>>, vector<16xi32>,
      %get3A_1417 = arith.index_cast %add3A_1306 : i32 to index
      %get3A_1418 = arith.constant 112 : index
      %get3A_1419 = tpu.vector_load %arg7[%get3A_1417, %get3A_1418] {strides = array<i32>} : memref<200x128xi32, #tpu.memory_space<vmem>>, vector<16xi32>,
      %sub3A_1420 = arith.constant 2 : i32
      %sub3A_1421 = vector.broadcast %sub3A_1420 : i32 to vector<16xi32>
      %sub3A_1422 = arith.subi %get3A_1419, %sub3A_1421 : vector<16xi32>
      %max3A_1423 = arith.constant 0 : i32
      %max3A_1424 = vector.broadcast %max3A_1423 : i32 to vector<16xi32>
      %max3A_1425 = arith.maxsi %sub3A_1422, %max3A_1424 : vector<16xi32>
      %mul3A_1426 = arith.constant 2 : i32
      %mul3A_1427 = vector.broadcast %mul3A_1426 : i32 to vector<16xi32>
      %mul3A_1428 = arith.muli %max3A_1425, %mul3A_1427 : vector<16xi32>
      %swap3A_1429 = arith.index_cast %add3A_1306 : i32 to index
      %swap3A_1430 = arith.constant 112 : index
      %swap3A_1431 = tpu.vector_load %arg8[%swap3A_1429, %swap3A_1430] {strides = array<i32>} : memref<200x128xi32, #tpu.memory_space<vmem>>, vector<16xi32>,
      tpu.vector_store %arg8[%swap3A_1429, %swap3A_1430], %mul3A_1428 {strides = array<i32>} : memref<200x128xi32, #tpu.memory_space<vmem>>, vector<16xi32>,
      %dma_start3A_1432 = arith.constant 5 : i32
      %dma_start3A_1433 = arith.constant 0 : i32
      %dma_start3A_1434 = arith.constant 0 : i32
      %dma_start3A_1435 = tpu.memref_slice %arg9[%dma_start3A_1432, %dma_start3A_1433, %dma_start3A_1434] : memref<8x128x64xf32, #tpu.memory_space<vmem>> -> memref<1x128x64xf32, #tpu.memory_space<vmem>>
      %dma_start3A_1436 = tpu.memref_squeeze %dma_start3A_1435 : memref<1x128x64xf32, #tpu.memory_space<vmem>> -> memref<128x64xf32, #tpu.memory_space<vmem>>
      %dma_start3A_1437 = arith.constant 0 : i32
      %dma_start3A_1438 = tpu.memref_slice %arg8[%add3A_1306, %dma_start3A_1437] : memref<200x128xi32, #tpu.memory_space<vmem>> -> memref<1x128xi32, #tpu.memory_space<vmem>>
      %dma_start3A_1439 = tpu.memref_squeeze %dma_start3A_1438 : memref<1x128xi32, #tpu.memory_space<vmem>> -> memref<128xi32, #tpu.memory_space<vmem>>
      %dma_start3A_1440 = arith.constant 0 : i32
      %dma_start3A_1441 = arith.constant 0 : i32
      %dma_start3A_1442 = tpu.memref_slice %arg5[%dma_start3A_1440, %dma_start3A_1441] : memref<2000000x64xf32, #tpu.memory_space<hbm>> -> memref<2000000x64xf32, #tpu.memory_space<hbm>>
      tpu.enqueue_indirect_dma source(%dma_start3A_1442 : memref<2000000x64xf32, #tpu.memory_space<hbm>>) target(%dma_start3A_1436 : memref<128x64xf32, #tpu.memory_space<vmem>>) offsets(%dma_start3A_1439 : memref<128xi32, #tpu.memory_space<vmem>>) semaphore(%arg16 : memref<!tpu.dma_semaphore, #tpu.memory_space<semaphore_mem>>)
      %ge3A_1443 = arith.constant 4 : i32
      %ge3A_1444 = arith.cmpi sge, %add3A_1306, %ge3A_1443 : i32
      %convert_element_type3A_1445 = arith.extui %ge3A_1444 : i1 to i32
      %cond3A_1446 = arith.constant 0 : i32
      %cond3A_1447 = arith.cmpi ne, %convert_element_type3A_1445, %cond3A_1446 : i32
      scf.if %cond3A_1447 {
        %sub3A_1738 = arith.constant 4 : i32
        %sub3A_1739 = arith.subi %add3A_1306, %sub3A_1738 : i32
        %dma_wait3A_1740 = arith.constant 1 : i32
        %dma_wait3A_1741 = arith.constant 0 : i32
        %dma_wait3A_1742 = arith.constant 0 : i32
        %dma_wait3A_1743 = tpu.memref_slice %arg9[%dma_wait3A_1740, %dma_wait3A_1741, %dma_wait3A_1742] : memref<8x128x64xf32, #tpu.memory_space<vmem>> -> memref<1x128x64xf32, #tpu.memory_space<vmem>>
        %dma_wait3A_1744 = tpu.memref_squeeze %dma_wait3A_1743 : memref<1x128x64xf32, #tpu.memory_space<vmem>> -> memref<128x64xf32, #tpu.memory_space<vmem>>
        %dma_wait3A_1745 = arith.constant 0 : i32
        %dma_wait3A_1746 = tpu.memref_slice %arg8[%sub3A_1739, %dma_wait3A_1745] : memref<200x128xi32, #tpu.memory_space<vmem>> -> memref<1x128xi32, #tpu.memory_space<vmem>>
        %dma_wait3A_1747 = tpu.memref_squeeze %dma_wait3A_1746 : memref<1x128xi32, #tpu.memory_space<vmem>> -> memref<128xi32, #tpu.memory_space<vmem>>
        %dma_wait3A_1748 = arith.constant 0 : i32
        %dma_wait3A_1749 = arith.constant 0 : i32
        %dma_wait3A_1750 = tpu.memref_slice %arg5[%dma_wait3A_1748, %dma_wait3A_1749] : memref<2000000x64xf32, #tpu.memory_space<hbm>> -> memref<2000000x64xf32, #tpu.memory_space<hbm>>
        tpu.wait_indirect_dma semaphore(%arg12 : memref<!tpu.dma_semaphore, #tpu.memory_space<semaphore_mem>>) src(%dma_wait3A_1750 : memref<2000000x64xf32, #tpu.memory_space<hbm>>) dst(%dma_wait3A_1744 : memref<128x64xf32, #tpu.memory_space<vmem>>)
        %broadcast_in_dim3A_1751 = arith.constant false
        %broadcast_in_dim3A_1752 = vector.broadcast %broadcast_in_dim3A_1751 : i1 to vector<16xi1>
        %get3A_1753 = arith.index_cast %sub3A_1739 : i32 to index
        %get3A_1754 = arith.constant 0 : index
        %get3A_1755 = tpu.vector_load %arg7[%get3A_1753, %get3A_1754] {strides = array<i32>} : memref<200x128xi32, #tpu.memory_space<vmem>>, vector<16xi32>,
        %lt3A_1756 = arith.constant 2 : i32
        %lt3A_1757 = vector.broadcast %lt3A_1756 : i32 to vector<16xi32>
        %lt3A_1758 = arith.cmpi slt, %get3A_1755, %lt3A_1757 : vector<16xi32>
        %or3A_1759 = arith.ori %broadcast_in_dim3A_1752, %lt3A_1758 : vector<16xi1>
        %get3A_1760 = arith.index_cast %sub3A_1739 : i32 to index
        %get3A_1761 = arith.constant 16 : index
        %get3A_1762 = tpu.vector_load %arg7[%get3A_1760, %get3A_1761] {strides = array<i32>} : memref<200x128xi32, #tpu.memory_space<vmem>>, vector<16xi32>,
        %lt3A_1763 = arith.constant 2 : i32
        %lt3A_1764 = vector.broadcast %lt3A_1763 : i32 to vector<16xi32>
        %lt3A_1765 = arith.cmpi slt, %get3A_1762, %lt3A_1764 : vector<16xi32>
        %or3A_1766 = arith.ori %or3A_1759, %lt3A_1765 : vector<16xi1>
        %get3A_1767 = arith.index_cast %sub3A_1739 : i32 to index
        %get3A_1768 = arith.constant 32 : index
        %get3A_1769 = tpu.vector_load %arg7[%get3A_1767, %get3A_1768] {strides = array<i32>} : memref<200x128xi32, #tpu.memory_space<vmem>>, vector<16xi32>,
        %lt3A_1770 = arith.constant 2 : i32
        %lt3A_1771 = vector.broadcast %lt3A_1770 : i32 to vector<16xi32>
        %lt3A_1772 = arith.cmpi slt, %get3A_1769, %lt3A_1771 : vector<16xi32>
        %or3A_1773 = arith.ori %or3A_1766, %lt3A_1772 : vector<16xi1>
        %get3A_1774 = arith.index_cast %sub3A_1739 : i32 to index
        %get3A_1775 = arith.constant 48 : index
        %get3A_1776 = tpu.vector_load %arg7[%get3A_1774, %get3A_1775] {strides = array<i32>} : memref<200x128xi32, #tpu.memory_space<vmem>>, vector<16xi32>,
        %lt3A_1777 = arith.constant 2 : i32
        %lt3A_1778 = vector.broadcast %lt3A_1777 : i32 to vector<16xi32>
        %lt3A_1779 = arith.cmpi slt, %get3A_1776, %lt3A_1778 : vector<16xi32>
        %or3A_1780 = arith.ori %or3A_1773, %lt3A_1779 : vector<16xi1>
        %get3A_1781 = arith.index_cast %sub3A_1739 : i32 to index
        %get3A_1782 = arith.constant 64 : index
        %get3A_1783 = tpu.vector_load %arg7[%get3A_1781, %get3A_1782] {strides = array<i32>} : memref<200x128xi32, #tpu.memory_space<vmem>>, vector<16xi32>,
        %lt3A_1784 = arith.constant 2 : i32
        %lt3A_1785 = vector.broadcast %lt3A_1784 : i32 to vector<16xi32>
        %lt3A_1786 = arith.cmpi slt, %get3A_1783, %lt3A_1785 : vector<16xi32>
        %or3A_1787 = arith.ori %or3A_1780, %lt3A_1786 : vector<16xi1>
        %get3A_1788 = arith.index_cast %sub3A_1739 : i32 to index
        %get3A_1789 = arith.constant 80 : index
        %get3A_1790 = tpu.vector_load %arg7[%get3A_1788, %get3A_1789] {strides = array<i32>} : memref<200x128xi32, #tpu.memory_space<vmem>>, vector<16xi32>,
        %lt3A_1791 = arith.constant 2 : i32
        %lt3A_1792 = vector.broadcast %lt3A_1791 : i32 to vector<16xi32>
        %lt3A_1793 = arith.cmpi slt, %get3A_1790, %lt3A_1792 : vector<16xi32>
        %or3A_1794 = arith.ori %or3A_1787, %lt3A_1793 : vector<16xi1>
        %get3A_1795 = arith.index_cast %sub3A_1739 : i32 to index
        %get3A_1796 = arith.constant 96 : index
        %get3A_1797 = tpu.vector_load %arg7[%get3A_1795, %get3A_1796] {strides = array<i32>} : memref<200x128xi32, #tpu.memory_space<vmem>>, vector<16xi32>,
        %lt3A_1798 = arith.constant 2 : i32
        %lt3A_1799 = vector.broadcast %lt3A_1798 : i32 to vector<16xi32>
        %lt3A_1800 = arith.cmpi slt, %get3A_1797, %lt3A_1799 : vector<16xi32>
        %or3A_1801 = arith.ori %or3A_1794, %lt3A_1800 : vector<16xi1>
        %get3A_1802 = arith.index_cast %sub3A_1739 : i32 to index
        %get3A_1803 = arith.constant 112 : index
        %get3A_1804 = tpu.vector_load %arg7[%get3A_1802, %get3A_1803] {strides = array<i32>} : memref<200x128xi32, #tpu.memory_space<vmem>>, vector<16xi32>,
        %lt3A_1805 = arith.constant 2 : i32
        %lt3A_1806 = vector.broadcast %lt3A_1805 : i32 to vector<16xi32>
        %lt3A_1807 = arith.cmpi slt, %get3A_1804, %lt3A_1806 : vector<16xi32>
        %or3A_1808 = arith.ori %or3A_1801, %lt3A_1807 : vector<16xi1>
        %reduce_or3A_1809 = arith.constant 1.000000e+00 : f32
        %reduce_or3A_1810 = arith.constant 0.000000e+00 : f32
        %reduce_or3A_1811 = vector.broadcast %reduce_or3A_1809 : f32 to vector<16xf32>
        %reduce_or3A_1812 = vector.broadcast %reduce_or3A_1810 : f32 to vector<16xf32>
        %reduce_or3A_1813 = arith.select %or3A_1808, %reduce_or3A_1811, %reduce_or3A_1812 : vector<16xi1>, vector<16xf32>
        %reduce_or3A_1814 = arith.constant true
        %reduce_or3A_1815 = vector.broadcast %reduce_or3A_1814 : i1 to vector<16xi1>
        %reduce_or3A_1816 = tpu.scan <max>, %reduce_or3A_1813 masked %reduce_or3A_1815 : vector<16xf32>, vector<16xi1> -> vector<16xf32>
        %reduce_or3A_1817 = vector.extract %reduce_or3A_1816[15] : f32 from vector<16xf32>
        %reduce_or3A_1818 = arith.constant 0.000000e+00 : f32
        %reduce_or3A_1819 = arith.cmpf ogt, %reduce_or3A_1817, %reduce_or3A_1818 : f32
        %convert_element_type3A_1820 = arith.extui %reduce_or3A_1819 : i1 to i32
        %cond3A_1821 = arith.constant 0 : i32
        %cond3A_1822 = arith.cmpi ne, %convert_element_type3A_1820, %cond3A_1821 : i32
        scf.if %cond3A_1822 {
          %scan3A_1840 = arith.constant 0 : i32
          %scan3A_1841 = arith.constant 0 : i32
          %scan3A_1842 = arith.constant 8 : i32
          %scan3A_1843 = arith.addi %scan3A_1841, %scan3A_1842 : i32
          %scan3A_1844 = arith.constant 1 : i32
          scf.for %scan3A_1846 = %scan3A_1841 to %scan3A_1843 step %scan3A_1844  : i32 {
            %mul3A_1847 = arith.constant 16 : i32
            %mul3A_1848 = arith.muli %scan3A_1846, %mul3A_1847 : i32
            %get3A_1849 = arith.index_cast %sub3A_1739 : i32 to index
            %get3A_1850 = arith.index_cast %mul3A_1848 : i32 to index
            %get3A_1851 = tpu.vector_load %arg7[%get3A_1849, %get3A_1850] {strides = array<i32>} : memref<200x128xi32, #tpu.memory_space<vmem>>, vector<16xi32>,
            %lt3A_1852 = arith.constant 2 : i32
            %lt3A_1853 = vector.broadcast %lt3A_1852 : i32 to vector<16xi32>
            %lt3A_1854 = arith.cmpi slt, %get3A_1851, %lt3A_1853 : vector<16xi32>
            %reduce_or3A_1855 = arith.constant 1.000000e+00 : f32
            %reduce_or3A_1856 = arith.constant 0.000000e+00 : f32
            %reduce_or3A_1857 = vector.broadcast %reduce_or3A_1855 : f32 to vector<16xf32>
            %reduce_or3A_1858 = vector.broadcast %reduce_or3A_1856 : f32 to vector<16xf32>
            %reduce_or3A_1859 = arith.select %lt3A_1854, %reduce_or3A_1857, %reduce_or3A_1858 : vector<16xi1>, vector<16xf32>
            %reduce_or3A_1860 = arith.constant true
            %reduce_or3A_1861 = vector.broadcast %reduce_or3A_1860 : i1 to vector<16xi1>
            %reduce_or3A_1862 = tpu.scan <max>, %reduce_or3A_1859 masked %reduce_or3A_1861 : vector<16xf32>, vector<16xi1> -> vector<16xf32>
            %reduce_or3A_1863 = vector.extract %reduce_or3A_1862[15] : f32 from vector<16xf32>
            %reduce_or3A_1864 = arith.constant 0.000000e+00 : f32
            %reduce_or3A_1865 = arith.cmpf ogt, %reduce_or3A_1863, %reduce_or3A_1864 : f32
            %convert_element_type3A_1866 = arith.extui %reduce_or3A_1865 : i1 to i32
            %cond3A_1867 = arith.constant 0 : i32
            %cond3A_1868 = arith.cmpi ne, %convert_element_type3A_1866, %cond3A_1867 : i32
            scf.if %cond3A_1868 {
              %lt3A_1869 = arith.constant 2 : i32
              %lt3A_1870 = vector.broadcast %lt3A_1869 : i32 to vector<16xi32>
              %lt3A_1871 = arith.cmpi slt, %get3A_1851, %lt3A_1870 : vector<16xi32>
              %min3A = arith.constant 1 : i32
              %min3A_1872 = vector.broadcast %min3A : i32 to vector<16xi32>
              %min3A_1873 = arith.minsi %get3A_1851, %min3A_1872 : vector<16xi32>
              %mul3A_1874 = arith.constant 16 : i32
              %mul3A_1875 = arith.muli %scan3A_1846, %mul3A_1874 : i32
              %add3A_1876 = vector.broadcast %mul3A_1875 : i32 to vector<16xi32>
              %add3A_1877 = arith.addi %iota3A, %add3A_1876 : vector<16xi32>
              %scan3A_1878 = arith.constant 0 : i32
              %scan3A_1879 = arith.constant 0 : i32
              %scan3A_1880 = arith.constant 64 : i32
              %scan3A_1881 = arith.addi %scan3A_1879, %scan3A_1880 : i32
              %scan3A_1882 = arith.constant 1 : i32
              scf.for %scan3A_1884 = %scan3A_1879 to %scan3A_1881 step %scan3A_1882  : i32 {
                %broadcast_in_dim3A_1885 = arith.constant 0 : i32
                %broadcast_in_dim3A_1886 = vector.broadcast %broadcast_in_dim3A_1885 : i32 to vector<16xi32>
                %add3A_1887 = vector.broadcast %scan3A_1884 : i32 to vector<16xi32>
                %add3A_1888 = arith.addi %broadcast_in_dim3A_1886, %add3A_1887 : vector<16xi32>
                %gather3A = tpu.vector_load_idx %arg10[%min3A_1873, %add3A_1888] : memref<2x64xf32, #tpu.memory_space<vmem>>[vector<16xi32>, vector<16xi32>], vector<16xf32>,
                %scatter3A = arith.constant 1 : i32
                %scatter3A_1889 = arith.constant 0 : i32
                %scatter3A_1890 = arith.constant 0 : i32
                %scatter3A_1891 = tpu.memref_slice %arg9[%scatter3A, %scatter3A_1889, %scatter3A_1890] : memref<8x128x64xf32, #tpu.memory_space<vmem>> -> memref<1x128x64xf32, #tpu.memory_space<vmem>>
                %scatter3A_1892 = tpu.memref_squeeze %scatter3A_1891 : memref<1x128x64xf32, #tpu.memory_space<vmem>> -> memref<128x64xf32, #tpu.memory_space<vmem>>
                tpu.vector_store_idx %scatter3A_1892[%add3A_1877, %add3A_1888], %gather3A masked %lt3A_1871 : memref<128x64xf32, #tpu.memory_space<vmem>>[vector<16xi32>, vector<16xi32>], vector<16xf32>, vector<16xi1>
              }
              %scan3A_1883 = arith.constant 64 : i32
            } else {
            }
          }
          %scan3A_1845 = arith.constant 8 : i32
        } else {
        }
        %dma_start3A_1823 = arith.constant 1 : i32
        %dma_start3A_1824 = arith.constant 0 : i32
        %dma_start3A_1825 = arith.constant 0 : i32
        %dma_start3A_1826 = tpu.memref_slice %arg9[%dma_start3A_1823, %dma_start3A_1824, %dma_start3A_1825] : memref<8x128x64xf32, #tpu.memory_space<vmem>> -> memref<1x128x64xf32, #tpu.memory_space<vmem>>
        %dma_start3A_1827 = tpu.memref_squeeze %dma_start3A_1826 : memref<1x128x64xf32, #tpu.memory_space<vmem>> -> memref<128x64xf32, #tpu.memory_space<vmem>>
        %dma_start3A_1828 = arith.constant 0 : i32
        %dma_start3A_1829 = arith.constant 0 : i32
        %dma_start3A_1830 = tpu.memref_slice %arg6[%add3A, %sub3A_1739, %dma_start3A_1828, %dma_start3A_1829] : memref<32x200x128x128xf32, #tpu.memory_space<hbm>> -> memref<1x1x128x64xf32, #tpu.memory_space<hbm>>
        %dma_start3A_1831 = tpu.memref_squeeze %dma_start3A_1830 : memref<1x1x128x64xf32, #tpu.memory_space<hbm>> -> memref<128x64xf32, #tpu.memory_space<hbm>>
        %dma_start3A_1832 = arith.constant 0 : i32
        %dma_start3A_1833 = arith.constant 0 : i32
        %dma_start3A_1834 = tpu.memref_slice %arg6[%add3A, %sub3A_1739, %dma_start3A_1832, %dma_start3A_1833] : memref<32x200x128x128xf32, #tpu.memory_space<hbm>> -> memref<1x1x128x64xf32, #tpu.memory_space<hbm>>
        %dma_start3A_1835 = tpu.memref_squeeze %dma_start3A_1834 : memref<1x1x128x64xf32, #tpu.memory_space<hbm>> -> memref<128x64xf32, #tpu.memory_space<hbm>>
        %dma_start3A_1836 = arith.constant 0 : i32
        %dma_start3A_1837 = arith.constant 0 : i32
        %dma_start3A_1838 = tpu.memref_slice %arg9[%dma_start3A_1823, %dma_start3A_1836, %dma_start3A_1837] : memref<8x128x64xf32, #tpu.memory_space<vmem>> -> memref<1x128x64xf32, #tpu.memory_space<vmem>>
        %dma_start3A_1839 = tpu.memref_squeeze %dma_start3A_1838 : memref<1x128x64xf32, #tpu.memory_space<vmem>> -> memref<128x64xf32, #tpu.memory_space<vmem>>
        tpu.enqueue_dma source(%dma_start3A_1839 : memref<128x64xf32, #tpu.memory_space<vmem>>) target(%dma_start3A_1835 : memref<128x64xf32, #tpu.memory_space<hbm>>) target_semaphore(%arg20 : memref<!tpu.dma_semaphore, #tpu.memory_space<semaphore_mem>>)
      } else {
      }
      %mul3A_1448 = arith.constant 8 : i32
      %mul3A_1449 = arith.muli %scan3A_581, %mul3A_1448 : i32
      %add3A_1450 = arith.constant 6 : i32
      %add3A_1451 = arith.addi %mul3A_1449, %add3A_1450 : i32
      %ge3A_1452 = arith.constant 8 : i32
      %ge3A_1453 = arith.cmpi sge, %add3A_1451, %ge3A_1452 : i32
      %convert_element_type3A_1454 = arith.extui %ge3A_1453 : i1 to i32
      %cond3A_1455 = arith.constant 0 : i32
      %cond3A_1456 = arith.cmpi ne, %convert_element_type3A_1454, %cond3A_1455 : i32
      scf.if %cond3A_1456 {
        %sub3A_1738 = arith.constant 8 : i32
        %sub3A_1739 = arith.subi %add3A_1451, %sub3A_1738 : i32
        %dma_wait3A_1740 = arith.constant 6 : i32
        %dma_wait3A_1741 = arith.constant 0 : i32
        %dma_wait3A_1742 = arith.constant 0 : i32
        %dma_wait3A_1743 = tpu.memref_slice %arg9[%dma_wait3A_1740, %dma_wait3A_1741, %dma_wait3A_1742] : memref<8x128x64xf32, #tpu.memory_space<vmem>> -> memref<1x128x64xf32, #tpu.memory_space<vmem>>
        %dma_wait3A_1744 = tpu.memref_squeeze %dma_wait3A_1743 : memref<1x128x64xf32, #tpu.memory_space<vmem>> -> memref<128x64xf32, #tpu.memory_space<vmem>>
        %dma_wait3A_1745 = arith.constant 0 : i32
        %dma_wait3A_1746 = arith.constant 0 : i32
        %dma_wait3A_1747 = tpu.memref_slice %arg6[%add3A, %sub3A_1739, %dma_wait3A_1745, %dma_wait3A_1746] : memref<32x200x128x128xf32, #tpu.memory_space<hbm>> -> memref<1x1x128x64xf32, #tpu.memory_space<hbm>>
        %dma_wait3A_1748 = tpu.memref_squeeze %dma_wait3A_1747 : memref<1x1x128x64xf32, #tpu.memory_space<hbm>> -> memref<128x64xf32, #tpu.memory_space<hbm>>
        %dma_wait3A_1749 = arith.constant 0 : i32
        %dma_wait3A_1750 = arith.constant 0 : i32
        %dma_wait3A_1751 = tpu.memref_slice %arg6[%add3A, %sub3A_1739, %dma_wait3A_1749, %dma_wait3A_1750] : memref<32x200x128x128xf32, #tpu.memory_space<hbm>> -> memref<1x1x128x64xf32, #tpu.memory_space<hbm>>
        %dma_wait3A_1752 = tpu.memref_squeeze %dma_wait3A_1751 : memref<1x1x128x64xf32, #tpu.memory_space<hbm>> -> memref<128x64xf32, #tpu.memory_space<hbm>>
        %dma_wait3A_1753 = arith.constant 0 : i32
        %dma_wait3A_1754 = arith.constant 0 : i32
        %dma_wait3A_1755 = tpu.memref_slice %arg9[%dma_wait3A_1740, %dma_wait3A_1753, %dma_wait3A_1754] : memref<8x128x64xf32, #tpu.memory_space<vmem>> -> memref<1x128x64xf32, #tpu.memory_space<vmem>>
        %dma_wait3A_1756 = tpu.memref_squeeze %dma_wait3A_1755 : memref<1x128x64xf32, #tpu.memory_space<vmem>> -> memref<128x64xf32, #tpu.memory_space<vmem>>
        tpu.wait_dma2 semaphore(%arg25 : memref<!tpu.dma_semaphore, #tpu.memory_space<semaphore_mem>>) src(%dma_wait3A_1756 : memref<128x64xf32, #tpu.memory_space<vmem>>) dst(%dma_wait3A_1752 : memref<128x64xf32, #tpu.memory_space<hbm>>)
      } else {
      }
      %get3A_1457 = arith.index_cast %add3A_1451 : i32 to index
      %get3A_1458 = arith.constant 0 : index
      %get3A_1459 = tpu.vector_load %arg7[%get3A_1457, %get3A_1458] {strides = array<i32>} : memref<200x128xi32, #tpu.memory_space<vmem>>, vector<16xi32>,
      %sub3A_1460 = arith.constant 2 : i32
      %sub3A_1461 = vector.broadcast %sub3A_1460 : i32 to vector<16xi32>
      %sub3A_1462 = arith.subi %get3A_1459, %sub3A_1461 : vector<16xi32>
      %max3A_1463 = arith.constant 0 : i32
      %max3A_1464 = vector.broadcast %max3A_1463 : i32 to vector<16xi32>
      %max3A_1465 = arith.maxsi %sub3A_1462, %max3A_1464 : vector<16xi32>
      %mul3A_1466 = arith.constant 2 : i32
      %mul3A_1467 = vector.broadcast %mul3A_1466 : i32 to vector<16xi32>
      %mul3A_1468 = arith.muli %max3A_1465, %mul3A_1467 : vector<16xi32>
      %swap3A_1469 = arith.index_cast %add3A_1451 : i32 to index
      %swap3A_1470 = arith.constant 0 : index
      %swap3A_1471 = tpu.vector_load %arg8[%swap3A_1469, %swap3A_1470] {strides = array<i32>} : memref<200x128xi32, #tpu.memory_space<vmem>>, vector<16xi32>,
      tpu.vector_store %arg8[%swap3A_1469, %swap3A_1470], %mul3A_1468 {strides = array<i32>} : memref<200x128xi32, #tpu.memory_space<vmem>>, vector<16xi32>,
      %get3A_1472 = arith.index_cast %add3A_1451 : i32 to index
      %get3A_1473 = arith.constant 16 : index
      %get3A_1474 = tpu.vector_load %arg7[%get3A_1472, %get3A_1473] {strides = array<i32>} : memref<200x128xi32, #tpu.memory_space<vmem>>, vector<16xi32>,
      %sub3A_1475 = arith.constant 2 : i32
      %sub3A_1476 = vector.broadcast %sub3A_1475 : i32 to vector<16xi32>
      %sub3A_1477 = arith.subi %get3A_1474, %sub3A_1476 : vector<16xi32>
      %max3A_1478 = arith.constant 0 : i32
      %max3A_1479 = vector.broadcast %max3A_1478 : i32 to vector<16xi32>
      %max3A_1480 = arith.maxsi %sub3A_1477, %max3A_1479 : vector<16xi32>
      %mul3A_1481 = arith.constant 2 : i32
      %mul3A_1482 = vector.broadcast %mul3A_1481 : i32 to vector<16xi32>
      %mul3A_1483 = arith.muli %max3A_1480, %mul3A_1482 : vector<16xi32>
      %swap3A_1484 = arith.index_cast %add3A_1451 : i32 to index
      %swap3A_1485 = arith.constant 16 : index
      %swap3A_1486 = tpu.vector_load %arg8[%swap3A_1484, %swap3A_1485] {strides = array<i32>} : memref<200x128xi32, #tpu.memory_space<vmem>>, vector<16xi32>,
      tpu.vector_store %arg8[%swap3A_1484, %swap3A_1485], %mul3A_1483 {strides = array<i32>} : memref<200x128xi32, #tpu.memory_space<vmem>>, vector<16xi32>,
      %get3A_1487 = arith.index_cast %add3A_1451 : i32 to index
      %get3A_1488 = arith.constant 32 : index
      %get3A_1489 = tpu.vector_load %arg7[%get3A_1487, %get3A_1488] {strides = array<i32>} : memref<200x128xi32, #tpu.memory_space<vmem>>, vector<16xi32>,
      %sub3A_1490 = arith.constant 2 : i32
      %sub3A_1491 = vector.broadcast %sub3A_1490 : i32 to vector<16xi32>
      %sub3A_1492 = arith.subi %get3A_1489, %sub3A_1491 : vector<16xi32>
      %max3A_1493 = arith.constant 0 : i32
      %max3A_1494 = vector.broadcast %max3A_1493 : i32 to vector<16xi32>
      %max3A_1495 = arith.maxsi %sub3A_1492, %max3A_1494 : vector<16xi32>
      %mul3A_1496 = arith.constant 2 : i32
      %mul3A_1497 = vector.broadcast %mul3A_1496 : i32 to vector<16xi32>
      %mul3A_1498 = arith.muli %max3A_1495, %mul3A_1497 : vector<16xi32>
      %swap3A_1499 = arith.index_cast %add3A_1451 : i32 to index
      %swap3A_1500 = arith.constant 32 : index
      %swap3A_1501 = tpu.vector_load %arg8[%swap3A_1499, %swap3A_1500] {strides = array<i32>} : memref<200x128xi32, #tpu.memory_space<vmem>>, vector<16xi32>,
      tpu.vector_store %arg8[%swap3A_1499, %swap3A_1500], %mul3A_1498 {strides = array<i32>} : memref<200x128xi32, #tpu.memory_space<vmem>>, vector<16xi32>,
      %get3A_1502 = arith.index_cast %add3A_1451 : i32 to index
      %get3A_1503 = arith.constant 48 : index
      %get3A_1504 = tpu.vector_load %arg7[%get3A_1502, %get3A_1503] {strides = array<i32>} : memref<200x128xi32, #tpu.memory_space<vmem>>, vector<16xi32>,
      %sub3A_1505 = arith.constant 2 : i32
      %sub3A_1506 = vector.broadcast %sub3A_1505 : i32 to vector<16xi32>
      %sub3A_1507 = arith.subi %get3A_1504, %sub3A_1506 : vector<16xi32>
      %max3A_1508 = arith.constant 0 : i32
      %max3A_1509 = vector.broadcast %max3A_1508 : i32 to vector<16xi32>
      %max3A_1510 = arith.maxsi %sub3A_1507, %max3A_1509 : vector<16xi32>
      %mul3A_1511 = arith.constant 2 : i32
      %mul3A_1512 = vector.broadcast %mul3A_1511 : i32 to vector<16xi32>
      %mul3A_1513 = arith.muli %max3A_1510, %mul3A_1512 : vector<16xi32>
      %swap3A_1514 = arith.index_cast %add3A_1451 : i32 to index
      %swap3A_1515 = arith.constant 48 : index
      %swap3A_1516 = tpu.vector_load %arg8[%swap3A_1514, %swap3A_1515] {strides = array<i32>} : memref<200x128xi32, #tpu.memory_space<vmem>>, vector<16xi32>,
      tpu.vector_store %arg8[%swap3A_1514, %swap3A_1515], %mul3A_1513 {strides = array<i32>} : memref<200x128xi32, #tpu.memory_space<vmem>>, vector<16xi32>,
      %get3A_1517 = arith.index_cast %add3A_1451 : i32 to index
      %get3A_1518 = arith.constant 64 : index
      %get3A_1519 = tpu.vector_load %arg7[%get3A_1517, %get3A_1518] {strides = array<i32>} : memref<200x128xi32, #tpu.memory_space<vmem>>, vector<16xi32>,
      %sub3A_1520 = arith.constant 2 : i32
      %sub3A_1521 = vector.broadcast %sub3A_1520 : i32 to vector<16xi32>
      %sub3A_1522 = arith.subi %get3A_1519, %sub3A_1521 : vector<16xi32>
      %max3A_1523 = arith.constant 0 : i32
      %max3A_1524 = vector.broadcast %max3A_1523 : i32 to vector<16xi32>
      %max3A_1525 = arith.maxsi %sub3A_1522, %max3A_1524 : vector<16xi32>
      %mul3A_1526 = arith.constant 2 : i32
      %mul3A_1527 = vector.broadcast %mul3A_1526 : i32 to vector<16xi32>
      %mul3A_1528 = arith.muli %max3A_1525, %mul3A_1527 : vector<16xi32>
      %swap3A_1529 = arith.index_cast %add3A_1451 : i32 to index
      %swap3A_1530 = arith.constant 64 : index
      %swap3A_1531 = tpu.vector_load %arg8[%swap3A_1529, %swap3A_1530] {strides = array<i32>} : memref<200x128xi32, #tpu.memory_space<vmem>>, vector<16xi32>,
      tpu.vector_store %arg8[%swap3A_1529, %swap3A_1530], %mul3A_1528 {strides = array<i32>} : memref<200x128xi32, #tpu.memory_space<vmem>>, vector<16xi32>,
      %get3A_1532 = arith.index_cast %add3A_1451 : i32 to index
      %get3A_1533 = arith.constant 80 : index
      %get3A_1534 = tpu.vector_load %arg7[%get3A_1532, %get3A_1533] {strides = array<i32>} : memref<200x128xi32, #tpu.memory_space<vmem>>, vector<16xi32>,
      %sub3A_1535 = arith.constant 2 : i32
      %sub3A_1536 = vector.broadcast %sub3A_1535 : i32 to vector<16xi32>
      %sub3A_1537 = arith.subi %get3A_1534, %sub3A_1536 : vector<16xi32>
      %max3A_1538 = arith.constant 0 : i32
      %max3A_1539 = vector.broadcast %max3A_1538 : i32 to vector<16xi32>
      %max3A_1540 = arith.maxsi %sub3A_1537, %max3A_1539 : vector<16xi32>
      %mul3A_1541 = arith.constant 2 : i32
      %mul3A_1542 = vector.broadcast %mul3A_1541 : i32 to vector<16xi32>
      %mul3A_1543 = arith.muli %max3A_1540, %mul3A_1542 : vector<16xi32>
      %swap3A_1544 = arith.index_cast %add3A_1451 : i32 to index
      %swap3A_1545 = arith.constant 80 : index
      %swap3A_1546 = tpu.vector_load %arg8[%swap3A_1544, %swap3A_1545] {strides = array<i32>} : memref<200x128xi32, #tpu.memory_space<vmem>>, vector<16xi32>,
      tpu.vector_store %arg8[%swap3A_1544, %swap3A_1545], %mul3A_1543 {strides = array<i32>} : memref<200x128xi32, #tpu.memory_space<vmem>>, vector<16xi32>,
      %get3A_1547 = arith.index_cast %add3A_1451 : i32 to index
      %get3A_1548 = arith.constant 96 : index
      %get3A_1549 = tpu.vector_load %arg7[%get3A_1547, %get3A_1548] {strides = array<i32>} : memref<200x128xi32, #tpu.memory_space<vmem>>, vector<16xi32>,
      %sub3A_1550 = arith.constant 2 : i32
      %sub3A_1551 = vector.broadcast %sub3A_1550 : i32 to vector<16xi32>
      %sub3A_1552 = arith.subi %get3A_1549, %sub3A_1551 : vector<16xi32>
      %max3A_1553 = arith.constant 0 : i32
      %max3A_1554 = vector.broadcast %max3A_1553 : i32 to vector<16xi32>
      %max3A_1555 = arith.maxsi %sub3A_1552, %max3A_1554 : vector<16xi32>
      %mul3A_1556 = arith.constant 2 : i32
      %mul3A_1557 = vector.broadcast %mul3A_1556 : i32 to vector<16xi32>
      %mul3A_1558 = arith.muli %max3A_1555, %mul3A_1557 : vector<16xi32>
      %swap3A_1559 = arith.index_cast %add3A_1451 : i32 to index
      %swap3A_1560 = arith.constant 96 : index
      %swap3A_1561 = tpu.vector_load %arg8[%swap3A_1559, %swap3A_1560] {strides = array<i32>} : memref<200x128xi32, #tpu.memory_space<vmem>>, vector<16xi32>,
      tpu.vector_store %arg8[%swap3A_1559, %swap3A_1560], %mul3A_1558 {strides = array<i32>} : memref<200x128xi32, #tpu.memory_space<vmem>>, vector<16xi32>,
      %get3A_1562 = arith.index_cast %add3A_1451 : i32 to index
      %get3A_1563 = arith.constant 112 : index
      %get3A_1564 = tpu.vector_load %arg7[%get3A_1562, %get3A_1563] {strides = array<i32>} : memref<200x128xi32, #tpu.memory_space<vmem>>, vector<16xi32>,
      %sub3A_1565 = arith.constant 2 : i32
      %sub3A_1566 = vector.broadcast %sub3A_1565 : i32 to vector<16xi32>
      %sub3A_1567 = arith.subi %get3A_1564, %sub3A_1566 : vector<16xi32>
      %max3A_1568 = arith.constant 0 : i32
      %max3A_1569 = vector.broadcast %max3A_1568 : i32 to vector<16xi32>
      %max3A_1570 = arith.maxsi %sub3A_1567, %max3A_1569 : vector<16xi32>
      %mul3A_1571 = arith.constant 2 : i32
      %mul3A_1572 = vector.broadcast %mul3A_1571 : i32 to vector<16xi32>
      %mul3A_1573 = arith.muli %max3A_1570, %mul3A_1572 : vector<16xi32>
      %swap3A_1574 = arith.index_cast %add3A_1451 : i32 to index
      %swap3A_1575 = arith.constant 112 : index
      %swap3A_1576 = tpu.vector_load %arg8[%swap3A_1574, %swap3A_1575] {strides = array<i32>} : memref<200x128xi32, #tpu.memory_space<vmem>>, vector<16xi32>,
      tpu.vector_store %arg8[%swap3A_1574, %swap3A_1575], %mul3A_1573 {strides = array<i32>} : memref<200x128xi32, #tpu.memory_space<vmem>>, vector<16xi32>,
      %dma_start3A_1577 = arith.constant 6 : i32
      %dma_start3A_1578 = arith.constant 0 : i32
      %dma_start3A_1579 = arith.constant 0 : i32
      %dma_start3A_1580 = tpu.memref_slice %arg9[%dma_start3A_1577, %dma_start3A_1578, %dma_start3A_1579] : memref<8x128x64xf32, #tpu.memory_space<vmem>> -> memref<1x128x64xf32, #tpu.memory_space<vmem>>
      %dma_start3A_1581 = tpu.memref_squeeze %dma_start3A_1580 : memref<1x128x64xf32, #tpu.memory_space<vmem>> -> memref<128x64xf32, #tpu.memory_space<vmem>>
      %dma_start3A_1582 = arith.constant 0 : i32
      %dma_start3A_1583 = tpu.memref_slice %arg8[%add3A_1451, %dma_start3A_1582] : memref<200x128xi32, #tpu.memory_space<vmem>> -> memref<1x128xi32, #tpu.memory_space<vmem>>
      %dma_start3A_1584 = tpu.memref_squeeze %dma_start3A_1583 : memref<1x128xi32, #tpu.memory_space<vmem>> -> memref<128xi32, #tpu.memory_space<vmem>>
      %dma_start3A_1585 = arith.constant 0 : i32
      %dma_start3A_1586 = arith.constant 0 : i32
      %dma_start3A_1587 = tpu.memref_slice %arg5[%dma_start3A_1585, %dma_start3A_1586] : memref<2000000x64xf32, #tpu.memory_space<hbm>> -> memref<2000000x64xf32, #tpu.memory_space<hbm>>
      tpu.enqueue_indirect_dma source(%dma_start3A_1587 : memref<2000000x64xf32, #tpu.memory_space<hbm>>) target(%dma_start3A_1581 : memref<128x64xf32, #tpu.memory_space<vmem>>) offsets(%dma_start3A_1584 : memref<128xi32, #tpu.memory_space<vmem>>) semaphore(%arg17 : memref<!tpu.dma_semaphore, #tpu.memory_space<semaphore_mem>>)
      %ge3A_1588 = arith.constant 4 : i32
      %ge3A_1589 = arith.cmpi sge, %add3A_1451, %ge3A_1588 : i32
      %convert_element_type3A_1590 = arith.extui %ge3A_1589 : i1 to i32
      %cond3A_1591 = arith.constant 0 : i32
      %cond3A_1592 = arith.cmpi ne, %convert_element_type3A_1590, %cond3A_1591 : i32
      scf.if %cond3A_1592 {
        %sub3A_1738 = arith.constant 4 : i32
        %sub3A_1739 = arith.subi %add3A_1451, %sub3A_1738 : i32
        %dma_wait3A_1740 = arith.constant 2 : i32
        %dma_wait3A_1741 = arith.constant 0 : i32
        %dma_wait3A_1742 = arith.constant 0 : i32
        %dma_wait3A_1743 = tpu.memref_slice %arg9[%dma_wait3A_1740, %dma_wait3A_1741, %dma_wait3A_1742] : memref<8x128x64xf32, #tpu.memory_space<vmem>> -> memref<1x128x64xf32, #tpu.memory_space<vmem>>
        %dma_wait3A_1744 = tpu.memref_squeeze %dma_wait3A_1743 : memref<1x128x64xf32, #tpu.memory_space<vmem>> -> memref<128x64xf32, #tpu.memory_space<vmem>>
        %dma_wait3A_1745 = arith.constant 0 : i32
        %dma_wait3A_1746 = tpu.memref_slice %arg8[%sub3A_1739, %dma_wait3A_1745] : memref<200x128xi32, #tpu.memory_space<vmem>> -> memref<1x128xi32, #tpu.memory_space<vmem>>
        %dma_wait3A_1747 = tpu.memref_squeeze %dma_wait3A_1746 : memref<1x128xi32, #tpu.memory_space<vmem>> -> memref<128xi32, #tpu.memory_space<vmem>>
        %dma_wait3A_1748 = arith.constant 0 : i32
        %dma_wait3A_1749 = arith.constant 0 : i32
        %dma_wait3A_1750 = tpu.memref_slice %arg5[%dma_wait3A_1748, %dma_wait3A_1749] : memref<2000000x64xf32, #tpu.memory_space<hbm>> -> memref<2000000x64xf32, #tpu.memory_space<hbm>>
        tpu.wait_indirect_dma semaphore(%arg13 : memref<!tpu.dma_semaphore, #tpu.memory_space<semaphore_mem>>) src(%dma_wait3A_1750 : memref<2000000x64xf32, #tpu.memory_space<hbm>>) dst(%dma_wait3A_1744 : memref<128x64xf32, #tpu.memory_space<vmem>>)
        %broadcast_in_dim3A_1751 = arith.constant false
        %broadcast_in_dim3A_1752 = vector.broadcast %broadcast_in_dim3A_1751 : i1 to vector<16xi1>
        %get3A_1753 = arith.index_cast %sub3A_1739 : i32 to index
        %get3A_1754 = arith.constant 0 : index
        %get3A_1755 = tpu.vector_load %arg7[%get3A_1753, %get3A_1754] {strides = array<i32>} : memref<200x128xi32, #tpu.memory_space<vmem>>, vector<16xi32>,
        %lt3A_1756 = arith.constant 2 : i32
        %lt3A_1757 = vector.broadcast %lt3A_1756 : i32 to vector<16xi32>
        %lt3A_1758 = arith.cmpi slt, %get3A_1755, %lt3A_1757 : vector<16xi32>
        %or3A_1759 = arith.ori %broadcast_in_dim3A_1752, %lt3A_1758 : vector<16xi1>
        %get3A_1760 = arith.index_cast %sub3A_1739 : i32 to index
        %get3A_1761 = arith.constant 16 : index
        %get3A_1762 = tpu.vector_load %arg7[%get3A_1760, %get3A_1761] {strides = array<i32>} : memref<200x128xi32, #tpu.memory_space<vmem>>, vector<16xi32>,
        %lt3A_1763 = arith.constant 2 : i32
        %lt3A_1764 = vector.broadcast %lt3A_1763 : i32 to vector<16xi32>
        %lt3A_1765 = arith.cmpi slt, %get3A_1762, %lt3A_1764 : vector<16xi32>
        %or3A_1766 = arith.ori %or3A_1759, %lt3A_1765 : vector<16xi1>
        %get3A_1767 = arith.index_cast %sub3A_1739 : i32 to index
        %get3A_1768 = arith.constant 32 : index
        %get3A_1769 = tpu.vector_load %arg7[%get3A_1767, %get3A_1768] {strides = array<i32>} : memref<200x128xi32, #tpu.memory_space<vmem>>, vector<16xi32>,
        %lt3A_1770 = arith.constant 2 : i32
        %lt3A_1771 = vector.broadcast %lt3A_1770 : i32 to vector<16xi32>
        %lt3A_1772 = arith.cmpi slt, %get3A_1769, %lt3A_1771 : vector<16xi32>
        %or3A_1773 = arith.ori %or3A_1766, %lt3A_1772 : vector<16xi1>
        %get3A_1774 = arith.index_cast %sub3A_1739 : i32 to index
        %get3A_1775 = arith.constant 48 : index
        %get3A_1776 = tpu.vector_load %arg7[%get3A_1774, %get3A_1775] {strides = array<i32>} : memref<200x128xi32, #tpu.memory_space<vmem>>, vector<16xi32>,
        %lt3A_1777 = arith.constant 2 : i32
        %lt3A_1778 = vector.broadcast %lt3A_1777 : i32 to vector<16xi32>
        %lt3A_1779 = arith.cmpi slt, %get3A_1776, %lt3A_1778 : vector<16xi32>
        %or3A_1780 = arith.ori %or3A_1773, %lt3A_1779 : vector<16xi1>
        %get3A_1781 = arith.index_cast %sub3A_1739 : i32 to index
        %get3A_1782 = arith.constant 64 : index
        %get3A_1783 = tpu.vector_load %arg7[%get3A_1781, %get3A_1782] {strides = array<i32>} : memref<200x128xi32, #tpu.memory_space<vmem>>, vector<16xi32>,
        %lt3A_1784 = arith.constant 2 : i32
        %lt3A_1785 = vector.broadcast %lt3A_1784 : i32 to vector<16xi32>
        %lt3A_1786 = arith.cmpi slt, %get3A_1783, %lt3A_1785 : vector<16xi32>
        %or3A_1787 = arith.ori %or3A_1780, %lt3A_1786 : vector<16xi1>
        %get3A_1788 = arith.index_cast %sub3A_1739 : i32 to index
        %get3A_1789 = arith.constant 80 : index
        %get3A_1790 = tpu.vector_load %arg7[%get3A_1788, %get3A_1789] {strides = array<i32>} : memref<200x128xi32, #tpu.memory_space<vmem>>, vector<16xi32>,
        %lt3A_1791 = arith.constant 2 : i32
        %lt3A_1792 = vector.broadcast %lt3A_1791 : i32 to vector<16xi32>
        %lt3A_1793 = arith.cmpi slt, %get3A_1790, %lt3A_1792 : vector<16xi32>
        %or3A_1794 = arith.ori %or3A_1787, %lt3A_1793 : vector<16xi1>
        %get3A_1795 = arith.index_cast %sub3A_1739 : i32 to index
        %get3A_1796 = arith.constant 96 : index
        %get3A_1797 = tpu.vector_load %arg7[%get3A_1795, %get3A_1796] {strides = array<i32>} : memref<200x128xi32, #tpu.memory_space<vmem>>, vector<16xi32>,
        %lt3A_1798 = arith.constant 2 : i32
        %lt3A_1799 = vector.broadcast %lt3A_1798 : i32 to vector<16xi32>
        %lt3A_1800 = arith.cmpi slt, %get3A_1797, %lt3A_1799 : vector<16xi32>
        %or3A_1801 = arith.ori %or3A_1794, %lt3A_1800 : vector<16xi1>
        %get3A_1802 = arith.index_cast %sub3A_1739 : i32 to index
        %get3A_1803 = arith.constant 112 : index
        %get3A_1804 = tpu.vector_load %arg7[%get3A_1802, %get3A_1803] {strides = array<i32>} : memref<200x128xi32, #tpu.memory_space<vmem>>, vector<16xi32>,
        %lt3A_1805 = arith.constant 2 : i32
        %lt3A_1806 = vector.broadcast %lt3A_1805 : i32 to vector<16xi32>
        %lt3A_1807 = arith.cmpi slt, %get3A_1804, %lt3A_1806 : vector<16xi32>
        %or3A_1808 = arith.ori %or3A_1801, %lt3A_1807 : vector<16xi1>
        %reduce_or3A_1809 = arith.constant 1.000000e+00 : f32
        %reduce_or3A_1810 = arith.constant 0.000000e+00 : f32
        %reduce_or3A_1811 = vector.broadcast %reduce_or3A_1809 : f32 to vector<16xf32>
        %reduce_or3A_1812 = vector.broadcast %reduce_or3A_1810 : f32 to vector<16xf32>
        %reduce_or3A_1813 = arith.select %or3A_1808, %reduce_or3A_1811, %reduce_or3A_1812 : vector<16xi1>, vector<16xf32>
        %reduce_or3A_1814 = arith.constant true
        %reduce_or3A_1815 = vector.broadcast %reduce_or3A_1814 : i1 to vector<16xi1>
        %reduce_or3A_1816 = tpu.scan <max>, %reduce_or3A_1813 masked %reduce_or3A_1815 : vector<16xf32>, vector<16xi1> -> vector<16xf32>
        %reduce_or3A_1817 = vector.extract %reduce_or3A_1816[15] : f32 from vector<16xf32>
        %reduce_or3A_1818 = arith.constant 0.000000e+00 : f32
        %reduce_or3A_1819 = arith.cmpf ogt, %reduce_or3A_1817, %reduce_or3A_1818 : f32
        %convert_element_type3A_1820 = arith.extui %reduce_or3A_1819 : i1 to i32
        %cond3A_1821 = arith.constant 0 : i32
        %cond3A_1822 = arith.cmpi ne, %convert_element_type3A_1820, %cond3A_1821 : i32
        scf.if %cond3A_1822 {
          %scan3A_1840 = arith.constant 0 : i32
          %scan3A_1841 = arith.constant 0 : i32
          %scan3A_1842 = arith.constant 8 : i32
          %scan3A_1843 = arith.addi %scan3A_1841, %scan3A_1842 : i32
          %scan3A_1844 = arith.constant 1 : i32
          scf.for %scan3A_1846 = %scan3A_1841 to %scan3A_1843 step %scan3A_1844  : i32 {
            %mul3A_1847 = arith.constant 16 : i32
            %mul3A_1848 = arith.muli %scan3A_1846, %mul3A_1847 : i32
            %get3A_1849 = arith.index_cast %sub3A_1739 : i32 to index
            %get3A_1850 = arith.index_cast %mul3A_1848 : i32 to index
            %get3A_1851 = tpu.vector_load %arg7[%get3A_1849, %get3A_1850] {strides = array<i32>} : memref<200x128xi32, #tpu.memory_space<vmem>>, vector<16xi32>,
            %lt3A_1852 = arith.constant 2 : i32
            %lt3A_1853 = vector.broadcast %lt3A_1852 : i32 to vector<16xi32>
            %lt3A_1854 = arith.cmpi slt, %get3A_1851, %lt3A_1853 : vector<16xi32>
            %reduce_or3A_1855 = arith.constant 1.000000e+00 : f32
            %reduce_or3A_1856 = arith.constant 0.000000e+00 : f32
            %reduce_or3A_1857 = vector.broadcast %reduce_or3A_1855 : f32 to vector<16xf32>
            %reduce_or3A_1858 = vector.broadcast %reduce_or3A_1856 : f32 to vector<16xf32>
            %reduce_or3A_1859 = arith.select %lt3A_1854, %reduce_or3A_1857, %reduce_or3A_1858 : vector<16xi1>, vector<16xf32>
            %reduce_or3A_1860 = arith.constant true
            %reduce_or3A_1861 = vector.broadcast %reduce_or3A_1860 : i1 to vector<16xi1>
            %reduce_or3A_1862 = tpu.scan <max>, %reduce_or3A_1859 masked %reduce_or3A_1861 : vector<16xf32>, vector<16xi1> -> vector<16xf32>
            %reduce_or3A_1863 = vector.extract %reduce_or3A_1862[15] : f32 from vector<16xf32>
            %reduce_or3A_1864 = arith.constant 0.000000e+00 : f32
            %reduce_or3A_1865 = arith.cmpf ogt, %reduce_or3A_1863, %reduce_or3A_1864 : f32
            %convert_element_type3A_1866 = arith.extui %reduce_or3A_1865 : i1 to i32
            %cond3A_1867 = arith.constant 0 : i32
            %cond3A_1868 = arith.cmpi ne, %convert_element_type3A_1866, %cond3A_1867 : i32
            scf.if %cond3A_1868 {
              %lt3A_1869 = arith.constant 2 : i32
              %lt3A_1870 = vector.broadcast %lt3A_1869 : i32 to vector<16xi32>
              %lt3A_1871 = arith.cmpi slt, %get3A_1851, %lt3A_1870 : vector<16xi32>
              %min3A = arith.constant 1 : i32
              %min3A_1872 = vector.broadcast %min3A : i32 to vector<16xi32>
              %min3A_1873 = arith.minsi %get3A_1851, %min3A_1872 : vector<16xi32>
              %mul3A_1874 = arith.constant 16 : i32
              %mul3A_1875 = arith.muli %scan3A_1846, %mul3A_1874 : i32
              %add3A_1876 = vector.broadcast %mul3A_1875 : i32 to vector<16xi32>
              %add3A_1877 = arith.addi %iota3A, %add3A_1876 : vector<16xi32>
              %scan3A_1878 = arith.constant 0 : i32
              %scan3A_1879 = arith.constant 0 : i32
              %scan3A_1880 = arith.constant 64 : i32
              %scan3A_1881 = arith.addi %scan3A_1879, %scan3A_1880 : i32
              %scan3A_1882 = arith.constant 1 : i32
              scf.for %scan3A_1884 = %scan3A_1879 to %scan3A_1881 step %scan3A_1882  : i32 {
                %broadcast_in_dim3A_1885 = arith.constant 0 : i32
                %broadcast_in_dim3A_1886 = vector.broadcast %broadcast_in_dim3A_1885 : i32 to vector<16xi32>
                %add3A_1887 = vector.broadcast %scan3A_1884 : i32 to vector<16xi32>
                %add3A_1888 = arith.addi %broadcast_in_dim3A_1886, %add3A_1887 : vector<16xi32>
                %gather3A = tpu.vector_load_idx %arg10[%min3A_1873, %add3A_1888] : memref<2x64xf32, #tpu.memory_space<vmem>>[vector<16xi32>, vector<16xi32>], vector<16xf32>,
                %scatter3A = arith.constant 2 : i32
                %scatter3A_1889 = arith.constant 0 : i32
                %scatter3A_1890 = arith.constant 0 : i32
                %scatter3A_1891 = tpu.memref_slice %arg9[%scatter3A, %scatter3A_1889, %scatter3A_1890] : memref<8x128x64xf32, #tpu.memory_space<vmem>> -> memref<1x128x64xf32, #tpu.memory_space<vmem>>
                %scatter3A_1892 = tpu.memref_squeeze %scatter3A_1891 : memref<1x128x64xf32, #tpu.memory_space<vmem>> -> memref<128x64xf32, #tpu.memory_space<vmem>>
                tpu.vector_store_idx %scatter3A_1892[%add3A_1877, %add3A_1888], %gather3A masked %lt3A_1871 : memref<128x64xf32, #tpu.memory_space<vmem>>[vector<16xi32>, vector<16xi32>], vector<16xf32>, vector<16xi1>
              }
              %scan3A_1883 = arith.constant 64 : i32
            } else {
            }
          }
          %scan3A_1845 = arith.constant 8 : i32
        } else {
        }
        %dma_start3A_1823 = arith.constant 2 : i32
        %dma_start3A_1824 = arith.constant 0 : i32
        %dma_start3A_1825 = arith.constant 0 : i32
        %dma_start3A_1826 = tpu.memref_slice %arg9[%dma_start3A_1823, %dma_start3A_1824, %dma_start3A_1825] : memref<8x128x64xf32, #tpu.memory_space<vmem>> -> memref<1x128x64xf32, #tpu.memory_space<vmem>>
        %dma_start3A_1827 = tpu.memref_squeeze %dma_start3A_1826 : memref<1x128x64xf32, #tpu.memory_space<vmem>> -> memref<128x64xf32, #tpu.memory_space<vmem>>
        %dma_start3A_1828 = arith.constant 0 : i32
        %dma_start3A_1829 = arith.constant 0 : i32
        %dma_start3A_1830 = tpu.memref_slice %arg6[%add3A, %sub3A_1739, %dma_start3A_1828, %dma_start3A_1829] : memref<32x200x128x128xf32, #tpu.memory_space<hbm>> -> memref<1x1x128x64xf32, #tpu.memory_space<hbm>>
        %dma_start3A_1831 = tpu.memref_squeeze %dma_start3A_1830 : memref<1x1x128x64xf32, #tpu.memory_space<hbm>> -> memref<128x64xf32, #tpu.memory_space<hbm>>
        %dma_start3A_1832 = arith.constant 0 : i32
        %dma_start3A_1833 = arith.constant 0 : i32
        %dma_start3A_1834 = tpu.memref_slice %arg6[%add3A, %sub3A_1739, %dma_start3A_1832, %dma_start3A_1833] : memref<32x200x128x128xf32, #tpu.memory_space<hbm>> -> memref<1x1x128x64xf32, #tpu.memory_space<hbm>>
        %dma_start3A_1835 = tpu.memref_squeeze %dma_start3A_1834 : memref<1x1x128x64xf32, #tpu.memory_space<hbm>> -> memref<128x64xf32, #tpu.memory_space<hbm>>
        %dma_start3A_1836 = arith.constant 0 : i32
        %dma_start3A_1837 = arith.constant 0 : i32
        %dma_start3A_1838 = tpu.memref_slice %arg9[%dma_start3A_1823, %dma_start3A_1836, %dma_start3A_1837] : memref<8x128x64xf32, #tpu.memory_space<vmem>> -> memref<1x128x64xf32, #tpu.memory_space<vmem>>
        %dma_start3A_1839 = tpu.memref_squeeze %dma_start3A_1838 : memref<1x128x64xf32, #tpu.memory_space<vmem>> -> memref<128x64xf32, #tpu.memory_space<vmem>>
        tpu.enqueue_dma source(%dma_start3A_1839 : memref<128x64xf32, #tpu.memory_space<vmem>>) target(%dma_start3A_1835 : memref<128x64xf32, #tpu.memory_space<hbm>>) target_semaphore(%arg21 : memref<!tpu.dma_semaphore, #tpu.memory_space<semaphore_mem>>)
      } else {
      }
      %mul3A_1593 = arith.constant 8 : i32
      %mul3A_1594 = arith.muli %scan3A_581, %mul3A_1593 : i32
      %add3A_1595 = arith.constant 7 : i32
      %add3A_1596 = arith.addi %mul3A_1594, %add3A_1595 : i32
      %ge3A_1597 = arith.constant 8 : i32
      %ge3A_1598 = arith.cmpi sge, %add3A_1596, %ge3A_1597 : i32
      %convert_element_type3A_1599 = arith.extui %ge3A_1598 : i1 to i32
      %cond3A_1600 = arith.constant 0 : i32
      %cond3A_1601 = arith.cmpi ne, %convert_element_type3A_1599, %cond3A_1600 : i32
      scf.if %cond3A_1601 {
        %sub3A_1738 = arith.constant 8 : i32
        %sub3A_1739 = arith.subi %add3A_1596, %sub3A_1738 : i32
        %dma_wait3A_1740 = arith.constant 7 : i32
        %dma_wait3A_1741 = arith.constant 0 : i32
        %dma_wait3A_1742 = arith.constant 0 : i32
        %dma_wait3A_1743 = tpu.memref_slice %arg9[%dma_wait3A_1740, %dma_wait3A_1741, %dma_wait3A_1742] : memref<8x128x64xf32, #tpu.memory_space<vmem>> -> memref<1x128x64xf32, #tpu.memory_space<vmem>>
        %dma_wait3A_1744 = tpu.memref_squeeze %dma_wait3A_1743 : memref<1x128x64xf32, #tpu.memory_space<vmem>> -> memref<128x64xf32, #tpu.memory_space<vmem>>
        %dma_wait3A_1745 = arith.constant 0 : i32
        %dma_wait3A_1746 = arith.constant 0 : i32
        %dma_wait3A_1747 = tpu.memref_slice %arg6[%add3A, %sub3A_1739, %dma_wait3A_1745, %dma_wait3A_1746] : memref<32x200x128x128xf32, #tpu.memory_space<hbm>> -> memref<1x1x128x64xf32, #tpu.memory_space<hbm>>
        %dma_wait3A_1748 = tpu.memref_squeeze %dma_wait3A_1747 : memref<1x1x128x64xf32, #tpu.memory_space<hbm>> -> memref<128x64xf32, #tpu.memory_space<hbm>>
        %dma_wait3A_1749 = arith.constant 0 : i32
        %dma_wait3A_1750 = arith.constant 0 : i32
        %dma_wait3A_1751 = tpu.memref_slice %arg6[%add3A, %sub3A_1739, %dma_wait3A_1749, %dma_wait3A_1750] : memref<32x200x128x128xf32, #tpu.memory_space<hbm>> -> memref<1x1x128x64xf32, #tpu.memory_space<hbm>>
        %dma_wait3A_1752 = tpu.memref_squeeze %dma_wait3A_1751 : memref<1x1x128x64xf32, #tpu.memory_space<hbm>> -> memref<128x64xf32, #tpu.memory_space<hbm>>
        %dma_wait3A_1753 = arith.constant 0 : i32
        %dma_wait3A_1754 = arith.constant 0 : i32
        %dma_wait3A_1755 = tpu.memref_slice %arg9[%dma_wait3A_1740, %dma_wait3A_1753, %dma_wait3A_1754] : memref<8x128x64xf32, #tpu.memory_space<vmem>> -> memref<1x128x64xf32, #tpu.memory_space<vmem>>
        %dma_wait3A_1756 = tpu.memref_squeeze %dma_wait3A_1755 : memref<1x128x64xf32, #tpu.memory_space<vmem>> -> memref<128x64xf32, #tpu.memory_space<vmem>>
        tpu.wait_dma2 semaphore(%arg26 : memref<!tpu.dma_semaphore, #tpu.memory_space<semaphore_mem>>) src(%dma_wait3A_1756 : memref<128x64xf32, #tpu.memory_space<vmem>>) dst(%dma_wait3A_1752 : memref<128x64xf32, #tpu.memory_space<hbm>>)
      } else {
      }
      %get3A_1602 = arith.index_cast %add3A_1596 : i32 to index
      %get3A_1603 = arith.constant 0 : index
      %get3A_1604 = tpu.vector_load %arg7[%get3A_1602, %get3A_1603] {strides = array<i32>} : memref<200x128xi32, #tpu.memory_space<vmem>>, vector<16xi32>,
      %sub3A_1605 = arith.constant 2 : i32
      %sub3A_1606 = vector.broadcast %sub3A_1605 : i32 to vector<16xi32>
      %sub3A_1607 = arith.subi %get3A_1604, %sub3A_1606 : vector<16xi32>
      %max3A_1608 = arith.constant 0 : i32
      %max3A_1609 = vector.broadcast %max3A_1608 : i32 to vector<16xi32>
      %max3A_1610 = arith.maxsi %sub3A_1607, %max3A_1609 : vector<16xi32>
      %mul3A_1611 = arith.constant 2 : i32
      %mul3A_1612 = vector.broadcast %mul3A_1611 : i32 to vector<16xi32>
      %mul3A_1613 = arith.muli %max3A_1610, %mul3A_1612 : vector<16xi32>
      %swap3A_1614 = arith.index_cast %add3A_1596 : i32 to index
      %swap3A_1615 = arith.constant 0 : index
      %swap3A_1616 = tpu.vector_load %arg8[%swap3A_1614, %swap3A_1615] {strides = array<i32>} : memref<200x128xi32, #tpu.memory_space<vmem>>, vector<16xi32>,
      tpu.vector_store %arg8[%swap3A_1614, %swap3A_1615], %mul3A_1613 {strides = array<i32>} : memref<200x128xi32, #tpu.memory_space<vmem>>, vector<16xi32>,
      %get3A_1617 = arith.index_cast %add3A_1596 : i32 to index
      %get3A_1618 = arith.constant 16 : index
      %get3A_1619 = tpu.vector_load %arg7[%get3A_1617, %get3A_1618] {strides = array<i32>} : memref<200x128xi32, #tpu.memory_space<vmem>>, vector<16xi32>,
      %sub3A_1620 = arith.constant 2 : i32
      %sub3A_1621 = vector.broadcast %sub3A_1620 : i32 to vector<16xi32>
      %sub3A_1622 = arith.subi %get3A_1619, %sub3A_1621 : vector<16xi32>
      %max3A_1623 = arith.constant 0 : i32
      %max3A_1624 = vector.broadcast %max3A_1623 : i32 to vector<16xi32>
      %max3A_1625 = arith.maxsi %sub3A_1622, %max3A_1624 : vector<16xi32>
      %mul3A_1626 = arith.constant 2 : i32
      %mul3A_1627 = vector.broadcast %mul3A_1626 : i32 to vector<16xi32>
      %mul3A_1628 = arith.muli %max3A_1625, %mul3A_1627 : vector<16xi32>
      %swap3A_1629 = arith.index_cast %add3A_1596 : i32 to index
      %swap3A_1630 = arith.constant 16 : index
      %swap3A_1631 = tpu.vector_load %arg8[%swap3A_1629, %swap3A_1630] {strides = array<i32>} : memref<200x128xi32, #tpu.memory_space<vmem>>, vector<16xi32>,
      tpu.vector_store %arg8[%swap3A_1629, %swap3A_1630], %mul3A_1628 {strides = array<i32>} : memref<200x128xi32, #tpu.memory_space<vmem>>, vector<16xi32>,
      %get3A_1632 = arith.index_cast %add3A_1596 : i32 to index
      %get3A_1633 = arith.constant 32 : index
      %get3A_1634 = tpu.vector_load %arg7[%get3A_1632, %get3A_1633] {strides = array<i32>} : memref<200x128xi32, #tpu.memory_space<vmem>>, vector<16xi32>,
      %sub3A_1635 = arith.constant 2 : i32
      %sub3A_1636 = vector.broadcast %sub3A_1635 : i32 to vector<16xi32>
      %sub3A_1637 = arith.subi %get3A_1634, %sub3A_1636 : vector<16xi32>
      %max3A_1638 = arith.constant 0 : i32
      %max3A_1639 = vector.broadcast %max3A_1638 : i32 to vector<16xi32>
      %max3A_1640 = arith.maxsi %sub3A_1637, %max3A_1639 : vector<16xi32>
      %mul3A_1641 = arith.constant 2 : i32
      %mul3A_1642 = vector.broadcast %mul3A_1641 : i32 to vector<16xi32>
      %mul3A_1643 = arith.muli %max3A_1640, %mul3A_1642 : vector<16xi32>
      %swap3A_1644 = arith.index_cast %add3A_1596 : i32 to index
      %swap3A_1645 = arith.constant 32 : index
      %swap3A_1646 = tpu.vector_load %arg8[%swap3A_1644, %swap3A_1645] {strides = array<i32>} : memref<200x128xi32, #tpu.memory_space<vmem>>, vector<16xi32>,
      tpu.vector_store %arg8[%swap3A_1644, %swap3A_1645], %mul3A_1643 {strides = array<i32>} : memref<200x128xi32, #tpu.memory_space<vmem>>, vector<16xi32>,
      %get3A_1647 = arith.index_cast %add3A_1596 : i32 to index
      %get3A_1648 = arith.constant 48 : index
      %get3A_1649 = tpu.vector_load %arg7[%get3A_1647, %get3A_1648] {strides = array<i32>} : memref<200x128xi32, #tpu.memory_space<vmem>>, vector<16xi32>,
      %sub3A_1650 = arith.constant 2 : i32
      %sub3A_1651 = vector.broadcast %sub3A_1650 : i32 to vector<16xi32>
      %sub3A_1652 = arith.subi %get3A_1649, %sub3A_1651 : vector<16xi32>
      %max3A_1653 = arith.constant 0 : i32
      %max3A_1654 = vector.broadcast %max3A_1653 : i32 to vector<16xi32>
      %max3A_1655 = arith.maxsi %sub3A_1652, %max3A_1654 : vector<16xi32>
      %mul3A_1656 = arith.constant 2 : i32
      %mul3A_1657 = vector.broadcast %mul3A_1656 : i32 to vector<16xi32>
      %mul3A_1658 = arith.muli %max3A_1655, %mul3A_1657 : vector<16xi32>
      %swap3A_1659 = arith.index_cast %add3A_1596 : i32 to index
      %swap3A_1660 = arith.constant 48 : index
      %swap3A_1661 = tpu.vector_load %arg8[%swap3A_1659, %swap3A_1660] {strides = array<i32>} : memref<200x128xi32, #tpu.memory_space<vmem>>, vector<16xi32>,
      tpu.vector_store %arg8[%swap3A_1659, %swap3A_1660], %mul3A_1658 {strides = array<i32>} : memref<200x128xi32, #tpu.memory_space<vmem>>, vector<16xi32>,
      %get3A_1662 = arith.index_cast %add3A_1596 : i32 to index
      %get3A_1663 = arith.constant 64 : index
      %get3A_1664 = tpu.vector_load %arg7[%get3A_1662, %get3A_1663] {strides = array<i32>} : memref<200x128xi32, #tpu.memory_space<vmem>>, vector<16xi32>,
      %sub3A_1665 = arith.constant 2 : i32
      %sub3A_1666 = vector.broadcast %sub3A_1665 : i32 to vector<16xi32>
      %sub3A_1667 = arith.subi %get3A_1664, %sub3A_1666 : vector<16xi32>
      %max3A_1668 = arith.constant 0 : i32
      %max3A_1669 = vector.broadcast %max3A_1668 : i32 to vector<16xi32>
      %max3A_1670 = arith.maxsi %sub3A_1667, %max3A_1669 : vector<16xi32>
      %mul3A_1671 = arith.constant 2 : i32
      %mul3A_1672 = vector.broadcast %mul3A_1671 : i32 to vector<16xi32>
      %mul3A_1673 = arith.muli %max3A_1670, %mul3A_1672 : vector<16xi32>
      %swap3A_1674 = arith.index_cast %add3A_1596 : i32 to index
      %swap3A_1675 = arith.constant 64 : index
      %swap3A_1676 = tpu.vector_load %arg8[%swap3A_1674, %swap3A_1675] {strides = array<i32>} : memref<200x128xi32, #tpu.memory_space<vmem>>, vector<16xi32>,
      tpu.vector_store %arg8[%swap3A_1674, %swap3A_1675], %mul3A_1673 {strides = array<i32>} : memref<200x128xi32, #tpu.memory_space<vmem>>, vector<16xi32>,
      %get3A_1677 = arith.index_cast %add3A_1596 : i32 to index
      %get3A_1678 = arith.constant 80 : index
      %get3A_1679 = tpu.vector_load %arg7[%get3A_1677, %get3A_1678] {strides = array<i32>} : memref<200x128xi32, #tpu.memory_space<vmem>>, vector<16xi32>,
      %sub3A_1680 = arith.constant 2 : i32
      %sub3A_1681 = vector.broadcast %sub3A_1680 : i32 to vector<16xi32>
      %sub3A_1682 = arith.subi %get3A_1679, %sub3A_1681 : vector<16xi32>
      %max3A_1683 = arith.constant 0 : i32
      %max3A_1684 = vector.broadcast %max3A_1683 : i32 to vector<16xi32>
      %max3A_1685 = arith.maxsi %sub3A_1682, %max3A_1684 : vector<16xi32>
      %mul3A_1686 = arith.constant 2 : i32
      %mul3A_1687 = vector.broadcast %mul3A_1686 : i32 to vector<16xi32>
      %mul3A_1688 = arith.muli %max3A_1685, %mul3A_1687 : vector<16xi32>
      %swap3A_1689 = arith.index_cast %add3A_1596 : i32 to index
      %swap3A_1690 = arith.constant 80 : index
      %swap3A_1691 = tpu.vector_load %arg8[%swap3A_1689, %swap3A_1690] {strides = array<i32>} : memref<200x128xi32, #tpu.memory_space<vmem>>, vector<16xi32>,
      tpu.vector_store %arg8[%swap3A_1689, %swap3A_1690], %mul3A_1688 {strides = array<i32>} : memref<200x128xi32, #tpu.memory_space<vmem>>, vector<16xi32>,
      %get3A_1692 = arith.index_cast %add3A_1596 : i32 to index
      %get3A_1693 = arith.constant 96 : index
      %get3A_1694 = tpu.vector_load %arg7[%get3A_1692, %get3A_1693] {strides = array<i32>} : memref<200x128xi32, #tpu.memory_space<vmem>>, vector<16xi32>,
      %sub3A_1695 = arith.constant 2 : i32
      %sub3A_1696 = vector.broadcast %sub3A_1695 : i32 to vector<16xi32>
      %sub3A_1697 = arith.subi %get3A_1694, %sub3A_1696 : vector<16xi32>
      %max3A_1698 = arith.constant 0 : i32
      %max3A_1699 = vector.broadcast %max3A_1698 : i32 to vector<16xi32>
      %max3A_1700 = arith.maxsi %sub3A_1697, %max3A_1699 : vector<16xi32>
      %mul3A_1701 = arith.constant 2 : i32
      %mul3A_1702 = vector.broadcast %mul3A_1701 : i32 to vector<16xi32>
      %mul3A_1703 = arith.muli %max3A_1700, %mul3A_1702 : vector<16xi32>
      %swap3A_1704 = arith.index_cast %add3A_1596 : i32 to index
      %swap3A_1705 = arith.constant 96 : index
      %swap3A_1706 = tpu.vector_load %arg8[%swap3A_1704, %swap3A_1705] {strides = array<i32>} : memref<200x128xi32, #tpu.memory_space<vmem>>, vector<16xi32>,
      tpu.vector_store %arg8[%swap3A_1704, %swap3A_1705], %mul3A_1703 {strides = array<i32>} : memref<200x128xi32, #tpu.memory_space<vmem>>, vector<16xi32>,
      %get3A_1707 = arith.index_cast %add3A_1596 : i32 to index
      %get3A_1708 = arith.constant 112 : index
      %get3A_1709 = tpu.vector_load %arg7[%get3A_1707, %get3A_1708] {strides = array<i32>} : memref<200x128xi32, #tpu.memory_space<vmem>>, vector<16xi32>,
      %sub3A_1710 = arith.constant 2 : i32
      %sub3A_1711 = vector.broadcast %sub3A_1710 : i32 to vector<16xi32>
      %sub3A_1712 = arith.subi %get3A_1709, %sub3A_1711 : vector<16xi32>
      %max3A_1713 = arith.constant 0 : i32
      %max3A_1714 = vector.broadcast %max3A_1713 : i32 to vector<16xi32>
      %max3A_1715 = arith.maxsi %sub3A_1712, %max3A_1714 : vector<16xi32>
      %mul3A_1716 = arith.constant 2 : i32
      %mul3A_1717 = vector.broadcast %mul3A_1716 : i32 to vector<16xi32>
      %mul3A_1718 = arith.muli %max3A_1715, %mul3A_1717 : vector<16xi32>
      %swap3A_1719 = arith.index_cast %add3A_1596 : i32 to index
      %swap3A_1720 = arith.constant 112 : index
      %swap3A_1721 = tpu.vector_load %arg8[%swap3A_1719, %swap3A_1720] {strides = array<i32>} : memref<200x128xi32, #tpu.memory_space<vmem>>, vector<16xi32>,
      tpu.vector_store %arg8[%swap3A_1719, %swap3A_1720], %mul3A_1718 {strides = array<i32>} : memref<200x128xi32, #tpu.memory_space<vmem>>, vector<16xi32>,
      %dma_start3A_1722 = arith.constant 7 : i32
      %dma_start3A_1723 = arith.constant 0 : i32
      %dma_start3A_1724 = arith.constant 0 : i32
      %dma_start3A_1725 = tpu.memref_slice %arg9[%dma_start3A_1722, %dma_start3A_1723, %dma_start3A_1724] : memref<8x128x64xf32, #tpu.memory_space<vmem>> -> memref<1x128x64xf32, #tpu.memory_space<vmem>>
      %dma_start3A_1726 = tpu.memref_squeeze %dma_start3A_1725 : memref<1x128x64xf32, #tpu.memory_space<vmem>> -> memref<128x64xf32, #tpu.memory_space<vmem>>
      %dma_start3A_1727 = arith.constant 0 : i32
      %dma_start3A_1728 = tpu.memref_slice %arg8[%add3A_1596, %dma_start3A_1727] : memref<200x128xi32, #tpu.memory_space<vmem>> -> memref<1x128xi32, #tpu.memory_space<vmem>>
      %dma_start3A_1729 = tpu.memref_squeeze %dma_start3A_1728 : memref<1x128xi32, #tpu.memory_space<vmem>> -> memref<128xi32, #tpu.memory_space<vmem>>
      %dma_start3A_1730 = arith.constant 0 : i32
      %dma_start3A_1731 = arith.constant 0 : i32
      %dma_start3A_1732 = tpu.memref_slice %arg5[%dma_start3A_1730, %dma_start3A_1731] : memref<2000000x64xf32, #tpu.memory_space<hbm>> -> memref<2000000x64xf32, #tpu.memory_space<hbm>>
      tpu.enqueue_indirect_dma source(%dma_start3A_1732 : memref<2000000x64xf32, #tpu.memory_space<hbm>>) target(%dma_start3A_1726 : memref<128x64xf32, #tpu.memory_space<vmem>>) offsets(%dma_start3A_1729 : memref<128xi32, #tpu.memory_space<vmem>>) semaphore(%arg18 : memref<!tpu.dma_semaphore, #tpu.memory_space<semaphore_mem>>)
      %ge3A_1733 = arith.constant 4 : i32
      %ge3A_1734 = arith.cmpi sge, %add3A_1596, %ge3A_1733 : i32
      %convert_element_type3A_1735 = arith.extui %ge3A_1734 : i1 to i32
      %cond3A_1736 = arith.constant 0 : i32
      %cond3A_1737 = arith.cmpi ne, %convert_element_type3A_1735, %cond3A_1736 : i32
      scf.if %cond3A_1737 {
        %sub3A_1738 = arith.constant 4 : i32
        %sub3A_1739 = arith.subi %add3A_1596, %sub3A_1738 : i32
        %dma_wait3A_1740 = arith.constant 3 : i32
        %dma_wait3A_1741 = arith.constant 0 : i32
        %dma_wait3A_1742 = arith.constant 0 : i32
        %dma_wait3A_1743 = tpu.memref_slice %arg9[%dma_wait3A_1740, %dma_wait3A_1741, %dma_wait3A_1742] : memref<8x128x64xf32, #tpu.memory_space<vmem>> -> memref<1x128x64xf32, #tpu.memory_space<vmem>>
        %dma_wait3A_1744 = tpu.memref_squeeze %dma_wait3A_1743 : memref<1x128x64xf32, #tpu.memory_space<vmem>> -> memref<128x64xf32, #tpu.memory_space<vmem>>
        %dma_wait3A_1745 = arith.constant 0 : i32
        %dma_wait3A_1746 = tpu.memref_slice %arg8[%sub3A_1739, %dma_wait3A_1745] : memref<200x128xi32, #tpu.memory_space<vmem>> -> memref<1x128xi32, #tpu.memory_space<vmem>>
        %dma_wait3A_1747 = tpu.memref_squeeze %dma_wait3A_1746 : memref<1x128xi32, #tpu.memory_space<vmem>> -> memref<128xi32, #tpu.memory_space<vmem>>
        %dma_wait3A_1748 = arith.constant 0 : i32
        %dma_wait3A_1749 = arith.constant 0 : i32
        %dma_wait3A_1750 = tpu.memref_slice %arg5[%dma_wait3A_1748, %dma_wait3A_1749] : memref<2000000x64xf32, #tpu.memory_space<hbm>> -> memref<2000000x64xf32, #tpu.memory_space<hbm>>
        tpu.wait_indirect_dma semaphore(%arg14 : memref<!tpu.dma_semaphore, #tpu.memory_space<semaphore_mem>>) src(%dma_wait3A_1750 : memref<2000000x64xf32, #tpu.memory_space<hbm>>) dst(%dma_wait3A_1744 : memref<128x64xf32, #tpu.memory_space<vmem>>)
        %broadcast_in_dim3A_1751 = arith.constant false
        %broadcast_in_dim3A_1752 = vector.broadcast %broadcast_in_dim3A_1751 : i1 to vector<16xi1>
        %get3A_1753 = arith.index_cast %sub3A_1739 : i32 to index
        %get3A_1754 = arith.constant 0 : index
        %get3A_1755 = tpu.vector_load %arg7[%get3A_1753, %get3A_1754] {strides = array<i32>} : memref<200x128xi32, #tpu.memory_space<vmem>>, vector<16xi32>,
        %lt3A_1756 = arith.constant 2 : i32
        %lt3A_1757 = vector.broadcast %lt3A_1756 : i32 to vector<16xi32>
        %lt3A_1758 = arith.cmpi slt, %get3A_1755, %lt3A_1757 : vector<16xi32>
        %or3A_1759 = arith.ori %broadcast_in_dim3A_1752, %lt3A_1758 : vector<16xi1>
        %get3A_1760 = arith.index_cast %sub3A_1739 : i32 to index
        %get3A_1761 = arith.constant 16 : index
        %get3A_1762 = tpu.vector_load %arg7[%get3A_1760, %get3A_1761] {strides = array<i32>} : memref<200x128xi32, #tpu.memory_space<vmem>>, vector<16xi32>,
        %lt3A_1763 = arith.constant 2 : i32
        %lt3A_1764 = vector.broadcast %lt3A_1763 : i32 to vector<16xi32>
        %lt3A_1765 = arith.cmpi slt, %get3A_1762, %lt3A_1764 : vector<16xi32>
        %or3A_1766 = arith.ori %or3A_1759, %lt3A_1765 : vector<16xi1>
        %get3A_1767 = arith.index_cast %sub3A_1739 : i32 to index
        %get3A_1768 = arith.constant 32 : index
        %get3A_1769 = tpu.vector_load %arg7[%get3A_1767, %get3A_1768] {strides = array<i32>} : memref<200x128xi32, #tpu.memory_space<vmem>>, vector<16xi32>,
        %lt3A_1770 = arith.constant 2 : i32
        %lt3A_1771 = vector.broadcast %lt3A_1770 : i32 to vector<16xi32>
        %lt3A_1772 = arith.cmpi slt, %get3A_1769, %lt3A_1771 : vector<16xi32>
        %or3A_1773 = arith.ori %or3A_1766, %lt3A_1772 : vector<16xi1>
        %get3A_1774 = arith.index_cast %sub3A_1739 : i32 to index
        %get3A_1775 = arith.constant 48 : index
        %get3A_1776 = tpu.vector_load %arg7[%get3A_1774, %get3A_1775] {strides = array<i32>} : memref<200x128xi32, #tpu.memory_space<vmem>>, vector<16xi32>,
        %lt3A_1777 = arith.constant 2 : i32
        %lt3A_1778 = vector.broadcast %lt3A_1777 : i32 to vector<16xi32>
        %lt3A_1779 = arith.cmpi slt, %get3A_1776, %lt3A_1778 : vector<16xi32>
        %or3A_1780 = arith.ori %or3A_1773, %lt3A_1779 : vector<16xi1>
        %get3A_1781 = arith.index_cast %sub3A_1739 : i32 to index
        %get3A_1782 = arith.constant 64 : index
        %get3A_1783 = tpu.vector_load %arg7[%get3A_1781, %get3A_1782] {strides = array<i32>} : memref<200x128xi32, #tpu.memory_space<vmem>>, vector<16xi32>,
        %lt3A_1784 = arith.constant 2 : i32
        %lt3A_1785 = vector.broadcast %lt3A_1784 : i32 to vector<16xi32>
        %lt3A_1786 = arith.cmpi slt, %get3A_1783, %lt3A_1785 : vector<16xi32>
        %or3A_1787 = arith.ori %or3A_1780, %lt3A_1786 : vector<16xi1>
        %get3A_1788 = arith.index_cast %sub3A_1739 : i32 to index
        %get3A_1789 = arith.constant 80 : index
        %get3A_1790 = tpu.vector_load %arg7[%get3A_1788, %get3A_1789] {strides = array<i32>} : memref<200x128xi32, #tpu.memory_space<vmem>>, vector<16xi32>,
        %lt3A_1791 = arith.constant 2 : i32
        %lt3A_1792 = vector.broadcast %lt3A_1791 : i32 to vector<16xi32>
        %lt3A_1793 = arith.cmpi slt, %get3A_1790, %lt3A_1792 : vector<16xi32>
        %or3A_1794 = arith.ori %or3A_1787, %lt3A_1793 : vector<16xi1>
        %get3A_1795 = arith.index_cast %sub3A_1739 : i32 to index
        %get3A_1796 = arith.constant 96 : index
        %get3A_1797 = tpu.vector_load %arg7[%get3A_1795, %get3A_1796] {strides = array<i32>} : memref<200x128xi32, #tpu.memory_space<vmem>>, vector<16xi32>,
        %lt3A_1798 = arith.constant 2 : i32
        %lt3A_1799 = vector.broadcast %lt3A_1798 : i32 to vector<16xi32>
        %lt3A_1800 = arith.cmpi slt, %get3A_1797, %lt3A_1799 : vector<16xi32>
        %or3A_1801 = arith.ori %or3A_1794, %lt3A_1800 : vector<16xi1>
        %get3A_1802 = arith.index_cast %sub3A_1739 : i32 to index
        %get3A_1803 = arith.constant 112 : index
        %get3A_1804 = tpu.vector_load %arg7[%get3A_1802, %get3A_1803] {strides = array<i32>} : memref<200x128xi32, #tpu.memory_space<vmem>>, vector<16xi32>,
        %lt3A_1805 = arith.constant 2 : i32
        %lt3A_1806 = vector.broadcast %lt3A_1805 : i32 to vector<16xi32>
        %lt3A_1807 = arith.cmpi slt, %get3A_1804, %lt3A_1806 : vector<16xi32>
        %or3A_1808 = arith.ori %or3A_1801, %lt3A_1807 : vector<16xi1>
        %reduce_or3A_1809 = arith.constant 1.000000e+00 : f32
        %reduce_or3A_1810 = arith.constant 0.000000e+00 : f32
        %reduce_or3A_1811 = vector.broadcast %reduce_or3A_1809 : f32 to vector<16xf32>
        %reduce_or3A_1812 = vector.broadcast %reduce_or3A_1810 : f32 to vector<16xf32>
        %reduce_or3A_1813 = arith.select %or3A_1808, %reduce_or3A_1811, %reduce_or3A_1812 : vector<16xi1>, vector<16xf32>
        %reduce_or3A_1814 = arith.constant true
        %reduce_or3A_1815 = vector.broadcast %reduce_or3A_1814 : i1 to vector<16xi1>
        %reduce_or3A_1816 = tpu.scan <max>, %reduce_or3A_1813 masked %reduce_or3A_1815 : vector<16xf32>, vector<16xi1> -> vector<16xf32>
        %reduce_or3A_1817 = vector.extract %reduce_or3A_1816[15] : f32 from vector<16xf32>
        %reduce_or3A_1818 = arith.constant 0.000000e+00 : f32
        %reduce_or3A_1819 = arith.cmpf ogt, %reduce_or3A_1817, %reduce_or3A_1818 : f32
        %convert_element_type3A_1820 = arith.extui %reduce_or3A_1819 : i1 to i32
        %cond3A_1821 = arith.constant 0 : i32
        %cond3A_1822 = arith.cmpi ne, %convert_element_type3A_1820, %cond3A_1821 : i32
        scf.if %cond3A_1822 {
          %scan3A_1840 = arith.constant 0 : i32
          %scan3A_1841 = arith.constant 0 : i32
          %scan3A_1842 = arith.constant 8 : i32
          %scan3A_1843 = arith.addi %scan3A_1841, %scan3A_1842 : i32
          %scan3A_1844 = arith.constant 1 : i32
          scf.for %scan3A_1846 = %scan3A_1841 to %scan3A_1843 step %scan3A_1844  : i32 {
            %mul3A_1847 = arith.constant 16 : i32
            %mul3A_1848 = arith.muli %scan3A_1846, %mul3A_1847 : i32
            %get3A_1849 = arith.index_cast %sub3A_1739 : i32 to index
            %get3A_1850 = arith.index_cast %mul3A_1848 : i32 to index
            %get3A_1851 = tpu.vector_load %arg7[%get3A_1849, %get3A_1850] {strides = array<i32>} : memref<200x128xi32, #tpu.memory_space<vmem>>, vector<16xi32>,
            %lt3A_1852 = arith.constant 2 : i32
            %lt3A_1853 = vector.broadcast %lt3A_1852 : i32 to vector<16xi32>
            %lt3A_1854 = arith.cmpi slt, %get3A_1851, %lt3A_1853 : vector<16xi32>
            %reduce_or3A_1855 = arith.constant 1.000000e+00 : f32
            %reduce_or3A_1856 = arith.constant 0.000000e+00 : f32
            %reduce_or3A_1857 = vector.broadcast %reduce_or3A_1855 : f32 to vector<16xf32>
            %reduce_or3A_1858 = vector.broadcast %reduce_or3A_1856 : f32 to vector<16xf32>
            %reduce_or3A_1859 = arith.select %lt3A_1854, %reduce_or3A_1857, %reduce_or3A_1858 : vector<16xi1>, vector<16xf32>
            %reduce_or3A_1860 = arith.constant true
            %reduce_or3A_1861 = vector.broadcast %reduce_or3A_1860 : i1 to vector<16xi1>
            %reduce_or3A_1862 = tpu.scan <max>, %reduce_or3A_1859 masked %reduce_or3A_1861 : vector<16xf32>, vector<16xi1> -> vector<16xf32>
            %reduce_or3A_1863 = vector.extract %reduce_or3A_1862[15] : f32 from vector<16xf32>
            %reduce_or3A_1864 = arith.constant 0.000000e+00 : f32
            %reduce_or3A_1865 = arith.cmpf ogt, %reduce_or3A_1863, %reduce_or3A_1864 : f32
            %convert_element_type3A_1866 = arith.extui %reduce_or3A_1865 : i1 to i32
            %cond3A_1867 = arith.constant 0 : i32
            %cond3A_1868 = arith.cmpi ne, %convert_element_type3A_1866, %cond3A_1867 : i32
            scf.if %cond3A_1868 {
              %lt3A_1869 = arith.constant 2 : i32
              %lt3A_1870 = vector.broadcast %lt3A_1869 : i32 to vector<16xi32>
              %lt3A_1871 = arith.cmpi slt, %get3A_1851, %lt3A_1870 : vector<16xi32>
              %min3A = arith.constant 1 : i32
              %min3A_1872 = vector.broadcast %min3A : i32 to vector<16xi32>
              %min3A_1873 = arith.minsi %get3A_1851, %min3A_1872 : vector<16xi32>
              %mul3A_1874 = arith.constant 16 : i32
              %mul3A_1875 = arith.muli %scan3A_1846, %mul3A_1874 : i32
              %add3A_1876 = vector.broadcast %mul3A_1875 : i32 to vector<16xi32>
              %add3A_1877 = arith.addi %iota3A, %add3A_1876 : vector<16xi32>
              %scan3A_1878 = arith.constant 0 : i32
              %scan3A_1879 = arith.constant 0 : i32
              %scan3A_1880 = arith.constant 64 : i32
              %scan3A_1881 = arith.addi %scan3A_1879, %scan3A_1880 : i32
              %scan3A_1882 = arith.constant 1 : i32
              scf.for %scan3A_1884 = %scan3A_1879 to %scan3A_1881 step %scan3A_1882  : i32 {
                %broadcast_in_dim3A_1885 = arith.constant 0 : i32
                %broadcast_in_dim3A_1886 = vector.broadcast %broadcast_in_dim3A_1885 : i32 to vector<16xi32>
                %add3A_1887 = vector.broadcast %scan3A_1884 : i32 to vector<16xi32>
                %add3A_1888 = arith.addi %broadcast_in_dim3A_1886, %add3A_1887 : vector<16xi32>
                %gather3A = tpu.vector_load_idx %arg10[%min3A_1873, %add3A_1888] : memref<2x64xf32, #tpu.memory_space<vmem>>[vector<16xi32>, vector<16xi32>], vector<16xf32>,
                %scatter3A = arith.constant 3 : i32
                %scatter3A_1889 = arith.constant 0 : i32
                %scatter3A_1890 = arith.constant 0 : i32
                %scatter3A_1891 = tpu.memref_slice %arg9[%scatter3A, %scatter3A_1889, %scatter3A_1890] : memref<8x128x64xf32, #tpu.memory_space<vmem>> -> memref<1x128x64xf32, #tpu.memory_space<vmem>>
                %scatter3A_1892 = tpu.memref_squeeze %scatter3A_1891 : memref<1x128x64xf32, #tpu.memory_space<vmem>> -> memref<128x64xf32, #tpu.memory_space<vmem>>
                tpu.vector_store_idx %scatter3A_1892[%add3A_1877, %add3A_1888], %gather3A masked %lt3A_1871 : memref<128x64xf32, #tpu.memory_space<vmem>>[vector<16xi32>, vector<16xi32>], vector<16xf32>, vector<16xi1>
              }
              %scan3A_1883 = arith.constant 64 : i32
            } else {
            }
          }
          %scan3A_1845 = arith.constant 8 : i32
        } else {
        }
        %dma_start3A_1823 = arith.constant 3 : i32
        %dma_start3A_1824 = arith.constant 0 : i32
        %dma_start3A_1825 = arith.constant 0 : i32
        %dma_start3A_1826 = tpu.memref_slice %arg9[%dma_start3A_1823, %dma_start3A_1824, %dma_start3A_1825] : memref<8x128x64xf32, #tpu.memory_space<vmem>> -> memref<1x128x64xf32, #tpu.memory_space<vmem>>
        %dma_start3A_1827 = tpu.memref_squeeze %dma_start3A_1826 : memref<1x128x64xf32, #tpu.memory_space<vmem>> -> memref<128x64xf32, #tpu.memory_space<vmem>>
        %dma_start3A_1828 = arith.constant 0 : i32
        %dma_start3A_1829 = arith.constant 0 : i32
        %dma_start3A_1830 = tpu.memref_slice %arg6[%add3A, %sub3A_1739, %dma_start3A_1828, %dma_start3A_1829] : memref<32x200x128x128xf32, #tpu.memory_space<hbm>> -> memref<1x1x128x64xf32, #tpu.memory_space<hbm>>
        %dma_start3A_1831 = tpu.memref_squeeze %dma_start3A_1830 : memref<1x1x128x64xf32, #tpu.memory_space<hbm>> -> memref<128x64xf32, #tpu.memory_space<hbm>>
        %dma_start3A_1832 = arith.constant 0 : i32
        %dma_start3A_1833 = arith.constant 0 : i32
        %dma_start3A_1834 = tpu.memref_slice %arg6[%add3A, %sub3A_1739, %dma_start3A_1832, %dma_start3A_1833] : memref<32x200x128x128xf32, #tpu.memory_space<hbm>> -> memref<1x1x128x64xf32, #tpu.memory_space<hbm>>
        %dma_start3A_1835 = tpu.memref_squeeze %dma_start3A_1834 : memref<1x1x128x64xf32, #tpu.memory_space<hbm>> -> memref<128x64xf32, #tpu.memory_space<hbm>>
        %dma_start3A_1836 = arith.constant 0 : i32
        %dma_start3A_1837 = arith.constant 0 : i32
        %dma_start3A_1838 = tpu.memref_slice %arg9[%dma_start3A_1823, %dma_start3A_1836, %dma_start3A_1837] : memref<8x128x64xf32, #tpu.memory_space<vmem>> -> memref<1x128x64xf32, #tpu.memory_space<vmem>>
        %dma_start3A_1839 = tpu.memref_squeeze %dma_start3A_1838 : memref<1x128x64xf32, #tpu.memory_space<vmem>> -> memref<128x64xf32, #tpu.memory_space<vmem>>
        tpu.enqueue_dma source(%dma_start3A_1839 : memref<128x64xf32, #tpu.memory_space<vmem>>) target(%dma_start3A_1835 : memref<128x64xf32, #tpu.memory_space<hbm>>) target_semaphore(%arg22 : memref<!tpu.dma_semaphore, #tpu.memory_space<semaphore_mem>>)
      } else {
      }
    }
    %scan3A_5 = arith.constant 25 : i32
    %dma_wait3A = arith.constant 196 : i32
    %dma_wait3A_6 = arith.constant 4 : i32
    %dma_wait3A_7 = arith.constant 0 : i32
    %dma_wait3A_8 = arith.constant 0 : i32
    %dma_wait3A_9 = tpu.memref_slice %arg9[%dma_wait3A_6, %dma_wait3A_7, %dma_wait3A_8] : memref<8x128x64xf32, #tpu.memory_space<vmem>> -> memref<1x128x64xf32, #tpu.memory_space<vmem>>
    %dma_wait3A_10 = tpu.memref_squeeze %dma_wait3A_9 : memref<1x128x64xf32, #tpu.memory_space<vmem>> -> memref<128x64xf32, #tpu.memory_space<vmem>>
    %dma_wait3A_11 = arith.constant 0 : i32
    %dma_wait3A_12 = tpu.memref_slice %arg8[%dma_wait3A, %dma_wait3A_11] : memref<200x128xi32, #tpu.memory_space<vmem>> -> memref<1x128xi32, #tpu.memory_space<vmem>>
    %dma_wait3A_13 = tpu.memref_squeeze %dma_wait3A_12 : memref<1x128xi32, #tpu.memory_space<vmem>> -> memref<128xi32, #tpu.memory_space<vmem>>
    %dma_wait3A_14 = arith.constant 0 : i32
    %dma_wait3A_15 = arith.constant 0 : i32
    %dma_wait3A_16 = tpu.memref_slice %arg5[%dma_wait3A_14, %dma_wait3A_15] : memref<2000000x64xf32, #tpu.memory_space<hbm>> -> memref<2000000x64xf32, #tpu.memory_space<hbm>>
    tpu.wait_indirect_dma semaphore(%arg15 : memref<!tpu.dma_semaphore, #tpu.memory_space<semaphore_mem>>) src(%dma_wait3A_16 : memref<2000000x64xf32, #tpu.memory_space<hbm>>) dst(%dma_wait3A_10 : memref<128x64xf32, #tpu.memory_space<vmem>>)
    %broadcast_in_dim3A = arith.constant false
    %broadcast_in_dim3A_17 = vector.broadcast %broadcast_in_dim3A : i1 to vector<16xi1>
    %get3A = arith.constant 196 : i32
    %get3A_18 = arith.index_cast %get3A : i32 to index
    %get3A_19 = arith.constant 0 : index
    %get3A_20 = tpu.vector_load %arg7[%get3A_18, %get3A_19] {strides = array<i32>} : memref<200x128xi32, #tpu.memory_space<vmem>>, vector<16xi32>,
    %lt3A = arith.constant 2 : i32
    %lt3A_21 = vector.broadcast %lt3A : i32 to vector<16xi32>
    %lt3A_22 = arith.cmpi slt, %get3A_20, %lt3A_21 : vector<16xi32>
    %or3A = arith.ori %broadcast_in_dim3A_17, %lt3A_22 : vector<16xi1>
    %get3A_23 = arith.constant 196 : i32
    %get3A_24 = arith.index_cast %get3A_23 : i32 to index
    %get3A_25 = arith.constant 16 : index
    %get3A_26 = tpu.vector_load %arg7[%get3A_24, %get3A_25] {strides = array<i32>} : memref<200x128xi32, #tpu.memory_space<vmem>>, vector<16xi32>,
    %lt3A_27 = arith.constant 2 : i32
    %lt3A_28 = vector.broadcast %lt3A_27 : i32 to vector<16xi32>
    %lt3A_29 = arith.cmpi slt, %get3A_26, %lt3A_28 : vector<16xi32>
    %or3A_30 = arith.ori %or3A, %lt3A_29 : vector<16xi1>
    %get3A_31 = arith.constant 196 : i32
    %get3A_32 = arith.index_cast %get3A_31 : i32 to index
    %get3A_33 = arith.constant 32 : index
    %get3A_34 = tpu.vector_load %arg7[%get3A_32, %get3A_33] {strides = array<i32>} : memref<200x128xi32, #tpu.memory_space<vmem>>, vector<16xi32>,
    %lt3A_35 = arith.constant 2 : i32
    %lt3A_36 = vector.broadcast %lt3A_35 : i32 to vector<16xi32>
    %lt3A_37 = arith.cmpi slt, %get3A_34, %lt3A_36 : vector<16xi32>
    %or3A_38 = arith.ori %or3A_30, %lt3A_37 : vector<16xi1>
    %get3A_39 = arith.constant 196 : i32
    %get3A_40 = arith.index_cast %get3A_39 : i32 to index
    %get3A_41 = arith.constant 48 : index
    %get3A_42 = tpu.vector_load %arg7[%get3A_40, %get3A_41] {strides = array<i32>} : memref<200x128xi32, #tpu.memory_space<vmem>>, vector<16xi32>,
    %lt3A_43 = arith.constant 2 : i32
    %lt3A_44 = vector.broadcast %lt3A_43 : i32 to vector<16xi32>
    %lt3A_45 = arith.cmpi slt, %get3A_42, %lt3A_44 : vector<16xi32>
    %or3A_46 = arith.ori %or3A_38, %lt3A_45 : vector<16xi1>
    %get3A_47 = arith.constant 196 : i32
    %get3A_48 = arith.index_cast %get3A_47 : i32 to index
    %get3A_49 = arith.constant 64 : index
    %get3A_50 = tpu.vector_load %arg7[%get3A_48, %get3A_49] {strides = array<i32>} : memref<200x128xi32, #tpu.memory_space<vmem>>, vector<16xi32>,
    %lt3A_51 = arith.constant 2 : i32
    %lt3A_52 = vector.broadcast %lt3A_51 : i32 to vector<16xi32>
    %lt3A_53 = arith.cmpi slt, %get3A_50, %lt3A_52 : vector<16xi32>
    %or3A_54 = arith.ori %or3A_46, %lt3A_53 : vector<16xi1>
    %get3A_55 = arith.constant 196 : i32
    %get3A_56 = arith.index_cast %get3A_55 : i32 to index
    %get3A_57 = arith.constant 80 : index
    %get3A_58 = tpu.vector_load %arg7[%get3A_56, %get3A_57] {strides = array<i32>} : memref<200x128xi32, #tpu.memory_space<vmem>>, vector<16xi32>,
    %lt3A_59 = arith.constant 2 : i32
    %lt3A_60 = vector.broadcast %lt3A_59 : i32 to vector<16xi32>
    %lt3A_61 = arith.cmpi slt, %get3A_58, %lt3A_60 : vector<16xi32>
    %or3A_62 = arith.ori %or3A_54, %lt3A_61 : vector<16xi1>
    %get3A_63 = arith.constant 196 : i32
    %get3A_64 = arith.index_cast %get3A_63 : i32 to index
    %get3A_65 = arith.constant 96 : index
    %get3A_66 = tpu.vector_load %arg7[%get3A_64, %get3A_65] {strides = array<i32>} : memref<200x128xi32, #tpu.memory_space<vmem>>, vector<16xi32>,
    %lt3A_67 = arith.constant 2 : i32
    %lt3A_68 = vector.broadcast %lt3A_67 : i32 to vector<16xi32>
    %lt3A_69 = arith.cmpi slt, %get3A_66, %lt3A_68 : vector<16xi32>
    %or3A_70 = arith.ori %or3A_62, %lt3A_69 : vector<16xi1>
    %get3A_71 = arith.constant 196 : i32
    %get3A_72 = arith.index_cast %get3A_71 : i32 to index
    %get3A_73 = arith.constant 112 : index
    %get3A_74 = tpu.vector_load %arg7[%get3A_72, %get3A_73] {strides = array<i32>} : memref<200x128xi32, #tpu.memory_space<vmem>>, vector<16xi32>,
    %lt3A_75 = arith.constant 2 : i32
    %lt3A_76 = vector.broadcast %lt3A_75 : i32 to vector<16xi32>
    %lt3A_77 = arith.cmpi slt, %get3A_74, %lt3A_76 : vector<16xi32>
    %or3A_78 = arith.ori %or3A_70, %lt3A_77 : vector<16xi1>
    %reduce_or3A = arith.constant 1.000000e+00 : f32
    %reduce_or3A_79 = arith.constant 0.000000e+00 : f32
    %reduce_or3A_80 = vector.broadcast %reduce_or3A : f32 to vector<16xf32>
    %reduce_or3A_81 = vector.broadcast %reduce_or3A_79 : f32 to vector<16xf32>
    %reduce_or3A_82 = arith.select %or3A_78, %reduce_or3A_80, %reduce_or3A_81 : vector<16xi1>, vector<16xf32>
    %reduce_or3A_83 = arith.constant true
    %reduce_or3A_84 = vector.broadcast %reduce_or3A_83 : i1 to vector<16xi1>
    %reduce_or3A_85 = tpu.scan <max>, %reduce_or3A_82 masked %reduce_or3A_84 : vector<16xf32>, vector<16xi1> -> vector<16xf32>
    %reduce_or3A_86 = vector.extract %reduce_or3A_85[15] : f32 from vector<16xf32>
    %reduce_or3A_87 = arith.constant 0.000000e+00 : f32
    %reduce_or3A_88 = arith.cmpf ogt, %reduce_or3A_86, %reduce_or3A_87 : f32
    %convert_element_type3A = arith.extui %reduce_or3A_88 : i1 to i32
    %cond3A = arith.constant 0 : i32
    %cond3A_89 = arith.cmpi ne, %convert_element_type3A, %cond3A : i32
    scf.if %cond3A_89 {
      %scan3A_581 = arith.constant 0 : i32
      %scan3A_582 = arith.constant 0 : i32
      %scan3A_583 = arith.constant 8 : i32
      %scan3A_584 = arith.addi %scan3A_582, %scan3A_583 : i32
      %scan3A_585 = arith.constant 1 : i32
      scf.for %scan3A_587 = %scan3A_582 to %scan3A_584 step %scan3A_585  : i32 {
        %mul3A_588 = arith.constant 16 : i32
        %mul3A_589 = arith.muli %scan3A_587, %mul3A_588 : i32
        %get3A_590 = arith.constant 196 : i32
        %get3A_591 = arith.index_cast %get3A_590 : i32 to index
        %get3A_592 = arith.index_cast %mul3A_589 : i32 to index
        %get3A_593 = tpu.vector_load %arg7[%get3A_591, %get3A_592] {strides = array<i32>} : memref<200x128xi32, #tpu.memory_space<vmem>>, vector<16xi32>,
        %lt3A_594 = arith.constant 2 : i32
        %lt3A_595 = vector.broadcast %lt3A_594 : i32 to vector<16xi32>
        %lt3A_596 = arith.cmpi slt, %get3A_593, %lt3A_595 : vector<16xi32>
        %reduce_or3A_597 = arith.constant 1.000000e+00 : f32
        %reduce_or3A_598 = arith.constant 0.000000e+00 : f32
        %reduce_or3A_599 = vector.broadcast %reduce_or3A_597 : f32 to vector<16xf32>
        %reduce_or3A_600 = vector.broadcast %reduce_or3A_598 : f32 to vector<16xf32>
        %reduce_or3A_601 = arith.select %lt3A_596, %reduce_or3A_599, %reduce_or3A_600 : vector<16xi1>, vector<16xf32>
        %reduce_or3A_602 = arith.constant true
        %reduce_or3A_603 = vector.broadcast %reduce_or3A_602 : i1 to vector<16xi1>
        %reduce_or3A_604 = tpu.scan <max>, %reduce_or3A_601 masked %reduce_or3A_603 : vector<16xf32>, vector<16xi1> -> vector<16xf32>
        %reduce_or3A_605 = vector.extract %reduce_or3A_604[15] : f32 from vector<16xf32>
        %reduce_or3A_606 = arith.constant 0.000000e+00 : f32
        %reduce_or3A_607 = arith.cmpf ogt, %reduce_or3A_605, %reduce_or3A_606 : f32
        %convert_element_type3A_608 = arith.extui %reduce_or3A_607 : i1 to i32
        %cond3A_609 = arith.constant 0 : i32
        %cond3A_610 = arith.cmpi ne, %convert_element_type3A_608, %cond3A_609 : i32
        scf.if %cond3A_610 {
          %lt3A_611 = arith.constant 2 : i32
          %lt3A_612 = vector.broadcast %lt3A_611 : i32 to vector<16xi32>
          %lt3A_613 = arith.cmpi slt, %get3A_593, %lt3A_612 : vector<16xi32>
          %min3A = arith.constant 1 : i32
          %min3A_614 = vector.broadcast %min3A : i32 to vector<16xi32>
          %min3A_615 = arith.minsi %get3A_593, %min3A_614 : vector<16xi32>
          %mul3A_616 = arith.constant 16 : i32
          %mul3A_617 = arith.muli %scan3A_587, %mul3A_616 : i32
          %add3A_618 = vector.broadcast %mul3A_617 : i32 to vector<16xi32>
          %add3A_619 = arith.addi %iota3A, %add3A_618 : vector<16xi32>
          %scan3A_620 = arith.constant 0 : i32
          %scan3A_621 = arith.constant 0 : i32
          %scan3A_622 = arith.constant 64 : i32
          %scan3A_623 = arith.addi %scan3A_621, %scan3A_622 : i32
          %scan3A_624 = arith.constant 1 : i32
          scf.for %scan3A_626 = %scan3A_621 to %scan3A_623 step %scan3A_624  : i32 {
            %broadcast_in_dim3A_627 = arith.constant 0 : i32
            %broadcast_in_dim3A_628 = vector.broadcast %broadcast_in_dim3A_627 : i32 to vector<16xi32>
            %add3A_629 = vector.broadcast %scan3A_626 : i32 to vector<16xi32>
            %add3A_630 = arith.addi %broadcast_in_dim3A_628, %add3A_629 : vector<16xi32>
            %gather3A = tpu.vector_load_idx %arg10[%min3A_615, %add3A_630] : memref<2x64xf32, #tpu.memory_space<vmem>>[vector<16xi32>, vector<16xi32>], vector<16xf32>,
            %scatter3A = arith.constant 4 : i32
            %scatter3A_631 = arith.constant 0 : i32
            %scatter3A_632 = arith.constant 0 : i32
            %scatter3A_633 = tpu.memref_slice %arg9[%scatter3A, %scatter3A_631, %scatter3A_632] : memref<8x128x64xf32, #tpu.memory_space<vmem>> -> memref<1x128x64xf32, #tpu.memory_space<vmem>>
            %scatter3A_634 = tpu.memref_squeeze %scatter3A_633 : memref<1x128x64xf32, #tpu.memory_space<vmem>> -> memref<128x64xf32, #tpu.memory_space<vmem>>
            tpu.vector_store_idx %scatter3A_634[%add3A_619, %add3A_630], %gather3A masked %lt3A_613 : memref<128x64xf32, #tpu.memory_space<vmem>>[vector<16xi32>, vector<16xi32>], vector<16xf32>, vector<16xi1>
          }
          %scan3A_625 = arith.constant 64 : i32
        } else {
        }
      }
      %scan3A_586 = arith.constant 8 : i32
    } else {
    }
    %dma_start3A = arith.constant 4 : i32
    %dma_start3A_90 = arith.constant 196 : i32
    %dma_start3A_91 = arith.constant 0 : i32
    %dma_start3A_92 = arith.constant 0 : i32
    %dma_start3A_93 = tpu.memref_slice %arg9[%dma_start3A, %dma_start3A_91, %dma_start3A_92] : memref<8x128x64xf32, #tpu.memory_space<vmem>> -> memref<1x128x64xf32, #tpu.memory_space<vmem>>
    %dma_start3A_94 = tpu.memref_squeeze %dma_start3A_93 : memref<1x128x64xf32, #tpu.memory_space<vmem>> -> memref<128x64xf32, #tpu.memory_space<vmem>>
    %dma_start3A_95 = arith.constant 0 : i32
    %dma_start3A_96 = arith.constant 0 : i32
    %dma_start3A_97 = tpu.memref_slice %arg6[%add3A, %dma_start3A_90, %dma_start3A_95, %dma_start3A_96] : memref<32x200x128x128xf32, #tpu.memory_space<hbm>> -> memref<1x1x128x64xf32, #tpu.memory_space<hbm>>
    %dma_start3A_98 = tpu.memref_squeeze %dma_start3A_97 : memref<1x1x128x64xf32, #tpu.memory_space<hbm>> -> memref<128x64xf32, #tpu.memory_space<hbm>>
    %dma_start3A_99 = arith.constant 0 : i32
    %dma_start3A_100 = arith.constant 0 : i32
    %dma_start3A_101 = tpu.memref_slice %arg6[%add3A, %dma_start3A_90, %dma_start3A_99, %dma_start3A_100] : memref<32x200x128x128xf32, #tpu.memory_space<hbm>> -> memref<1x1x128x64xf32, #tpu.memory_space<hbm>>
    %dma_start3A_102 = tpu.memref_squeeze %dma_start3A_101 : memref<1x1x128x64xf32, #tpu.memory_space<hbm>> -> memref<128x64xf32, #tpu.memory_space<hbm>>
    %dma_start3A_103 = arith.constant 0 : i32
    %dma_start3A_104 = arith.constant 0 : i32
    %dma_start3A_105 = tpu.memref_slice %arg9[%dma_start3A, %dma_start3A_103, %dma_start3A_104] : memref<8x128x64xf32, #tpu.memory_space<vmem>> -> memref<1x128x64xf32, #tpu.memory_space<vmem>>
    %dma_start3A_106 = tpu.memref_squeeze %dma_start3A_105 : memref<1x128x64xf32, #tpu.memory_space<vmem>> -> memref<128x64xf32, #tpu.memory_space<vmem>>
    tpu.enqueue_dma source(%dma_start3A_106 : memref<128x64xf32, #tpu.memory_space<vmem>>) target(%dma_start3A_102 : memref<128x64xf32, #tpu.memory_space<hbm>>) target_semaphore(%arg23 : memref<!tpu.dma_semaphore, #tpu.memory_space<semaphore_mem>>)
    %dma_wait3A_107 = arith.constant 197 : i32
    %dma_wait3A_108 = arith.constant 5 : i32
    %dma_wait3A_109 = arith.constant 0 : i32
    %dma_wait3A_110 = arith.constant 0 : i32
    %dma_wait3A_111 = tpu.memref_slice %arg9[%dma_wait3A_108, %dma_wait3A_109, %dma_wait3A_110] : memref<8x128x64xf32, #tpu.memory_space<vmem>> -> memref<1x128x64xf32, #tpu.memory_space<vmem>>
    %dma_wait3A_112 = tpu.memref_squeeze %dma_wait3A_111 : memref<1x128x64xf32, #tpu.memory_space<vmem>> -> memref<128x64xf32, #tpu.memory_space<vmem>>
    %dma_wait3A_113 = arith.constant 0 : i32
    %dma_wait3A_114 = tpu.memref_slice %arg8[%dma_wait3A_107, %dma_wait3A_113] : memref<200x128xi32, #tpu.memory_space<vmem>> -> memref<1x128xi32, #tpu.memory_space<vmem>>
    %dma_wait3A_115 = tpu.memref_squeeze %dma_wait3A_114 : memref<1x128xi32, #tpu.memory_space<vmem>> -> memref<128xi32, #tpu.memory_space<vmem>>
    %dma_wait3A_116 = arith.constant 0 : i32
    %dma_wait3A_117 = arith.constant 0 : i32
    %dma_wait3A_118 = tpu.memref_slice %arg5[%dma_wait3A_116, %dma_wait3A_117] : memref<2000000x64xf32, #tpu.memory_space<hbm>> -> memref<2000000x64xf32, #tpu.memory_space<hbm>>
    tpu.wait_indirect_dma semaphore(%arg16 : memref<!tpu.dma_semaphore, #tpu.memory_space<semaphore_mem>>) src(%dma_wait3A_118 : memref<2000000x64xf32, #tpu.memory_space<hbm>>) dst(%dma_wait3A_112 : memref<128x64xf32, #tpu.memory_space<vmem>>)
    %broadcast_in_dim3A_119 = arith.constant false
    %broadcast_in_dim3A_120 = vector.broadcast %broadcast_in_dim3A_119 : i1 to vector<16xi1>
    %get3A_121 = arith.constant 197 : i32
    %get3A_122 = arith.index_cast %get3A_121 : i32 to index
    %get3A_123 = arith.constant 0 : index
    %get3A_124 = tpu.vector_load %arg7[%get3A_122, %get3A_123] {strides = array<i32>} : memref<200x128xi32, #tpu.memory_space<vmem>>, vector<16xi32>,
    %lt3A_125 = arith.constant 2 : i32
    %lt3A_126 = vector.broadcast %lt3A_125 : i32 to vector<16xi32>
    %lt3A_127 = arith.cmpi slt, %get3A_124, %lt3A_126 : vector<16xi32>
    %or3A_128 = arith.ori %broadcast_in_dim3A_120, %lt3A_127 : vector<16xi1>
    %get3A_129 = arith.constant 197 : i32
    %get3A_130 = arith.index_cast %get3A_129 : i32 to index
    %get3A_131 = arith.constant 16 : index
    %get3A_132 = tpu.vector_load %arg7[%get3A_130, %get3A_131] {strides = array<i32>} : memref<200x128xi32, #tpu.memory_space<vmem>>, vector<16xi32>,
    %lt3A_133 = arith.constant 2 : i32
    %lt3A_134 = vector.broadcast %lt3A_133 : i32 to vector<16xi32>
    %lt3A_135 = arith.cmpi slt, %get3A_132, %lt3A_134 : vector<16xi32>
    %or3A_136 = arith.ori %or3A_128, %lt3A_135 : vector<16xi1>
    %get3A_137 = arith.constant 197 : i32
    %get3A_138 = arith.index_cast %get3A_137 : i32 to index
    %get3A_139 = arith.constant 32 : index
    %get3A_140 = tpu.vector_load %arg7[%get3A_138, %get3A_139] {strides = array<i32>} : memref<200x128xi32, #tpu.memory_space<vmem>>, vector<16xi32>,
    %lt3A_141 = arith.constant 2 : i32
    %lt3A_142 = vector.broadcast %lt3A_141 : i32 to vector<16xi32>
    %lt3A_143 = arith.cmpi slt, %get3A_140, %lt3A_142 : vector<16xi32>
    %or3A_144 = arith.ori %or3A_136, %lt3A_143 : vector<16xi1>
    %get3A_145 = arith.constant 197 : i32
    %get3A_146 = arith.index_cast %get3A_145 : i32 to index
    %get3A_147 = arith.constant 48 : index
    %get3A_148 = tpu.vector_load %arg7[%get3A_146, %get3A_147] {strides = array<i32>} : memref<200x128xi32, #tpu.memory_space<vmem>>, vector<16xi32>,
    %lt3A_149 = arith.constant 2 : i32
    %lt3A_150 = vector.broadcast %lt3A_149 : i32 to vector<16xi32>
    %lt3A_151 = arith.cmpi slt, %get3A_148, %lt3A_150 : vector<16xi32>
    %or3A_152 = arith.ori %or3A_144, %lt3A_151 : vector<16xi1>
    %get3A_153 = arith.constant 197 : i32
    %get3A_154 = arith.index_cast %get3A_153 : i32 to index
    %get3A_155 = arith.constant 64 : index
    %get3A_156 = tpu.vector_load %arg7[%get3A_154, %get3A_155] {strides = array<i32>} : memref<200x128xi32, #tpu.memory_space<vmem>>, vector<16xi32>,
    %lt3A_157 = arith.constant 2 : i32
    %lt3A_158 = vector.broadcast %lt3A_157 : i32 to vector<16xi32>
    %lt3A_159 = arith.cmpi slt, %get3A_156, %lt3A_158 : vector<16xi32>
    %or3A_160 = arith.ori %or3A_152, %lt3A_159 : vector<16xi1>
    %get3A_161 = arith.constant 197 : i32
    %get3A_162 = arith.index_cast %get3A_161 : i32 to index
    %get3A_163 = arith.constant 80 : index
    %get3A_164 = tpu.vector_load %arg7[%get3A_162, %get3A_163] {strides = array<i32>} : memref<200x128xi32, #tpu.memory_space<vmem>>, vector<16xi32>,
    %lt3A_165 = arith.constant 2 : i32
    %lt3A_166 = vector.broadcast %lt3A_165 : i32 to vector<16xi32>
    %lt3A_167 = arith.cmpi slt, %get3A_164, %lt3A_166 : vector<16xi32>
    %or3A_168 = arith.ori %or3A_160, %lt3A_167 : vector<16xi1>
    %get3A_169 = arith.constant 197 : i32
    %get3A_170 = arith.index_cast %get3A_169 : i32 to index
    %get3A_171 = arith.constant 96 : index
    %get3A_172 = tpu.vector_load %arg7[%get3A_170, %get3A_171] {strides = array<i32>} : memref<200x128xi32, #tpu.memory_space<vmem>>, vector<16xi32>,
    %lt3A_173 = arith.constant 2 : i32
    %lt3A_174 = vector.broadcast %lt3A_173 : i32 to vector<16xi32>
    %lt3A_175 = arith.cmpi slt, %get3A_172, %lt3A_174 : vector<16xi32>
    %or3A_176 = arith.ori %or3A_168, %lt3A_175 : vector<16xi1>
    %get3A_177 = arith.constant 197 : i32
    %get3A_178 = arith.index_cast %get3A_177 : i32 to index
    %get3A_179 = arith.constant 112 : index
    %get3A_180 = tpu.vector_load %arg7[%get3A_178, %get3A_179] {strides = array<i32>} : memref<200x128xi32, #tpu.memory_space<vmem>>, vector<16xi32>,
    %lt3A_181 = arith.constant 2 : i32
    %lt3A_182 = vector.broadcast %lt3A_181 : i32 to vector<16xi32>
    %lt3A_183 = arith.cmpi slt, %get3A_180, %lt3A_182 : vector<16xi32>
    %or3A_184 = arith.ori %or3A_176, %lt3A_183 : vector<16xi1>
    %reduce_or3A_185 = arith.constant 1.000000e+00 : f32
    %reduce_or3A_186 = arith.constant 0.000000e+00 : f32
    %reduce_or3A_187 = vector.broadcast %reduce_or3A_185 : f32 to vector<16xf32>
    %reduce_or3A_188 = vector.broadcast %reduce_or3A_186 : f32 to vector<16xf32>
    %reduce_or3A_189 = arith.select %or3A_184, %reduce_or3A_187, %reduce_or3A_188 : vector<16xi1>, vector<16xf32>
    %reduce_or3A_190 = arith.constant true
    %reduce_or3A_191 = vector.broadcast %reduce_or3A_190 : i1 to vector<16xi1>
    %reduce_or3A_192 = tpu.scan <max>, %reduce_or3A_189 masked %reduce_or3A_191 : vector<16xf32>, vector<16xi1> -> vector<16xf32>
    %reduce_or3A_193 = vector.extract %reduce_or3A_192[15] : f32 from vector<16xf32>
    %reduce_or3A_194 = arith.constant 0.000000e+00 : f32
    %reduce_or3A_195 = arith.cmpf ogt, %reduce_or3A_193, %reduce_or3A_194 : f32
    %convert_element_type3A_196 = arith.extui %reduce_or3A_195 : i1 to i32
    %cond3A_197 = arith.constant 0 : i32
    %cond3A_198 = arith.cmpi ne, %convert_element_type3A_196, %cond3A_197 : i32
    scf.if %cond3A_198 {
      %scan3A_581 = arith.constant 0 : i32
      %scan3A_582 = arith.constant 0 : i32
      %scan3A_583 = arith.constant 8 : i32
      %scan3A_584 = arith.addi %scan3A_582, %scan3A_583 : i32
      %scan3A_585 = arith.constant 1 : i32
      scf.for %scan3A_587 = %scan3A_582 to %scan3A_584 step %scan3A_585  : i32 {
        %mul3A_588 = arith.constant 16 : i32
        %mul3A_589 = arith.muli %scan3A_587, %mul3A_588 : i32
        %get3A_590 = arith.constant 197 : i32
        %get3A_591 = arith.index_cast %get3A_590 : i32 to index
        %get3A_592 = arith.index_cast %mul3A_589 : i32 to index
        %get3A_593 = tpu.vector_load %arg7[%get3A_591, %get3A_592] {strides = array<i32>} : memref<200x128xi32, #tpu.memory_space<vmem>>, vector<16xi32>,
        %lt3A_594 = arith.constant 2 : i32
        %lt3A_595 = vector.broadcast %lt3A_594 : i32 to vector<16xi32>
        %lt3A_596 = arith.cmpi slt, %get3A_593, %lt3A_595 : vector<16xi32>
        %reduce_or3A_597 = arith.constant 1.000000e+00 : f32
        %reduce_or3A_598 = arith.constant 0.000000e+00 : f32
        %reduce_or3A_599 = vector.broadcast %reduce_or3A_597 : f32 to vector<16xf32>
        %reduce_or3A_600 = vector.broadcast %reduce_or3A_598 : f32 to vector<16xf32>
        %reduce_or3A_601 = arith.select %lt3A_596, %reduce_or3A_599, %reduce_or3A_600 : vector<16xi1>, vector<16xf32>
        %reduce_or3A_602 = arith.constant true
        %reduce_or3A_603 = vector.broadcast %reduce_or3A_602 : i1 to vector<16xi1>
        %reduce_or3A_604 = tpu.scan <max>, %reduce_or3A_601 masked %reduce_or3A_603 : vector<16xf32>, vector<16xi1> -> vector<16xf32>
        %reduce_or3A_605 = vector.extract %reduce_or3A_604[15] : f32 from vector<16xf32>
        %reduce_or3A_606 = arith.constant 0.000000e+00 : f32
        %reduce_or3A_607 = arith.cmpf ogt, %reduce_or3A_605, %reduce_or3A_606 : f32
        %convert_element_type3A_608 = arith.extui %reduce_or3A_607 : i1 to i32
        %cond3A_609 = arith.constant 0 : i32
        %cond3A_610 = arith.cmpi ne, %convert_element_type3A_608, %cond3A_609 : i32
        scf.if %cond3A_610 {
          %lt3A_611 = arith.constant 2 : i32
          %lt3A_612 = vector.broadcast %lt3A_611 : i32 to vector<16xi32>
          %lt3A_613 = arith.cmpi slt, %get3A_593, %lt3A_612 : vector<16xi32>
          %min3A = arith.constant 1 : i32
          %min3A_614 = vector.broadcast %min3A : i32 to vector<16xi32>
          %min3A_615 = arith.minsi %get3A_593, %min3A_614 : vector<16xi32>
          %mul3A_616 = arith.constant 16 : i32
          %mul3A_617 = arith.muli %scan3A_587, %mul3A_616 : i32
          %add3A_618 = vector.broadcast %mul3A_617 : i32 to vector<16xi32>
          %add3A_619 = arith.addi %iota3A, %add3A_618 : vector<16xi32>
          %scan3A_620 = arith.constant 0 : i32
          %scan3A_621 = arith.constant 0 : i32
          %scan3A_622 = arith.constant 64 : i32
          %scan3A_623 = arith.addi %scan3A_621, %scan3A_622 : i32
          %scan3A_624 = arith.constant 1 : i32
          scf.for %scan3A_626 = %scan3A_621 to %scan3A_623 step %scan3A_624  : i32 {
            %broadcast_in_dim3A_627 = arith.constant 0 : i32
            %broadcast_in_dim3A_628 = vector.broadcast %broadcast_in_dim3A_627 : i32 to vector<16xi32>
            %add3A_629 = vector.broadcast %scan3A_626 : i32 to vector<16xi32>
            %add3A_630 = arith.addi %broadcast_in_dim3A_628, %add3A_629 : vector<16xi32>
            %gather3A = tpu.vector_load_idx %arg10[%min3A_615, %add3A_630] : memref<2x64xf32, #tpu.memory_space<vmem>>[vector<16xi32>, vector<16xi32>], vector<16xf32>,
            %scatter3A = arith.constant 5 : i32
            %scatter3A_631 = arith.constant 0 : i32
            %scatter3A_632 = arith.constant 0 : i32
            %scatter3A_633 = tpu.memref_slice %arg9[%scatter3A, %scatter3A_631, %scatter3A_632] : memref<8x128x64xf32, #tpu.memory_space<vmem>> -> memref<1x128x64xf32, #tpu.memory_space<vmem>>
            %scatter3A_634 = tpu.memref_squeeze %scatter3A_633 : memref<1x128x64xf32, #tpu.memory_space<vmem>> -> memref<128x64xf32, #tpu.memory_space<vmem>>
            tpu.vector_store_idx %scatter3A_634[%add3A_619, %add3A_630], %gather3A masked %lt3A_613 : memref<128x64xf32, #tpu.memory_space<vmem>>[vector<16xi32>, vector<16xi32>], vector<16xf32>, vector<16xi1>
          }
          %scan3A_625 = arith.constant 64 : i32
        } else {
        }
      }
      %scan3A_586 = arith.constant 8 : i32
    } else {
    }
    %dma_start3A_199 = arith.constant 5 : i32
    %dma_start3A_200 = arith.constant 197 : i32
    %dma_start3A_201 = arith.constant 0 : i32
    %dma_start3A_202 = arith.constant 0 : i32
    %dma_start3A_203 = tpu.memref_slice %arg9[%dma_start3A_199, %dma_start3A_201, %dma_start3A_202] : memref<8x128x64xf32, #tpu.memory_space<vmem>> -> memref<1x128x64xf32, #tpu.memory_space<vmem>>
    %dma_start3A_204 = tpu.memref_squeeze %dma_start3A_203 : memref<1x128x64xf32, #tpu.memory_space<vmem>> -> memref<128x64xf32, #tpu.memory_space<vmem>>
    %dma_start3A_205 = arith.constant 0 : i32
    %dma_start3A_206 = arith.constant 0 : i32
    %dma_start3A_207 = tpu.memref_slice %arg6[%add3A, %dma_start3A_200, %dma_start3A_205, %dma_start3A_206] : memref<32x200x128x128xf32, #tpu.memory_space<hbm>> -> memref<1x1x128x64xf32, #tpu.memory_space<hbm>>
    %dma_start3A_208 = tpu.memref_squeeze %dma_start3A_207 : memref<1x1x128x64xf32, #tpu.memory_space<hbm>> -> memref<128x64xf32, #tpu.memory_space<hbm>>
    %dma_start3A_209 = arith.constant 0 : i32
    %dma_start3A_210 = arith.constant 0 : i32
    %dma_start3A_211 = tpu.memref_slice %arg6[%add3A, %dma_start3A_200, %dma_start3A_209, %dma_start3A_210] : memref<32x200x128x128xf32, #tpu.memory_space<hbm>> -> memref<1x1x128x64xf32, #tpu.memory_space<hbm>>
    %dma_start3A_212 = tpu.memref_squeeze %dma_start3A_211 : memref<1x1x128x64xf32, #tpu.memory_space<hbm>> -> memref<128x64xf32, #tpu.memory_space<hbm>>
    %dma_start3A_213 = arith.constant 0 : i32
    %dma_start3A_214 = arith.constant 0 : i32
    %dma_start3A_215 = tpu.memref_slice %arg9[%dma_start3A_199, %dma_start3A_213, %dma_start3A_214] : memref<8x128x64xf32, #tpu.memory_space<vmem>> -> memref<1x128x64xf32, #tpu.memory_space<vmem>>
    %dma_start3A_216 = tpu.memref_squeeze %dma_start3A_215 : memref<1x128x64xf32, #tpu.memory_space<vmem>> -> memref<128x64xf32, #tpu.memory_space<vmem>>
    tpu.enqueue_dma source(%dma_start3A_216 : memref<128x64xf32, #tpu.memory_space<vmem>>) target(%dma_start3A_212 : memref<128x64xf32, #tpu.memory_space<hbm>>) target_semaphore(%arg24 : memref<!tpu.dma_semaphore, #tpu.memory_space<semaphore_mem>>)
    %dma_wait3A_217 = arith.constant 198 : i32
    %dma_wait3A_218 = arith.constant 6 : i32
    %dma_wait3A_219 = arith.constant 0 : i32
    %dma_wait3A_220 = arith.constant 0 : i32
    %dma_wait3A_221 = tpu.memref_slice %arg9[%dma_wait3A_218, %dma_wait3A_219, %dma_wait3A_220] : memref<8x128x64xf32, #tpu.memory_space<vmem>> -> memref<1x128x64xf32, #tpu.memory_space<vmem>>
    %dma_wait3A_222 = tpu.memref_squeeze %dma_wait3A_221 : memref<1x128x64xf32, #tpu.memory_space<vmem>> -> memref<128x64xf32, #tpu.memory_space<vmem>>
    %dma_wait3A_223 = arith.constant 0 : i32
    %dma_wait3A_224 = tpu.memref_slice %arg8[%dma_wait3A_217, %dma_wait3A_223] : memref<200x128xi32, #tpu.memory_space<vmem>> -> memref<1x128xi32, #tpu.memory_space<vmem>>
    %dma_wait3A_225 = tpu.memref_squeeze %dma_wait3A_224 : memref<1x128xi32, #tpu.memory_space<vmem>> -> memref<128xi32, #tpu.memory_space<vmem>>
    %dma_wait3A_226 = arith.constant 0 : i32
    %dma_wait3A_227 = arith.constant 0 : i32
    %dma_wait3A_228 = tpu.memref_slice %arg5[%dma_wait3A_226, %dma_wait3A_227] : memref<2000000x64xf32, #tpu.memory_space<hbm>> -> memref<2000000x64xf32, #tpu.memory_space<hbm>>
    tpu.wait_indirect_dma semaphore(%arg17 : memref<!tpu.dma_semaphore, #tpu.memory_space<semaphore_mem>>) src(%dma_wait3A_228 : memref<2000000x64xf32, #tpu.memory_space<hbm>>) dst(%dma_wait3A_222 : memref<128x64xf32, #tpu.memory_space<vmem>>)
    %broadcast_in_dim3A_229 = arith.constant false
    %broadcast_in_dim3A_230 = vector.broadcast %broadcast_in_dim3A_229 : i1 to vector<16xi1>
    %get3A_231 = arith.constant 198 : i32
    %get3A_232 = arith.index_cast %get3A_231 : i32 to index
    %get3A_233 = arith.constant 0 : index
    %get3A_234 = tpu.vector_load %arg7[%get3A_232, %get3A_233] {strides = array<i32>} : memref<200x128xi32, #tpu.memory_space<vmem>>, vector<16xi32>,
    %lt3A_235 = arith.constant 2 : i32
    %lt3A_236 = vector.broadcast %lt3A_235 : i32 to vector<16xi32>
    %lt3A_237 = arith.cmpi slt, %get3A_234, %lt3A_236 : vector<16xi32>
    %or3A_238 = arith.ori %broadcast_in_dim3A_230, %lt3A_237 : vector<16xi1>
    %get3A_239 = arith.constant 198 : i32
    %get3A_240 = arith.index_cast %get3A_239 : i32 to index
    %get3A_241 = arith.constant 16 : index
    %get3A_242 = tpu.vector_load %arg7[%get3A_240, %get3A_241] {strides = array<i32>} : memref<200x128xi32, #tpu.memory_space<vmem>>, vector<16xi32>,
    %lt3A_243 = arith.constant 2 : i32
    %lt3A_244 = vector.broadcast %lt3A_243 : i32 to vector<16xi32>
    %lt3A_245 = arith.cmpi slt, %get3A_242, %lt3A_244 : vector<16xi32>
    %or3A_246 = arith.ori %or3A_238, %lt3A_245 : vector<16xi1>
    %get3A_247 = arith.constant 198 : i32
    %get3A_248 = arith.index_cast %get3A_247 : i32 to index
    %get3A_249 = arith.constant 32 : index
    %get3A_250 = tpu.vector_load %arg7[%get3A_248, %get3A_249] {strides = array<i32>} : memref<200x128xi32, #tpu.memory_space<vmem>>, vector<16xi32>,
    %lt3A_251 = arith.constant 2 : i32
    %lt3A_252 = vector.broadcast %lt3A_251 : i32 to vector<16xi32>
    %lt3A_253 = arith.cmpi slt, %get3A_250, %lt3A_252 : vector<16xi32>
    %or3A_254 = arith.ori %or3A_246, %lt3A_253 : vector<16xi1>
    %get3A_255 = arith.constant 198 : i32
    %get3A_256 = arith.index_cast %get3A_255 : i32 to index
    %get3A_257 = arith.constant 48 : index
    %get3A_258 = tpu.vector_load %arg7[%get3A_256, %get3A_257] {strides = array<i32>} : memref<200x128xi32, #tpu.memory_space<vmem>>, vector<16xi32>,
    %lt3A_259 = arith.constant 2 : i32
    %lt3A_260 = vector.broadcast %lt3A_259 : i32 to vector<16xi32>
    %lt3A_261 = arith.cmpi slt, %get3A_258, %lt3A_260 : vector<16xi32>
    %or3A_262 = arith.ori %or3A_254, %lt3A_261 : vector<16xi1>
    %get3A_263 = arith.constant 198 : i32
    %get3A_264 = arith.index_cast %get3A_263 : i32 to index
    %get3A_265 = arith.constant 64 : index
    %get3A_266 = tpu.vector_load %arg7[%get3A_264, %get3A_265] {strides = array<i32>} : memref<200x128xi32, #tpu.memory_space<vmem>>, vector<16xi32>,
    %lt3A_267 = arith.constant 2 : i32
    %lt3A_268 = vector.broadcast %lt3A_267 : i32 to vector<16xi32>
    %lt3A_269 = arith.cmpi slt, %get3A_266, %lt3A_268 : vector<16xi32>
    %or3A_270 = arith.ori %or3A_262, %lt3A_269 : vector<16xi1>
    %get3A_271 = arith.constant 198 : i32
    %get3A_272 = arith.index_cast %get3A_271 : i32 to index
    %get3A_273 = arith.constant 80 : index
    %get3A_274 = tpu.vector_load %arg7[%get3A_272, %get3A_273] {strides = array<i32>} : memref<200x128xi32, #tpu.memory_space<vmem>>, vector<16xi32>,
    %lt3A_275 = arith.constant 2 : i32
    %lt3A_276 = vector.broadcast %lt3A_275 : i32 to vector<16xi32>
    %lt3A_277 = arith.cmpi slt, %get3A_274, %lt3A_276 : vector<16xi32>
    %or3A_278 = arith.ori %or3A_270, %lt3A_277 : vector<16xi1>
    %get3A_279 = arith.constant 198 : i32
    %get3A_280 = arith.index_cast %get3A_279 : i32 to index
    %get3A_281 = arith.constant 96 : index
    %get3A_282 = tpu.vector_load %arg7[%get3A_280, %get3A_281] {strides = array<i32>} : memref<200x128xi32, #tpu.memory_space<vmem>>, vector<16xi32>,
    %lt3A_283 = arith.constant 2 : i32
    %lt3A_284 = vector.broadcast %lt3A_283 : i32 to vector<16xi32>
    %lt3A_285 = arith.cmpi slt, %get3A_282, %lt3A_284 : vector<16xi32>
    %or3A_286 = arith.ori %or3A_278, %lt3A_285 : vector<16xi1>
    %get3A_287 = arith.constant 198 : i32
    %get3A_288 = arith.index_cast %get3A_287 : i32 to index
    %get3A_289 = arith.constant 112 : index
    %get3A_290 = tpu.vector_load %arg7[%get3A_288, %get3A_289] {strides = array<i32>} : memref<200x128xi32, #tpu.memory_space<vmem>>, vector<16xi32>,
    %lt3A_291 = arith.constant 2 : i32
    %lt3A_292 = vector.broadcast %lt3A_291 : i32 to vector<16xi32>
    %lt3A_293 = arith.cmpi slt, %get3A_290, %lt3A_292 : vector<16xi32>
    %or3A_294 = arith.ori %or3A_286, %lt3A_293 : vector<16xi1>
    %reduce_or3A_295 = arith.constant 1.000000e+00 : f32
    %reduce_or3A_296 = arith.constant 0.000000e+00 : f32
    %reduce_or3A_297 = vector.broadcast %reduce_or3A_295 : f32 to vector<16xf32>
    %reduce_or3A_298 = vector.broadcast %reduce_or3A_296 : f32 to vector<16xf32>
    %reduce_or3A_299 = arith.select %or3A_294, %reduce_or3A_297, %reduce_or3A_298 : vector<16xi1>, vector<16xf32>
    %reduce_or3A_300 = arith.constant true
    %reduce_or3A_301 = vector.broadcast %reduce_or3A_300 : i1 to vector<16xi1>
    %reduce_or3A_302 = tpu.scan <max>, %reduce_or3A_299 masked %reduce_or3A_301 : vector<16xf32>, vector<16xi1> -> vector<16xf32>
    %reduce_or3A_303 = vector.extract %reduce_or3A_302[15] : f32 from vector<16xf32>
    %reduce_or3A_304 = arith.constant 0.000000e+00 : f32
    %reduce_or3A_305 = arith.cmpf ogt, %reduce_or3A_303, %reduce_or3A_304 : f32
    %convert_element_type3A_306 = arith.extui %reduce_or3A_305 : i1 to i32
    %cond3A_307 = arith.constant 0 : i32
    %cond3A_308 = arith.cmpi ne, %convert_element_type3A_306, %cond3A_307 : i32
    scf.if %cond3A_308 {
      %scan3A_581 = arith.constant 0 : i32
      %scan3A_582 = arith.constant 0 : i32
      %scan3A_583 = arith.constant 8 : i32
      %scan3A_584 = arith.addi %scan3A_582, %scan3A_583 : i32
      %scan3A_585 = arith.constant 1 : i32
      scf.for %scan3A_587 = %scan3A_582 to %scan3A_584 step %scan3A_585  : i32 {
        %mul3A_588 = arith.constant 16 : i32
        %mul3A_589 = arith.muli %scan3A_587, %mul3A_588 : i32
        %get3A_590 = arith.constant 198 : i32
        %get3A_591 = arith.index_cast %get3A_590 : i32 to index
        %get3A_592 = arith.index_cast %mul3A_589 : i32 to index
        %get3A_593 = tpu.vector_load %arg7[%get3A_591, %get3A_592] {strides = array<i32>} : memref<200x128xi32, #tpu.memory_space<vmem>>, vector<16xi32>,
        %lt3A_594 = arith.constant 2 : i32
        %lt3A_595 = vector.broadcast %lt3A_594 : i32 to vector<16xi32>
        %lt3A_596 = arith.cmpi slt, %get3A_593, %lt3A_595 : vector<16xi32>
        %reduce_or3A_597 = arith.constant 1.000000e+00 : f32
        %reduce_or3A_598 = arith.constant 0.000000e+00 : f32
        %reduce_or3A_599 = vector.broadcast %reduce_or3A_597 : f32 to vector<16xf32>
        %reduce_or3A_600 = vector.broadcast %reduce_or3A_598 : f32 to vector<16xf32>
        %reduce_or3A_601 = arith.select %lt3A_596, %reduce_or3A_599, %reduce_or3A_600 : vector<16xi1>, vector<16xf32>
        %reduce_or3A_602 = arith.constant true
        %reduce_or3A_603 = vector.broadcast %reduce_or3A_602 : i1 to vector<16xi1>
        %reduce_or3A_604 = tpu.scan <max>, %reduce_or3A_601 masked %reduce_or3A_603 : vector<16xf32>, vector<16xi1> -> vector<16xf32>
        %reduce_or3A_605 = vector.extract %reduce_or3A_604[15] : f32 from vector<16xf32>
        %reduce_or3A_606 = arith.constant 0.000000e+00 : f32
        %reduce_or3A_607 = arith.cmpf ogt, %reduce_or3A_605, %reduce_or3A_606 : f32
        %convert_element_type3A_608 = arith.extui %reduce_or3A_607 : i1 to i32
        %cond3A_609 = arith.constant 0 : i32
        %cond3A_610 = arith.cmpi ne, %convert_element_type3A_608, %cond3A_609 : i32
        scf.if %cond3A_610 {
          %lt3A_611 = arith.constant 2 : i32
          %lt3A_612 = vector.broadcast %lt3A_611 : i32 to vector<16xi32>
          %lt3A_613 = arith.cmpi slt, %get3A_593, %lt3A_612 : vector<16xi32>
          %min3A = arith.constant 1 : i32
          %min3A_614 = vector.broadcast %min3A : i32 to vector<16xi32>
          %min3A_615 = arith.minsi %get3A_593, %min3A_614 : vector<16xi32>
          %mul3A_616 = arith.constant 16 : i32
          %mul3A_617 = arith.muli %scan3A_587, %mul3A_616 : i32
          %add3A_618 = vector.broadcast %mul3A_617 : i32 to vector<16xi32>
          %add3A_619 = arith.addi %iota3A, %add3A_618 : vector<16xi32>
          %scan3A_620 = arith.constant 0 : i32
          %scan3A_621 = arith.constant 0 : i32
          %scan3A_622 = arith.constant 64 : i32
          %scan3A_623 = arith.addi %scan3A_621, %scan3A_622 : i32
          %scan3A_624 = arith.constant 1 : i32
          scf.for %scan3A_626 = %scan3A_621 to %scan3A_623 step %scan3A_624  : i32 {
            %broadcast_in_dim3A_627 = arith.constant 0 : i32
            %broadcast_in_dim3A_628 = vector.broadcast %broadcast_in_dim3A_627 : i32 to vector<16xi32>
            %add3A_629 = vector.broadcast %scan3A_626 : i32 to vector<16xi32>
            %add3A_630 = arith.addi %broadcast_in_dim3A_628, %add3A_629 : vector<16xi32>
            %gather3A = tpu.vector_load_idx %arg10[%min3A_615, %add3A_630] : memref<2x64xf32, #tpu.memory_space<vmem>>[vector<16xi32>, vector<16xi32>], vector<16xf32>,
            %scatter3A = arith.constant 6 : i32
            %scatter3A_631 = arith.constant 0 : i32
            %scatter3A_632 = arith.constant 0 : i32
            %scatter3A_633 = tpu.memref_slice %arg9[%scatter3A, %scatter3A_631, %scatter3A_632] : memref<8x128x64xf32, #tpu.memory_space<vmem>> -> memref<1x128x64xf32, #tpu.memory_space<vmem>>
            %scatter3A_634 = tpu.memref_squeeze %scatter3A_633 : memref<1x128x64xf32, #tpu.memory_space<vmem>> -> memref<128x64xf32, #tpu.memory_space<vmem>>
            tpu.vector_store_idx %scatter3A_634[%add3A_619, %add3A_630], %gather3A masked %lt3A_613 : memref<128x64xf32, #tpu.memory_space<vmem>>[vector<16xi32>, vector<16xi32>], vector<16xf32>, vector<16xi1>
          }
          %scan3A_625 = arith.constant 64 : i32
        } else {
        }
      }
      %scan3A_586 = arith.constant 8 : i32
    } else {
    }
    %dma_start3A_309 = arith.constant 6 : i32
    %dma_start3A_310 = arith.constant 198 : i32
    %dma_start3A_311 = arith.constant 0 : i32
    %dma_start3A_312 = arith.constant 0 : i32
    %dma_start3A_313 = tpu.memref_slice %arg9[%dma_start3A_309, %dma_start3A_311, %dma_start3A_312] : memref<8x128x64xf32, #tpu.memory_space<vmem>> -> memref<1x128x64xf32, #tpu.memory_space<vmem>>
    %dma_start3A_314 = tpu.memref_squeeze %dma_start3A_313 : memref<1x128x64xf32, #tpu.memory_space<vmem>> -> memref<128x64xf32, #tpu.memory_space<vmem>>
    %dma_start3A_315 = arith.constant 0 : i32
    %dma_start3A_316 = arith.constant 0 : i32
    %dma_start3A_317 = tpu.memref_slice %arg6[%add3A, %dma_start3A_310, %dma_start3A_315, %dma_start3A_316] : memref<32x200x128x128xf32, #tpu.memory_space<hbm>> -> memref<1x1x128x64xf32, #tpu.memory_space<hbm>>
    %dma_start3A_318 = tpu.memref_squeeze %dma_start3A_317 : memref<1x1x128x64xf32, #tpu.memory_space<hbm>> -> memref<128x64xf32, #tpu.memory_space<hbm>>
    %dma_start3A_319 = arith.constant 0 : i32
    %dma_start3A_320 = arith.constant 0 : i32
    %dma_start3A_321 = tpu.memref_slice %arg6[%add3A, %dma_start3A_310, %dma_start3A_319, %dma_start3A_320] : memref<32x200x128x128xf32, #tpu.memory_space<hbm>> -> memref<1x1x128x64xf32, #tpu.memory_space<hbm>>
    %dma_start3A_322 = tpu.memref_squeeze %dma_start3A_321 : memref<1x1x128x64xf32, #tpu.memory_space<hbm>> -> memref<128x64xf32, #tpu.memory_space<hbm>>
    %dma_start3A_323 = arith.constant 0 : i32
    %dma_start3A_324 = arith.constant 0 : i32
    %dma_start3A_325 = tpu.memref_slice %arg9[%dma_start3A_309, %dma_start3A_323, %dma_start3A_324] : memref<8x128x64xf32, #tpu.memory_space<vmem>> -> memref<1x128x64xf32, #tpu.memory_space<vmem>>
    %dma_start3A_326 = tpu.memref_squeeze %dma_start3A_325 : memref<1x128x64xf32, #tpu.memory_space<vmem>> -> memref<128x64xf32, #tpu.memory_space<vmem>>
    tpu.enqueue_dma source(%dma_start3A_326 : memref<128x64xf32, #tpu.memory_space<vmem>>) target(%dma_start3A_322 : memref<128x64xf32, #tpu.memory_space<hbm>>) target_semaphore(%arg25 : memref<!tpu.dma_semaphore, #tpu.memory_space<semaphore_mem>>)
    %dma_wait3A_327 = arith.constant 199 : i32
    %dma_wait3A_328 = arith.constant 7 : i32
    %dma_wait3A_329 = arith.constant 0 : i32
    %dma_wait3A_330 = arith.constant 0 : i32
    %dma_wait3A_331 = tpu.memref_slice %arg9[%dma_wait3A_328, %dma_wait3A_329, %dma_wait3A_330] : memref<8x128x64xf32, #tpu.memory_space<vmem>> -> memref<1x128x64xf32, #tpu.memory_space<vmem>>
    %dma_wait3A_332 = tpu.memref_squeeze %dma_wait3A_331 : memref<1x128x64xf32, #tpu.memory_space<vmem>> -> memref<128x64xf32, #tpu.memory_space<vmem>>
    %dma_wait3A_333 = arith.constant 0 : i32
    %dma_wait3A_334 = tpu.memref_slice %arg8[%dma_wait3A_327, %dma_wait3A_333] : memref<200x128xi32, #tpu.memory_space<vmem>> -> memref<1x128xi32, #tpu.memory_space<vmem>>
    %dma_wait3A_335 = tpu.memref_squeeze %dma_wait3A_334 : memref<1x128xi32, #tpu.memory_space<vmem>> -> memref<128xi32, #tpu.memory_space<vmem>>
    %dma_wait3A_336 = arith.constant 0 : i32
    %dma_wait3A_337 = arith.constant 0 : i32
    %dma_wait3A_338 = tpu.memref_slice %arg5[%dma_wait3A_336, %dma_wait3A_337] : memref<2000000x64xf32, #tpu.memory_space<hbm>> -> memref<2000000x64xf32, #tpu.memory_space<hbm>>
    tpu.wait_indirect_dma semaphore(%arg18 : memref<!tpu.dma_semaphore, #tpu.memory_space<semaphore_mem>>) src(%dma_wait3A_338 : memref<2000000x64xf32, #tpu.memory_space<hbm>>) dst(%dma_wait3A_332 : memref<128x64xf32, #tpu.memory_space<vmem>>)
    %broadcast_in_dim3A_339 = arith.constant false
    %broadcast_in_dim3A_340 = vector.broadcast %broadcast_in_dim3A_339 : i1 to vector<16xi1>
    %get3A_341 = arith.constant 199 : i32
    %get3A_342 = arith.index_cast %get3A_341 : i32 to index
    %get3A_343 = arith.constant 0 : index
    %get3A_344 = tpu.vector_load %arg7[%get3A_342, %get3A_343] {strides = array<i32>} : memref<200x128xi32, #tpu.memory_space<vmem>>, vector<16xi32>,
    %lt3A_345 = arith.constant 2 : i32
    %lt3A_346 = vector.broadcast %lt3A_345 : i32 to vector<16xi32>
    %lt3A_347 = arith.cmpi slt, %get3A_344, %lt3A_346 : vector<16xi32>
    %or3A_348 = arith.ori %broadcast_in_dim3A_340, %lt3A_347 : vector<16xi1>
    %get3A_349 = arith.constant 199 : i32
    %get3A_350 = arith.index_cast %get3A_349 : i32 to index
    %get3A_351 = arith.constant 16 : index
    %get3A_352 = tpu.vector_load %arg7[%get3A_350, %get3A_351] {strides = array<i32>} : memref<200x128xi32, #tpu.memory_space<vmem>>, vector<16xi32>,
    %lt3A_353 = arith.constant 2 : i32
    %lt3A_354 = vector.broadcast %lt3A_353 : i32 to vector<16xi32>
    %lt3A_355 = arith.cmpi slt, %get3A_352, %lt3A_354 : vector<16xi32>
    %or3A_356 = arith.ori %or3A_348, %lt3A_355 : vector<16xi1>
    %get3A_357 = arith.constant 199 : i32
    %get3A_358 = arith.index_cast %get3A_357 : i32 to index
    %get3A_359 = arith.constant 32 : index
    %get3A_360 = tpu.vector_load %arg7[%get3A_358, %get3A_359] {strides = array<i32>} : memref<200x128xi32, #tpu.memory_space<vmem>>, vector<16xi32>,
    %lt3A_361 = arith.constant 2 : i32
    %lt3A_362 = vector.broadcast %lt3A_361 : i32 to vector<16xi32>
    %lt3A_363 = arith.cmpi slt, %get3A_360, %lt3A_362 : vector<16xi32>
    %or3A_364 = arith.ori %or3A_356, %lt3A_363 : vector<16xi1>
    %get3A_365 = arith.constant 199 : i32
    %get3A_366 = arith.index_cast %get3A_365 : i32 to index
    %get3A_367 = arith.constant 48 : index
    %get3A_368 = tpu.vector_load %arg7[%get3A_366, %get3A_367] {strides = array<i32>} : memref<200x128xi32, #tpu.memory_space<vmem>>, vector<16xi32>,
    %lt3A_369 = arith.constant 2 : i32
    %lt3A_370 = vector.broadcast %lt3A_369 : i32 to vector<16xi32>
    %lt3A_371 = arith.cmpi slt, %get3A_368, %lt3A_370 : vector<16xi32>
    %or3A_372 = arith.ori %or3A_364, %lt3A_371 : vector<16xi1>
    %get3A_373 = arith.constant 199 : i32
    %get3A_374 = arith.index_cast %get3A_373 : i32 to index
    %get3A_375 = arith.constant 64 : index
    %get3A_376 = tpu.vector_load %arg7[%get3A_374, %get3A_375] {strides = array<i32>} : memref<200x128xi32, #tpu.memory_space<vmem>>, vector<16xi32>,
    %lt3A_377 = arith.constant 2 : i32
    %lt3A_378 = vector.broadcast %lt3A_377 : i32 to vector<16xi32>
    %lt3A_379 = arith.cmpi slt, %get3A_376, %lt3A_378 : vector<16xi32>
    %or3A_380 = arith.ori %or3A_372, %lt3A_379 : vector<16xi1>
    %get3A_381 = arith.constant 199 : i32
    %get3A_382 = arith.index_cast %get3A_381 : i32 to index
    %get3A_383 = arith.constant 80 : index
    %get3A_384 = tpu.vector_load %arg7[%get3A_382, %get3A_383] {strides = array<i32>} : memref<200x128xi32, #tpu.memory_space<vmem>>, vector<16xi32>,
    %lt3A_385 = arith.constant 2 : i32
    %lt3A_386 = vector.broadcast %lt3A_385 : i32 to vector<16xi32>
    %lt3A_387 = arith.cmpi slt, %get3A_384, %lt3A_386 : vector<16xi32>
    %or3A_388 = arith.ori %or3A_380, %lt3A_387 : vector<16xi1>
    %get3A_389 = arith.constant 199 : i32
    %get3A_390 = arith.index_cast %get3A_389 : i32 to index
    %get3A_391 = arith.constant 96 : index
    %get3A_392 = tpu.vector_load %arg7[%get3A_390, %get3A_391] {strides = array<i32>} : memref<200x128xi32, #tpu.memory_space<vmem>>, vector<16xi32>,
    %lt3A_393 = arith.constant 2 : i32
    %lt3A_394 = vector.broadcast %lt3A_393 : i32 to vector<16xi32>
    %lt3A_395 = arith.cmpi slt, %get3A_392, %lt3A_394 : vector<16xi32>
    %or3A_396 = arith.ori %or3A_388, %lt3A_395 : vector<16xi1>
    %get3A_397 = arith.constant 199 : i32
    %get3A_398 = arith.index_cast %get3A_397 : i32 to index
    %get3A_399 = arith.constant 112 : index
    %get3A_400 = tpu.vector_load %arg7[%get3A_398, %get3A_399] {strides = array<i32>} : memref<200x128xi32, #tpu.memory_space<vmem>>, vector<16xi32>,
    %lt3A_401 = arith.constant 2 : i32
    %lt3A_402 = vector.broadcast %lt3A_401 : i32 to vector<16xi32>
    %lt3A_403 = arith.cmpi slt, %get3A_400, %lt3A_402 : vector<16xi32>
    %or3A_404 = arith.ori %or3A_396, %lt3A_403 : vector<16xi1>
    %reduce_or3A_405 = arith.constant 1.000000e+00 : f32
    %reduce_or3A_406 = arith.constant 0.000000e+00 : f32
    %reduce_or3A_407 = vector.broadcast %reduce_or3A_405 : f32 to vector<16xf32>
    %reduce_or3A_408 = vector.broadcast %reduce_or3A_406 : f32 to vector<16xf32>
    %reduce_or3A_409 = arith.select %or3A_404, %reduce_or3A_407, %reduce_or3A_408 : vector<16xi1>, vector<16xf32>
    %reduce_or3A_410 = arith.constant true
    %reduce_or3A_411 = vector.broadcast %reduce_or3A_410 : i1 to vector<16xi1>
    %reduce_or3A_412 = tpu.scan <max>, %reduce_or3A_409 masked %reduce_or3A_411 : vector<16xf32>, vector<16xi1> -> vector<16xf32>
    %reduce_or3A_413 = vector.extract %reduce_or3A_412[15] : f32 from vector<16xf32>
    %reduce_or3A_414 = arith.constant 0.000000e+00 : f32
    %reduce_or3A_415 = arith.cmpf ogt, %reduce_or3A_413, %reduce_or3A_414 : f32
    %convert_element_type3A_416 = arith.extui %reduce_or3A_415 : i1 to i32
    %cond3A_417 = arith.constant 0 : i32
    %cond3A_418 = arith.cmpi ne, %convert_element_type3A_416, %cond3A_417 : i32
    scf.if %cond3A_418 {
      %scan3A_581 = arith.constant 0 : i32
      %scan3A_582 = arith.constant 0 : i32
      %scan3A_583 = arith.constant 8 : i32
      %scan3A_584 = arith.addi %scan3A_582, %scan3A_583 : i32
      %scan3A_585 = arith.constant 1 : i32
      scf.for %scan3A_587 = %scan3A_582 to %scan3A_584 step %scan3A_585  : i32 {
        %mul3A_588 = arith.constant 16 : i32
        %mul3A_589 = arith.muli %scan3A_587, %mul3A_588 : i32
        %get3A_590 = arith.constant 199 : i32
        %get3A_591 = arith.index_cast %get3A_590 : i32 to index
        %get3A_592 = arith.index_cast %mul3A_589 : i32 to index
        %get3A_593 = tpu.vector_load %arg7[%get3A_591, %get3A_592] {strides = array<i32>} : memref<200x128xi32, #tpu.memory_space<vmem>>, vector<16xi32>,
        %lt3A_594 = arith.constant 2 : i32
        %lt3A_595 = vector.broadcast %lt3A_594 : i32 to vector<16xi32>
        %lt3A_596 = arith.cmpi slt, %get3A_593, %lt3A_595 : vector<16xi32>
        %reduce_or3A_597 = arith.constant 1.000000e+00 : f32
        %reduce_or3A_598 = arith.constant 0.000000e+00 : f32
        %reduce_or3A_599 = vector.broadcast %reduce_or3A_597 : f32 to vector<16xf32>
        %reduce_or3A_600 = vector.broadcast %reduce_or3A_598 : f32 to vector<16xf32>
        %reduce_or3A_601 = arith.select %lt3A_596, %reduce_or3A_599, %reduce_or3A_600 : vector<16xi1>, vector<16xf32>
        %reduce_or3A_602 = arith.constant true
        %reduce_or3A_603 = vector.broadcast %reduce_or3A_602 : i1 to vector<16xi1>
        %reduce_or3A_604 = tpu.scan <max>, %reduce_or3A_601 masked %reduce_or3A_603 : vector<16xf32>, vector<16xi1> -> vector<16xf32>
        %reduce_or3A_605 = vector.extract %reduce_or3A_604[15] : f32 from vector<16xf32>
        %reduce_or3A_606 = arith.constant 0.000000e+00 : f32
        %reduce_or3A_607 = arith.cmpf ogt, %reduce_or3A_605, %reduce_or3A_606 : f32
        %convert_element_type3A_608 = arith.extui %reduce_or3A_607 : i1 to i32
        %cond3A_609 = arith.constant 0 : i32
        %cond3A_610 = arith.cmpi ne, %convert_element_type3A_608, %cond3A_609 : i32
        scf.if %cond3A_610 {
          %lt3A_611 = arith.constant 2 : i32
          %lt3A_612 = vector.broadcast %lt3A_611 : i32 to vector<16xi32>
          %lt3A_613 = arith.cmpi slt, %get3A_593, %lt3A_612 : vector<16xi32>
          %min3A = arith.constant 1 : i32
          %min3A_614 = vector.broadcast %min3A : i32 to vector<16xi32>
          %min3A_615 = arith.minsi %get3A_593, %min3A_614 : vector<16xi32>
          %mul3A_616 = arith.constant 16 : i32
          %mul3A_617 = arith.muli %scan3A_587, %mul3A_616 : i32
          %add3A_618 = vector.broadcast %mul3A_617 : i32 to vector<16xi32>
          %add3A_619 = arith.addi %iota3A, %add3A_618 : vector<16xi32>
          %scan3A_620 = arith.constant 0 : i32
          %scan3A_621 = arith.constant 0 : i32
          %scan3A_622 = arith.constant 64 : i32
          %scan3A_623 = arith.addi %scan3A_621, %scan3A_622 : i32
          %scan3A_624 = arith.constant 1 : i32
          scf.for %scan3A_626 = %scan3A_621 to %scan3A_623 step %scan3A_624  : i32 {
            %broadcast_in_dim3A_627 = arith.constant 0 : i32
            %broadcast_in_dim3A_628 = vector.broadcast %broadcast_in_dim3A_627 : i32 to vector<16xi32>
            %add3A_629 = vector.broadcast %scan3A_626 : i32 to vector<16xi32>
            %add3A_630 = arith.addi %broadcast_in_dim3A_628, %add3A_629 : vector<16xi32>
            %gather3A = tpu.vector_load_idx %arg10[%min3A_615, %add3A_630] : memref<2x64xf32, #tpu.memory_space<vmem>>[vector<16xi32>, vector<16xi32>], vector<16xf32>,
            %scatter3A = arith.constant 7 : i32
            %scatter3A_631 = arith.constant 0 : i32
            %scatter3A_632 = arith.constant 0 : i32
            %scatter3A_633 = tpu.memref_slice %arg9[%scatter3A, %scatter3A_631, %scatter3A_632] : memref<8x128x64xf32, #tpu.memory_space<vmem>> -> memref<1x128x64xf32, #tpu.memory_space<vmem>>
            %scatter3A_634 = tpu.memref_squeeze %scatter3A_633 : memref<1x128x64xf32, #tpu.memory_space<vmem>> -> memref<128x64xf32, #tpu.memory_space<vmem>>
            tpu.vector_store_idx %scatter3A_634[%add3A_619, %add3A_630], %gather3A masked %lt3A_613 : memref<128x64xf32, #tpu.memory_space<vmem>>[vector<16xi32>, vector<16xi32>], vector<16xf32>, vector<16xi1>
          }
          %scan3A_625 = arith.constant 64 : i32
        } else {
        }
      }
      %scan3A_586 = arith.constant 8 : i32
    } else {
    }
    %dma_start3A_419 = arith.constant 7 : i32
    %dma_start3A_420 = arith.constant 199 : i32
    %dma_start3A_421 = arith.constant 0 : i32
    %dma_start3A_422 = arith.constant 0 : i32
    %dma_start3A_423 = tpu.memref_slice %arg9[%dma_start3A_419, %dma_start3A_421, %dma_start3A_422] : memref<8x128x64xf32, #tpu.memory_space<vmem>> -> memref<1x128x64xf32, #tpu.memory_space<vmem>>
    %dma_start3A_424 = tpu.memref_squeeze %dma_start3A_423 : memref<1x128x64xf32, #tpu.memory_space<vmem>> -> memref<128x64xf32, #tpu.memory_space<vmem>>
    %dma_start3A_425 = arith.constant 0 : i32
    %dma_start3A_426 = arith.constant 0 : i32
    %dma_start3A_427 = tpu.memref_slice %arg6[%add3A, %dma_start3A_420, %dma_start3A_425, %dma_start3A_426] : memref<32x200x128x128xf32, #tpu.memory_space<hbm>> -> memref<1x1x128x64xf32, #tpu.memory_space<hbm>>
    %dma_start3A_428 = tpu.memref_squeeze %dma_start3A_427 : memref<1x1x128x64xf32, #tpu.memory_space<hbm>> -> memref<128x64xf32, #tpu.memory_space<hbm>>
    %dma_start3A_429 = arith.constant 0 : i32
    %dma_start3A_430 = arith.constant 0 : i32
    %dma_start3A_431 = tpu.memref_slice %arg6[%add3A, %dma_start3A_420, %dma_start3A_429, %dma_start3A_430] : memref<32x200x128x128xf32, #tpu.memory_space<hbm>> -> memref<1x1x128x64xf32, #tpu.memory_space<hbm>>
    %dma_start3A_432 = tpu.memref_squeeze %dma_start3A_431 : memref<1x1x128x64xf32, #tpu.memory_space<hbm>> -> memref<128x64xf32, #tpu.memory_space<hbm>>
    %dma_start3A_433 = arith.constant 0 : i32
    %dma_start3A_434 = arith.constant 0 : i32
    %dma_start3A_435 = tpu.memref_slice %arg9[%dma_start3A_419, %dma_start3A_433, %dma_start3A_434] : memref<8x128x64xf32, #tpu.memory_space<vmem>> -> memref<1x128x64xf32, #tpu.memory_space<vmem>>
    %dma_start3A_436 = tpu.memref_squeeze %dma_start3A_435 : memref<1x128x64xf32, #tpu.memory_space<vmem>> -> memref<128x64xf32, #tpu.memory_space<vmem>>
    tpu.enqueue_dma source(%dma_start3A_436 : memref<128x64xf32, #tpu.memory_space<vmem>>) target(%dma_start3A_432 : memref<128x64xf32, #tpu.memory_space<hbm>>) target_semaphore(%arg26 : memref<!tpu.dma_semaphore, #tpu.memory_space<semaphore_mem>>)
    %dma_wait3A_437 = arith.constant 0 : i32
    %dma_wait3A_438 = arith.constant 192 : i32
    %dma_wait3A_439 = arith.constant 0 : i32
    %dma_wait3A_440 = arith.constant 0 : i32
    %dma_wait3A_441 = tpu.memref_slice %arg9[%dma_wait3A_437, %dma_wait3A_439, %dma_wait3A_440] : memref<8x128x64xf32, #tpu.memory_space<vmem>> -> memref<1x128x64xf32, #tpu.memory_space<vmem>>
    %dma_wait3A_442 = tpu.memref_squeeze %dma_wait3A_441 : memref<1x128x64xf32, #tpu.memory_space<vmem>> -> memref<128x64xf32, #tpu.memory_space<vmem>>
    %dma_wait3A_443 = arith.constant 0 : i32
    %dma_wait3A_444 = arith.constant 0 : i32
    %dma_wait3A_445 = tpu.memref_slice %arg6[%add3A, %dma_wait3A_438, %dma_wait3A_443, %dma_wait3A_444] : memref<32x200x128x128xf32, #tpu.memory_space<hbm>> -> memref<1x1x128x64xf32, #tpu.memory_space<hbm>>
    %dma_wait3A_446 = tpu.memref_squeeze %dma_wait3A_445 : memref<1x1x128x64xf32, #tpu.memory_space<hbm>> -> memref<128x64xf32, #tpu.memory_space<hbm>>
    %dma_wait3A_447 = arith.constant 0 : i32
    %dma_wait3A_448 = arith.constant 0 : i32
    %dma_wait3A_449 = tpu.memref_slice %arg6[%add3A, %dma_wait3A_438, %dma_wait3A_447, %dma_wait3A_448] : memref<32x200x128x128xf32, #tpu.memory_space<hbm>> -> memref<1x1x128x64xf32, #tpu.memory_space<hbm>>
    %dma_wait3A_450 = tpu.memref_squeeze %dma_wait3A_449 : memref<1x1x128x64xf32, #tpu.memory_space<hbm>> -> memref<128x64xf32, #tpu.memory_space<hbm>>
    %dma_wait3A_451 = arith.constant 0 : i32
    %dma_wait3A_452 = arith.constant 0 : i32
    %dma_wait3A_453 = tpu.memref_slice %arg9[%dma_wait3A_437, %dma_wait3A_451, %dma_wait3A_452] : memref<8x128x64xf32, #tpu.memory_space<vmem>> -> memref<1x128x64xf32, #tpu.memory_space<vmem>>
    %dma_wait3A_454 = tpu.memref_squeeze %dma_wait3A_453 : memref<1x128x64xf32, #tpu.memory_space<vmem>> -> memref<128x64xf32, #tpu.memory_space<vmem>>
    tpu.wait_dma2 semaphore(%arg19 : memref<!tpu.dma_semaphore, #tpu.memory_space<semaphore_mem>>) src(%dma_wait3A_454 : memref<128x64xf32, #tpu.memory_space<vmem>>) dst(%dma_wait3A_450 : memref<128x64xf32, #tpu.memory_space<hbm>>)
    %dma_wait3A_455 = arith.constant 1 : i32
    %dma_wait3A_456 = arith.constant 193 : i32
    %dma_wait3A_457 = arith.constant 0 : i32
    %dma_wait3A_458 = arith.constant 0 : i32
    %dma_wait3A_459 = tpu.memref_slice %arg9[%dma_wait3A_455, %dma_wait3A_457, %dma_wait3A_458] : memref<8x128x64xf32, #tpu.memory_space<vmem>> -> memref<1x128x64xf32, #tpu.memory_space<vmem>>
    %dma_wait3A_460 = tpu.memref_squeeze %dma_wait3A_459 : memref<1x128x64xf32, #tpu.memory_space<vmem>> -> memref<128x64xf32, #tpu.memory_space<vmem>>
    %dma_wait3A_461 = arith.constant 0 : i32
    %dma_wait3A_462 = arith.constant 0 : i32
    %dma_wait3A_463 = tpu.memref_slice %arg6[%add3A, %dma_wait3A_456, %dma_wait3A_461, %dma_wait3A_462] : memref<32x200x128x128xf32, #tpu.memory_space<hbm>> -> memref<1x1x128x64xf32, #tpu.memory_space<hbm>>
    %dma_wait3A_464 = tpu.memref_squeeze %dma_wait3A_463 : memref<1x1x128x64xf32, #tpu.memory_space<hbm>> -> memref<128x64xf32, #tpu.memory_space<hbm>>
    %dma_wait3A_465 = arith.constant 0 : i32
    %dma_wait3A_466 = arith.constant 0 : i32
    %dma_wait3A_467 = tpu.memref_slice %arg6[%add3A, %dma_wait3A_456, %dma_wait3A_465, %dma_wait3A_466] : memref<32x200x128x128xf32, #tpu.memory_space<hbm>> -> memref<1x1x128x64xf32, #tpu.memory_space<hbm>>
    %dma_wait3A_468 = tpu.memref_squeeze %dma_wait3A_467 : memref<1x1x128x64xf32, #tpu.memory_space<hbm>> -> memref<128x64xf32, #tpu.memory_space<hbm>>
    %dma_wait3A_469 = arith.constant 0 : i32
    %dma_wait3A_470 = arith.constant 0 : i32
    %dma_wait3A_471 = tpu.memref_slice %arg9[%dma_wait3A_455, %dma_wait3A_469, %dma_wait3A_470] : memref<8x128x64xf32, #tpu.memory_space<vmem>> -> memref<1x128x64xf32, #tpu.memory_space<vmem>>
    %dma_wait3A_472 = tpu.memref_squeeze %dma_wait3A_471 : memref<1x128x64xf32, #tpu.memory_space<vmem>> -> memref<128x64xf32, #tpu.memory_space<vmem>>
    tpu.wait_dma2 semaphore(%arg20 : memref<!tpu.dma_semaphore, #tpu.memory_space<semaphore_mem>>) src(%dma_wait3A_472 : memref<128x64xf32, #tpu.memory_space<vmem>>) dst(%dma_wait3A_468 : memref<128x64xf32, #tpu.memory_space<hbm>>)
    %dma_wait3A_473 = arith.constant 2 : i32
    %dma_wait3A_474 = arith.constant 194 : i32
    %dma_wait3A_475 = arith.constant 0 : i32
    %dma_wait3A_476 = arith.constant 0 : i32
    %dma_wait3A_477 = tpu.memref_slice %arg9[%dma_wait3A_473, %dma_wait3A_475, %dma_wait3A_476] : memref<8x128x64xf32, #tpu.memory_space<vmem>> -> memref<1x128x64xf32, #tpu.memory_space<vmem>>
    %dma_wait3A_478 = tpu.memref_squeeze %dma_wait3A_477 : memref<1x128x64xf32, #tpu.memory_space<vmem>> -> memref<128x64xf32, #tpu.memory_space<vmem>>
    %dma_wait3A_479 = arith.constant 0 : i32
    %dma_wait3A_480 = arith.constant 0 : i32
    %dma_wait3A_481 = tpu.memref_slice %arg6[%add3A, %dma_wait3A_474, %dma_wait3A_479, %dma_wait3A_480] : memref<32x200x128x128xf32, #tpu.memory_space<hbm>> -> memref<1x1x128x64xf32, #tpu.memory_space<hbm>>
    %dma_wait3A_482 = tpu.memref_squeeze %dma_wait3A_481 : memref<1x1x128x64xf32, #tpu.memory_space<hbm>> -> memref<128x64xf32, #tpu.memory_space<hbm>>
    %dma_wait3A_483 = arith.constant 0 : i32
    %dma_wait3A_484 = arith.constant 0 : i32
    %dma_wait3A_485 = tpu.memref_slice %arg6[%add3A, %dma_wait3A_474, %dma_wait3A_483, %dma_wait3A_484] : memref<32x200x128x128xf32, #tpu.memory_space<hbm>> -> memref<1x1x128x64xf32, #tpu.memory_space<hbm>>
    %dma_wait3A_486 = tpu.memref_squeeze %dma_wait3A_485 : memref<1x1x128x64xf32, #tpu.memory_space<hbm>> -> memref<128x64xf32, #tpu.memory_space<hbm>>
    %dma_wait3A_487 = arith.constant 0 : i32
    %dma_wait3A_488 = arith.constant 0 : i32
    %dma_wait3A_489 = tpu.memref_slice %arg9[%dma_wait3A_473, %dma_wait3A_487, %dma_wait3A_488] : memref<8x128x64xf32, #tpu.memory_space<vmem>> -> memref<1x128x64xf32, #tpu.memory_space<vmem>>
    %dma_wait3A_490 = tpu.memref_squeeze %dma_wait3A_489 : memref<1x128x64xf32, #tpu.memory_space<vmem>> -> memref<128x64xf32, #tpu.memory_space<vmem>>
    tpu.wait_dma2 semaphore(%arg21 : memref<!tpu.dma_semaphore, #tpu.memory_space<semaphore_mem>>) src(%dma_wait3A_490 : memref<128x64xf32, #tpu.memory_space<vmem>>) dst(%dma_wait3A_486 : memref<128x64xf32, #tpu.memory_space<hbm>>)
    %dma_wait3A_491 = arith.constant 3 : i32
    %dma_wait3A_492 = arith.constant 195 : i32
    %dma_wait3A_493 = arith.constant 0 : i32
    %dma_wait3A_494 = arith.constant 0 : i32
    %dma_wait3A_495 = tpu.memref_slice %arg9[%dma_wait3A_491, %dma_wait3A_493, %dma_wait3A_494] : memref<8x128x64xf32, #tpu.memory_space<vmem>> -> memref<1x128x64xf32, #tpu.memory_space<vmem>>
    %dma_wait3A_496 = tpu.memref_squeeze %dma_wait3A_495 : memref<1x128x64xf32, #tpu.memory_space<vmem>> -> memref<128x64xf32, #tpu.memory_space<vmem>>
    %dma_wait3A_497 = arith.constant 0 : i32
    %dma_wait3A_498 = arith.constant 0 : i32
    %dma_wait3A_499 = tpu.memref_slice %arg6[%add3A, %dma_wait3A_492, %dma_wait3A_497, %dma_wait3A_498] : memref<32x200x128x128xf32, #tpu.memory_space<hbm>> -> memref<1x1x128x64xf32, #tpu.memory_space<hbm>>
    %dma_wait3A_500 = tpu.memref_squeeze %dma_wait3A_499 : memref<1x1x128x64xf32, #tpu.memory_space<hbm>> -> memref<128x64xf32, #tpu.memory_space<hbm>>
    %dma_wait3A_501 = arith.constant 0 : i32
    %dma_wait3A_502 = arith.constant 0 : i32
    %dma_wait3A_503 = tpu.memref_slice %arg6[%add3A, %dma_wait3A_492, %dma_wait3A_501, %dma_wait3A_502] : memref<32x200x128x128xf32, #tpu.memory_space<hbm>> -> memref<1x1x128x64xf32, #tpu.memory_space<hbm>>
    %dma_wait3A_504 = tpu.memref_squeeze %dma_wait3A_503 : memref<1x1x128x64xf32, #tpu.memory_space<hbm>> -> memref<128x64xf32, #tpu.memory_space<hbm>>
    %dma_wait3A_505 = arith.constant 0 : i32
    %dma_wait3A_506 = arith.constant 0 : i32
    %dma_wait3A_507 = tpu.memref_slice %arg9[%dma_wait3A_491, %dma_wait3A_505, %dma_wait3A_506] : memref<8x128x64xf32, #tpu.memory_space<vmem>> -> memref<1x128x64xf32, #tpu.memory_space<vmem>>
    %dma_wait3A_508 = tpu.memref_squeeze %dma_wait3A_507 : memref<1x128x64xf32, #tpu.memory_space<vmem>> -> memref<128x64xf32, #tpu.memory_space<vmem>>
    tpu.wait_dma2 semaphore(%arg22 : memref<!tpu.dma_semaphore, #tpu.memory_space<semaphore_mem>>) src(%dma_wait3A_508 : memref<128x64xf32, #tpu.memory_space<vmem>>) dst(%dma_wait3A_504 : memref<128x64xf32, #tpu.memory_space<hbm>>)
    %dma_wait3A_509 = arith.constant 4 : i32
    %dma_wait3A_510 = arith.constant 196 : i32
    %dma_wait3A_511 = arith.constant 0 : i32
    %dma_wait3A_512 = arith.constant 0 : i32
    %dma_wait3A_513 = tpu.memref_slice %arg9[%dma_wait3A_509, %dma_wait3A_511, %dma_wait3A_512] : memref<8x128x64xf32, #tpu.memory_space<vmem>> -> memref<1x128x64xf32, #tpu.memory_space<vmem>>
    %dma_wait3A_514 = tpu.memref_squeeze %dma_wait3A_513 : memref<1x128x64xf32, #tpu.memory_space<vmem>> -> memref<128x64xf32, #tpu.memory_space<vmem>>
    %dma_wait3A_515 = arith.constant 0 : i32
    %dma_wait3A_516 = arith.constant 0 : i32
    %dma_wait3A_517 = tpu.memref_slice %arg6[%add3A, %dma_wait3A_510, %dma_wait3A_515, %dma_wait3A_516] : memref<32x200x128x128xf32, #tpu.memory_space<hbm>> -> memref<1x1x128x64xf32, #tpu.memory_space<hbm>>
    %dma_wait3A_518 = tpu.memref_squeeze %dma_wait3A_517 : memref<1x1x128x64xf32, #tpu.memory_space<hbm>> -> memref<128x64xf32, #tpu.memory_space<hbm>>
    %dma_wait3A_519 = arith.constant 0 : i32
    %dma_wait3A_520 = arith.constant 0 : i32
    %dma_wait3A_521 = tpu.memref_slice %arg6[%add3A, %dma_wait3A_510, %dma_wait3A_519, %dma_wait3A_520] : memref<32x200x128x128xf32, #tpu.memory_space<hbm>> -> memref<1x1x128x64xf32, #tpu.memory_space<hbm>>
    %dma_wait3A_522 = tpu.memref_squeeze %dma_wait3A_521 : memref<1x1x128x64xf32, #tpu.memory_space<hbm>> -> memref<128x64xf32, #tpu.memory_space<hbm>>
    %dma_wait3A_523 = arith.constant 0 : i32
    %dma_wait3A_524 = arith.constant 0 : i32
    %dma_wait3A_525 = tpu.memref_slice %arg9[%dma_wait3A_509, %dma_wait3A_523, %dma_wait3A_524] : memref<8x128x64xf32, #tpu.memory_space<vmem>> -> memref<1x128x64xf32, #tpu.memory_space<vmem>>
    %dma_wait3A_526 = tpu.memref_squeeze %dma_wait3A_525 : memref<1x128x64xf32, #tpu.memory_space<vmem>> -> memref<128x64xf32, #tpu.memory_space<vmem>>
    tpu.wait_dma2 semaphore(%arg23 : memref<!tpu.dma_semaphore, #tpu.memory_space<semaphore_mem>>) src(%dma_wait3A_526 : memref<128x64xf32, #tpu.memory_space<vmem>>) dst(%dma_wait3A_522 : memref<128x64xf32, #tpu.memory_space<hbm>>)
    %dma_wait3A_527 = arith.constant 5 : i32
    %dma_wait3A_528 = arith.constant 197 : i32
    %dma_wait3A_529 = arith.constant 0 : i32
    %dma_wait3A_530 = arith.constant 0 : i32
    %dma_wait3A_531 = tpu.memref_slice %arg9[%dma_wait3A_527, %dma_wait3A_529, %dma_wait3A_530] : memref<8x128x64xf32, #tpu.memory_space<vmem>> -> memref<1x128x64xf32, #tpu.memory_space<vmem>>
    %dma_wait3A_532 = tpu.memref_squeeze %dma_wait3A_531 : memref<1x128x64xf32, #tpu.memory_space<vmem>> -> memref<128x64xf32, #tpu.memory_space<vmem>>
    %dma_wait3A_533 = arith.constant 0 : i32
    %dma_wait3A_534 = arith.constant 0 : i32
    %dma_wait3A_535 = tpu.memref_slice %arg6[%add3A, %dma_wait3A_528, %dma_wait3A_533, %dma_wait3A_534] : memref<32x200x128x128xf32, #tpu.memory_space<hbm>> -> memref<1x1x128x64xf32, #tpu.memory_space<hbm>>
    %dma_wait3A_536 = tpu.memref_squeeze %dma_wait3A_535 : memref<1x1x128x64xf32, #tpu.memory_space<hbm>> -> memref<128x64xf32, #tpu.memory_space<hbm>>
    %dma_wait3A_537 = arith.constant 0 : i32
    %dma_wait3A_538 = arith.constant 0 : i32
    %dma_wait3A_539 = tpu.memref_slice %arg6[%add3A, %dma_wait3A_528, %dma_wait3A_537, %dma_wait3A_538] : memref<32x200x128x128xf32, #tpu.memory_space<hbm>> -> memref<1x1x128x64xf32, #tpu.memory_space<hbm>>
    %dma_wait3A_540 = tpu.memref_squeeze %dma_wait3A_539 : memref<1x1x128x64xf32, #tpu.memory_space<hbm>> -> memref<128x64xf32, #tpu.memory_space<hbm>>
    %dma_wait3A_541 = arith.constant 0 : i32
    %dma_wait3A_542 = arith.constant 0 : i32
    %dma_wait3A_543 = tpu.memref_slice %arg9[%dma_wait3A_527, %dma_wait3A_541, %dma_wait3A_542] : memref<8x128x64xf32, #tpu.memory_space<vmem>> -> memref<1x128x64xf32, #tpu.memory_space<vmem>>
    %dma_wait3A_544 = tpu.memref_squeeze %dma_wait3A_543 : memref<1x128x64xf32, #tpu.memory_space<vmem>> -> memref<128x64xf32, #tpu.memory_space<vmem>>
    tpu.wait_dma2 semaphore(%arg24 : memref<!tpu.dma_semaphore, #tpu.memory_space<semaphore_mem>>) src(%dma_wait3A_544 : memref<128x64xf32, #tpu.memory_space<vmem>>) dst(%dma_wait3A_540 : memref<128x64xf32, #tpu.memory_space<hbm>>)
    %dma_wait3A_545 = arith.constant 6 : i32
    %dma_wait3A_546 = arith.constant 198 : i32
    %dma_wait3A_547 = arith.constant 0 : i32
    %dma_wait3A_548 = arith.constant 0 : i32
    %dma_wait3A_549 = tpu.memref_slice %arg9[%dma_wait3A_545, %dma_wait3A_547, %dma_wait3A_548] : memref<8x128x64xf32, #tpu.memory_space<vmem>> -> memref<1x128x64xf32, #tpu.memory_space<vmem>>
    %dma_wait3A_550 = tpu.memref_squeeze %dma_wait3A_549 : memref<1x128x64xf32, #tpu.memory_space<vmem>> -> memref<128x64xf32, #tpu.memory_space<vmem>>
    %dma_wait3A_551 = arith.constant 0 : i32
    %dma_wait3A_552 = arith.constant 0 : i32
    %dma_wait3A_553 = tpu.memref_slice %arg6[%add3A, %dma_wait3A_546, %dma_wait3A_551, %dma_wait3A_552] : memref<32x200x128x128xf32, #tpu.memory_space<hbm>> -> memref<1x1x128x64xf32, #tpu.memory_space<hbm>>
    %dma_wait3A_554 = tpu.memref_squeeze %dma_wait3A_553 : memref<1x1x128x64xf32, #tpu.memory_space<hbm>> -> memref<128x64xf32, #tpu.memory_space<hbm>>
    %dma_wait3A_555 = arith.constant 0 : i32
    %dma_wait3A_556 = arith.constant 0 : i32
    %dma_wait3A_557 = tpu.memref_slice %arg6[%add3A, %dma_wait3A_546, %dma_wait3A_555, %dma_wait3A_556] : memref<32x200x128x128xf32, #tpu.memory_space<hbm>> -> memref<1x1x128x64xf32, #tpu.memory_space<hbm>>
    %dma_wait3A_558 = tpu.memref_squeeze %dma_wait3A_557 : memref<1x1x128x64xf32, #tpu.memory_space<hbm>> -> memref<128x64xf32, #tpu.memory_space<hbm>>
    %dma_wait3A_559 = arith.constant 0 : i32
    %dma_wait3A_560 = arith.constant 0 : i32
    %dma_wait3A_561 = tpu.memref_slice %arg9[%dma_wait3A_545, %dma_wait3A_559, %dma_wait3A_560] : memref<8x128x64xf32, #tpu.memory_space<vmem>> -> memref<1x128x64xf32, #tpu.memory_space<vmem>>
    %dma_wait3A_562 = tpu.memref_squeeze %dma_wait3A_561 : memref<1x128x64xf32, #tpu.memory_space<vmem>> -> memref<128x64xf32, #tpu.memory_space<vmem>>
    tpu.wait_dma2 semaphore(%arg25 : memref<!tpu.dma_semaphore, #tpu.memory_space<semaphore_mem>>) src(%dma_wait3A_562 : memref<128x64xf32, #tpu.memory_space<vmem>>) dst(%dma_wait3A_558 : memref<128x64xf32, #tpu.memory_space<hbm>>)
    %dma_wait3A_563 = arith.constant 7 : i32
    %dma_wait3A_564 = arith.constant 199 : i32
    %dma_wait3A_565 = arith.constant 0 : i32
    %dma_wait3A_566 = arith.constant 0 : i32
    %dma_wait3A_567 = tpu.memref_slice %arg9[%dma_wait3A_563, %dma_wait3A_565, %dma_wait3A_566] : memref<8x128x64xf32, #tpu.memory_space<vmem>> -> memref<1x128x64xf32, #tpu.memory_space<vmem>>
    %dma_wait3A_568 = tpu.memref_squeeze %dma_wait3A_567 : memref<1x128x64xf32, #tpu.memory_space<vmem>> -> memref<128x64xf32, #tpu.memory_space<vmem>>
    %dma_wait3A_569 = arith.constant 0 : i32
    %dma_wait3A_570 = arith.constant 0 : i32
    %dma_wait3A_571 = tpu.memref_slice %arg6[%add3A, %dma_wait3A_564, %dma_wait3A_569, %dma_wait3A_570] : memref<32x200x128x128xf32, #tpu.memory_space<hbm>> -> memref<1x1x128x64xf32, #tpu.memory_space<hbm>>
    %dma_wait3A_572 = tpu.memref_squeeze %dma_wait3A_571 : memref<1x1x128x64xf32, #tpu.memory_space<hbm>> -> memref<128x64xf32, #tpu.memory_space<hbm>>
    %dma_wait3A_573 = arith.constant 0 : i32
    %dma_wait3A_574 = arith.constant 0 : i32
    %dma_wait3A_575 = tpu.memref_slice %arg6[%add3A, %dma_wait3A_564, %dma_wait3A_573, %dma_wait3A_574] : memref<32x200x128x128xf32, #tpu.memory_space<hbm>> -> memref<1x1x128x64xf32, #tpu.memory_space<hbm>>
    %dma_wait3A_576 = tpu.memref_squeeze %dma_wait3A_575 : memref<1x1x128x64xf32, #tpu.memory_space<hbm>> -> memref<128x64xf32, #tpu.memory_space<hbm>>
    %dma_wait3A_577 = arith.constant 0 : i32
    %dma_wait3A_578 = arith.constant 0 : i32
    %dma_wait3A_579 = tpu.memref_slice %arg9[%dma_wait3A_563, %dma_wait3A_577, %dma_wait3A_578] : memref<8x128x64xf32, #tpu.memory_space<vmem>> -> memref<1x128x64xf32, #tpu.memory_space<vmem>>
    %dma_wait3A_580 = tpu.memref_squeeze %dma_wait3A_579 : memref<1x128x64xf32, #tpu.memory_space<vmem>> -> memref<128x64xf32, #tpu.memory_space<vmem>>
    tpu.wait_dma2 semaphore(%arg26 : memref<!tpu.dma_semaphore, #tpu.memory_space<semaphore_mem>>) src(%dma_wait3A_580 : memref<128x64xf32, #tpu.memory_space<vmem>>) dst(%dma_wait3A_576 : memref<128x64xf32, #tpu.memory_space<hbm>>)
    return
  }
}

</mosaic_0001>

<sc_bundles>
// kernel: kernel.3.cloned.1.call-start
scs
__scs_entry_jumppad:
0x0: {  	(pc) =	sbr.rel $0x88, $3  }
0x1: {  	(tag) =	ssettag $0x0;
	lr =	simm.s32 $0x1  }
0x2: {  	[smem:$0x3F9D] =	sst lr;
	_ =	strace $0xD0000000  }
0x3: {  	_ = 	snop  }
0x4: {  	_ = 	snop  }
0x5: {  	_ = 	snop  }
0x6: {  	_ = 	snop  }
0x7: {  	_ = 	snop  }
__scs_overlays_trampoline_lowered:
0x8: {  	[smem:$0x3FAC] =	sst s0  }
0x9: {  	[smem:$0x3FAD] =	sst s1  }
0xa: {  	[smem:$0x3FAE] =	sst s2  }
0xb: {  	[smem:$0x3FAF] =	sst s3  }
0xc: {  	[smem:$0x3FB0] =	sst s4  }
0xd: {  	[smem:$0x3FB1] =	sst s5  }
0xe: {  	[smem:$0x3FB2] =	sst s6  }
0xf: {  	[smem:$0x3FB3] =	sst s7  }
0x10: {  	[smem:$0x3FB4] =	sst s8  }
0x11: {  	[smem:$0x3FB5] =	sst s9;
	s0 =	simm.s32 @!p0 $0x0  }
0x12: {  	s1 =	sld [smem:$0x3F9B];
	s0 =	simm.s32 @p0 $0x1  }
0x13: {  	[smem:$0x3FB6] =	sst s0;
	s0 =	simm.s32 @!p1 $0x0  }
0x14: {  	s2 =	sld [smem:$0x3F9A];
	s0 =	simm.s32 @p1 $0x1  }
0x15: {  	[smem:$0x3FB7] =	sst s0;
	s0 =	simm.s32 @!p2 $0x0  }
0x16: {  	s3 =	sld [smem:$0x3FDB];
	s0 =	simm.s32 @p2 $0x1  }
0x17: {  	s4 =	simm.s32 $0x1BF5;
	[smem:$0x3FB9] =	sst s0  }
0x18: {  	s0 =	sld [smem:$0x3F9C];
	_ =	swait.ge [sflag:s4], $0x0  }
0x19: {  	s7 =	sld [smem:$0x3F9D]  }
0x1a: {  	s8 =	sadd.s32 $0xFFFFE003, lr  }
0x1b: {  	s9 =	sadd.s32 $0xFFFFFEF7, lr;
	s5 =	simm.s32 $0xFFFFFFFF;
	p2 =	slt.u32 s8, $0xFFFFF086  }
0x1c: {  	p1 =	slt.u32 s9, $0xF7A;
	s5 =	simm.s32 @!p2 $0x0  }
0x1d: {  	s5 =	simm.s32 @p1 $0x1;
	p0 =	seq.s32 s7, s2  }
0x1e: {  	s7 =	smul.u32 @!p0 $0xF7A, s2;
	p2 =	seq.s32 @!p0 s5, $0x0  }
0x1f: {  	s9 =	smul.u32 $0xF7A, s1;
	s8 =	simm.s32 @!p0 $0x1BF5;
	p2 =	por !p2, p0  }
0x20: {  	[sflag:s8] =	ssyncset.s32 @!p0 $0xFFFFF086;
	s6 =	sadd.s32 @!p0 s3, s7;
	s7 =	simm.s32 @!p0 $0x108  }
0x21: {  	s3 =	sadd.s32 s3, s9;
	s6 =	sadd.s32 @!p0 $0x88, s6;
	s7 =	simm.s32 @p2 $0x1082  }
0x22: {  	[simem:s7], [sflag:s8] =	dma.local @!p0 [hbm:s6], $0xF7A  }
0x23: {  	s9 =	sor.u32 $0xD0000000, s2;
	s6 =	simm.s32 $0x108;
	_ =	swait.ge @!p0 [sflag:s8], $0x0  }
0x24: {  	s3 =	sadd.s32 $0x88, s3;
	s6 =	simm.s32 @!p1 $0x1082;
	[sflag:s4] =	ssyncset.s32 $0xFFFFF086  }
0x25: {  	[simem:s6], [sflag:s4] =	dma.local [hbm:s3], $0xF7A  }
0x26: {  	[smem:$0x3F9D] =	sst s1;
	(tag) =	ssettag s2;
	_ =	strace s9  }
0x27: {  	s1 =	sld [smem:$0x3FAD]  }
0x28: {  	s2 =	sld [smem:$0x3FAE]  }
0x29: {  	s4 =	sld [smem:$0x3FB0]  }
0x2a: {  	p0 =	seq.s32 s5, $0x0;
	s5 =	sld [smem:$0x3FB1]  }
0x2b: {  	s6 =	sld [smem:$0x3FB2]  }
0x2c: {  	s7 =	sld [smem:$0x3FB3]  }
0x2d: {  	s3 =	simm.s32 $0x108;
	s8 =	sld [smem:$0x3FB4]  }
0x2e: {  	s3 =	simm.s32 @!p0 $0x1082;
	s9 =	sld [smem:$0x3FB5]  }
0x2f: {  	lr =	sadd.s32 s0, s3;
	s0 =	sld [smem:$0x3FAC]  }
0x30: {  	s3 =	sld [smem:$0x3FAF]  }
0x31: {  	[smem:$0x3FB8] =	sst s10  }
0x32: {  	s10 =	sld [smem:$0x3FB6];
	_ =	sdelay $0x3  }
0x33: {  	p0 =	seq.s32 s10, $0x1;
	s10 =	sld [smem:$0x3FB8];
	_ =	sdelay $0x3  }
0x34: {  	[smem:$0x3FB8] =	sst s10  }
0x35: {  	s10 =	sld [smem:$0x3FB7];
	_ =	sdelay $0x3  }
0x36: {  	p1 =	seq.s32 s10, $0x1;
	s10 =	sld [smem:$0x3FB8];
	_ =	sdelay $0x3  }
0x37: {  	[smem:$0x3FB8] =	sst s10  }
0x38: {  	s10 =	sld [smem:$0x3FB9]  }
0x39: {  	_ = 	snop;
	(pc) =	sbr.ind lr, $3  }
0x3a: {  	_ = 	snop  }
0x3b: {  	_ = 	snop  }
0x3c: {  	p2 =	seq.s32 s10, $0x1;
	s10 =	sld [smem:$0x3FB8]  }
0x3d: {  	_ =	shalt  }
0x3e: {  	_ =	shalt  }
0x3f: {  	_ =	shalt  }
0x40: {  	_ =	shalt  }
0x41: {  	_ =	shalt  }
0x42: {  	_ =	shalt  }
0x43: {  	_ =	shalt  }
0x44: {  	_ =	shalt  }
0x45: {  	_ =	shalt  }
0x46: {  	_ =	shalt  }
0x47: {  	_ =	shalt  }
0x48: {  	_ =	shalt  }
0x49: {  	_ =	shalt  }
0x4a: {  	_ =	shalt  }
0x4b: {  	_ =	shalt  }
0x4c: {  	_ =	shalt  }
0x4d: {  	_ =	shalt  }
0x4e: {  	_ =	shalt  }
0x4f: {  	_ =	shalt  }
0x50: {  	_ =	shalt  }
0x51: {  	_ =	shalt  }
0x52: {  	_ =	shalt  }
0x53: {  	_ =	shalt  }
0x54: {  	_ =	shalt  }
0x55: {  	_ =	shalt  }
0x56: {  	_ =	shalt  }
0x57: {  	_ =	shalt  }
0x58: {  	_ =	shalt  }
0x59: {  	_ =	shalt  }
0x5a: {  	_ =	shalt  }
0x5b: {  	_ =	shalt  }
0x5c: {  	_ =	shalt  }
0x5d: {  	_ =	shalt  }
0x5e: {  	_ =	shalt  }
0x5f: {  	_ =	shalt  }
0x60: {  	_ =	shalt  }
0x61: {  	_ =	shalt  }
0x62: {  	_ =	shalt  }
0x63: {  	_ =	shalt  }
0x64: {  	_ =	shalt  }
0x65: {  	_ =	shalt  }
0x66: {  	_ =	shalt  }
0x67: {  	_ =	shalt  }
0x68: {  	_ =	shalt  }
0x69: {  	_ =	shalt  }
0x6a: {  	_ =	shalt  }
0x6b: {  	_ =	shalt  }
0x6c: {  	_ =	shalt  }
0x6d: {  	_ =	shalt  }
0x6e: {  	_ =	shalt  }
0x6f: {  	_ =	shalt  }
0x70: {  	_ =	shalt  }
0x71: {  	_ =	shalt  }
0x72: {  	_ =	shalt  }
0x73: {  	_ =	shalt  }
0x74: {  	_ =	shalt  }
0x75: {  	_ =	shalt  }
0x76: {  	_ =	shalt  }
0x77: {  	_ =	shalt  }
0x78: {  	_ =	shalt  }
0x79: {  	_ =	shalt  }
0x7a: {  	_ =	shalt  }
0x7b: {  	_ =	shalt  }
0x7c: {  	_ =	shalt  }
0x7d: {  	_ =	shalt  }
0x7e: {  	_ =	shalt  }
0x7f: {  	_ =	shalt  }
0x80: {  	_ =	shalt  }
0x81: {  	_ =	shalt  }
0x82: {  	_ =	shalt  }
0x83: {  	_ =	shalt  }
0x84: {  	_ =	shalt  }
0x85: {  	_ =	shalt  }
0x86: {  	_ =	shalt  }
0x87: {  	_ =	shalt  }
.Lfunc_end0:
.L_simem_size_0:
called_computation.2_lowered:
.L_overlay_start_0:
0x88: {  	s2 =	sld [smem:$0x3FD9]  }
0x89: {  	s3 =	sld [smem:$0x3FFE];
	_ =	sdelay $0x1  }
0x8a: {  	s1 =	srdreg.scid  }
0x8b: {  	s0 =	sand.u32 $0x1, s1  }
0x8c: {  	s17 =	sshll.u32 s0, $0xA;
	s2 =	sadd.s32 s3, s2  }
0x8d: {  	s2 =	sadd.s32 s2, s17  }
0x8e: {  	[smem:$0x3FC4] =	sst s2  }
0x8f: {  	_ = 	snop  }
0x90: {  	s2 =	sld [smem:$0x3FC8]  }
0x91: {  	s18 =	sld [smem:$0x3FC7]  }
0x92: {  	s4 =	sld [smem:$0x3FD0];
	(tm) =	ssettm $0x1  }
0x93: {  	s5 =	sld [smem:$0x3FFB];
	_ =	sdelay $0x3  }
0x94: {  	_ =	strace s5  }
0x95: {  	s5 =	sld [smem:$0x3FFC];
	_ =	sdelay $0x3  }
0x96: {  	_ =	strace s5  }
0x97: {  	s5 =	sld [smem:$0x3FFD];
	_ =	sdelay $0x3  }
0x98: {  	_ =	strace s5  }
0x99: {  	_ =	strace $0x8FFFFFFF  }
0x9a: {  	s19 =	sld [smem:$0x3FDB];
	_ =	sdelay $0x1  }
0x9b: {  	s6 =	simm.s32 $_scs_section_size  }
0x9c: {  	s7 =	simm.s32 $_size__tile_overlayer_lowered;
	s8 =	simm.s32 $_tile_overlayer_lowered  }
0x9d: {  	s22 =	simm.s32 $0x1BFF;
	s21 =	sshll.u32 s8, $0x1;
	s5 =	sadd.s32 s6, s19  }
0x9e: {  	s9 =	simm.s32 $0x0;
	s20 =	sshll.u32 s7, $0x1;
	s7 =	sadd.s32 s21, s5  }
0x9f: {  	[timem:s9], [sflag:s22] =	dma.local [hbm:s7], s20  }
0xa0: {  	_ =	swait.ge [sflag:s22], s20  }
0xa1: {  	s6 =	ssub.s32 $0x0, s20;
	[sflag:s22] =	ssyncset.done $0x0  }
0xa2: {  	[sflag:s22] =	ssyncadd.s32 s6;
	_ =	sdelay $0x1  }
0xa3: {  	s23 =	simm.s32 $0x1B8B  }
0xa4: {  	_ =	swait.ge [sflag:s23], $0x1  }
0xa5: {  	[sflag:s23] =	ssyncset.done $0x0  }
0xa6: {  	s25 =	simm.s32 $0x1B8E;
	s24 =	sld [smem:$0x3FFE];
	[sflag:s23] =	ssyncadd.s32 $0xFFFFFFFF  }
0xa7: {  	s26 =	simm.s32 $execute0_lowered;
	[smem:$0x3FD2] =	sst s25  }
0xa8: {  	s7 =	sshll.u32 s26, $0x1;
	_ =	strace $0x80000049;
	[dreg:$0x1] =	wrdreg $0xFFFFFFFF  }
0xa9: {  	s28 =	simm.s32 $_size_execute0_lowered;
	s5 =	sadd.s32 s5, s7;
	[dreg:$0x0] =	wrdreg $0x0  }
0xaa: {  	s7 =	sshll.u32 s28, $0x1;
	[dreg:$0x2] =	wrdreg s5  }
0xab: {  	[dreg:$0x3] =	wrdreg s7  }
0xac: {  	[dreg:$0x4] =	wrdreg $0xC0  }
0xad: {  	_ =	task [dreg:s9], $0x5FFFF  }
0xae: {  	[dreg:$0x1] =	wrdreg $0xFFFFFFFF  }
0xaf: {  	[dreg:$0x0] =	wrdreg $0x60  }
0xb0: {  	[dreg:$0x2] =	wrdreg s4  }
0xb1: {  	[dreg:$0x3] =	wrdreg s2  }
0xb2: {  	[dreg:$0x4] =	wrdreg s18  }
0xb3: {  	[dreg:$0x5] =	wrdreg s24  }
0xb4: {  	[dreg:$0x6] =	wrdreg $0x9  }
0xb5: {  	_ =	task.clear_ibuf [dreg:s9], $0x7FFFF;
	_ =	strace $0x90000049  }
0xb6: {  	s29 =	simm.s32 $0x9;
	_ =	strace $0x8000004B  }
0xb7: {  	_ =	swait.ge [sflag:s29], $0x1  }
0xb8: {  	[sflag:s29] =	ssyncadd.s32 $0xFFFFFFFF  }
0xb9: {  	_ =	strace $0x9000004B  }
0xba: {  	_ =	sfence  }
0xbb: {  	s30 =	sld [smem:$0x0];
	_ =	sdelay $0x2  }
0xbc: {  	s31 =	sshll.u32 s1, $0xD;
	s1 =	sshrl.u32 s1, $0x2  }
0xbd: {  	s3 =	sand.u32 $0x4000, s31;
	s1 =	sadd.s32 s1, s30  }
0xbe: {  	s0 =	sor.u32 s3, s0;
	s1 =	sshll.u32 s1, $0x11  }
0xbf: {  	s0 =	sor.u32 s1, s0  }
0xc0: {  	s0 =	sadd.s32 $0x8F2B, s0  }
0xc1: {  	[sflag:s0] =	ssyncadd.remote.s32 $0x1  }
0xc2: {  	_ =	sfence.sel $0xFFFF  }
0xc3: {  	[dreg:$0x0] =	wrdreg $0xFFFFFFFF;
	(pc) =	sbr.abs _section_cstart, $3  }
0xc4: {  	[dreg:$0x1] =	wrdreg $0xFFFFFFFF  }
0xc5: {  	_ =	task.clear_ibuf [dreg:s9], $0x2FFFF;
	_ =	strace $0x9FFFFFFF  }
0xc6: {  	(tm) =	ssettm $0x7FFFFFFF  }
0xc7: {  	_ =	shalt  }
tec
execute0_lowered:
.L_overlay_start_1:
0x0: {  	(tag) =	ssettag $0x1  }
0x1: {  	s0 =	rddreg [dreg:$0x0]  }
0x2: {  	s1 =	srdreg.scid;
	s3 =	stileid.u32  }
0x3: {  	s2 =	rddreg [dreg:$0x3];
	s4 =	simm.s32 $0x0;
	s15 =	simm.s32 $0x1C800  }
0x4: {  	s17 =	simm.s32 $0x80;
	s18 =	simm.s32 $0xC800;
	s19 =	simm.s32 $0xE800  }
0x5: {  	s28 =	simm.s32 $0x18800;
	s1 =	sand.u32 $0x1, s1;
	s3 =	sshll.u32 s3, $0x1  }
0x6: {  	s29 =	simm.s32 $0x3;
	s30 =	simm.s32 $0x1A800;
	s3 =	sor.u32 s1, s3  }
0x7: {  	s31 =	simm.s32 $0x4;
	[smem:$0x7FF] =	sst s4;
	s5 =	smul.u32 $0x320000, s3  }
0x8: {  	s6 =	sadd.s32 $0xE00, s2;
	s1 =	ssub.s32 $0x2, s1;
	s3 =	smul.u32 $0xC80, s3  }
0x9: {  	s7 =	sadd.s32 $0xF43200, s2;
	_ =	strace $0x8000004A;
	s20 =	sshrl.u32 s1, $0x1  }
0xa: {  	s1 =	ssub.s32 s1, s20;
	s8 =	sshrl.u32 s5, $0x3;
	s0 =	sadd.s32 s0, s3  }
0xb: {  	s26 =	smax.u32 s1, $0x1;
	s21 =	sadd.s32 s6, s8;
	[dreg:$0x5] =	wrdreg s0  }
0xc: {  	s2 =	simm.s32 $0x0;
	[dreg:$0xa] =	wrdreg s26;
	s22 =	sadd.s32 $0x62000, s21  }
.Ltmp0:
0xd: {  	s23 =	sadd.s32 $0x62800, s21;
	[dreg:$0x6] =	wrdreg s22;
	(pc) =	sbr.rel .LBB2_1-.Ltmp0, $4  }
0xe: {  	s20 =	simm.s32 $0x10800;
	s24 =	sadd.s32 $0x63000, s21;
	[dreg:$0x7] =	wrdreg s23  }
0xf: {  	s26 =	simm.s32 $0x2;
	s25 =	sadd.s32 $0x63800, s21;
	[dreg:$0x8] =	wrdreg s24  }
0x10: {  	v1 =	vlaneseq.u32;
	s21 =	simm.s32 $0x12800;
	[dreg:$0x9] =	wrdreg s25;
	s22 =	simm.s32 $0x14800  }
0x11: {  	v0 =	vimm.f32 $0.0e+00;
	v1 =	vmul.u32 $0x40, v1;
	s23 =	simm.s32 $0x1;
	s24 =	simm.s32 $0x40;
	s25 =	simm.s32 $0x16800  }
.LBB2_86:
0x12: {  	s0 =	rddreg [dreg:$0x9];
	s8 =	simm.s32 $0x9  }
0x13: {  	[hbm4b:s0+s24] =	stream.strided.scatter [tilespmem:s30], [sflag:$0x10], $0x2000, s17, s24, $0x38;
	[tilespmem:$0x1C880] =	vst v63  }
0x14: {  	_ =	swait.ge [sflag:s8], $0x2000  }
0x15: {  	[sflag:s8] =	ssyncset.done $0x0  }
0x16: {  	s9 =	simm.s32 $0xA;
	[sflag:s8] =	ssyncadd.s32 $0xFFFFE000  }
0x17: {  	_ =	swait.ge [sflag:s9], $0x2000  }
0x18: {  	[sflag:s9] =	ssyncset.done $0x0  }
0x19: {  	s10 =	simm.s32 $0xB;
	[sflag:s9] =	ssyncadd.s32 $0xFFFFE000  }
0x1a: {  	_ =	swait.ge [sflag:s10], $0x2000  }
0x1b: {  	[sflag:s10] =	ssyncset.done $0x0  }
0x1c: {  	s11 =	simm.s32 $0xC;
	[sflag:s10] =	ssyncadd.s32 $0xFFFFE000  }
0x1d: {  	_ =	swait.ge [sflag:s11], $0x2000  }
0x1e: {  	[sflag:s11] =	ssyncset.done $0x0  }
0x1f: {  	s12 =	simm.s32 $0xD;
	[sflag:s11] =	ssyncadd.s32 $0xFFFFE000  }
0x20: {  	_ =	swait.ge [sflag:s12], $0x2000  }
0x21: {  	[sflag:s12] =	ssyncset.done $0x0  }
0x22: {  	s13 =	simm.s32 $0xE;
	[sflag:s12] =	ssyncadd.s32 $0xFFFFE000  }
0x23: {  	_ =	swait.ge [sflag:s13], $0x2000  }
0x24: {  	[sflag:s13] =	ssyncset.done $0x0  }
0x25: {  	s14 =	simm.s32 $0xF;
	[sflag:s13] =	ssyncadd.s32 $0xFFFFE000  }
0x26: {  	_ =	swait.ge [sflag:s14], $0x2000  }
0x27: {  	[sflag:s14] =	ssyncset.done $0x0  }
0x28: {  	s1 =	simm.s32 $0x10;
	[sflag:s14] =	ssyncadd.s32 $0xFFFFE000  }
0x29: {  	_ =	swait.ge [sflag:s1], $0x2000  }
0x2a: {  	s2 =	rddreg [dreg:$0xb]  }
0x2b: {  	s16 =	rddreg [dreg:$0xa];
	s2 =	sadd.s32 $0x1, s2  }
0x2c: {  	p0 =	sne.s32 s2, s16  }
.Ltmp1:
0x2d: {  	_ = 	snop;
	(pc) =	sbr.rel @!p0 .LBB2_87-.Ltmp1, $3  }
0x2e: {  	_ =	sdelay $0x1  }
0x2f: {  	[sflag:s1] =	ssyncset.done $0x0  }
0x30: {  	[sflag:s1] =	ssyncadd.s32 $0xFFFFE000  }
.LBB2_1:
0x31: {  	[dreg:$0xb] =	wrdreg s2  }
0x32: {  	s1 =	simm.s32 $0x0;
	s0 =	rddreg [dreg:$0x5];
	s13 =	simm.s32 $0x11  }
0x33: {  	[tilespmem:s1], [sflag:$0x11] =	stream.linear.gather [hbm4b:s0+s1], $0x6400, $0x38;
	[tilespmem:$0x1C880] =	vst v63  }
0x34: {  	_ =	swait.ge [sflag:s13], $0x6400  }
0x35: {  	[sflag:s13] =	ssyncset.done $0x0  }
0x36: {  	[sflag:s13] =	ssyncadd.s32 $0xFFFF9C00  }
0x37: {  	s14 =	rddreg [dreg:$0x1]  }
0x38: {  	[tilespmem:s15], [sflag:$0x11] =	stream.linear.gather [hbm4b:s14+s1], $0x40, $0x38;
	[tilespmem:$0x1C880] =	vst v63  }
0x39: {  	_ =	swait.ge [sflag:s13], $0x40  }
0x3a: {  	[sflag:s13] =	ssyncset.done $0x0  }
0x3b: {  	[sflag:s13] =	ssyncadd.s32 $0xFFFFFFC0  }
.Ltmp2:
0x3c: {  	s3 =	simm.s32 $0x1C840;
	s16 =	rddreg [dreg:$0x2];
	(pc) =	sbr.rel .LBB2_2-.Ltmp2, $4  }
0x3d: {  	[tilespmem:s3], [sflag:$0x11] =	stream.linear.gather [hbm4b:s16+s1], $0x40, $0x38;
	[tilespmem:$0x1C880] =	vst v63  }
0x3e: {  	_ =	swait.ge [sflag:s13], $0x40  }
0x3f: {  	[sflag:s13] =	ssyncset.done $0x0  }
0x40: {  	s12 =	simm.s32 $0x0;
	[sflag:s13] =	ssyncadd.s32 $0xFFFFFFC0  }
.LBB2_61:
0x41: {  	s12 =	sadd.s32 $0x1, s12  }
0x42: {  	p0 =	sne.s32 s12, $0x19  }
.Ltmp3:
0x43: {  	s0 =	sshll.u32 s4, $0xE;
	(pc) =	sbr.rel @!p0 .LBB2_62-.Ltmp3, $4  }
0x44: {  	s0 =	sadd.s32 s5, s0  }
0x45: {  	s0 =	sshrl.u32 s0, $0x3  }
0x46: {  	s0 =	sadd.s32 s6, s0  }
0x47: {  	[hbm4b:s0+s24] =	stream.strided.scatter [tilespmem:s21], [sflag:$0xC], $0x2000, s17, s24, $0x38;
	[tilespmem:$0x1C880] =	vst v63  }
.LBB2_2:
0x48: {  	p0 =	seq.s32 s12, $0x0  }
0x49: {  	s0 =	simm.s32 @!p0 $0x9  }
0x4a: {  	_ =	swait.ge @!p0 [sflag:s0], $0x2000  }
0x4b: {  	[sflag:s0] =	ssyncset.done @!p0 $0x0  }
0x4c: {  	s13 =	sshll.u32 s12, $0xA;
	[sflag:s0] =	ssyncadd.s32 @!p0 $0xFFFFE000  }
0x4d: {  	v2 =	vld [tilespmem:s13+$0x0]  }
0x4e: {  	v3 =	vld [tilespmem:s13+$0x10]  }
0x4f: {  	v4 =	vld [tilespmem:s13+$0x20]  }
0x50: {  	v5 =	vld [tilespmem:s13+$0x30]  }
0x51: {  	v6 =	vld [tilespmem:s13+$0x40]  }
0x52: {  	v7 =	vld [tilespmem:s13+$0x50]  }
0x53: {  	v9 =	vld [tilespmem:s13+$0x70];
	_ =	sdelay $0x2  }
0x54: {  	v2 =	vadd.s32 $0xFFFFFFFE, v2;
	v3 =	vadd.s32 $0xFFFFFFFE, v3  }
0x55: {  	v4 =	vadd.s32 $0xFFFFFFFE, v4;
	v5 =	vadd.s32 $0xFFFFFFFE, v5;
	v6 =	vadd.s32 $0xFFFFFFFE, v6  }
0x56: {  	v8 =	vld [tilespmem:s13+$0x60];
	v61 =	vadd.s32 $0xFFFFFFFE, v7;
	v63 =	vadd.s32 $0xFFFFFFFE, v9;
	vm0 =	vgt.s32 v2, $0x0  }
0x57: {  	vm10 =	vgt.s32 v3, $0x0;
	vm11 =	vgt.s32 v4, $0x0;
	v2 =	vnsel vm0, $0x0, v2  }
0x58: {  	vm12 =	vgt.s32 v5, $0x0;
	v3 =	vnsel vm10, $0x0, v3;
	v2 =	vshll.u32 v2, $0x1  }
0x59: {  	vm1 =	vgt.s32 v6, $0x0;
	v4 =	vnsel vm11, $0x0, v4;
	v3 =	vshll.u32 v3, $0x1;
	[tilespmem:s13+$0x6400] =	vst v2  }
0x5a: {  	vm13 =	vgt.s32 v61, $0x0;
	v5 =	vnsel vm12, $0x0, v5;
	[tilespmem:s13+$0x6410] =	vst v3;
	v3 =	vshll.u32 v4, $0x1  }
0x5b: {  	v60 =	vshll.u32 v5, $0x1;
	v2 =	vnsel vm1, $0x0, v6;
	[tilespmem:s13+$0x6420] =	vst v3;
	v3 =	vadd.s32 $0xFFFFFFFE, v8  }
0x5c: {  	v62 =	vnsel vm13, $0x0, v61;
	[tilespmem:s13+$0x6430] =	vst v60;
	v2 =	vshll.u32 v2, $0x1;
	vm14 =	vgt.s32 v3, $0x0  }
.Ltmp4:
0x5d: {  	vm15 =	vgt.s32 v63, $0x0;
	[tilespmem:s13+$0x6440] =	vst v2;
	v2 =	vshll.u32 v62, $0x1;
	v3 =	vnsel vm14, $0x0, v3;
	(pc) =	sbr.rel @p0 .LBB2_3-.Ltmp4, $4  }
0x5e: {  	[tilespmem:s13+$0x6450] =	vst v2;
	v2 =	vnsel vm15, $0x0, v63;
	v3 =	vshll.u32 v3, $0x1  }
0x5f: {  	v2 =	vshll.u32 v2, $0x1;
	[tilespmem:s13+$0x6460] =	vst v3  }
0x60: {  	s3 =	sshll.u32 s12, $0x3;
	s16 =	sadd.s32 $0x6400, s13;
	[tilespmem:s13+$0x6470] =	vst v2  }
0x61: {  	[tilespmem:s18], [sflag:$0x1] =	stream.indirect.gather [hbm4b:s7+s17], $0x40, s16, s17, $0xb8;
	[tilespmem:$0x1C880] =	vst v63  }
0x62: {  	s2 =	simm.s32 $0x5  }
0x63: {  	s0 =	sadd.s32 $0xFFFFFFFC, s3;
	_ =	swait.ge [sflag:s2], $0x2000  }
0x64: {  	s1 =	sshll.u32 s0, $0x9;
	[sflag:s2] =	ssyncset.done $0x0  }
0x65: {  	s1 =	sshra.s32 s1, $0x2;
	[sflag:s2] =	ssyncadd.s32 $0xFFFFE000  }
0x66: {  	v2 =	vld [tilespmem:s1+$0x0]  }
0x67: {  	v3 =	vld [tilespmem:s1+$0x10]  }
0x68: {  	v4 =	vld [tilespmem:s1+$0x20]  }
0x69: {  	v5 =	vld [tilespmem:s1+$0x30]  }
0x6a: {  	v6 =	vld [tilespmem:s1+$0x40]  }
0x6b: {  	v7 =	vld [tilespmem:s1+$0x50]  }
0x6c: {  	vm0 =	vlt.s32 v2, $0x2;
	vm1 =	vlt.s32 v3, $0x2;
	v2 =	vld [tilespmem:s1+$0x60]  }
0x6d: {  	vm10 =	vlt.s32 v4, $0x2;
	v3 =	vld [tilespmem:s1+$0x70];
	vm0 =	vmor vm0, vm1  }
0x6e: {  	vm11 =	vlt.s32 v5, $0x2;
	vm0 =	vmor vm0, vm10  }
0x6f: {  	vm12 =	vlt.s32 v6, $0x2;
	vm0 =	vmor vm0, vm11  }
0x70: {  	vm13 =	vlt.s32 v7, $0x2;
	vm0 =	vmor vm0, vm12  }
0x71: {  	vm0 =	vmor vm0, vm13;
	vm14 =	vlt.s32 v2, $0x2  }
0x72: {  	vm15 =	vlt.s32 v3, $0x2;
	vm0 =	vmor vm0, vm14  }
0x73: {  	vm0 =	vmor vm0, vm15  }
0x74: {  	v2 =	vsel vm0, $0x3F800000, v0  }
0x75: {  	(xrf0) =	vmax.scan.msk.f32 $0xffff, v2;
	_ =	sdelay $0x5  }
0x76: {  	v2, _, _ =	vpop (xrf0)  }
0x77: {  	(v2sf) =	vpush v2, $0xF;
	_ =	sdelay $0xe  }
0x78: {  	s16 =	spop (v2sf)  }
0x79: {  	p1 =	sgt.f32 s16, $0.0e+00  }
.Ltmp5:
0x7a: {  	_ = 	snop;
	(pc) =	sbr.rel @p1 .LBB2_5-.Ltmp5, $2  }
0x7b: {  	_ =	sdelay $0x2  }
0x7c: {  	s2 =	simm.s32 $0x0  }
.LBB2_10:
0x7d: {  	s0 =	sshll.u32 s0, $0xE  }
0x7e: {  	s0 =	sadd.s32 s5, s0  }
0x7f: {  	s0 =	sshrl.u32 s0, $0x3  }
.Ltmp6:
0x80: {  	s16 =	simm.s32 $0xA;
	s0 =	sadd.s32 s6, s0;
	(pc) =	sbr.rel .LBB2_11-.Ltmp6, $4  }
0x81: {  	[hbm4b:s0+s24] =	stream.strided.scatter [tilespmem:s22], [sflag:$0xD], $0x2000, s17, s24, $0x38;
	[tilespmem:$0x1C880] =	vst v63  }
0x82: {  	_ =	swait.ge [sflag:s16], $0x2000  }
0x83: {  	[sflag:s16] =	ssyncset.done $0x0  }
0x84: {  	s2 =	sor.u32 $0x1, s3;
	[sflag:s16] =	ssyncadd.s32 $0xFFFFE000  }
.LBB2_9:
0x85: {  	s2 =	sadd.s32 $0x1, s2  }
0x86: {  	p1 =	sne.s32 s2, $0x8  }
.Ltmp7:
0x87: {  	_ = 	snop;
	(pc) =	sbr.rel @!p1 .LBB2_10-.Ltmp7, $1  }
0x88: {  	_ =	sdelay $0x3  }
.LBB2_5:
0x89: {  	s4 =	sshll.u32 s2, $0x4  }
0x8a: {  	s8 =	sadd.s32 s4, s1  }
0x8b: {  	v2 =	vld [tilespmem:s8+$0x0];
	_ =	sdelay $0x4  }
0x8c: {  	vm0 =	vlt.s32 v2, $0x2  }
0x8d: {  	v3 =	vsel vm0, $0x3F800000, v0  }
0x8e: {  	(xrf0) =	vmax.scan.msk.f32 $0xffff, v3;
	_ =	sdelay $0x5  }
0x8f: {  	v3, _, _ =	vpop (xrf0)  }
0x90: {  	(v2sf) =	vpush v3, $0xF;
	_ =	sdelay $0xe  }
0x91: {  	s16 =	spop (v2sf)  }
0x92: {  	p1 =	sgt.f32 s16, $0.0e+00  }
.Ltmp8:
0x93: {  	_ = 	snop;
	(pc) =	sbr.rel @!p1 .LBB2_9-.Ltmp8, $1  }
0x94: {  	_ =	sdelay $0x3  }
0x95: {  	vm1 =	vlt.s32 v2, $0x1;
	s8 =	simm.s32 $0x0  }
0x96: {  	v2 =	vnsel vm1, $0x1, v2;
	v3 =	vmov s8  }
0x97: {  	v4 =	vmov s4;
	v2 =	vshll.u32 v2, $0x6;
	v5 =	vand.u32 $0x38, v3  }
0x98: {  	v6 =	vshll.u32 v4, $0x6;
	v4 =	vand.u32 $0x7, v3;
	v7 =	vor.u32 v2, v5  }
0x99: {  	v7 =	vor.u32 v4, v7;
	_ =	sdelay $0x2  }
0x9a: {  	s16 =	simm.s32 $0x1  }
0x9b: {  	s4 =	simm.s32 $0x2;
	v3 =	vor.u32 v1, v6;
	v6 =	vmov s16  }
.LBB2_7:
0x9c: {  	p1 =	sne.s32 s4, $0x3F;
	v8 =	vld.idx.msk [tilespmem:v7+s15+$0x0], $0xffff;
	v7 =	vor.u32 v3, v5;
	v5 =	vand.u32 $0x38, v6  }
0x9d: {  	v9 =	vor.u32 v2, v5;
	v10 =	vor.u32 v4, v7;
	v4 =	vand.u32 $0x7, v6  }
.Ltmp9:
0x9e: {  	v7 =	vor.u32 v4, v9;
	(pc) =	sbr.rel @p1 .LBB2_7-.Ltmp9, $2  }
0x9f: {  	_ =	sdelay $0x2  }
0xa0: {  	v6 =	vmov s4;
	s4 =	sadd.s32 $0x1, s4;
	[tilespmem:v10+s22+$0x0] =	vst.idx.msk vm0, v8  }
0xa1: {  	_ =	sdelay $0x2  }
0xa2: {  	v8 =	vand.u32 $0x38, v6;
	v5 =	vor.u32 v3, v5  }
0xa3: {  	v7 =	vld.idx.msk [tilespmem:v7+s15+$0x0], $0xffff;
	v63 =	vand.u32 $0x7, v6;
	v2 =	vor.u32 v2, v8;
	v4 =	vor.u32 v4, v5  }
0xa4: {  	v2 =	vor.u32 v63, v2;
	_ =	sdelay $0x3  }
0xa5: {  	v3 =	vor.u32 v3, v8;
	[tilespmem:v4+s22+$0x0] =	vst.idx.msk vm0, v7  }
0xa6: {  	v3 =	vor.u32 v63, v3;
	v2 =	vld.idx.msk [tilespmem:v2+s15+$0x0], $0xffff  }
.Ltmp10:
0xa7: {  	_ = 	snop;
	(pc) =	sbr.rel .LBB2_9-.Ltmp10, $2  }
0xa8: {  	_ =	sdelay $0x2  }
0xa9: {  	[tilespmem:v3+s22+$0x0] =	vst.idx.msk vm0, v2  }
.LBB2_3:
0xaa: {  	s2 =	simm.s32 $0x1  }
.LBB2_11:
0xab: {  	s1 =	sshll.u32 s2, $0x7  }
0xac: {  	v2 =	vld [tilespmem:s1+$0x0]  }
0xad: {  	v3 =	vld [tilespmem:s1+$0x10]  }
0xae: {  	v4 =	vld [tilespmem:s1+$0x20]  }
0xaf: {  	v5 =	vld [tilespmem:s1+$0x30]  }
0xb0: {  	v6 =	vld [tilespmem:s1+$0x40]  }
0xb1: {  	v7 =	vld [tilespmem:s1+$0x50]  }
0xb2: {  	v9 =	vld [tilespmem:s1+$0x70];
	_ =	sdelay $0x2  }
0xb3: {  	v2 =	vadd.s32 $0xFFFFFFFE, v2;
	v3 =	vadd.s32 $0xFFFFFFFE, v3  }
0xb4: {  	v4 =	vadd.s32 $0xFFFFFFFE, v4;
	v5 =	vadd.s32 $0xFFFFFFFE, v5;
	v6 =	vadd.s32 $0xFFFFFFFE, v6  }
0xb5: {  	v8 =	vld [tilespmem:s1+$0x60];
	v61 =	vadd.s32 $0xFFFFFFFE, v7;
	v63 =	vadd.s32 $0xFFFFFFFE, v9;
	vm0 =	vgt.s32 v2, $0x0  }
0xb6: {  	vm10 =	vgt.s32 v3, $0x0;
	vm11 =	vgt.s32 v4, $0x0;
	v2 =	vnsel vm0, $0x0, v2  }
0xb7: {  	vm12 =	vgt.s32 v5, $0x0;
	v3 =	vnsel vm10, $0x0, v3;
	v2 =	vshll.u32 v2, $0x1  }
0xb8: {  	vm1 =	vgt.s32 v6, $0x0;
	v4 =	vnsel vm11, $0x0, v4;
	v3 =	vshll.u32 v3, $0x1;
	[tilespmem:s1+$0x6400] =	vst v2  }
0xb9: {  	vm13 =	vgt.s32 v61, $0x0;
	v5 =	vnsel vm12, $0x0, v5;
	[tilespmem:s1+$0x6410] =	vst v3;
	v3 =	vshll.u32 v4, $0x1  }
0xba: {  	v60 =	vshll.u32 v5, $0x1;
	v2 =	vnsel vm1, $0x0, v6;
	[tilespmem:s1+$0x6420] =	vst v3;
	v3 =	vadd.s32 $0xFFFFFFFE, v8  }
0xbb: {  	v62 =	vnsel vm13, $0x0, v61;
	[tilespmem:s1+$0x6430] =	vst v60;
	v2 =	vshll.u32 v2, $0x1;
	vm14 =	vgt.s32 v3, $0x0  }
.Ltmp11:
0xbc: {  	vm15 =	vgt.s32 v63, $0x0;
	[tilespmem:s1+$0x6440] =	vst v2;
	v2 =	vshll.u32 v62, $0x1;
	v3 =	vnsel vm14, $0x0, v3;
	(pc) =	sbr.rel @p0 .LBB2_12-.Ltmp11, $4  }
0xbd: {  	[tilespmem:s1+$0x6450] =	vst v2;
	v2 =	vnsel vm15, $0x0, v63;
	v3 =	vshll.u32 v3, $0x1  }
0xbe: {  	v2 =	vshll.u32 v2, $0x1;
	[tilespmem:s1+$0x6460] =	vst v3  }
0xbf: {  	s0 =	sadd.s32 $0x6400, s1;
	[tilespmem:s1+$0x6470] =	vst v2  }
0xc0: {  	[tilespmem:s19], [sflag:$0x2] =	stream.indirect.gather [hbm4b:s7+s17], $0x40, s0, s17, $0xb8;
	[tilespmem:$0x1C880] =	vst v63  }
0xc1: {  	s8 =	simm.s32 $0x6  }
0xc2: {  	s0 =	sadd.s32 $0xFFFFFFFD, s3;
	_ =	swait.ge [sflag:s8], $0x2000  }
0xc3: {  	s4 =	sshll.u32 s0, $0x9;
	[sflag:s8] =	ssyncset.done $0x0  }
0xc4: {  	s4 =	sshra.s32 s4, $0x2;
	[sflag:s8] =	ssyncadd.s32 $0xFFFFE000  }
0xc5: {  	v2 =	vld [tilespmem:s4+$0x0]  }
0xc6: {  	v3 =	vld [tilespmem:s4+$0x10]  }
0xc7: {  	v4 =	vld [tilespmem:s4+$0x20]  }
0xc8: {  	v5 =	vld [tilespmem:s4+$0x30]  }
0xc9: {  	v6 =	vld [tilespmem:s4+$0x40]  }
0xca: {  	v7 =	vld [tilespmem:s4+$0x50]  }
0xcb: {  	vm0 =	vlt.s32 v2, $0x2;
	vm1 =	vlt.s32 v3, $0x2;
	v2 =	vld [tilespmem:s4+$0x60]  }
0xcc: {  	vm10 =	vlt.s32 v4, $0x2;
	v3 =	vld [tilespmem:s4+$0x70];
	vm0 =	vmor vm0, vm1  }
0xcd: {  	vm11 =	vlt.s32 v5, $0x2;
	vm0 =	vmor vm0, vm10  }
0xce: {  	vm12 =	vlt.s32 v6, $0x2;
	vm0 =	vmor vm0, vm11  }
0xcf: {  	vm13 =	vlt.s32 v7, $0x2;
	vm0 =	vmor vm0, vm12  }
0xd0: {  	vm0 =	vmor vm0, vm13;
	vm14 =	vlt.s32 v2, $0x2  }
0xd1: {  	vm15 =	vlt.s32 v3, $0x2;
	vm0 =	vmor vm0, vm14  }
0xd2: {  	vm0 =	vmor vm0, vm15  }
0xd3: {  	v2 =	vsel vm0, $0x3F800000, v0  }
0xd4: {  	(xrf0) =	vmax.scan.msk.f32 $0xffff, v2;
	_ =	sdelay $0x5  }
0xd5: {  	v2, _, _ =	vpop (xrf0)  }
0xd6: {  	(v2sf) =	vpush v2, $0xF;
	_ =	sdelay $0xe  }
0xd7: {  	s16 =	spop (v2sf)  }
0xd8: {  	p1 =	sgt.f32 s16, $0.0e+00  }
.Ltmp12:
0xd9: {  	_ = 	snop;
	(pc) =	sbr.rel @p1 .LBB2_14-.Ltmp12, $2  }
0xda: {  	_ =	sdelay $0x2  }
0xdb: {  	s8 =	simm.s32 $0x0  }
.LBB2_19:
0xdc: {  	s0 =	sshll.u32 s0, $0xE  }
0xdd: {  	s0 =	sadd.s32 s5, s0  }
0xde: {  	s0 =	sshrl.u32 s0, $0x3  }
.Ltmp13:
0xdf: {  	s16 =	simm.s32 $0xB;
	s0 =	sadd.s32 s6, s0;
	(pc) =	sbr.rel .LBB2_20-.Ltmp13, $4  }
0xe0: {  	[hbm4b:s0+s24] =	stream.strided.scatter [tilespmem:s25], [sflag:$0xE], $0x2000, s17, s24, $0x38;
	[tilespmem:$0x1C880] =	vst v63  }
0xe1: {  	_ =	swait.ge [sflag:s16], $0x2000  }
0xe2: {  	[sflag:s16] =	ssyncset.done $0x0  }
0xe3: {  	s14 =	sor.u32 $0x2, s3;
	[sflag:s16] =	ssyncadd.s32 $0xFFFFE000  }
.LBB2_18:
0xe4: {  	s8 =	sadd.s32 $0x1, s8  }
0xe5: {  	p1 =	sne.s32 s8, $0x8  }
.Ltmp14:
0xe6: {  	_ = 	snop;
	(pc) =	sbr.rel @!p1 .LBB2_19-.Ltmp14, $1  }
0xe7: {  	_ =	sdelay $0x3  }
.LBB2_14:
0xe8: {  	s9 =	sshll.u32 s8, $0x4  }
0xe9: {  	s10 =	sadd.s32 s9, s4  }
0xea: {  	v2 =	vld [tilespmem:s10+$0x0];
	_ =	sdelay $0x4  }
0xeb: {  	vm0 =	vlt.s32 v2, $0x2  }
0xec: {  	v3 =	vsel vm0, $0x3F800000, v0  }
0xed: {  	(xrf0) =	vmax.scan.msk.f32 $0xffff, v3;
	_ =	sdelay $0x5  }
0xee: {  	v3, _, _ =	vpop (xrf0)  }
0xef: {  	(v2sf) =	vpush v3, $0xF;
	_ =	sdelay $0xe  }
0xf0: {  	s16 =	spop (v2sf)  }
0xf1: {  	p1 =	sgt.f32 s16, $0.0e+00  }
.Ltmp15:
0xf2: {  	_ = 	snop;
	(pc) =	sbr.rel @!p1 .LBB2_18-.Ltmp15, $1  }
0xf3: {  	_ =	sdelay $0x3  }
0xf4: {  	vm1 =	vlt.s32 v2, $0x1;
	s10 =	simm.s32 $0x0  }
0xf5: {  	v2 =	vnsel vm1, $0x1, v2;
	v3 =	vmov s10  }
0xf6: {  	v4 =	vmov s9;
	v2 =	vshll.u32 v2, $0x6;
	v5 =	vand.u32 $0x38, v3  }
0xf7: {  	v6 =	vshll.u32 v4, $0x6;
	v4 =	vand.u32 $0x7, v3;
	v7 =	vor.u32 v2, v5  }
0xf8: {  	v7 =	vor.u32 v4, v7;
	_ =	sdelay $0x2  }
0xf9: {  	s16 =	simm.s32 $0x1  }
0xfa: {  	s9 =	simm.s32 $0x2;
	v3 =	vor.u32 v1, v6;
	v6 =	vmov s16  }
.LBB2_16:
0xfb: {  	p1 =	sne.s32 s9, $0x3F;
	v8 =	vld.idx.msk [tilespmem:v7+s15+$0x0], $0xffff;
	v7 =	vor.u32 v3, v5;
	v5 =	vand.u32 $0x38, v6  }
0xfc: {  	v9 =	vor.u32 v2, v5;
	v10 =	vor.u32 v4, v7;
	v4 =	vand.u32 $0x7, v6  }
.Ltmp16:
0xfd: {  	v7 =	vor.u32 v4, v9;
	(pc) =	sbr.rel @p1 .LBB2_16-.Ltmp16, $2  }
0xfe: {  	_ =	sdelay $0x2  }
0xff: {  	v6 =	vmov s9;
	s9 =	sadd.s32 $0x1, s9;
	[tilespmem:v10+s25+$0x0] =	vst.idx.msk vm0, v8  }
0x100: {  	_ =	sdelay $0x2  }
0x101: {  	v8 =	vand.u32 $0x38, v6;
	v5 =	vor.u32 v3, v5  }
0x102: {  	v7 =	vld.idx.msk [tilespmem:v7+s15+$0x0], $0xffff;
	v63 =	vand.u32 $0x7, v6;
	v2 =	vor.u32 v2, v8;
	v4 =	vor.u32 v4, v5  }
0x103: {  	v2 =	vor.u32 v63, v2;
	_ =	sdelay $0x3  }
0x104: {  	v3 =	vor.u32 v3, v8;
	[tilespmem:v4+s25+$0x0] =	vst.idx.msk vm0, v7  }
0x105: {  	v3 =	vor.u32 v63, v3;
	v2 =	vld.idx.msk [tilespmem:v2+s15+$0x0], $0xffff  }
.Ltmp17:
0x106: {  	_ = 	snop;
	(pc) =	sbr.rel .LBB2_18-.Ltmp17, $2  }
0x107: {  	_ =	sdelay $0x2  }
0x108: {  	[tilespmem:v3+s25+$0x0] =	vst.idx.msk vm0, v2  }
.LBB2_12:
0x109: {  	s14 =	simm.s32 $0x2  }
.LBB2_20:
0x10a: {  	s0 =	sshll.u32 s14, $0x7  }
0x10b: {  	v2 =	vld [tilespmem:s0+$0x0]  }
0x10c: {  	v3 =	vld [tilespmem:s0+$0x10]  }
0x10d: {  	v4 =	vld [tilespmem:s0+$0x20]  }
0x10e: {  	v5 =	vld [tilespmem:s0+$0x30]  }
0x10f: {  	v6 =	vld [tilespmem:s0+$0x40]  }
0x110: {  	v7 =	vld [tilespmem:s0+$0x50]  }
0x111: {  	v9 =	vld [tilespmem:s0+$0x70];
	_ =	sdelay $0x2  }
0x112: {  	v2 =	vadd.s32 $0xFFFFFFFE, v2;
	v3 =	vadd.s32 $0xFFFFFFFE, v3  }
0x113: {  	v4 =	vadd.s32 $0xFFFFFFFE, v4;
	v5 =	vadd.s32 $0xFFFFFFFE, v5;
	v6 =	vadd.s32 $0xFFFFFFFE, v6  }
0x114: {  	v8 =	vld [tilespmem:s0+$0x60];
	v61 =	vadd.s32 $0xFFFFFFFE, v7;
	v63 =	vadd.s32 $0xFFFFFFFE, v9;
	vm0 =	vgt.s32 v2, $0x0  }
0x115: {  	vm10 =	vgt.s32 v3, $0x0;
	vm11 =	vgt.s32 v4, $0x0;
	v2 =	vnsel vm0, $0x0, v2  }
0x116: {  	vm12 =	vgt.s32 v5, $0x0;
	v3 =	vnsel vm10, $0x0, v3;
	v2 =	vshll.u32 v2, $0x1  }
0x117: {  	vm1 =	vgt.s32 v6, $0x0;
	v4 =	vnsel vm11, $0x0, v4;
	v3 =	vshll.u32 v3, $0x1;
	[tilespmem:s0+$0x6400] =	vst v2  }
0x118: {  	vm13 =	vgt.s32 v61, $0x0;
	v5 =	vnsel vm12, $0x0, v5;
	[tilespmem:s0+$0x6410] =	vst v3;
	v3 =	vshll.u32 v4, $0x1  }
0x119: {  	v60 =	vshll.u32 v5, $0x1;
	v2 =	vnsel vm1, $0x0, v6;
	[tilespmem:s0+$0x6420] =	vst v3;
	v3 =	vadd.s32 $0xFFFFFFFE, v8  }
0x11a: {  	v62 =	vnsel vm13, $0x0, v61;
	[tilespmem:s0+$0x6430] =	vst v60;
	v2 =	vshll.u32 v2, $0x1;
	vm14 =	vgt.s32 v3, $0x0  }
.Ltmp18:
0x11b: {  	vm15 =	vgt.s32 v63, $0x0;
	[tilespmem:s0+$0x6440] =	vst v2;
	v2 =	vshll.u32 v62, $0x1;
	v3 =	vnsel vm14, $0x0, v3;
	(pc) =	sbr.rel @p0 .LBB2_21-.Ltmp18, $4  }
0x11c: {  	[tilespmem:s0+$0x6450] =	vst v2;
	v2 =	vnsel vm15, $0x0, v63;
	v3 =	vshll.u32 v3, $0x1  }
0x11d: {  	v2 =	vshll.u32 v2, $0x1;
	[tilespmem:s0+$0x6460] =	vst v3  }
0x11e: {  	s4 =	sadd.s32 $0x6400, s0;
	[tilespmem:s0+$0x6470] =	vst v2  }
0x11f: {  	[tilespmem:s20], [sflag:$0x3] =	stream.indirect.gather [hbm4b:s7+s17], $0x40, s4, s17, $0xb8;
	[tilespmem:$0x1C880] =	vst v63  }
0x120: {  	s9 =	simm.s32 $0x7  }
0x121: {  	s4 =	sadd.s32 $0xFFFFFFFE, s3;
	_ =	swait.ge [sflag:s9], $0x2000  }
0x122: {  	s8 =	sshll.u32 s4, $0x9;
	[sflag:s9] =	ssyncset.done $0x0  }
0x123: {  	s16 =	sshra.s32 s8, $0x2;
	[sflag:s9] =	ssyncadd.s32 $0xFFFFE000  }
0x124: {  	v2 =	vld [tilespmem:s16+$0x0]  }
0x125: {  	v3 =	vld [tilespmem:s16+$0x10]  }
0x126: {  	v4 =	vld [tilespmem:s16+$0x20]  }
0x127: {  	v5 =	vld [tilespmem:s16+$0x30]  }
0x128: {  	v6 =	vld [tilespmem:s16+$0x40]  }
0x129: {  	v7 =	vld [tilespmem:s16+$0x50]  }
0x12a: {  	vm0 =	vlt.s32 v2, $0x2;
	vm1 =	vlt.s32 v3, $0x2;
	v2 =	vld [tilespmem:s16+$0x60]  }
0x12b: {  	vm10 =	vlt.s32 v4, $0x2;
	v3 =	vld [tilespmem:s16+$0x70];
	vm0 =	vmor vm0, vm1  }
0x12c: {  	vm11 =	vlt.s32 v5, $0x2;
	vm0 =	vmor vm0, vm10  }
0x12d: {  	vm12 =	vlt.s32 v6, $0x2;
	vm0 =	vmor vm0, vm11  }
0x12e: {  	vm13 =	vlt.s32 v7, $0x2;
	vm0 =	vmor vm0, vm12  }
0x12f: {  	vm0 =	vmor vm0, vm13;
	vm14 =	vlt.s32 v2, $0x2  }
0x130: {  	vm15 =	vlt.s32 v3, $0x2;
	vm0 =	vmor vm0, vm14  }
0x131: {  	vm0 =	vmor vm0, vm15  }
0x132: {  	v2 =	vsel vm0, $0x3F800000, v0  }
0x133: {  	(xrf0) =	vmax.scan.msk.f32 $0xffff, v2;
	_ =	sdelay $0x5  }
0x134: {  	v2, _, _ =	vpop (xrf0)  }
0x135: {  	(v2sf) =	vpush v2, $0xF;
	_ =	sdelay $0xe  }
0x136: {  	s11 =	spop (v2sf)  }
0x137: {  	p1 =	sgt.f32 s11, $0.0e+00  }
.Ltmp19:
0x138: {  	_ = 	snop;
	(pc) =	sbr.rel @p1 .LBB2_23-.Ltmp19, $2  }
0x139: {  	_ =	sdelay $0x2  }
0x13a: {  	s8 =	simm.s32 $0x0  }
.LBB2_28:
0x13b: {  	s4 =	sshll.u32 s4, $0xE  }
0x13c: {  	s4 =	sadd.s32 s5, s4  }
0x13d: {  	s4 =	sshrl.u32 s4, $0x3  }
.Ltmp20:
0x13e: {  	s8 =	simm.s32 $0xC;
	s4 =	sadd.s32 s6, s4;
	(pc) =	sbr.rel .LBB2_29-.Ltmp20, $4  }
0x13f: {  	[hbm4b:s4+s24] =	stream.strided.scatter [tilespmem:s28], [sflag:$0xF], $0x2000, s17, s24, $0x38;
	[tilespmem:$0x1C880] =	vst v63  }
0x140: {  	_ =	swait.ge [sflag:s8], $0x2000  }
0x141: {  	[sflag:s8] =	ssyncset.done $0x0  }
0x142: {  	s4 =	sor.u32 $0x3, s3;
	[sflag:s8] =	ssyncadd.s32 $0xFFFFE000  }
.LBB2_27:
0x143: {  	s8 =	sadd.s32 $0x1, s8  }
0x144: {  	p1 =	sne.s32 s8, $0x8  }
.Ltmp21:
0x145: {  	_ = 	snop;
	(pc) =	sbr.rel @!p1 .LBB2_28-.Ltmp21, $1  }
0x146: {  	_ =	sdelay $0x3  }
.LBB2_23:
0x147: {  	s9 =	sshll.u32 s8, $0x4  }
0x148: {  	s10 =	sadd.s32 s9, s16  }
0x149: {  	v2 =	vld [tilespmem:s10+$0x0];
	_ =	sdelay $0x4  }
0x14a: {  	vm0 =	vlt.s32 v2, $0x2  }
0x14b: {  	v3 =	vsel vm0, $0x3F800000, v0  }
0x14c: {  	(xrf0) =	vmax.scan.msk.f32 $0xffff, v3;
	_ =	sdelay $0x5  }
0x14d: {  	v3, _, _ =	vpop (xrf0)  }
0x14e: {  	(v2sf) =	vpush v3, $0xF;
	_ =	sdelay $0xe  }
0x14f: {  	s11 =	spop (v2sf)  }
0x150: {  	p1 =	sgt.f32 s11, $0.0e+00  }
.Ltmp22:
0x151: {  	_ = 	snop;
	(pc) =	sbr.rel @!p1 .LBB2_27-.Ltmp22, $1  }
0x152: {  	_ =	sdelay $0x3  }
0x153: {  	vm1 =	vlt.s32 v2, $0x1;
	s10 =	simm.s32 $0x0  }
0x154: {  	v2 =	vnsel vm1, $0x1, v2;
	v3 =	vmov s10  }
0x155: {  	v4 =	vmov s9;
	v2 =	vshll.u32 v2, $0x6;
	v5 =	vand.u32 $0x38, v3  }
0x156: {  	v6 =	vshll.u32 v4, $0x6;
	v4 =	vand.u32 $0x7, v3;
	v7 =	vor.u32 v2, v5  }
0x157: {  	v7 =	vor.u32 v4, v7;
	_ =	sdelay $0x2  }
0x158: {  	s11 =	simm.s32 $0x1  }
0x159: {  	s9 =	simm.s32 $0x2;
	v3 =	vor.u32 v1, v6;
	v6 =	vmov s11  }
.LBB2_25:
0x15a: {  	p1 =	sne.s32 s9, $0x3F;
	v8 =	vld.idx.msk [tilespmem:v7+s15+$0x0], $0xffff;
	v7 =	vor.u32 v3, v5;
	v5 =	vand.u32 $0x38, v6  }
0x15b: {  	v9 =	vor.u32 v2, v5;
	v10 =	vor.u32 v4, v7;
	v4 =	vand.u32 $0x7, v6  }
.Ltmp23:
0x15c: {  	v7 =	vor.u32 v4, v9;
	(pc) =	sbr.rel @p1 .LBB2_25-.Ltmp23, $2  }
0x15d: {  	_ =	sdelay $0x2  }
0x15e: {  	v6 =	vmov s9;
	s9 =	sadd.s32 $0x1, s9;
	[tilespmem:v10+s28+$0x0] =	vst.idx.msk vm0, v8  }
0x15f: {  	_ =	sdelay $0x2  }
0x160: {  	v8 =	vand.u32 $0x38, v6;
	v5 =	vor.u32 v3, v5  }
0x161: {  	v7 =	vld.idx.msk [tilespmem:v7+s15+$0x0], $0xffff;
	v63 =	vand.u32 $0x7, v6;
	v2 =	vor.u32 v2, v8;
	v4 =	vor.u32 v4, v5  }
0x162: {  	v2 =	vor.u32 v63, v2;
	_ =	sdelay $0x3  }
0x163: {  	v3 =	vor.u32 v3, v8;
	[tilespmem:v4+s28+$0x0] =	vst.idx.msk vm0, v7  }
0x164: {  	v3 =	vor.u32 v63, v3;
	v2 =	vld.idx.msk [tilespmem:v2+s15+$0x0], $0xffff  }
.Ltmp24:
0x165: {  	_ = 	snop;
	(pc) =	sbr.rel .LBB2_27-.Ltmp24, $2  }
0x166: {  	_ =	sdelay $0x2  }
0x167: {  	[tilespmem:v3+s28+$0x0] =	vst.idx.msk vm0, v2  }
.LBB2_21:
0x168: {  	s4 =	simm.s32 $0x3  }
.LBB2_29:
0x169: {  	s16 =	sshll.u32 s4, $0x7  }
0x16a: {  	v2 =	vld [tilespmem:s16+$0x0]  }
0x16b: {  	v3 =	vld [tilespmem:s16+$0x10]  }
0x16c: {  	v4 =	vld [tilespmem:s16+$0x20]  }
0x16d: {  	v5 =	vld [tilespmem:s16+$0x30]  }
0x16e: {  	v6 =	vld [tilespmem:s16+$0x40]  }
0x16f: {  	v7 =	vld [tilespmem:s16+$0x50]  }
0x170: {  	v9 =	vld [tilespmem:s16+$0x70];
	_ =	sdelay $0x2  }
0x171: {  	v2 =	vadd.s32 $0xFFFFFFFE, v2;
	v3 =	vadd.s32 $0xFFFFFFFE, v3  }
0x172: {  	v4 =	vadd.s32 $0xFFFFFFFE, v4;
	v5 =	vadd.s32 $0xFFFFFFFE, v5;
	v6 =	vadd.s32 $0xFFFFFFFE, v6  }
0x173: {  	v8 =	vld [tilespmem:s16+$0x60];
	v61 =	vadd.s32 $0xFFFFFFFE, v7;
	v63 =	vadd.s32 $0xFFFFFFFE, v9;
	vm0 =	vgt.s32 v2, $0x0  }
0x174: {  	vm10 =	vgt.s32 v3, $0x0;
	vm11 =	vgt.s32 v4, $0x0;
	v2 =	vnsel vm0, $0x0, v2  }
0x175: {  	vm12 =	vgt.s32 v5, $0x0;
	v3 =	vnsel vm10, $0x0, v3;
	v2 =	vshll.u32 v2, $0x1  }
0x176: {  	vm1 =	vgt.s32 v6, $0x0;
	v4 =	vnsel vm11, $0x0, v4;
	v3 =	vshll.u32 v3, $0x1;
	[tilespmem:s16+$0x6400] =	vst v2  }
0x177: {  	vm13 =	vgt.s32 v61, $0x0;
	v5 =	vnsel vm12, $0x0, v5;
	[tilespmem:s16+$0x6410] =	vst v3;
	v3 =	vshll.u32 v4, $0x1  }
0x178: {  	v60 =	vshll.u32 v5, $0x1;
	v2 =	vnsel vm1, $0x0, v6;
	[tilespmem:s16+$0x6420] =	vst v3;
	v3 =	vadd.s32 $0xFFFFFFFE, v8  }
0x179: {  	v62 =	vnsel vm13, $0x0, v61;
	[tilespmem:s16+$0x6430] =	vst v60;
	v2 =	vshll.u32 v2, $0x1;
	vm14 =	vgt.s32 v3, $0x0  }
.Ltmp25:
0x17a: {  	vm15 =	vgt.s32 v63, $0x0;
	[tilespmem:s16+$0x6440] =	vst v2;
	v2 =	vshll.u32 v62, $0x1;
	v3 =	vnsel vm14, $0x0, v3;
	(pc) =	sbr.rel @p0 .LBB2_37-.Ltmp25, $4  }
0x17b: {  	[tilespmem:s16+$0x6450] =	vst v2;
	v2 =	vnsel vm15, $0x0, v63;
	v3 =	vshll.u32 v3, $0x1  }
0x17c: {  	v2 =	vshll.u32 v2, $0x1;
	[tilespmem:s16+$0x6460] =	vst v3  }
0x17d: {  	s8 =	sadd.s32 $0x6400, s16;
	[tilespmem:s16+$0x6470] =	vst v2  }
0x17e: {  	[tilespmem:s21], [sflag:$0x4] =	stream.indirect.gather [hbm4b:s7+s17], $0x40, s8, s17, $0xb8;
	[tilespmem:$0x1C880] =	vst v63  }
0x17f: {  	s9 =	simm.s32 $0x8  }
0x180: {  	s3 =	sadd.s32 $0xFFFFFFFF, s3;
	_ =	swait.ge [sflag:s9], $0x2000  }
0x181: {  	s8 =	sshll.u32 s3, $0x9;
	[sflag:s9] =	ssyncset.done $0x0  }
0x182: {  	s8 =	sshra.s32 s8, $0x2;
	[sflag:s9] =	ssyncadd.s32 $0xFFFFE000  }
0x183: {  	v2 =	vld [tilespmem:s8+$0x0]  }
0x184: {  	v3 =	vld [tilespmem:s8+$0x10]  }
0x185: {  	v4 =	vld [tilespmem:s8+$0x20]  }
0x186: {  	v5 =	vld [tilespmem:s8+$0x30]  }
0x187: {  	v6 =	vld [tilespmem:s8+$0x40]  }
0x188: {  	v7 =	vld [tilespmem:s8+$0x50]  }
0x189: {  	vm0 =	vlt.s32 v2, $0x2;
	vm1 =	vlt.s32 v3, $0x2;
	v2 =	vld [tilespmem:s8+$0x60]  }
0x18a: {  	vm10 =	vlt.s32 v4, $0x2;
	v3 =	vld [tilespmem:s8+$0x70];
	vm0 =	vmor vm0, vm1  }
0x18b: {  	vm11 =	vlt.s32 v5, $0x2;
	vm0 =	vmor vm0, vm10  }
0x18c: {  	vm12 =	vlt.s32 v6, $0x2;
	vm0 =	vmor vm0, vm11  }
0x18d: {  	vm13 =	vlt.s32 v7, $0x2;
	vm0 =	vmor vm0, vm12  }
0x18e: {  	vm0 =	vmor vm0, vm13;
	vm14 =	vlt.s32 v2, $0x2  }
0x18f: {  	vm15 =	vlt.s32 v3, $0x2;
	vm0 =	vmor vm0, vm14  }
0x190: {  	vm0 =	vmor vm0, vm15  }
0x191: {  	v2 =	vsel vm0, $0x3F800000, v0  }
0x192: {  	(xrf0) =	vmax.scan.msk.f32 $0xffff, v2;
	_ =	sdelay $0x5  }
0x193: {  	v2, _, _ =	vpop (xrf0)  }
0x194: {  	(v2sf) =	vpush v2, $0xF;
	_ =	sdelay $0xe  }
0x195: {  	s11 =	spop (v2sf)  }
0x196: {  	p1 =	sgt.f32 s11, $0.0e+00  }
.Ltmp26:
0x197: {  	_ = 	snop;
	(pc) =	sbr.rel @p1 .LBB2_31-.Ltmp26, $2  }
0x198: {  	_ =	sdelay $0x2  }
0x199: {  	s9 =	simm.s32 $0x0  }
.LBB2_36:
0x19a: {  	s3 =	sshll.u32 s3, $0xE  }
0x19b: {  	s3 =	sadd.s32 s5, s3  }
0x19c: {  	s3 =	sshrl.u32 s3, $0x3  }
0x19d: {  	s11 =	simm.s32 $0xD;
	s3 =	sadd.s32 s6, s3  }
0x19e: {  	[hbm4b:s3+s24] =	stream.strided.scatter [tilespmem:s30], [sflag:$0x10], $0x2000, s17, s24, $0x38;
	[tilespmem:$0x1C880] =	vst v63  }
0x19f: {  	_ =	swait.ge [sflag:s11], $0x2000  }
0x1a0: {  	[sflag:s11] =	ssyncset.done $0x0  }
0x1a1: {  	[sflag:s11] =	ssyncadd.s32 $0xFFFFE000  }
.LBB2_37:
0x1a2: {  	s3 =	sor.u32 $0x200, s13  }
0x1a3: {  	v2 =	vld [tilespmem:s3+$0x0];
	_ =	sdelay $0x4  }
0x1a4: {  	v2 =	vadd.s32 $0xFFFFFFFE, v2  }
0x1a5: {  	vm0 =	vgt.s32 v2, $0x0  }
0x1a6: {  	v2 =	vnsel vm0, $0x0, v2  }
0x1a7: {  	v2 =	vshll.u32 v2, $0x1  }
0x1a8: {  	s11 =	sor.u32 $0x210, s13;
	[tilespmem:s13+$0x6600] =	vst v2  }
0x1a9: {  	v2 =	vld [tilespmem:s11+$0x0];
	_ =	sdelay $0x4  }
0x1aa: {  	v2 =	vadd.s32 $0xFFFFFFFE, v2  }
0x1ab: {  	vm14 =	vgt.s32 v2, $0x0  }
0x1ac: {  	v2 =	vnsel vm14, $0x0, v2  }
0x1ad: {  	v2 =	vshll.u32 v2, $0x1  }
0x1ae: {  	s8 =	sor.u32 $0x220, s13;
	[tilespmem:s13+$0x6610] =	vst v2  }
0x1af: {  	v2 =	vld [tilespmem:s8+$0x0];
	_ =	sdelay $0x4  }
0x1b0: {  	v2 =	vadd.s32 $0xFFFFFFFE, v2  }
0x1b1: {  	vm15 =	vgt.s32 v2, $0x0  }
0x1b2: {  	v2 =	vnsel vm15, $0x0, v2  }
0x1b3: {  	v2 =	vshll.u32 v2, $0x1  }
0x1b4: {  	s9 =	sor.u32 $0x230, s13;
	[tilespmem:s13+$0x6620] =	vst v2  }
0x1b5: {  	v2 =	vld [tilespmem:s9+$0x0];
	_ =	sdelay $0x4  }
0x1b6: {  	v2 =	vadd.s32 $0xFFFFFFFE, v2  }
0x1b7: {  	vm4 =	vgt.s32 v2, $0x0  }
0x1b8: {  	v2 =	vnsel vm4, $0x0, v2  }
0x1b9: {  	v2 =	vshll.u32 v2, $0x1  }
0x1ba: {  	s10 =	sor.u32 $0x240, s13;
	[tilespmem:s13+$0x6630] =	vst v2  }
0x1bb: {  	v2 =	vld [tilespmem:s10+$0x0];
	_ =	sdelay $0x4  }
0x1bc: {  	v2 =	vadd.s32 $0xFFFFFFFE, v2  }
0x1bd: {  	vm5 =	vgt.s32 v2, $0x0  }
0x1be: {  	v2 =	vnsel vm5, $0x0, v2  }
0x1bf: {  	v2 =	vshll.u32 v2, $0x1  }
0x1c0: {  	s11 =	sor.u32 $0x250, s13;
	[tilespmem:s13+$0x6640] =	vst v2  }
0x1c1: {  	v2 =	vld [tilespmem:s11+$0x0];
	_ =	sdelay $0x4  }
0x1c2: {  	v2 =	vadd.s32 $0xFFFFFFFE, v2  }
0x1c3: {  	vm6 =	vgt.s32 v2, $0x0  }
0x1c4: {  	v2 =	vnsel vm6, $0x0, v2  }
0x1c5: {  	v2 =	vshll.u32 v2, $0x1  }
0x1c6: {  	s8 =	sor.u32 $0x260, s13;
	[tilespmem:s13+$0x6650] =	vst v2  }
0x1c7: {  	v2 =	vld [tilespmem:s8+$0x0];
	_ =	sdelay $0x4  }
0x1c8: {  	v2 =	vadd.s32 $0xFFFFFFFE, v2  }
0x1c9: {  	vm7 =	vgt.s32 v2, $0x0  }
0x1ca: {  	v2 =	vnsel vm7, $0x0, v2  }
0x1cb: {  	v2 =	vshll.u32 v2, $0x1  }
0x1cc: {  	s9 =	sor.u32 $0x270, s13;
	[tilespmem:s13+$0x6660] =	vst v2  }
0x1cd: {  	v2 =	vld [tilespmem:s9+$0x0];
	_ =	sdelay $0x4  }
0x1ce: {  	v2 =	vadd.s32 $0xFFFFFFFE, v2  }
0x1cf: {  	vm8 =	vgt.s32 v2, $0x0  }
0x1d0: {  	v2 =	vnsel vm8, $0x0, v2  }
0x1d1: {  	v2 =	vshll.u32 v2, $0x1  }
0x1d2: {  	s10 =	sadd.s32 $0x6600, s13;
	[tilespmem:s13+$0x6670] =	vst v2  }
0x1d3: {  	[tilespmem:s22], [sflag:$0x5] =	stream.indirect.gather [hbm4b:s7+s17], $0x40, s10, s17, $0xb8;
	[tilespmem:$0x1C880] =	vst v63  }
0x1d4: {  	_ =	swait.ge [sflag:s23], $0x2000  }
0x1d5: {  	[sflag:s23] =	ssyncset.done $0x0  }
0x1d6: {  	[sflag:s23] =	ssyncadd.s32 $0xFFFFE000  }
0x1d7: {  	s11 =	sor.u32 $0x10, s13;
	v2 =	vld [tilespmem:s13+$0x0]  }
0x1d8: {  	s8 =	sor.u32 $0x20, s13;
	v3 =	vld [tilespmem:s11+$0x0]  }
0x1d9: {  	s9 =	sor.u32 $0x30, s13;
	v4 =	vld [tilespmem:s8+$0x0]  }
0x1da: {  	s10 =	sor.u32 $0x40, s13;
	v5 =	vld [tilespmem:s9+$0x0]  }
0x1db: {  	s11 =	sor.u32 $0x50, s13;
	v6 =	vld [tilespmem:s10+$0x0]  }
0x1dc: {  	s9 =	sor.u32 $0x60, s13;
	v7 =	vld [tilespmem:s11+$0x0]  }
0x1dd: {  	s10 =	sor.u32 $0x70, s13;
	vm9 =	vlt.s32 v2, $0x2;
	vm1 =	vlt.s32 v3, $0x2;
	v2 =	vld [tilespmem:s9+$0x0]  }
0x1de: {  	vm10 =	vlt.s32 v4, $0x2;
	v3 =	vld [tilespmem:s10+$0x0];
	vm0 =	vmor vm9, vm1  }
0x1df: {  	vm11 =	vlt.s32 v5, $0x2;
	vm0 =	vmor vm0, vm10  }
0x1e0: {  	vm12 =	vlt.s32 v6, $0x2;
	vm0 =	vmor vm0, vm11  }
0x1e1: {  	vm13 =	vlt.s32 v7, $0x2;
	vm0 =	vmor vm0, vm12  }
0x1e2: {  	vm0 =	vmor vm0, vm13;
	vm14 =	vlt.s32 v2, $0x2  }
0x1e3: {  	vm15 =	vlt.s32 v3, $0x2;
	vm0 =	vmor vm0, vm14  }
0x1e4: {  	vm0 =	vmor vm0, vm15  }
0x1e5: {  	v2 =	vsel vm0, $0x3F800000, v0  }
0x1e6: {  	(xrf0) =	vmax.scan.msk.f32 $0xffff, v2;
	_ =	sdelay $0x5  }
0x1e7: {  	v2, _, _ =	vpop (xrf0)  }
0x1e8: {  	(v2sf) =	vpush v2, $0xF;
	_ =	sdelay $0xe  }
0x1e9: {  	s11 =	spop (v2sf)  }
0x1ea: {  	p1 =	sgt.f32 s11, $0.0e+00  }
.Ltmp27:
0x1eb: {  	_ = 	snop;
	(pc) =	sbr.rel @p1 .LBB2_38-.Ltmp27, $2  }
0x1ec: {  	_ =	sdelay $0x2  }
0x1ed: {  	s3 =	simm.s32 $0x0  }
.LBB2_43:
0x1ee: {  	s3 =	sshll.u32 s12, $0x11  }
0x1ef: {  	s3 =	sadd.s32 s5, s3  }
0x1f0: {  	s3 =	sshrl.u32 s3, $0x3  }
0x1f1: {  	s3 =	sadd.s32 s6, s3  }
0x1f2: {  	[hbm4b:s3+s24] =	stream.strided.scatter [tilespmem:s18], [sflag:$0x9], $0x2000, s17, s24, $0x38;
	[tilespmem:$0x1C880] =	vst v63  }
0x1f3: {  	s3 =	simm.s32 @!p0 $0xE  }
0x1f4: {  	_ =	swait.ge @!p0 [sflag:s3], $0x2000  }
0x1f5: {  	[sflag:s3] =	ssyncset.done @!p0 $0x0  }
0x1f6: {  	s10 =	sor.u32 $0x280, s13;
	[sflag:s3] =	ssyncadd.s32 @!p0 $0xFFFFE000  }
0x1f7: {  	v2 =	vld [tilespmem:s10+$0x0];
	_ =	sdelay $0x4  }
0x1f8: {  	v2 =	vadd.s32 $0xFFFFFFFE, v2  }
0x1f9: {  	vm0 =	vgt.s32 v2, $0x0  }
0x1fa: {  	v2 =	vnsel vm0, $0x0, v2  }
0x1fb: {  	v2 =	vshll.u32 v2, $0x1  }
0x1fc: {  	s11 =	sor.u32 $0x290, s13;
	[tilespmem:s13+$0x6680] =	vst v2  }
0x1fd: {  	v2 =	vld [tilespmem:s11+$0x0];
	_ =	sdelay $0x4  }
0x1fe: {  	v2 =	vadd.s32 $0xFFFFFFFE, v2  }
0x1ff: {  	vm14 =	vgt.s32 v2, $0x0  }
0x200: {  	v2 =	vnsel vm14, $0x0, v2  }
0x201: {  	v2 =	vshll.u32 v2, $0x1  }
0x202: {  	s8 =	sor.u32 $0x2A0, s13;
	[tilespmem:s13+$0x6690] =	vst v2  }
0x203: {  	v2 =	vld [tilespmem:s8+$0x0];
	_ =	sdelay $0x4  }
0x204: {  	v2 =	vadd.s32 $0xFFFFFFFE, v2  }
0x205: {  	vm15 =	vgt.s32 v2, $0x0  }
0x206: {  	v2 =	vnsel vm15, $0x0, v2  }
0x207: {  	v2 =	vshll.u32 v2, $0x1  }
0x208: {  	s9 =	sor.u32 $0x2B0, s13;
	[tilespmem:s13+$0x66A0] =	vst v2  }
0x209: {  	v2 =	vld [tilespmem:s9+$0x0];
	_ =	sdelay $0x4  }
0x20a: {  	v2 =	vadd.s32 $0xFFFFFFFE, v2  }
0x20b: {  	vm4 =	vgt.s32 v2, $0x0  }
0x20c: {  	v2 =	vnsel vm4, $0x0, v2  }
0x20d: {  	v2 =	vshll.u32 v2, $0x1  }
0x20e: {  	s10 =	sor.u32 $0x2C0, s13;
	[tilespmem:s13+$0x66B0] =	vst v2  }
0x20f: {  	v2 =	vld [tilespmem:s10+$0x0];
	_ =	sdelay $0x4  }
0x210: {  	v2 =	vadd.s32 $0xFFFFFFFE, v2  }
0x211: {  	vm5 =	vgt.s32 v2, $0x0  }
0x212: {  	v2 =	vnsel vm5, $0x0, v2  }
0x213: {  	v2 =	vshll.u32 v2, $0x1  }
0x214: {  	s11 =	sor.u32 $0x2D0, s13;
	[tilespmem:s13+$0x66C0] =	vst v2  }
0x215: {  	v2 =	vld [tilespmem:s11+$0x0];
	_ =	sdelay $0x4  }
0x216: {  	v2 =	vadd.s32 $0xFFFFFFFE, v2  }
0x217: {  	vm6 =	vgt.s32 v2, $0x0  }
0x218: {  	v2 =	vnsel vm6, $0x0, v2  }
0x219: {  	v2 =	vshll.u32 v2, $0x1  }
0x21a: {  	s8 =	sor.u32 $0x2E0, s13;
	[tilespmem:s13+$0x66D0] =	vst v2  }
0x21b: {  	v2 =	vld [tilespmem:s8+$0x0];
	_ =	sdelay $0x4  }
0x21c: {  	v2 =	vadd.s32 $0xFFFFFFFE, v2  }
0x21d: {  	vm7 =	vgt.s32 v2, $0x0  }
0x21e: {  	v2 =	vnsel vm7, $0x0, v2  }
0x21f: {  	v2 =	vshll.u32 v2, $0x1  }
0x220: {  	s9 =	sor.u32 $0x2F0, s13;
	[tilespmem:s13+$0x66E0] =	vst v2  }
0x221: {  	v2 =	vld [tilespmem:s9+$0x0];
	_ =	sdelay $0x4  }
0x222: {  	v2 =	vadd.s32 $0xFFFFFFFE, v2  }
0x223: {  	vm8 =	vgt.s32 v2, $0x0  }
0x224: {  	v2 =	vnsel vm8, $0x0, v2  }
0x225: {  	v2 =	vshll.u32 v2, $0x1  }
0x226: {  	s10 =	sadd.s32 $0x6680, s13;
	[tilespmem:s13+$0x66F0] =	vst v2  }
0x227: {  	[tilespmem:s25], [sflag:$0x6] =	stream.indirect.gather [hbm4b:s7+s17], $0x40, s10, s17, $0xb8;
	[tilespmem:$0x1C880] =	vst v63  }
0x228: {  	_ =	swait.ge [sflag:s26], $0x2000  }
0x229: {  	[sflag:s26] =	ssyncset.done $0x0  }
0x22a: {  	[sflag:s26] =	ssyncadd.s32 $0xFFFFE000  }
0x22b: {  	s11 =	sor.u32 $0x10, s1;
	v2 =	vld [tilespmem:s1+$0x0]  }
0x22c: {  	s8 =	sor.u32 $0x20, s1;
	v3 =	vld [tilespmem:s11+$0x0]  }
0x22d: {  	s9 =	sor.u32 $0x30, s1;
	v4 =	vld [tilespmem:s8+$0x0]  }
0x22e: {  	s10 =	sor.u32 $0x40, s1;
	v5 =	vld [tilespmem:s9+$0x0]  }
0x22f: {  	s11 =	sor.u32 $0x50, s1;
	v6 =	vld [tilespmem:s10+$0x0]  }
0x230: {  	s9 =	sor.u32 $0x60, s1;
	v7 =	vld [tilespmem:s11+$0x0]  }
0x231: {  	s10 =	sor.u32 $0x70, s1;
	vm9 =	vlt.s32 v2, $0x2;
	vm1 =	vlt.s32 v3, $0x2;
	v2 =	vld [tilespmem:s9+$0x0]  }
0x232: {  	vm10 =	vlt.s32 v4, $0x2;
	v3 =	vld [tilespmem:s10+$0x0];
	vm0 =	vmor vm9, vm1  }
0x233: {  	vm11 =	vlt.s32 v5, $0x2;
	vm0 =	vmor vm0, vm10  }
0x234: {  	vm12 =	vlt.s32 v6, $0x2;
	vm0 =	vmor vm0, vm11  }
0x235: {  	vm13 =	vlt.s32 v7, $0x2;
	vm0 =	vmor vm0, vm12  }
0x236: {  	vm0 =	vmor vm0, vm13;
	vm14 =	vlt.s32 v2, $0x2  }
0x237: {  	vm15 =	vlt.s32 v3, $0x2;
	vm0 =	vmor vm0, vm14  }
0x238: {  	vm0 =	vmor vm0, vm15  }
0x239: {  	v2 =	vsel vm0, $0x3F800000, v0  }
0x23a: {  	(xrf0) =	vmax.scan.msk.f32 $0xffff, v2;
	_ =	sdelay $0x5  }
0x23b: {  	v2, _, _ =	vpop (xrf0)  }
0x23c: {  	(v2sf) =	vpush v2, $0xF;
	_ =	sdelay $0xe  }
0x23d: {  	s11 =	spop (v2sf)  }
0x23e: {  	p1 =	sgt.f32 s11, $0.0e+00  }
.Ltmp28:
0x23f: {  	_ = 	snop;
	(pc) =	sbr.rel @p1 .LBB2_44-.Ltmp28, $2  }
0x240: {  	_ =	sdelay $0x2  }
0x241: {  	s3 =	simm.s32 $0x0  }
.LBB2_49:
0x242: {  	s1 =	sshll.u32 s2, $0xE  }
0x243: {  	s1 =	sadd.s32 s5, s1  }
0x244: {  	s1 =	sshrl.u32 s1, $0x3  }
0x245: {  	s1 =	sadd.s32 s6, s1  }
0x246: {  	[hbm4b:s1+s24] =	stream.strided.scatter [tilespmem:s19], [sflag:$0xA], $0x2000, s17, s24, $0x38;
	[tilespmem:$0x1C880] =	vst v63  }
0x247: {  	s1 =	simm.s32 @!p0 $0xF  }
0x248: {  	_ =	swait.ge @!p0 [sflag:s1], $0x2000  }
0x249: {  	[sflag:s1] =	ssyncset.done @!p0 $0x0  }
0x24a: {  	s2 =	sor.u32 $0x300, s13;
	[sflag:s1] =	ssyncadd.s32 @!p0 $0xFFFFE000  }
0x24b: {  	v2 =	vld [tilespmem:s2+$0x0];
	_ =	sdelay $0x4  }
0x24c: {  	v2 =	vadd.s32 $0xFFFFFFFE, v2  }
0x24d: {  	vm0 =	vgt.s32 v2, $0x0  }
0x24e: {  	v2 =	vnsel vm0, $0x0, v2  }
0x24f: {  	v2 =	vshll.u32 v2, $0x1  }
0x250: {  	s3 =	sor.u32 $0x310, s13;
	[tilespmem:s13+$0x6700] =	vst v2  }
0x251: {  	v2 =	vld [tilespmem:s3+$0x0];
	_ =	sdelay $0x4  }
0x252: {  	v2 =	vadd.s32 $0xFFFFFFFE, v2  }
0x253: {  	vm14 =	vgt.s32 v2, $0x0  }
0x254: {  	v2 =	vnsel vm14, $0x0, v2  }
0x255: {  	v2 =	vshll.u32 v2, $0x1  }
0x256: {  	s8 =	sor.u32 $0x320, s13;
	[tilespmem:s13+$0x6710] =	vst v2  }
0x257: {  	v2 =	vld [tilespmem:s8+$0x0];
	_ =	sdelay $0x4  }
0x258: {  	v2 =	vadd.s32 $0xFFFFFFFE, v2  }
0x259: {  	vm15 =	vgt.s32 v2, $0x0  }
0x25a: {  	v2 =	vnsel vm15, $0x0, v2  }
0x25b: {  	v2 =	vshll.u32 v2, $0x1  }
0x25c: {  	s9 =	sor.u32 $0x330, s13;
	[tilespmem:s13+$0x6720] =	vst v2  }
0x25d: {  	v2 =	vld [tilespmem:s9+$0x0];
	_ =	sdelay $0x4  }
0x25e: {  	v2 =	vadd.s32 $0xFFFFFFFE, v2  }
0x25f: {  	vm4 =	vgt.s32 v2, $0x0  }
0x260: {  	v2 =	vnsel vm4, $0x0, v2  }
0x261: {  	v2 =	vshll.u32 v2, $0x1  }
0x262: {  	s10 =	sor.u32 $0x340, s13;
	[tilespmem:s13+$0x6730] =	vst v2  }
0x263: {  	v2 =	vld [tilespmem:s10+$0x0];
	_ =	sdelay $0x4  }
0x264: {  	v2 =	vadd.s32 $0xFFFFFFFE, v2  }
0x265: {  	vm5 =	vgt.s32 v2, $0x0  }
0x266: {  	v2 =	vnsel vm5, $0x0, v2  }
0x267: {  	v2 =	vshll.u32 v2, $0x1  }
0x268: {  	s11 =	sor.u32 $0x350, s13;
	[tilespmem:s13+$0x6740] =	vst v2  }
0x269: {  	v2 =	vld [tilespmem:s11+$0x0];
	_ =	sdelay $0x4  }
0x26a: {  	v2 =	vadd.s32 $0xFFFFFFFE, v2  }
0x26b: {  	vm6 =	vgt.s32 v2, $0x0  }
0x26c: {  	v2 =	vnsel vm6, $0x0, v2  }
0x26d: {  	v2 =	vshll.u32 v2, $0x1  }
0x26e: {  	s2 =	sor.u32 $0x360, s13;
	[tilespmem:s13+$0x6750] =	vst v2  }
0x26f: {  	v2 =	vld [tilespmem:s2+$0x0];
	_ =	sdelay $0x4  }
0x270: {  	v2 =	vadd.s32 $0xFFFFFFFE, v2  }
0x271: {  	vm7 =	vgt.s32 v2, $0x0  }
0x272: {  	v2 =	vnsel vm7, $0x0, v2  }
0x273: {  	v2 =	vshll.u32 v2, $0x1  }
0x274: {  	s3 =	sor.u32 $0x370, s13;
	[tilespmem:s13+$0x6760] =	vst v2  }
0x275: {  	v2 =	vld [tilespmem:s3+$0x0];
	_ =	sdelay $0x4  }
0x276: {  	v2 =	vadd.s32 $0xFFFFFFFE, v2  }
0x277: {  	vm8 =	vgt.s32 v2, $0x0  }
0x278: {  	v2 =	vnsel vm8, $0x0, v2  }
0x279: {  	v2 =	vshll.u32 v2, $0x1  }
0x27a: {  	s8 =	sadd.s32 $0x6700, s13;
	[tilespmem:s13+$0x6770] =	vst v2  }
0x27b: {  	[tilespmem:s28], [sflag:$0x7] =	stream.indirect.gather [hbm4b:s7+s17], $0x40, s8, s17, $0xb8;
	[tilespmem:$0x1C880] =	vst v63  }
0x27c: {  	_ =	swait.ge [sflag:s29], $0x2000  }
0x27d: {  	[sflag:s29] =	ssyncset.done $0x0  }
0x27e: {  	[sflag:s29] =	ssyncadd.s32 $0xFFFFE000  }
0x27f: {  	s9 =	sor.u32 $0x10, s0;
	v2 =	vld [tilespmem:s0+$0x0]  }
0x280: {  	s10 =	sor.u32 $0x20, s0;
	v3 =	vld [tilespmem:s9+$0x0]  }
0x281: {  	s11 =	sor.u32 $0x30, s0;
	v4 =	vld [tilespmem:s10+$0x0]  }
0x282: {  	s3 =	sor.u32 $0x40, s0;
	v5 =	vld [tilespmem:s11+$0x0]  }
0x283: {  	s8 =	sor.u32 $0x50, s0;
	v6 =	vld [tilespmem:s3+$0x0]  }
0x284: {  	s9 =	sor.u32 $0x60, s0;
	v7 =	vld [tilespmem:s8+$0x0]  }
0x285: {  	s10 =	sor.u32 $0x70, s0;
	vm9 =	vlt.s32 v2, $0x2;
	vm1 =	vlt.s32 v3, $0x2;
	v2 =	vld [tilespmem:s9+$0x0]  }
0x286: {  	vm10 =	vlt.s32 v4, $0x2;
	v3 =	vld [tilespmem:s10+$0x0];
	vm0 =	vmor vm9, vm1  }
0x287: {  	vm11 =	vlt.s32 v5, $0x2;
	vm0 =	vmor vm0, vm10  }
0x288: {  	vm12 =	vlt.s32 v6, $0x2;
	vm0 =	vmor vm0, vm11  }
0x289: {  	vm13 =	vlt.s32 v7, $0x2;
	vm0 =	vmor vm0, vm12  }
0x28a: {  	vm0 =	vmor vm0, vm13;
	vm14 =	vlt.s32 v2, $0x2  }
0x28b: {  	vm15 =	vlt.s32 v3, $0x2;
	vm0 =	vmor vm0, vm14  }
0x28c: {  	vm0 =	vmor vm0, vm15  }
0x28d: {  	v2 =	vsel vm0, $0x3F800000, v0  }
0x28e: {  	(xrf0) =	vmax.scan.msk.f32 $0xffff, v2;
	_ =	sdelay $0x5  }
0x28f: {  	v2, _, _ =	vpop (xrf0)  }
0x290: {  	(v2sf) =	vpush v2, $0xF;
	_ =	sdelay $0xe  }
0x291: {  	s11 =	spop (v2sf)  }
0x292: {  	p1 =	sgt.f32 s11, $0.0e+00  }
.Ltmp29:
0x293: {  	_ = 	snop;
	(pc) =	sbr.rel @p1 .LBB2_50-.Ltmp29, $2  }
0x294: {  	_ =	sdelay $0x2  }
0x295: {  	s1 =	simm.s32 $0x0  }
.LBB2_55:
0x296: {  	s0 =	sshll.u32 s14, $0xE  }
0x297: {  	s0 =	sadd.s32 s5, s0  }
0x298: {  	s0 =	sshrl.u32 s0, $0x3  }
0x299: {  	s0 =	sadd.s32 s6, s0  }
0x29a: {  	[hbm4b:s0+s24] =	stream.strided.scatter [tilespmem:s20], [sflag:$0xB], $0x2000, s17, s24, $0x38;
	[tilespmem:$0x1C880] =	vst v63  }
0x29b: {  	s0 =	simm.s32 @!p0 $0x10  }
0x29c: {  	_ =	swait.ge @!p0 [sflag:s0], $0x2000  }
0x29d: {  	[sflag:s0] =	ssyncset.done @!p0 $0x0  }
0x29e: {  	s2 =	sor.u32 $0x380, s13;
	[sflag:s0] =	ssyncadd.s32 @!p0 $0xFFFFE000  }
0x29f: {  	v2 =	vld [tilespmem:s2+$0x0];
	_ =	sdelay $0x4  }
0x2a0: {  	v2 =	vadd.s32 $0xFFFFFFFE, v2  }
0x2a1: {  	vm0 =	vgt.s32 v2, $0x0  }
0x2a2: {  	v2 =	vnsel vm0, $0x0, v2  }
0x2a3: {  	v2 =	vshll.u32 v2, $0x1  }
0x2a4: {  	s3 =	sor.u32 $0x390, s13;
	[tilespmem:s13+$0x6780] =	vst v2  }
0x2a5: {  	v2 =	vld [tilespmem:s3+$0x0];
	_ =	sdelay $0x4  }
0x2a6: {  	v2 =	vadd.s32 $0xFFFFFFFE, v2  }
0x2a7: {  	vm14 =	vgt.s32 v2, $0x0  }
0x2a8: {  	v2 =	vnsel vm14, $0x0, v2  }
0x2a9: {  	v2 =	vshll.u32 v2, $0x1  }
0x2aa: {  	s8 =	sor.u32 $0x3A0, s13;
	[tilespmem:s13+$0x6790] =	vst v2  }
0x2ab: {  	v2 =	vld [tilespmem:s8+$0x0];
	_ =	sdelay $0x4  }
0x2ac: {  	v2 =	vadd.s32 $0xFFFFFFFE, v2  }
0x2ad: {  	vm15 =	vgt.s32 v2, $0x0  }
0x2ae: {  	v2 =	vnsel vm15, $0x0, v2  }
0x2af: {  	v2 =	vshll.u32 v2, $0x1  }
0x2b0: {  	s9 =	sor.u32 $0x3B0, s13;
	[tilespmem:s13+$0x67A0] =	vst v2  }
0x2b1: {  	v2 =	vld [tilespmem:s9+$0x0];
	_ =	sdelay $0x4  }
0x2b2: {  	v2 =	vadd.s32 $0xFFFFFFFE, v2  }
0x2b3: {  	vm4 =	vgt.s32 v2, $0x0  }
0x2b4: {  	v2 =	vnsel vm4, $0x0, v2  }
0x2b5: {  	v2 =	vshll.u32 v2, $0x1  }
0x2b6: {  	s10 =	sor.u32 $0x3C0, s13;
	[tilespmem:s13+$0x67B0] =	vst v2  }
0x2b7: {  	v2 =	vld [tilespmem:s10+$0x0];
	_ =	sdelay $0x4  }
0x2b8: {  	v2 =	vadd.s32 $0xFFFFFFFE, v2  }
0x2b9: {  	vm5 =	vgt.s32 v2, $0x0  }
0x2ba: {  	v2 =	vnsel vm5, $0x0, v2  }
0x2bb: {  	v2 =	vshll.u32 v2, $0x1  }
0x2bc: {  	s11 =	sor.u32 $0x3D0, s13;
	[tilespmem:s13+$0x67C0] =	vst v2  }
0x2bd: {  	v2 =	vld [tilespmem:s11+$0x0];
	_ =	sdelay $0x4  }
0x2be: {  	v2 =	vadd.s32 $0xFFFFFFFE, v2  }
0x2bf: {  	vm6 =	vgt.s32 v2, $0x0  }
0x2c0: {  	v2 =	vnsel vm6, $0x0, v2  }
0x2c1: {  	v2 =	vshll.u32 v2, $0x1  }
0x2c2: {  	s14 =	sor.u32 $0x3E0, s13;
	[tilespmem:s13+$0x67D0] =	vst v2  }
0x2c3: {  	v2 =	vld [tilespmem:s14+$0x0];
	_ =	sdelay $0x4  }
0x2c4: {  	v2 =	vadd.s32 $0xFFFFFFFE, v2  }
0x2c5: {  	vm7 =	vgt.s32 v2, $0x0  }
0x2c6: {  	v2 =	vnsel vm7, $0x0, v2  }
0x2c7: {  	v2 =	vshll.u32 v2, $0x1  }
0x2c8: {  	s1 =	sor.u32 $0x3F0, s13;
	[tilespmem:s13+$0x67E0] =	vst v2  }
0x2c9: {  	v2 =	vld [tilespmem:s1+$0x0];
	_ =	sdelay $0x4  }
0x2ca: {  	v2 =	vadd.s32 $0xFFFFFFFE, v2  }
0x2cb: {  	vm8 =	vgt.s32 v2, $0x0  }
0x2cc: {  	v2 =	vnsel vm8, $0x0, v2  }
0x2cd: {  	v2 =	vshll.u32 v2, $0x1  }
0x2ce: {  	s2 =	sadd.s32 $0x6780, s13;
	[tilespmem:s13+$0x67F0] =	vst v2  }
0x2cf: {  	[tilespmem:s30], [sflag:$0x8] =	stream.indirect.gather [hbm4b:s7+s17], $0x40, s2, s17, $0xb8;
	[tilespmem:$0x1C880] =	vst v63  }
0x2d0: {  	_ =	swait.ge [sflag:s31], $0x2000  }
0x2d1: {  	[sflag:s31] =	ssyncset.done $0x0  }
0x2d2: {  	[sflag:s31] =	ssyncadd.s32 $0xFFFFE000  }
0x2d3: {  	s3 =	sor.u32 $0x10, s16;
	v2 =	vld [tilespmem:s16+$0x0]  }
0x2d4: {  	s1 =	sor.u32 $0x20, s16;
	v3 =	vld [tilespmem:s3+$0x0]  }
0x2d5: {  	s8 =	sor.u32 $0x30, s16;
	v4 =	vld [tilespmem:s1+$0x0]  }
0x2d6: {  	s9 =	sor.u32 $0x40, s16;
	v5 =	vld [tilespmem:s8+$0x0]  }
0x2d7: {  	s10 =	sor.u32 $0x50, s16;
	v6 =	vld [tilespmem:s9+$0x0]  }
0x2d8: {  	s11 =	sor.u32 $0x60, s16;
	v7 =	vld [tilespmem:s10+$0x0]  }
0x2d9: {  	s13 =	sor.u32 $0x70, s16;
	vm9 =	vlt.s32 v2, $0x2;
	vm1 =	vlt.s32 v3, $0x2;
	v2 =	vld [tilespmem:s11+$0x0]  }
0x2da: {  	vm10 =	vlt.s32 v4, $0x2;
	v3 =	vld [tilespmem:s13+$0x0];
	vm0 =	vmor vm9, vm1  }
0x2db: {  	vm11 =	vlt.s32 v5, $0x2;
	vm0 =	vmor vm0, vm10  }
0x2dc: {  	vm12 =	vlt.s32 v6, $0x2;
	vm0 =	vmor vm0, vm11  }
0x2dd: {  	vm13 =	vlt.s32 v7, $0x2;
	vm0 =	vmor vm0, vm12  }
0x2de: {  	vm0 =	vmor vm0, vm13;
	vm14 =	vlt.s32 v2, $0x2  }
0x2df: {  	vm15 =	vlt.s32 v3, $0x2;
	vm0 =	vmor vm0, vm14  }
0x2e0: {  	vm0 =	vmor vm0, vm15  }
0x2e1: {  	v2 =	vsel vm0, $0x3F800000, v0  }
0x2e2: {  	(xrf0) =	vmax.scan.msk.f32 $0xffff, v2;
	_ =	sdelay $0x5  }
0x2e3: {  	v2, _, _ =	vpop (xrf0)  }
0x2e4: {  	(v2sf) =	vpush v2, $0xF;
	_ =	sdelay $0xe  }
0x2e5: {  	s14 =	spop (v2sf)  }
0x2e6: {  	p0 =	sgt.f32 s14, $0.0e+00  }
.Ltmp30:
0x2e7: {  	_ = 	snop;
	(pc) =	sbr.rel @!p0 .LBB2_61-.Ltmp30, $4  }
.Ltmp31:
0x2e8: {  	_ = 	snop;
	(pc) =	sbr.rel @p0 .LBB2_56-.Ltmp31, $4  }
0x2e9: {  	_ = 	snop  }
0x2ea: {  	_ = 	snop  }
0x2eb: {  	s0 =	simm.s32 $0x0  }
0x2ec: {  	_ = 	snop  }
.LBB2_35:
0x2ed: {  	s9 =	sadd.s32 $0x1, s9  }
0x2ee: {  	p1 =	sne.s32 s9, $0x8  }
.Ltmp32:
0x2ef: {  	_ = 	snop;
	(pc) =	sbr.rel @!p1 .LBB2_36-.Ltmp32, $1  }
0x2f0: {  	_ =	sdelay $0x3  }
.LBB2_31:
0x2f1: {  	s10 =	sshll.u32 s9, $0x4  }
0x2f2: {  	s11 =	sadd.s32 s10, s8  }
0x2f3: {  	v2 =	vld [tilespmem:s11+$0x0];
	_ =	sdelay $0x4  }
0x2f4: {  	vm0 =	vlt.s32 v2, $0x2  }
0x2f5: {  	v3 =	vsel vm0, $0x3F800000, v0  }
0x2f6: {  	(xrf0) =	vmax.scan.msk.f32 $0xffff, v3;
	_ =	sdelay $0x5  }
0x2f7: {  	v3, _, _ =	vpop (xrf0)  }
0x2f8: {  	(v2sf) =	vpush v3, $0xF;
	_ =	sdelay $0xe  }
0x2f9: {  	s11 =	spop (v2sf)  }
0x2fa: {  	p1 =	sgt.f32 s11, $0.0e+00  }
.Ltmp33:
0x2fb: {  	_ = 	snop;
	(pc) =	sbr.rel @!p1 .LBB2_35-.Ltmp33, $1  }
0x2fc: {  	_ =	sdelay $0x3  }
0x2fd: {  	vm1 =	vlt.s32 v2, $0x1;
	s11 =	simm.s32 $0x0  }
0x2fe: {  	v2 =	vnsel vm1, $0x1, v2;
	v3 =	vmov s11  }
0x2ff: {  	v4 =	vmov s10;
	v2 =	vshll.u32 v2, $0x6;
	v5 =	vand.u32 $0x38, v3  }
0x300: {  	v6 =	vshll.u32 v4, $0x6;
	v4 =	vand.u32 $0x7, v3;
	v7 =	vor.u32 v2, v5  }
0x301: {  	v7 =	vor.u32 v4, v7;
	_ =	sdelay $0x2  }
0x302: {  	s11 =	simm.s32 $0x1  }
0x303: {  	s10 =	simm.s32 $0x2;
	v3 =	vor.u32 v1, v6;
	v6 =	vmov s11  }
.LBB2_33:
0x304: {  	p1 =	sne.s32 s10, $0x3F;
	v8 =	vld.idx.msk [tilespmem:v7+s15+$0x0], $0xffff;
	v7 =	vor.u32 v3, v5;
	v5 =	vand.u32 $0x38, v6  }
0x305: {  	v9 =	vor.u32 v2, v5;
	v10 =	vor.u32 v4, v7;
	v4 =	vand.u32 $0x7, v6  }
.Ltmp34:
0x306: {  	v7 =	vor.u32 v4, v9;
	(pc) =	sbr.rel @p1 .LBB2_33-.Ltmp34, $2  }
0x307: {  	_ =	sdelay $0x2  }
0x308: {  	v6 =	vmov s10;
	s10 =	sadd.s32 $0x1, s10;
	[tilespmem:v10+s30+$0x0] =	vst.idx.msk vm0, v8  }
0x309: {  	_ =	sdelay $0x2  }
0x30a: {  	v8 =	vand.u32 $0x38, v6;
	v5 =	vor.u32 v3, v5  }
0x30b: {  	v7 =	vld.idx.msk [tilespmem:v7+s15+$0x0], $0xffff;
	v63 =	vand.u32 $0x7, v6;
	v2 =	vor.u32 v2, v8;
	v4 =	vor.u32 v4, v5  }
0x30c: {  	v2 =	vor.u32 v63, v2;
	_ =	sdelay $0x3  }
0x30d: {  	v3 =	vor.u32 v3, v8;
	[tilespmem:v4+s30+$0x0] =	vst.idx.msk vm0, v7  }
0x30e: {  	v3 =	vor.u32 v63, v3;
	v2 =	vld.idx.msk [tilespmem:v2+s15+$0x0], $0xffff  }
.Ltmp35:
0x30f: {  	_ = 	snop;
	(pc) =	sbr.rel .LBB2_35-.Ltmp35, $2  }
0x310: {  	_ =	sdelay $0x2  }
0x311: {  	[tilespmem:v3+s30+$0x0] =	vst.idx.msk vm0, v2  }
.LBB2_41:
0x312: {  	_ =	sdelay $0x2  }
0x313: {  	v8 =	vand.u32 $0x38, v6;
	v5 =	vor.u32 v3, v5  }
0x314: {  	v7 =	vld.idx.msk [tilespmem:v7+s15+$0x0], $0xffff;
	v63 =	vand.u32 $0x7, v6;
	v2 =	vor.u32 v2, v8;
	v4 =	vor.u32 v4, v5  }
0x315: {  	v2 =	vor.u32 v63, v2;
	_ =	sdelay $0x3  }
0x316: {  	v3 =	vor.u32 v3, v8;
	[tilespmem:v4+s18+$0x0] =	vst.idx.msk vm0, v7  }
0x317: {  	v3 =	vor.u32 v63, v3;
	v2 =	vld.idx.msk [tilespmem:v2+s15+$0x0], $0xffff;
	_ =	sdelay $0x4  }
0x318: {  	[tilespmem:v3+s18+$0x0] =	vst.idx.msk vm0, v2  }
.LBB2_42:
0x319: {  	s3 =	sadd.s32 $0x1, s3  }
0x31a: {  	p1 =	sne.s32 s3, $0x8  }
.Ltmp36:
0x31b: {  	_ = 	snop;
	(pc) =	sbr.rel @!p1 .LBB2_43-.Ltmp36, $1  }
0x31c: {  	_ =	sdelay $0x3  }
.LBB2_38:
0x31d: {  	s8 =	sshll.u32 s3, $0x4  }
0x31e: {  	s9 =	sadd.s32 s8, s13  }
0x31f: {  	v2 =	vld [tilespmem:s9+$0x0];
	_ =	sdelay $0x4  }
0x320: {  	vm0 =	vlt.s32 v2, $0x2  }
0x321: {  	v3 =	vsel vm0, $0x3F800000, v0  }
0x322: {  	(xrf0) =	vmax.scan.msk.f32 $0xffff, v3;
	_ =	sdelay $0x5  }
0x323: {  	v3, _, _ =	vpop (xrf0)  }
0x324: {  	(v2sf) =	vpush v3, $0xF;
	_ =	sdelay $0xe  }
0x325: {  	s11 =	spop (v2sf)  }
0x326: {  	p1 =	sgt.f32 s11, $0.0e+00  }
.Ltmp37:
0x327: {  	_ = 	snop;
	(pc) =	sbr.rel @!p1 .LBB2_42-.Ltmp37, $1  }
0x328: {  	_ =	sdelay $0x3  }
0x329: {  	vm1 =	vlt.s32 v2, $0x1;
	s9 =	simm.s32 $0x0  }
0x32a: {  	v2 =	vnsel vm1, $0x1, v2;
	v3 =	vmov s9  }
0x32b: {  	v4 =	vmov s8;
	v2 =	vshll.u32 v2, $0x6;
	v5 =	vand.u32 $0x38, v3  }
0x32c: {  	v6 =	vshll.u32 v4, $0x6;
	v4 =	vand.u32 $0x7, v3;
	v7 =	vor.u32 v2, v5  }
0x32d: {  	v7 =	vor.u32 v4, v7;
	_ =	sdelay $0x2  }
0x32e: {  	s11 =	simm.s32 $0x1  }
0x32f: {  	s8 =	simm.s32 $0x2;
	v3 =	vor.u32 v1, v6;
	v6 =	vmov s11  }
.LBB2_40:
0x330: {  	p1 =	sne.s32 s8, $0x3F;
	v8 =	vld.idx.msk [tilespmem:v7+s15+$0x0], $0xffff;
	v7 =	vor.u32 v3, v5;
	v5 =	vand.u32 $0x38, v6  }
0x331: {  	v9 =	vor.u32 v2, v5;
	v10 =	vor.u32 v4, v7;
	v4 =	vand.u32 $0x7, v6  }
.Ltmp38:
0x332: {  	v7 =	vor.u32 v4, v9;
	(pc) =	sbr.rel @p1 .LBB2_40-.Ltmp38, $2  }
0x333: {  	_ =	sdelay $0x2  }
0x334: {  	v6 =	vmov s8;
	s8 =	sadd.s32 $0x1, s8;
	[tilespmem:v10+s18+$0x0] =	vst.idx.msk vm0, v8  }
.Ltmp39:
0x335: {  	_ = 	snop;
	(pc) =	sbr.rel .LBB2_41-.Ltmp39, $1  }
0x336: {  	_ =	sdelay $0x3  }
.LBB2_47:
0x337: {  	_ =	sdelay $0x2  }
0x338: {  	v8 =	vand.u32 $0x38, v6;
	v5 =	vor.u32 v3, v5  }
0x339: {  	v7 =	vld.idx.msk [tilespmem:v7+s15+$0x0], $0xffff;
	v63 =	vand.u32 $0x7, v6;
	v2 =	vor.u32 v2, v8;
	v4 =	vor.u32 v4, v5  }
0x33a: {  	v2 =	vor.u32 v63, v2;
	_ =	sdelay $0x3  }
0x33b: {  	v3 =	vor.u32 v3, v8;
	[tilespmem:v4+s19+$0x0] =	vst.idx.msk vm0, v7  }
0x33c: {  	v3 =	vor.u32 v63, v3;
	v2 =	vld.idx.msk [tilespmem:v2+s15+$0x0], $0xffff;
	_ =	sdelay $0x4  }
0x33d: {  	[tilespmem:v3+s19+$0x0] =	vst.idx.msk vm0, v2  }
.LBB2_48:
0x33e: {  	s3 =	sadd.s32 $0x1, s3  }
0x33f: {  	p1 =	sne.s32 s3, $0x8  }
.Ltmp40:
0x340: {  	_ = 	snop;
	(pc) =	sbr.rel @!p1 .LBB2_49-.Ltmp40, $1  }
0x341: {  	_ =	sdelay $0x3  }
.LBB2_44:
0x342: {  	s8 =	sshll.u32 s3, $0x4  }
0x343: {  	s9 =	sadd.s32 s8, s1  }
0x344: {  	v2 =	vld [tilespmem:s9+$0x0];
	_ =	sdelay $0x4  }
0x345: {  	vm0 =	vlt.s32 v2, $0x2  }
0x346: {  	v3 =	vsel vm0, $0x3F800000, v0  }
0x347: {  	(xrf0) =	vmax.scan.msk.f32 $0xffff, v3;
	_ =	sdelay $0x5  }
0x348: {  	v3, _, _ =	vpop (xrf0)  }
0x349: {  	(v2sf) =	vpush v3, $0xF;
	_ =	sdelay $0xe  }
0x34a: {  	s11 =	spop (v2sf)  }
0x34b: {  	p1 =	sgt.f32 s11, $0.0e+00  }
.Ltmp41:
0x34c: {  	_ = 	snop;
	(pc) =	sbr.rel @!p1 .LBB2_48-.Ltmp41, $1  }
0x34d: {  	_ =	sdelay $0x3  }
0x34e: {  	vm1 =	vlt.s32 v2, $0x1;
	s9 =	simm.s32 $0x0  }
0x34f: {  	v2 =	vnsel vm1, $0x1, v2;
	v3 =	vmov s9  }
0x350: {  	v4 =	vmov s8;
	v2 =	vshll.u32 v2, $0x6;
	v5 =	vand.u32 $0x38, v3  }
0x351: {  	v6 =	vshll.u32 v4, $0x6;
	v4 =	vand.u32 $0x7, v3;
	v7 =	vor.u32 v2, v5  }
0x352: {  	v7 =	vor.u32 v4, v7;
	_ =	sdelay $0x2  }
0x353: {  	s11 =	simm.s32 $0x1  }
0x354: {  	s8 =	simm.s32 $0x2;
	v3 =	vor.u32 v1, v6;
	v6 =	vmov s11  }
.LBB2_46:
0x355: {  	p1 =	sne.s32 s8, $0x3F;
	v8 =	vld.idx.msk [tilespmem:v7+s15+$0x0], $0xffff;
	v7 =	vor.u32 v3, v5;
	v5 =	vand.u32 $0x38, v6  }
0x356: {  	v9 =	vor.u32 v2, v5;
	v10 =	vor.u32 v4, v7;
	v4 =	vand.u32 $0x7, v6  }
.Ltmp42:
0x357: {  	v7 =	vor.u32 v4, v9;
	(pc) =	sbr.rel @p1 .LBB2_46-.Ltmp42, $2  }
0x358: {  	_ =	sdelay $0x2  }
0x359: {  	v6 =	vmov s8;
	s8 =	sadd.s32 $0x1, s8;
	[tilespmem:v10+s19+$0x0] =	vst.idx.msk vm0, v8  }
.Ltmp43:
0x35a: {  	_ = 	snop;
	(pc) =	sbr.rel .LBB2_47-.Ltmp43, $1  }
0x35b: {  	_ =	sdelay $0x3  }
.LBB2_53:
0x35c: {  	_ =	sdelay $0x2  }
0x35d: {  	v8 =	vand.u32 $0x38, v6;
	v5 =	vor.u32 v3, v5  }
0x35e: {  	v7 =	vld.idx.msk [tilespmem:v7+s15+$0x0], $0xffff;
	v63 =	vand.u32 $0x7, v6;
	v2 =	vor.u32 v2, v8;
	v4 =	vor.u32 v4, v5  }
0x35f: {  	v2 =	vor.u32 v63, v2;
	_ =	sdelay $0x3  }
0x360: {  	v3 =	vor.u32 v3, v8;
	[tilespmem:v4+s20+$0x0] =	vst.idx.msk vm0, v7  }
0x361: {  	v3 =	vor.u32 v63, v3;
	v2 =	vld.idx.msk [tilespmem:v2+s15+$0x0], $0xffff;
	_ =	sdelay $0x4  }
0x362: {  	[tilespmem:v3+s20+$0x0] =	vst.idx.msk vm0, v2  }
.LBB2_54:
0x363: {  	s1 =	sadd.s32 $0x1, s1  }
0x364: {  	p1 =	sne.s32 s1, $0x8  }
.Ltmp44:
0x365: {  	_ = 	snop;
	(pc) =	sbr.rel @!p1 .LBB2_55-.Ltmp44, $1  }
0x366: {  	_ =	sdelay $0x3  }
.LBB2_50:
0x367: {  	s2 =	sshll.u32 s1, $0x4  }
0x368: {  	s3 =	sadd.s32 s2, s0  }
0x369: {  	v2 =	vld [tilespmem:s3+$0x0];
	_ =	sdelay $0x4  }
0x36a: {  	vm0 =	vlt.s32 v2, $0x2  }
0x36b: {  	v3 =	vsel vm0, $0x3F800000, v0  }
0x36c: {  	(xrf0) =	vmax.scan.msk.f32 $0xffff, v3;
	_ =	sdelay $0x5  }
0x36d: {  	v3, _, _ =	vpop (xrf0)  }
0x36e: {  	(v2sf) =	vpush v3, $0xF;
	_ =	sdelay $0xe  }
0x36f: {  	s11 =	spop (v2sf)  }
0x370: {  	p1 =	sgt.f32 s11, $0.0e+00  }
.Ltmp45:
0x371: {  	_ = 	snop;
	(pc) =	sbr.rel @!p1 .LBB2_54-.Ltmp45, $1  }
0x372: {  	_ =	sdelay $0x3  }
0x373: {  	vm1 =	vlt.s32 v2, $0x1;
	s3 =	simm.s32 $0x0  }
0x374: {  	v2 =	vnsel vm1, $0x1, v2;
	v3 =	vmov s3  }
0x375: {  	v4 =	vmov s2;
	v2 =	vshll.u32 v2, $0x6;
	v5 =	vand.u32 $0x38, v3  }
0x376: {  	v6 =	vshll.u32 v4, $0x6;
	v4 =	vand.u32 $0x7, v3;
	v7 =	vor.u32 v2, v5  }
0x377: {  	v7 =	vor.u32 v4, v7;
	_ =	sdelay $0x2  }
0x378: {  	s11 =	simm.s32 $0x1  }
0x379: {  	s2 =	simm.s32 $0x2;
	v3 =	vor.u32 v1, v6;
	v6 =	vmov s11  }
.LBB2_52:
0x37a: {  	p1 =	sne.s32 s2, $0x3F;
	v8 =	vld.idx.msk [tilespmem:v7+s15+$0x0], $0xffff;
	v7 =	vor.u32 v3, v5;
	v5 =	vand.u32 $0x38, v6  }
0x37b: {  	v9 =	vor.u32 v2, v5;
	v10 =	vor.u32 v4, v7;
	v4 =	vand.u32 $0x7, v6  }
.Ltmp46:
0x37c: {  	v7 =	vor.u32 v4, v9;
	(pc) =	sbr.rel @p1 .LBB2_52-.Ltmp46, $2  }
0x37d: {  	_ =	sdelay $0x2  }
0x37e: {  	v6 =	vmov s2;
	s2 =	sadd.s32 $0x1, s2;
	[tilespmem:v10+s20+$0x0] =	vst.idx.msk vm0, v8  }
.Ltmp47:
0x37f: {  	_ = 	snop;
	(pc) =	sbr.rel .LBB2_53-.Ltmp47, $1  }
0x380: {  	_ =	sdelay $0x3  }
.LBB2_59:
0x381: {  	_ =	sdelay $0x2  }
0x382: {  	v8 =	vand.u32 $0x38, v6;
	v5 =	vor.u32 v3, v5  }
0x383: {  	v7 =	vld.idx.msk [tilespmem:v7+s15+$0x0], $0xffff;
	v63 =	vand.u32 $0x7, v6;
	v2 =	vor.u32 v2, v8;
	v4 =	vor.u32 v4, v5  }
0x384: {  	v2 =	vor.u32 v63, v2;
	_ =	sdelay $0x3  }
0x385: {  	v3 =	vor.u32 v3, v8;
	[tilespmem:v4+s21+$0x0] =	vst.idx.msk vm0, v7  }
0x386: {  	v3 =	vor.u32 v63, v3;
	v2 =	vld.idx.msk [tilespmem:v2+s15+$0x0], $0xffff;
	_ =	sdelay $0x4  }
0x387: {  	[tilespmem:v3+s21+$0x0] =	vst.idx.msk vm0, v2  }
.LBB2_60:
0x388: {  	s0 =	sadd.s32 $0x1, s0  }
0x389: {  	p0 =	sne.s32 s0, $0x8  }
.Ltmp48:
0x38a: {  	_ = 	snop;
	(pc) =	sbr.rel @!p0 .LBB2_61-.Ltmp48, $1  }
0x38b: {  	_ =	sdelay $0x3  }
.LBB2_56:
0x38c: {  	s1 =	sshll.u32 s0, $0x4  }
0x38d: {  	s2 =	sadd.s32 s1, s16  }
0x38e: {  	v2 =	vld [tilespmem:s2+$0x0];
	_ =	sdelay $0x4  }
0x38f: {  	vm0 =	vlt.s32 v2, $0x2  }
0x390: {  	v3 =	vsel vm0, $0x3F800000, v0  }
0x391: {  	(xrf0) =	vmax.scan.msk.f32 $0xffff, v3;
	_ =	sdelay $0x5  }
0x392: {  	v3, _, _ =	vpop (xrf0)  }
0x393: {  	(v2sf) =	vpush v3, $0xF;
	_ =	sdelay $0xe  }
0x394: {  	s14 =	spop (v2sf)  }
0x395: {  	p0 =	sgt.f32 s14, $0.0e+00  }
.Ltmp49:
0x396: {  	_ = 	snop;
	(pc) =	sbr.rel @!p0 .LBB2_60-.Ltmp49, $1  }
0x397: {  	_ =	sdelay $0x3  }
0x398: {  	vm1 =	vlt.s32 v2, $0x1;
	s2 =	simm.s32 $0x0  }
0x399: {  	v2 =	vnsel vm1, $0x1, v2;
	v3 =	vmov s2  }
0x39a: {  	v4 =	vmov s1;
	v2 =	vshll.u32 v2, $0x6;
	v5 =	vand.u32 $0x38, v3  }
0x39b: {  	v6 =	vshll.u32 v4, $0x6;
	v4 =	vand.u32 $0x7, v3;
	v7 =	vor.u32 v2, v5  }
0x39c: {  	v7 =	vor.u32 v4, v7;
	_ =	sdelay $0x2  }
0x39d: {  	s14 =	simm.s32 $0x1  }
0x39e: {  	s1 =	simm.s32 $0x2;
	v3 =	vor.u32 v1, v6;
	v6 =	vmov s14  }
.LBB2_58:
0x39f: {  	p0 =	sne.s32 s1, $0x3F;
	v8 =	vld.idx.msk [tilespmem:v7+s15+$0x0], $0xffff;
	v7 =	vor.u32 v3, v5;
	v5 =	vand.u32 $0x38, v6  }
0x3a0: {  	v9 =	vor.u32 v2, v5;
	v10 =	vor.u32 v4, v7;
	v4 =	vand.u32 $0x7, v6  }
.Ltmp50:
0x3a1: {  	v7 =	vor.u32 v4, v9;
	(pc) =	sbr.rel @p0 .LBB2_58-.Ltmp50, $2  }
0x3a2: {  	_ =	sdelay $0x2  }
0x3a3: {  	v6 =	vmov s1;
	s1 =	sadd.s32 $0x1, s1;
	[tilespmem:v10+s21+$0x0] =	vst.idx.msk vm0, v8  }
.Ltmp51:
0x3a4: {  	_ = 	snop;
	(pc) =	sbr.rel .LBB2_59-.Ltmp51, $1  }
0x3a5: {  	_ =	sdelay $0x3  }
.LBB2_62:
0x3a6: {  	s0 =	simm.s32 $0x5  }
0x3a7: {  	_ =	swait.ge [sflag:s0], $0x2000  }
0x3a8: {  	[sflag:s0] =	ssyncset.done $0x0  }
0x3a9: {  	[sflag:s0] =	ssyncadd.s32 $0xFFFFE000  }
0x3aa: {  	v2 =	vld [tilespmem:$0x6200]  }
0x3ab: {  	v3 =	vld [tilespmem:$0x6210]  }
0x3ac: {  	v4 =	vld [tilespmem:$0x6220]  }
0x3ad: {  	v5 =	vld [tilespmem:$0x6230]  }
0x3ae: {  	v6 =	vld [tilespmem:$0x6240]  }
0x3af: {  	v7 =	vld [tilespmem:$0x6250]  }
0x3b0: {  	vm0 =	vlt.s32 v2, $0x2;
	vm1 =	vlt.s32 v3, $0x2;
	v2 =	vld [tilespmem:$0x6260]  }
0x3b1: {  	vm10 =	vlt.s32 v4, $0x2;
	v3 =	vld [tilespmem:$0x6270];
	vm0 =	vmor vm0, vm1  }
0x3b2: {  	vm11 =	vlt.s32 v5, $0x2;
	vm0 =	vmor vm0, vm10  }
0x3b3: {  	vm12 =	vlt.s32 v6, $0x2;
	vm0 =	vmor vm0, vm11  }
0x3b4: {  	vm13 =	vlt.s32 v7, $0x2;
	vm0 =	vmor vm0, vm12  }
0x3b5: {  	vm0 =	vmor vm0, vm13;
	vm14 =	vlt.s32 v2, $0x2  }
0x3b6: {  	vm15 =	vlt.s32 v3, $0x2;
	vm0 =	vmor vm0, vm14  }
0x3b7: {  	vm0 =	vmor vm0, vm15  }
0x3b8: {  	v2 =	vsel vm0, $0x3F800000, v0  }
0x3b9: {  	(xrf0) =	vmax.scan.msk.f32 $0xffff, v2;
	_ =	sdelay $0x5  }
0x3ba: {  	v2, _, _ =	vpop (xrf0)  }
0x3bb: {  	(v2sf) =	vpush v2, $0xF;
	_ =	sdelay $0xe  }
0x3bc: {  	s16 =	spop (v2sf)  }
0x3bd: {  	p0 =	sgt.f32 s16, $0.0e+00  }
.Ltmp52:
0x3be: {  	_ = 	snop;
	(pc) =	sbr.rel @p0 .LBB2_63-.Ltmp52, $2  }
0x3bf: {  	_ =	sdelay $0x2  }
0x3c0: {  	s0 =	simm.s32 $0x0  }
.LBB2_68:
0x3c1: {  	s0 =	rddreg [dreg:$0x6];
	s14 =	simm.s32 $0x6  }
0x3c2: {  	[hbm4b:s0+s24] =	stream.strided.scatter [tilespmem:s22], [sflag:$0xD], $0x2000, s17, s24, $0x38;
	[tilespmem:$0x1C880] =	vst v63  }
0x3c3: {  	_ =	swait.ge [sflag:s14], $0x2000  }
0x3c4: {  	[sflag:s14] =	ssyncset.done $0x0  }
0x3c5: {  	[sflag:s14] =	ssyncadd.s32 $0xFFFFE000  }
0x3c6: {  	v2 =	vld [tilespmem:$0x6280]  }
0x3c7: {  	v3 =	vld [tilespmem:$0x6290]  }
0x3c8: {  	v4 =	vld [tilespmem:$0x62A0]  }
0x3c9: {  	v5 =	vld [tilespmem:$0x62B0]  }
0x3ca: {  	v6 =	vld [tilespmem:$0x62C0]  }
0x3cb: {  	v7 =	vld [tilespmem:$0x62D0]  }
0x3cc: {  	vm0 =	vlt.s32 v2, $0x2;
	vm1 =	vlt.s32 v3, $0x2;
	v2 =	vld [tilespmem:$0x62E0]  }
0x3cd: {  	vm10 =	vlt.s32 v4, $0x2;
	v3 =	vld [tilespmem:$0x62F0];
	vm0 =	vmor vm0, vm1  }
0x3ce: {  	vm11 =	vlt.s32 v5, $0x2;
	vm0 =	vmor vm0, vm10  }
0x3cf: {  	vm12 =	vlt.s32 v6, $0x2;
	vm0 =	vmor vm0, vm11  }
0x3d0: {  	vm13 =	vlt.s32 v7, $0x2;
	vm0 =	vmor vm0, vm12  }
0x3d1: {  	vm0 =	vmor vm0, vm13;
	vm14 =	vlt.s32 v2, $0x2  }
0x3d2: {  	vm15 =	vlt.s32 v3, $0x2;
	vm0 =	vmor vm0, vm14  }
0x3d3: {  	vm0 =	vmor vm0, vm15  }
0x3d4: {  	v2 =	vsel vm0, $0x3F800000, v0  }
0x3d5: {  	(xrf0) =	vmax.scan.msk.f32 $0xffff, v2;
	_ =	sdelay $0x5  }
0x3d6: {  	v2, _, _ =	vpop (xrf0)  }
0x3d7: {  	(v2sf) =	vpush v2, $0xF;
	_ =	sdelay $0xe  }
0x3d8: {  	s16 =	spop (v2sf)  }
0x3d9: {  	p0 =	sgt.f32 s16, $0.0e+00  }
.Ltmp53:
0x3da: {  	_ = 	snop;
	(pc) =	sbr.rel @p0 .LBB2_69-.Ltmp53, $2  }
0x3db: {  	_ =	sdelay $0x2  }
0x3dc: {  	s0 =	simm.s32 $0x0  }
.LBB2_74:
0x3dd: {  	s0 =	rddreg [dreg:$0x7];
	s14 =	simm.s32 $0x7  }
0x3de: {  	[hbm4b:s0+s24] =	stream.strided.scatter [tilespmem:s25], [sflag:$0xE], $0x2000, s17, s24, $0x38;
	[tilespmem:$0x1C880] =	vst v63  }
0x3df: {  	_ =	swait.ge [sflag:s14], $0x2000  }
0x3e0: {  	[sflag:s14] =	ssyncset.done $0x0  }
0x3e1: {  	[sflag:s14] =	ssyncadd.s32 $0xFFFFE000  }
0x3e2: {  	v2 =	vld [tilespmem:$0x6300]  }
0x3e3: {  	v3 =	vld [tilespmem:$0x6310]  }
0x3e4: {  	v4 =	vld [tilespmem:$0x6320]  }
0x3e5: {  	v5 =	vld [tilespmem:$0x6330]  }
0x3e6: {  	v6 =	vld [tilespmem:$0x6340]  }
0x3e7: {  	v7 =	vld [tilespmem:$0x6350]  }
0x3e8: {  	vm0 =	vlt.s32 v2, $0x2;
	vm1 =	vlt.s32 v3, $0x2;
	v2 =	vld [tilespmem:$0x6360]  }
0x3e9: {  	vm10 =	vlt.s32 v4, $0x2;
	v3 =	vld [tilespmem:$0x6370];
	vm0 =	vmor vm0, vm1  }
0x3ea: {  	vm11 =	vlt.s32 v5, $0x2;
	vm0 =	vmor vm0, vm10  }
0x3eb: {  	vm12 =	vlt.s32 v6, $0x2;
	vm0 =	vmor vm0, vm11  }
0x3ec: {  	vm13 =	vlt.s32 v7, $0x2;
	vm0 =	vmor vm0, vm12  }
0x3ed: {  	vm0 =	vmor vm0, vm13;
	vm14 =	vlt.s32 v2, $0x2  }
0x3ee: {  	vm15 =	vlt.s32 v3, $0x2;
	vm0 =	vmor vm0, vm14  }
0x3ef: {  	vm0 =	vmor vm0, vm15  }
0x3f0: {  	v2 =	vsel vm0, $0x3F800000, v0  }
0x3f1: {  	(xrf0) =	vmax.scan.msk.f32 $0xffff, v2;
	_ =	sdelay $0x5  }
0x3f2: {  	v2, _, _ =	vpop (xrf0)  }
0x3f3: {  	(v2sf) =	vpush v2, $0xF;
	_ =	sdelay $0xe  }
0x3f4: {  	s16 =	spop (v2sf)  }
0x3f5: {  	p0 =	sgt.f32 s16, $0.0e+00  }
.Ltmp54:
0x3f6: {  	_ = 	snop;
	(pc) =	sbr.rel @p0 .LBB2_75-.Ltmp54, $2  }
0x3f7: {  	_ =	sdelay $0x2  }
0x3f8: {  	s0 =	simm.s32 $0x0  }
.LBB2_80:
0x3f9: {  	s0 =	rddreg [dreg:$0x8];
	s14 =	simm.s32 $0x8  }
0x3fa: {  	[hbm4b:s0+s24] =	stream.strided.scatter [tilespmem:s28], [sflag:$0xF], $0x2000, s17, s24, $0x38;
	[tilespmem:$0x1C880] =	vst v63  }
0x3fb: {  	_ =	swait.ge [sflag:s14], $0x2000  }
0x3fc: {  	[sflag:s14] =	ssyncset.done $0x0  }
0x3fd: {  	[sflag:s14] =	ssyncadd.s32 $0xFFFFE000  }
0x3fe: {  	v2 =	vld [tilespmem:$0x6380]  }
0x3ff: {  	v3 =	vld [tilespmem:$0x6390]  }
0x400: {  	v4 =	vld [tilespmem:$0x63A0]  }
0x401: {  	v5 =	vld [tilespmem:$0x63B0]  }
0x402: {  	v6 =	vld [tilespmem:$0x63C0]  }
0x403: {  	v7 =	vld [tilespmem:$0x63D0]  }
0x404: {  	vm0 =	vlt.s32 v2, $0x2;
	vm1 =	vlt.s32 v3, $0x2;
	v2 =	vld [tilespmem:$0x63E0]  }
0x405: {  	vm10 =	vlt.s32 v4, $0x2;
	v3 =	vld [tilespmem:$0x63F0];
	vm0 =	vmor vm0, vm1  }
0x406: {  	vm11 =	vlt.s32 v5, $0x2;
	vm0 =	vmor vm0, vm10  }
0x407: {  	vm12 =	vlt.s32 v6, $0x2;
	vm0 =	vmor vm0, vm11  }
0x408: {  	vm13 =	vlt.s32 v7, $0x2;
	vm0 =	vmor vm0, vm12  }
0x409: {  	vm0 =	vmor vm0, vm13;
	vm14 =	vlt.s32 v2, $0x2  }
0x40a: {  	vm15 =	vlt.s32 v3, $0x2;
	vm0 =	vmor vm0, vm14  }
0x40b: {  	vm0 =	vmor vm0, vm15  }
0x40c: {  	v2 =	vsel vm0, $0x3F800000, v0  }
0x40d: {  	(xrf0) =	vmax.scan.msk.f32 $0xffff, v2;
	_ =	sdelay $0x5  }
0x40e: {  	v2, _, _ =	vpop (xrf0)  }
0x40f: {  	(v2sf) =	vpush v2, $0xF;
	_ =	sdelay $0xe  }
0x410: {  	s16 =	spop (v2sf)  }
0x411: {  	p0 =	sgt.f32 s16, $0.0e+00  }
.Ltmp55:
0x412: {  	_ = 	snop;
	(pc) =	sbr.rel @!p0 .LBB2_86-.Ltmp55, $4  }
.Ltmp56:
0x413: {  	_ = 	snop;
	(pc) =	sbr.rel @p0 .LBB2_81-.Ltmp56, $4  }
0x414: {  	_ = 	snop  }
0x415: {  	_ = 	snop  }
0x416: {  	s0 =	simm.s32 $0x0  }
0x417: {  	_ = 	snop  }
.LBB2_67:
0x418: {  	s0 =	sadd.s32 $0x1, s0  }
0x419: {  	p0 =	sne.s32 s0, $0x8  }
.Ltmp57:
0x41a: {  	_ = 	snop;
	(pc) =	sbr.rel @!p0 .LBB2_68-.Ltmp57, $1  }
0x41b: {  	_ =	sdelay $0x3  }
.LBB2_63:
0x41c: {  	s1 =	sshll.u32 s0, $0x4  }
0x41d: {  	v2 =	vld [tilespmem:s1+$0x6200];
	_ =	sdelay $0x4  }
0x41e: {  	vm0 =	vlt.s32 v2, $0x2  }
0x41f: {  	v3 =	vsel vm0, $0x3F800000, v0  }
0x420: {  	(xrf0) =	vmax.scan.msk.f32 $0xffff, v3;
	_ =	sdelay $0x5  }
0x421: {  	v3, _, _ =	vpop (xrf0)  }
0x422: {  	(v2sf) =	vpush v3, $0xF;
	_ =	sdelay $0xe  }
0x423: {  	s2 =	spop (v2sf)  }
0x424: {  	p0 =	sgt.f32 s2, $0.0e+00  }
.Ltmp58:
0x425: {  	_ = 	snop;
	(pc) =	sbr.rel @!p0 .LBB2_67-.Ltmp58, $1  }
0x426: {  	_ =	sdelay $0x3  }
0x427: {  	vm1 =	vlt.s32 v2, $0x1;
	s2 =	simm.s32 $0x0  }
0x428: {  	v2 =	vnsel vm1, $0x1, v2;
	v3 =	vmov s2  }
0x429: {  	v4 =	vmov s1;
	v2 =	vshll.u32 v2, $0x6;
	v5 =	vand.u32 $0x38, v3  }
0x42a: {  	v6 =	vshll.u32 v4, $0x6;
	v4 =	vand.u32 $0x7, v3;
	v7 =	vor.u32 v2, v5  }
0x42b: {  	v7 =	vor.u32 v4, v7;
	_ =	sdelay $0x2  }
0x42c: {  	s16 =	simm.s32 $0x1  }
0x42d: {  	s1 =	simm.s32 $0x2;
	v3 =	vor.u32 v1, v6;
	v6 =	vmov s16  }
.LBB2_65:
0x42e: {  	p0 =	sne.s32 s1, $0x3F;
	v8 =	vld.idx.msk [tilespmem:v7+s15+$0x0], $0xffff;
	v7 =	vor.u32 v3, v5;
	v5 =	vand.u32 $0x38, v6  }
0x42f: {  	v9 =	vor.u32 v2, v5;
	v10 =	vor.u32 v4, v7;
	v4 =	vand.u32 $0x7, v6  }
.Ltmp59:
0x430: {  	v7 =	vor.u32 v4, v9;
	(pc) =	sbr.rel @p0 .LBB2_65-.Ltmp59, $2  }
0x431: {  	_ =	sdelay $0x2  }
0x432: {  	v6 =	vmov s1;
	s1 =	sadd.s32 $0x1, s1;
	[tilespmem:v10+s22+$0x0] =	vst.idx.msk vm0, v8  }
0x433: {  	_ =	sdelay $0x2  }
0x434: {  	v8 =	vand.u32 $0x38, v6;
	v5 =	vor.u32 v3, v5  }
0x435: {  	v7 =	vld.idx.msk [tilespmem:v7+s15+$0x0], $0xffff;
	v63 =	vand.u32 $0x7, v6;
	v2 =	vor.u32 v2, v8;
	v4 =	vor.u32 v4, v5  }
0x436: {  	v2 =	vor.u32 v63, v2;
	_ =	sdelay $0x3  }
0x437: {  	v3 =	vor.u32 v3, v8;
	[tilespmem:v4+s22+$0x0] =	vst.idx.msk vm0, v7  }
0x438: {  	v3 =	vor.u32 v63, v3;
	v2 =	vld.idx.msk [tilespmem:v2+s15+$0x0], $0xffff  }
.Ltmp60:
0x439: {  	_ = 	snop;
	(pc) =	sbr.rel .LBB2_67-.Ltmp60, $2  }
0x43a: {  	_ =	sdelay $0x2  }
0x43b: {  	[tilespmem:v3+s22+$0x0] =	vst.idx.msk vm0, v2  }
.LBB2_73:
0x43c: {  	s0 =	sadd.s32 $0x1, s0  }
0x43d: {  	p0 =	sne.s32 s0, $0x8  }
.Ltmp61:
0x43e: {  	_ = 	snop;
	(pc) =	sbr.rel @!p0 .LBB2_74-.Ltmp61, $1  }
0x43f: {  	_ =	sdelay $0x3  }
.LBB2_69:
0x440: {  	s1 =	sshll.u32 s0, $0x4  }
0x441: {  	v2 =	vld [tilespmem:s1+$0x6280];
	_ =	sdelay $0x4  }
0x442: {  	vm0 =	vlt.s32 v2, $0x2  }
0x443: {  	v3 =	vsel vm0, $0x3F800000, v0  }
0x444: {  	(xrf0) =	vmax.scan.msk.f32 $0xffff, v3;
	_ =	sdelay $0x5  }
0x445: {  	v3, _, _ =	vpop (xrf0)  }
0x446: {  	(v2sf) =	vpush v3, $0xF;
	_ =	sdelay $0xe  }
0x447: {  	s2 =	spop (v2sf)  }
0x448: {  	p0 =	sgt.f32 s2, $0.0e+00  }
.Ltmp62:
0x449: {  	_ = 	snop;
	(pc) =	sbr.rel @!p0 .LBB2_73-.Ltmp62, $1  }
0x44a: {  	_ =	sdelay $0x3  }
0x44b: {  	vm1 =	vlt.s32 v2, $0x1;
	s2 =	simm.s32 $0x0  }
0x44c: {  	v2 =	vnsel vm1, $0x1, v2;
	v3 =	vmov s2  }
0x44d: {  	v4 =	vmov s1;
	v2 =	vshll.u32 v2, $0x6;
	v5 =	vand.u32 $0x38, v3  }
0x44e: {  	v6 =	vshll.u32 v4, $0x6;
	v4 =	vand.u32 $0x7, v3;
	v7 =	vor.u32 v2, v5  }
0x44f: {  	v7 =	vor.u32 v4, v7;
	_ =	sdelay $0x2  }
0x450: {  	s16 =	simm.s32 $0x1  }
0x451: {  	s1 =	simm.s32 $0x2;
	v3 =	vor.u32 v1, v6;
	v6 =	vmov s16  }
.LBB2_71:
0x452: {  	p0 =	sne.s32 s1, $0x3F;
	v8 =	vld.idx.msk [tilespmem:v7+s15+$0x0], $0xffff;
	v7 =	vor.u32 v3, v5;
	v5 =	vand.u32 $0x38, v6  }
0x453: {  	v9 =	vor.u32 v2, v5;
	v10 =	vor.u32 v4, v7;
	v4 =	vand.u32 $0x7, v6  }
.Ltmp63:
0x454: {  	v7 =	vor.u32 v4, v9;
	(pc) =	sbr.rel @p0 .LBB2_71-.Ltmp63, $2  }
0x455: {  	_ =	sdelay $0x2  }
0x456: {  	v6 =	vmov s1;
	s1 =	sadd.s32 $0x1, s1;
	[tilespmem:v10+s25+$0x0] =	vst.idx.msk vm0, v8  }
0x457: {  	_ =	sdelay $0x2  }
0x458: {  	v8 =	vand.u32 $0x38, v6;
	v5 =	vor.u32 v3, v5  }
0x459: {  	v7 =	vld.idx.msk [tilespmem:v7+s15+$0x0], $0xffff;
	v63 =	vand.u32 $0x7, v6;
	v2 =	vor.u32 v2, v8;
	v4 =	vor.u32 v4, v5  }
0x45a: {  	v2 =	vor.u32 v63, v2;
	_ =	sdelay $0x3  }
0x45b: {  	v3 =	vor.u32 v3, v8;
	[tilespmem:v4+s25+$0x0] =	vst.idx.msk vm0, v7  }
0x45c: {  	v3 =	vor.u32 v63, v3;
	v2 =	vld.idx.msk [tilespmem:v2+s15+$0x0], $0xffff  }
.Ltmp64:
0x45d: {  	_ = 	snop;
	(pc) =	sbr.rel .LBB2_73-.Ltmp64, $2  }
0x45e: {  	_ =	sdelay $0x2  }
0x45f: {  	[tilespmem:v3+s25+$0x0] =	vst.idx.msk vm0, v2  }
.LBB2_79:
0x460: {  	s0 =	sadd.s32 $0x1, s0  }
0x461: {  	p0 =	sne.s32 s0, $0x8  }
.Ltmp65:
0x462: {  	_ = 	snop;
	(pc) =	sbr.rel @!p0 .LBB2_80-.Ltmp65, $1  }
0x463: {  	_ =	sdelay $0x3  }
.LBB2_75:
0x464: {  	s1 =	sshll.u32 s0, $0x4  }
0x465: {  	v2 =	vld [tilespmem:s1+$0x6300];
	_ =	sdelay $0x4  }
0x466: {  	vm0 =	vlt.s32 v2, $0x2  }
0x467: {  	v3 =	vsel vm0, $0x3F800000, v0  }
0x468: {  	(xrf0) =	vmax.scan.msk.f32 $0xffff, v3;
	_ =	sdelay $0x5  }
0x469: {  	v3, _, _ =	vpop (xrf0)  }
0x46a: {  	(v2sf) =	vpush v3, $0xF;
	_ =	sdelay $0xe  }
0x46b: {  	s2 =	spop (v2sf)  }
0x46c: {  	p0 =	sgt.f32 s2, $0.0e+00  }
.Ltmp66:
0x46d: {  	_ = 	snop;
	(pc) =	sbr.rel @!p0 .LBB2_79-.Ltmp66, $1  }
0x46e: {  	_ =	sdelay $0x3  }
0x46f: {  	vm1 =	vlt.s32 v2, $0x1;
	s2 =	simm.s32 $0x0  }
0x470: {  	v2 =	vnsel vm1, $0x1, v2;
	v3 =	vmov s2  }
0x471: {  	v4 =	vmov s1;
	v2 =	vshll.u32 v2, $0x6;
	v5 =	vand.u32 $0x38, v3  }
0x472: {  	v6 =	vshll.u32 v4, $0x6;
	v4 =	vand.u32 $0x7, v3;
	v7 =	vor.u32 v2, v5  }
0x473: {  	v7 =	vor.u32 v4, v7;
	_ =	sdelay $0x2  }
0x474: {  	s16 =	simm.s32 $0x1  }
0x475: {  	s1 =	simm.s32 $0x2;
	v3 =	vor.u32 v1, v6;
	v6 =	vmov s16  }
.LBB2_77:
0x476: {  	p0 =	sne.s32 s1, $0x3F;
	v8 =	vld.idx.msk [tilespmem:v7+s15+$0x0], $0xffff;
	v7 =	vor.u32 v3, v5;
	v5 =	vand.u32 $0x38, v6  }
0x477: {  	v9 =	vor.u32 v2, v5;
	v10 =	vor.u32 v4, v7;
	v4 =	vand.u32 $0x7, v6  }
.Ltmp67:
0x478: {  	v7 =	vor.u32 v4, v9;
	(pc) =	sbr.rel @p0 .LBB2_77-.Ltmp67, $2  }
0x479: {  	_ =	sdelay $0x2  }
0x47a: {  	v6 =	vmov s1;
	s1 =	sadd.s32 $0x1, s1;
	[tilespmem:v10+s28+$0x0] =	vst.idx.msk vm0, v8  }
0x47b: {  	_ =	sdelay $0x2  }
0x47c: {  	v8 =	vand.u32 $0x38, v6;
	v5 =	vor.u32 v3, v5  }
0x47d: {  	v7 =	vld.idx.msk [tilespmem:v7+s15+$0x0], $0xffff;
	v63 =	vand.u32 $0x7, v6;
	v2 =	vor.u32 v2, v8;
	v4 =	vor.u32 v4, v5  }
0x47e: {  	v2 =	vor.u32 v63, v2;
	_ =	sdelay $0x3  }
0x47f: {  	v3 =	vor.u32 v3, v8;
	[tilespmem:v4+s28+$0x0] =	vst.idx.msk vm0, v7  }
0x480: {  	v3 =	vor.u32 v63, v3;
	v2 =	vld.idx.msk [tilespmem:v2+s15+$0x0], $0xffff  }
.Ltmp68:
0x481: {  	_ = 	snop;
	(pc) =	sbr.rel .LBB2_79-.Ltmp68, $2  }
0x482: {  	_ =	sdelay $0x2  }
0x483: {  	[tilespmem:v3+s28+$0x0] =	vst.idx.msk vm0, v2  }
.LBB2_85:
0x484: {  	s0 =	sadd.s32 $0x1, s0  }
0x485: {  	p0 =	sne.s32 s0, $0x8  }
.Ltmp69:
0x486: {  	_ = 	snop;
	(pc) =	sbr.rel @!p0 .LBB2_86-.Ltmp69, $1  }
0x487: {  	_ =	sdelay $0x3  }
.LBB2_81:
0x488: {  	s1 =	sshll.u32 s0, $0x4  }
0x489: {  	v2 =	vld [tilespmem:s1+$0x6380];
	_ =	sdelay $0x4  }
0x48a: {  	vm0 =	vlt.s32 v2, $0x2  }
0x48b: {  	v3 =	vsel vm0, $0x3F800000, v0  }
0x48c: {  	(xrf0) =	vmax.scan.msk.f32 $0xffff, v3;
	_ =	sdelay $0x5  }
0x48d: {  	v3, _, _ =	vpop (xrf0)  }
0x48e: {  	(v2sf) =	vpush v3, $0xF;
	_ =	sdelay $0xe  }
0x48f: {  	s2 =	spop (v2sf)  }
0x490: {  	p0 =	sgt.f32 s2, $0.0e+00  }
.Ltmp70:
0x491: {  	_ = 	snop;
	(pc) =	sbr.rel @!p0 .LBB2_85-.Ltmp70, $1  }
0x492: {  	_ =	sdelay $0x3  }
0x493: {  	vm1 =	vlt.s32 v2, $0x1;
	s2 =	simm.s32 $0x0  }
0x494: {  	v2 =	vnsel vm1, $0x1, v2;
	v3 =	vmov s2  }
0x495: {  	v4 =	vmov s1;
	v2 =	vshll.u32 v2, $0x6;
	v5 =	vand.u32 $0x38, v3  }
0x496: {  	v6 =	vshll.u32 v4, $0x6;
	v4 =	vand.u32 $0x7, v3;
	v7 =	vor.u32 v2, v5  }
0x497: {  	v7 =	vor.u32 v4, v7;
	_ =	sdelay $0x2  }
0x498: {  	s16 =	simm.s32 $0x1  }
0x499: {  	s1 =	simm.s32 $0x2;
	v3 =	vor.u32 v1, v6;
	v6 =	vmov s16  }
.LBB2_83:
0x49a: {  	p0 =	sne.s32 s1, $0x3F;
	v8 =	vld.idx.msk [tilespmem:v7+s15+$0x0], $0xffff;
	v7 =	vor.u32 v3, v5;
	v5 =	vand.u32 $0x38, v6  }
0x49b: {  	v9 =	vor.u32 v2, v5;
	v10 =	vor.u32 v4, v7;
	v4 =	vand.u32 $0x7, v6  }
.Ltmp71:
0x49c: {  	v7 =	vor.u32 v4, v9;
	(pc) =	sbr.rel @p0 .LBB2_83-.Ltmp71, $2  }
0x49d: {  	_ =	sdelay $0x2  }
0x49e: {  	v6 =	vmov s1;
	s1 =	sadd.s32 $0x1, s1;
	[tilespmem:v10+s30+$0x0] =	vst.idx.msk vm0, v8  }
0x49f: {  	_ =	sdelay $0x2  }
0x4a0: {  	v8 =	vand.u32 $0x38, v6;
	v5 =	vor.u32 v3, v5  }
0x4a1: {  	v7 =	vld.idx.msk [tilespmem:v7+s15+$0x0], $0xffff;
	v63 =	vand.u32 $0x7, v6;
	v2 =	vor.u32 v2, v8;
	v4 =	vor.u32 v4, v5  }
0x4a2: {  	v2 =	vor.u32 v63, v2;
	_ =	sdelay $0x3  }
0x4a3: {  	v3 =	vor.u32 v3, v8;
	[tilespmem:v4+s30+$0x0] =	vst.idx.msk vm0, v7  }
0x4a4: {  	v3 =	vor.u32 v63, v3;
	v2 =	vld.idx.msk [tilespmem:v2+s15+$0x0], $0xffff  }
.Ltmp72:
0x4a5: {  	_ = 	snop;
	(pc) =	sbr.rel .LBB2_85-.Ltmp72, $2  }
0x4a6: {  	_ =	sdelay $0x2  }
0x4a7: {  	[tilespmem:v3+s30+$0x0] =	vst.idx.msk vm0, v2  }
.LBB2_87:
0x4a8: {  	_ =	sfence.sel $0x180000  }
0x4a9: {  	[bflag:$0x0] =	sbarrier.arrive $0xFFFF  }
0x4aa: {  	_ =	strace $0x9000004A  }
0x4ab: {  	s0 =	stileid.u32;
	[bflag:$0x2] =	sbarrier.arrive $0xFFFF  }
0x4ac: {  	p0 =	sne.s32 s0, $0x0;
	s0 =	rddreg [dreg:$0x4]  }
0x4ad: {  	s0 =	sadd.s32 @!p0 $0x100000, s0  }
0x4ae: {  	[sflag:s0] =	ssyncadd.tile.s32 @!p0 $0x1;
	_ =	shalt  }
.Lfunc_end2:
_tile_overlayer_lowered:
.L_overlay_start_2:
0x4af: {  	(tag) =	ssettag $0x2  }
0x4b0: {  	s0 =	rddreg [dreg:$0x0];
	s2 =	stileid.u32  }
0x4b1: {  	s1 =	rddreg [dreg:$0x1];
	p0 =	sne.s32 s2, $0x0  }
0x4b2: {  	s3 =	rddreg [dreg:$0x2];
	[bflag:$0x3] =	sbarrier.arrive $0xFFFF;
	s2 =	simm.s32 @!p0 $0x1C11  }
0x4b3: {  	[timem:s3], [sflag:s2] =	dma.local @!p0 [hbm:s0], s1  }
0x4b4: {  	s0 =	simm.s32 @!p0 $0x11  }
0x4b5: {  	_ =	swait.ge @!p0 [sflag:s0], s1  }
0x4b6: {  	s1 =	ssub.s32 @!p0 $0x0, s1;
	[sflag:s0] =	ssyncset.done @!p0 $0x0  }
0x4b7: {  	[sflag:s0] =	ssyncadd.s32 @!p0 s1  }
0x4b8: {  	[bflag:$0x3] =	sbarrier.arrive $0xFFFF  }
0x4b9: {  	_ =	shalt  }

// kernel: sparse-core-data-format-call.1.cloned.1.call-start
scs
called_computation.1_lowered:
.L_overlay_start_0:
0x0: {  	s2 =	sld [smem:$0x3FD9]  }
0x1: {  	s3 =	sld [smem:$0x3FFE];
	_ =	sdelay $0x1  }
0x2: {  	s1 =	srdreg.scid  }
0x3: {  	s0 =	sand.u32 $0x1, s1  }
0x4: {  	s18 =	sshll.u32 s0, $0xA;
	s2 =	sadd.s32 s3, s2  }
0x5: {  	s2 =	sadd.s32 s2, s18  }
0x6: {  	[smem:$0x3FC4] =	sst s2  }
0x7: {  	_ = 	snop  }
0x8: {  	s2 =	sld [smem:$0x3FC6];
	(tm) =	ssettm $0x1  }
0x9: {  	s19 =	sld [smem:$0x3FFB];
	_ =	sdelay $0x3  }
0xa: {  	_ =	strace s19  }
0xb: {  	s3 =	sld [smem:$0x3FFC];
	_ =	sdelay $0x3  }
0xc: {  	_ =	strace s3  }
0xd: {  	s3 =	sld [smem:$0x3FFD];
	_ =	sdelay $0x3  }
0xe: {  	_ =	strace s3  }
0xf: {  	_ =	strace $0x8FFFFFFF  }
0x10: {  	s20 =	sld [smem:$0x3FDB];
	_ =	sdelay $0x1  }
0x11: {  	s4 =	simm.s32 $_scs_section_size  }
0x12: {  	s5 =	simm.s32 $_size__tile_overlayer_lowered;
	s6 =	simm.s32 $_tile_overlayer_lowered  }
0x13: {  	s23 =	simm.s32 $0x1BFF;
	s22 =	sshll.u32 s6, $0x1;
	s3 =	sadd.s32 s4, s20  }
0x14: {  	s7 =	simm.s32 $0x0;
	s21 =	sshll.u32 s5, $0x1;
	s5 =	sadd.s32 s22, s3  }
0x15: {  	[timem:s7], [sflag:s23] =	dma.local [hbm:s5], s21  }
0x16: {  	_ =	swait.ge [sflag:s23], s21  }
0x17: {  	s4 =	ssub.s32 $0x0, s21;
	[sflag:s23] =	ssyncset.done $0x0  }
0x18: {  	[sflag:s23] =	ssyncadd.s32 s4;
	_ =	sdelay $0x1  }
0x19: {  	s24 =	simm.s32 $0x1B8B  }
0x1a: {  	_ =	swait.ge [sflag:s24], $0x1  }
0x1b: {  	[sflag:s24] =	ssyncset.done $0x0  }
0x1c: {  	s26 =	simm.s32 $0x1B8E;
	s25 =	sld [smem:$0x3FFE];
	[sflag:s24] =	ssyncadd.s32 $0xFFFFFFFF  }
0x1d: {  	s27 =	simm.s32 $execute0_lowered;
	[smem:$0x3FD2] =	sst s26  }
0x1e: {  	s5 =	sshll.u32 s27, $0x1;
	_ =	strace $0x80000046;
	[dreg:$0x1] =	wrdreg $0xFFFFFFFF  }
0x1f: {  	s28 =	simm.s32 $_size_execute0_lowered;
	s3 =	sadd.s32 s3, s5;
	[dreg:$0x0] =	wrdreg $0x0  }
0x20: {  	s5 =	sshll.u32 s28, $0x1;
	[dreg:$0x2] =	wrdreg s3  }
0x21: {  	[dreg:$0x3] =	wrdreg s5  }
0x22: {  	[dreg:$0x4] =	wrdreg $0xC0  }
0x23: {  	_ =	task [dreg:s7], $0x5FFFF  }
0x24: {  	[dreg:$0x1] =	wrdreg $0xFFFFFFFF  }
0x25: {  	[dreg:$0x0] =	wrdreg $0x60  }
0x26: {  	[dreg:$0x2] =	wrdreg s2  }
0x27: {  	[dreg:$0x3] =	wrdreg s25  }
0x28: {  	[dreg:$0x4] =	wrdreg $0x9  }
0x29: {  	_ =	task.clear_ibuf [dreg:s7], $0x5FFFF;
	_ =	strace $0x90000046  }
0x2a: {  	s29 =	simm.s32 $0x9;
	_ =	strace $0x80000048  }
0x2b: {  	_ =	swait.ge [sflag:s29], $0x1  }
0x2c: {  	[sflag:s29] =	ssyncadd.s32 $0xFFFFFFFF  }
0x2d: {  	_ =	strace $0x90000048  }
0x2e: {  	_ =	sfence  }
0x2f: {  	s30 =	sld [smem:$0x0];
	_ =	sdelay $0x2  }
0x30: {  	s31 =	sshll.u32 s1, $0xD;
	s1 =	sshrl.u32 s1, $0x2  }
0x31: {  	s3 =	sand.u32 $0x4000, s31;
	s1 =	sadd.s32 s1, s30  }
0x32: {  	s0 =	sor.u32 s3, s0;
	s1 =	sshll.u32 s1, $0x11  }
0x33: {  	s0 =	sor.u32 s1, s0  }
0x34: {  	s0 =	sadd.s32 $0x8F2B, s0  }
0x35: {  	[sflag:s0] =	ssyncadd.remote.s32 $0x1  }
0x36: {  	_ =	sfence.sel $0xFFFF  }
0x37: {  	[dreg:$0x0] =	wrdreg $0xFFFFFFFF;
	(pc) =	sbr.abs _section_cstart, $3  }
0x38: {  	[dreg:$0x1] =	wrdreg $0xFFFFFFFF  }
0x39: {  	_ =	task.clear_ibuf [dreg:s7], $0x2FFFF;
	_ =	strace $0x9FFFFFFF  }
0x3a: {  	(tm) =	ssettm $0x7FFFFFFF  }
0x3b: {  	_ =	shalt  }
tec
execute0_lowered:
.L_overlay_start_1:
0x0: {  	(tag) =	ssettag $0x1  }
0x1: {  	s0 =	srdreg.scid;
	s2 =	rddreg [dreg:$0x0]  }
0x2: {  	s5 =	rddreg [dreg:$0x1];
	s1 =	stileid.u32  }
0x3: {  	s4 =	simm.s32 $0x1;
	s6 =	simm.s32 $0x2;
	s15 =	simm.s32 $0x0  }
0x4: {  	p0 =	por $0x0, $0x0;
	s8 =	simm.s32 $0x80;
	s0 =	sshll.u32 s0, $0x4  }
0x5: {  	s14 =	simm.s32 $0x0;
	s9 =	simm.s32 $0x0;
	s3 =	sand.u32 $0x10, s0  }
.Ltmp0:
0x6: {  	s10 =	simm.s32 $0x0;
	s3 =	sor.u32 s1, s3;
	(pc) =	sbr.rel .LBB1_1-.Ltmp0, $4  }
0x7: {  	s0 =	rddreg [dreg:$0x2];
	_ =	strace $0x80000047;
	s3 =	sshll.u32 s3, $0x7  }
0x8: {  	s12 =	simm.s32 $0x0;
	[sflag:s4] =	ssyncpa.u1 $0x0;
	s7 =	ssub.s32 $0xF4200, s3  }
0x9: {  	s13 =	simm.s32 $0x0;
	[sflag:s6] =	ssyncpa.u1 $0x0;
	s6 =	sshrl.u32 s7, $0xC  }
0xa: {  	s5 =	sadd.s32 $0xE00, s5;
	s11 =	smov.u32 s3;
	s7 =	sadd.s32 $0x2, s6  }
.LBB1_5:
0xb: {  	p1 =	slt.u32 s13, $0x2  }
0xc: {  	s17 =	smov.u32 s15;
	p2 =	sgt.s32 @!p1 s15, $0xF41C0;
	s16 =	sshra.s32 @!p1 s15, $0x1F  }
0xd: {  	p3 =	sgt.s32 @!p1 s14, $0x40;
	s18 =	sshra.s32 @!p1 s14, $0x1F;
	p2 =	por !p2, p1  }
0xe: {  	s15 =	sand.u32 @!p1 s16, s15;
	p3 =	por !p3, p1;
	s16 =	smov.u32 s14  }
0xf: {  	s14 =	sand.u32 @!p1 s18, s14;
	s17 =	simm.s32 @p2 $0xF41C0;
	s16 =	simm.s32 @p3 $0x40  }
0x10: {  	s15 =	ssub.s32 @!p1 s17, s15;
	s14 =	ssub.s32 @!p1 s16, s14  }
0x11: {  	s18 =	smov.u32 s12;
	s16 =	sadd.s32 @!p1 $0xFFF0BE40, s15;
	s17 =	sadd.s32 @!p1 $0xFFFFFFC0, s14  }
0x12: {  	s15 =	ssub.s32 @!p1 $0xF4240, s15;
	p2 =	sgt.s32 @!p1 s16, $0x7F;
	p3 =	sgt.s32 @!p1 s17, $0x3F  }
0x13: {  	s14 =	ssub.s32 @!p1 $0x80, s14;
	p2 =	por !p2, p1;
	p3 =	por !p3, p1  }
0x14: {  	s16 =	sadd.s32 $0x1000, s11;
	s15 =	simm.s32 @!p2 $0x0;
	s14 =	simm.s32 @!p3 $0x0  }
0x15: {  	p2 =	sgt.s32 s16, $0xF423D;
	s14 =	smul.u32 @!p1 s14, s15;
	s15 =	sadd.s32 $0x40, s12  }
0x16: {  	s18 =	smov.u32 @p2 s15  }
0x17: {  	s16 =	smov.u32 @p2 s3;
	p2 =	sgt.s32 s18, $0x3F  }
0x18: {  	s18 =	simm.s32 @p2 $0x0;
	p2 =	sne.s32 s13, s7  }
.Ltmp1:
0x19: {  	p0 =	por !p0, !p0;
	s17 =	simm.s32 @!p1 $0x2;
	(pc) =	sbr.rel @!p2 .LBB1_6-.Ltmp1, $4  }
0x1a: {  	s15 =	smov.u32 s9;
	s9 =	smov.u32 s11;
	s14 =	sand.u32 @!p1 $0x3FFFFFFF, s14  }
0x1b: {  	s11 =	smov.u32 s16;
	_ =	swait.ge @!p1 [sflag:s17], s14;
	s19 =	ssub.s32 @!p1 $0x0, s14  }
0x1c: {  	s14 =	smov.u32 s10;
	s13 =	sadd.s32 $0x1, s13;
	[sflag:s17] =	ssyncset.done @!p1 $0x0  }
0x1d: {  	s10 =	smov.u32 s12;
	s12 =	smov.u32 s18;
	[sflag:s17] =	ssyncadd.s32 @!p1 s19  }
.LBB1_1:
0x1e: {  	p1 =	sgt.u32 s13, s6  }
0x1f: {  	s16 =	sshrl.u32 @!p1 s12, $0x3  }
0x20: {  	s17 =	sshll.u32 @!p1 s11, $0x3;
	s16 =	smul.u32 @!p1 $0x7A1400, s16  }
0x21: {  	s18 =	sshll.u32 @!p1 s12, $0x7;
	s17 =	sand.u32 @!p1 $0xFFFFFC00, s17  }
0x22: {  	s16 =	sadd.s32 @!p1 s16, s17;
	s17 =	sand.u32 @!p1 $0x380, s18  }
0x23: {  	s18 =	sand.u32 @!p1 $0x7F, s11;
	s16 =	sor.u32 @!p1 s17, s16  }
0x24: {  	s17 =	sor.u32 @!p1 s18, s16  }
0x25: {  	s18 =	smulhi.u32 @!p1 $0x218D6287, s17;
	_ =	sdelay $0x1  }
0x26: {  	s16 =	smulhi.u32 @!p1 $0x218D6287, s16;
	s18 =	sshrl.u32 @!p1 s18, $0x11  }
0x27: {  	s18 =	smul.u32 @!p1 $0xF4280, s18  }
0x28: {  	s19 =	sxor.u32 @!p1 $0xFFFFFFFF, s13;
	s16 =	sshrl.u32 @!p1 s16, $0x11  }
0x29: {  	s19 =	sshll.u32 @!p1 s19, $0xD;
	s16 =	sand.u32 @!p1 $0x3F, s16;
	s17 =	ssub.s32 @!p1 s17, s18  }
0x2a: {  	s16 =	smul.u32 @!p1 $0x1E850, s16;
	s18 =	sshrl.u32 @!p1 s17, $0x3;
	s17 =	sand.u32 @!p1 $0x7, s17  }
0x2b: {  	s19 =	sand.u32 @!p1 $0x2000, s19;
	s18 =	sadd.s32 @!p1 s2, s18;
	s17 =	sshll.u32 @!p1 s17, $0x12  }
0x2c: {  	s16 =	sadd.s32 @!p1 s16, s18;
	s17 =	sor.u32 @!p1 $0x400, s17;
	s18 =	simm.s32 @!p1 $0x7A1400  }
0x2d: {  	[tilespmem:s19], [sflag:$0x1] =	stream.strided.gather @!p1 [hbm4b:s16+s17], $0x2000, s18, s17, $0x38;
	[tilespmem:$0x8100] =	vst v63  }
0x2e: {  	p1 =	seq.s32 s13, $0x0  }
0x2f: {  	p2 =	sge.u32 @!p1 s13, s7  }
0x30: {  	p1 =	por p1, p2  }
.Ltmp2:
0x31: {  	_ = 	snop;
	(pc) =	sbr.rel @p1 .LBB1_5-.Ltmp2, $1  }
0x32: {  	_ =	sdelay $0x3  }
0x33: {  	s16 =	simm.s32 $0x1  }
0x34: {  	_ =	swait.ge [sflag:s4], $0x2000;
	s16 =	simm.s32 @!p0 $0x0  }
0x35: {  	[sflag:s4] =	ssyncset.done $0x0;
	s17 =	sshll.u32 s16, $0xD  }
0x36: {  	[sflag:s4] =	ssyncadd.s32 $0xFFFFE000;
	s17 =	sor.u32 $0x40, s17  }
0x37: {  	s16 =	smul.u32 $0x8200, s16;
	v0 =	vld [tilespmem:s17+$0x30]  }
0x38: {  	v1 =	vld [tilespmem:s17+$0xFFFFFFD0]  }
0x39: {  	s16 =	sshrl.u32 s16, $0x2;
	v5 =	vld [tilespmem:s17+$0xFFFFFFE0]  }
0x3a: {  	v6 =	vld [tilespmem:s17+$0xFFFFFFF0];
	s19 =	sor.u32 $0x4000, s16  }
0x3b: {  	s31 =	sand.u32 $0x1, s13;
	v4 =	vld [tilespmem:s17+$0x0];
	s18 =	sadd.s32 $0x0, s19  }
0x3c: {  	v3 =	vld [tilespmem:s17+$0x10];
	s16 =	smul.u32 $0x8200, s31;
	[tilespmem:s18+$0x1C70 ss:$0x41] =	vst.msk $0xffff, v0  }
0x3d: {  	v2 =	vld [tilespmem:s17+$0x20];
	[tilespmem:s18+$0x410 ss:$0x41] =	vst.msk $0xffff, v1  }
0x3e: {  	s16 =	sshrl.u32 s16, $0x2;
	v1 =	vld [tilespmem:s17+$0xFFFFFFC0];
	[tilespmem:s18+$0x820 ss:$0x41] =	vst.msk $0xffff, v5;
	s17 =	sadd.s32 $0x80, s17  }
0x3f: {  	s20 =	simm.s32 $0x4;
	s21 =	simm.s32 $0x8;
	s16 =	sor.u32 $0x4000, s16;
	[tilespmem:s18+$0xC30 ss:$0x41] =	vst.msk $0xffff, v6;
	v0 =	vld [tilespmem:s17+$0x30]  }
.LBB1_3:
0x40: {  	p1 =	sne.s32 s21, $0xFC;
	v5 =	vld [tilespmem:s17+$0xFFFFFFD0];
	[tilespmem:s18+$0x1040 ss:$0x41] =	vst.msk $0xffff, v4  }
0x41: {  	v6 =	vld [tilespmem:s17+$0xFFFFFFE0];
	[tilespmem:s18+$0x1450 ss:$0x41] =	vst.msk $0xffff, v3  }
0x42: {  	s22 =	sshra.s32 s20, $0x2;
	s20 =	smov.u32 s21;
	v7 =	vld [tilespmem:s17+$0xFFFFFFF0];
	[tilespmem:s18+$0x1860 ss:$0x41] =	vst.msk $0xffff, v2  }
.Ltmp3:
0x43: {  	v4 =	vld [tilespmem:s17+$0x0];
	[tilespmem:s18+$0x0 ss:$0x41] =	vst.msk $0xffff, v1;
	s18 =	sadd.s32 s22, s19;
	(pc) =	sbr.rel @p1 .LBB1_3-.Ltmp3, $4  }
0x44: {  	v3 =	vld [tilespmem:s17+$0x10];
	[tilespmem:s18+$0x1C70 ss:$0x41] =	vst.msk $0xffff, v0  }
0x45: {  	[tilespmem:s18+$0x410 ss:$0x41] =	vst.msk $0xffff, v5;
	v2 =	vld [tilespmem:s17+$0x20]  }
0x46: {  	v1 =	vld [tilespmem:s17+$0xFFFFFFC0];
	[tilespmem:s18+$0x820 ss:$0x41] =	vst.msk $0xffff, v6;
	s17 =	sadd.s32 $0x80, s17  }
0x47: {  	s21 =	sadd.s32 $0x4, s21;
	v0 =	vld [tilespmem:s17+$0x30];
	[tilespmem:s18+$0xC30 ss:$0x41] =	vst.msk $0xffff, v7  }
0x48: {  	s21 =	sshll.u32 s9, $0x7;
	s22 =	sshll.u32 s10, $0x3;
	s20 =	sshra.s32 s20, $0x2  }
0x49: {  	p1 =	sgt.s32 s9, $0xF41C0;
	s30 =	sshra.s32 s9, $0x1F;
	s25 =	sshra.s32 s10, $0x1F  }
0x4a: {  	v5 =	vld [tilespmem:s17+$0xFFFFFFD0];
	s28 =	sshrl.u32 s10, $0x3;
	s23 =	sand.u32 $0xFFFFFC00, s21;
	s22 =	sand.u32 $0xFFFFFC00, s22  }
0x4b: {  	[tilespmem:s18+$0x1040 ss:$0x41] =	vst.msk $0xffff, v4;
	v58 =	vld [tilespmem:s17+$0xFFFFFFE0];
	s21 =	sand.u32 $0x380, s21;
	s19 =	sadd.s32 s20, s19;
	s22 =	sadd.s32 s22, s23  }
0x4c: {  	v59 =	vld [tilespmem:s17+$0xFFFFFFF0];
	[tilespmem:s18+$0x1450 ss:$0x41] =	vst.msk $0xffff, v3;
	s29 =	sor.u32 s21, s22;
	s21 =	smov.u32 s9;
	s22 =	sand.u32 s30, s9  }
0x4d: {  	v60 =	vld [tilespmem:s17+$0x0];
	[tilespmem:s18+$0x1860 ss:$0x41] =	vst.msk $0xffff, v2;
	s30 =	sand.u32 $0x7, s10;
	s20 =	sshrl.u32 s29, $0x7;
	s21 =	simm.s32 @!p1 $0xF41C0  }
0x4e: {  	v61 =	vld [tilespmem:s17+$0x10];
	[tilespmem:s18+$0x0 ss:$0x41] =	vst.msk $0xffff, v1;
	p1 =	sgt.s32 s10, $0x40;
	s24 =	ssub.s32 s21, s22;
	s21 =	smov.u32 s10  }
0x4f: {  	v62 =	vld [tilespmem:s17+$0x20];
	[tilespmem:s19+$0x1C70 ss:$0x41] =	vst.msk $0xffff, v0;
	s31 =	smulhi.u32 $0x218DEF5, s20;
	s22 =	sand.u32 s25, s10;
	s21 =	simm.s32 @!p1 $0x40  }
0x50: {  	v63 =	vld [tilespmem:s17+$0xFFFFFFC0];
	[tilespmem:s19+$0x410 ss:$0x41] =	vst.msk $0xffff, v5;
	s26 =	sadd.s32 $0xFFF0BE40, s24;
	s17 =	ssub.s32 $0xF4240, s24;
	s21 =	ssub.s32 s21, s22  }
0x51: {  	[tilespmem:s19+$0x820 ss:$0x41] =	vst.msk $0xffff, v58;
	s23 =	sshrl.u32 s31, $0xD;
	p1 =	sgt.s32 s26, $0x7F;
	s27 =	sadd.s32 $0xFFFFFFC0, s21  }
0x52: {  	[tilespmem:s19+$0xC30 ss:$0x41] =	vst.msk $0xffff, v59;
	s23 =	smul.u32 $0xF4240, s23;
	s18 =	ssub.s32 $0x80, s21;
	p2 =	sgt.s32 s27, $0x3F  }
.Ltmp4:
0x53: {  	[tilespmem:s19+$0x1040 ss:$0x41] =	vst.msk $0xffff, v60;
	s17 =	simm.s32 @p1 $0x0;
	s18 =	simm.s32 @p2 $0x0;
	(pc) =	sbr.rel .LBB1_5-.Ltmp4, $4  }
0x54: {  	s29 =	sand.u32 $0xF, s28;
	[tilespmem:s19+$0x1450 ss:$0x41] =	vst.msk $0xffff, v61;
	s20 =	ssub.s32 s20, s23;
	s17 =	smul.u32 s18, s17  }
0x55: {  	[tilespmem:s19+$0x1860 ss:$0x41] =	vst.msk $0xffff, v62;
	s21 =	sshll.u32 s30, $0x12;
	s20 =	sshll.u32 s20, $0x4;
	s18 =	sadd.s32 s5, s29  }
0x56: {  	[tilespmem:s19+$0x0 ss:$0x41] =	vst.msk $0xffff, v63;
	s31 =	sor.u32 $0x40, s21;
	s18 =	sadd.s32 s20, s18;
	s17 =	sand.u32 $0x3FFFFFFF, s17  }
0x57: {  	[hbm4b:s18+s31] =	stream.strided.scatter [tilespmem:s16], [sflag:$0x2], s17, s8, s31, $0x18;
	[tilespmem:$0x8100] =	vst v63  }
.LBB1_6:
0x58: {  	_ =	sfence.sel $0x180000  }
0x59: {  	s2 =	simm.s32 $0x1;
	[bflag:$0x0] =	sbarrier.arrive $0xFFFF  }
0x5a: {  	s31 =	simm.s32 $0x2;
	[sflag:s2] =	ssyncpa.u1 $0x1  }
0x5b: {  	[sflag:s31] =	ssyncpa.u1 $0x1  }
0x5c: {  	p0 =	sne.s32 s1, $0x0;
	_ =	strace $0x90000047  }
0x5d: {  	s0 =	sadd.s32 @!p0 $0x100000, s0;
	[bflag:$0x2] =	sbarrier.arrive $0xFFFF  }
0x5e: {  	[sflag:s0] =	ssyncadd.tile.s32 @!p0 $0x1;
	_ =	shalt  }
.Lfunc_end1:
_tile_overlayer_lowered:
.L_overlay_start_2:
0x5f: {  	(tag) =	ssettag $0x2  }
0x60: {  	s0 =	rddreg [dreg:$0x0];
	s2 =	stileid.u32  }
0x61: {  	s1 =	rddreg [dreg:$0x1];
	p0 =	sne.s32 s2, $0x0  }
0x62: {  	s3 =	rddreg [dreg:$0x2];
	[bflag:$0x3] =	sbarrier.arrive $0xFFFF;
	s2 =	simm.s32 @!p0 $0x1C01  }
0x63: {  	[timem:s3], [sflag:s2] =	dma.local @!p0 [hbm:s0], s1  }
0x64: {  	s0 =	simm.s32 @!p0 $0x1  }
0x65: {  	_ =	swait.ge @!p0 [sflag:s0], s1  }
0x66: {  	s1 =	ssub.s32 @!p0 $0x0, s1;
	[sflag:s0] =	ssyncset.done @!p0 $0x0  }
0x67: {  	[sflag:s0] =	ssyncadd.s32 @!p0 s1  }
0x68: {  	[bflag:$0x3] =	sbarrier.arrive $0xFFFF  }
0x69: {  	_ =	shalt  }

// kernel: sparse-core-data-format-call.cloned.1.call-start
scs
called_computation_lowered:
.L_overlay_start_0:
0x0: {  	s2 =	sld [smem:$0x3FD9]  }
0x1: {  	s3 =	sld [smem:$0x3FFE];
	_ =	sdelay $0x1  }
0x2: {  	s1 =	srdreg.scid  }
0x3: {  	s0 =	sand.u32 $0x1, s1  }
0x4: {  	s18 =	sshll.u32 s0, $0xA;
	s2 =	sadd.s32 s3, s2  }
0x5: {  	s2 =	sadd.s32 s2, s18  }
0x6: {  	[smem:$0x3FC4] =	sst s2  }
0x7: {  	_ = 	snop  }
0x8: {  	s2 =	sld [smem:$0x3FD0];
	(tm) =	ssettm $0x1  }
0x9: {  	s19 =	sld [smem:$0x3FFB];
	_ =	sdelay $0x3  }
0xa: {  	_ =	strace s19  }
0xb: {  	s3 =	sld [smem:$0x3FFC];
	_ =	sdelay $0x3  }
0xc: {  	_ =	strace s3  }
0xd: {  	s3 =	sld [smem:$0x3FFD];
	_ =	sdelay $0x3  }
0xe: {  	_ =	strace s3  }
0xf: {  	_ =	strace $0x8FFFFFFF  }
0x10: {  	s20 =	sld [smem:$0x3FDB];
	_ =	sdelay $0x1  }
0x11: {  	s4 =	simm.s32 $_scs_section_size  }
0x12: {  	s5 =	simm.s32 $_size__tile_overlayer_lowered;
	s6 =	simm.s32 $_tile_overlayer_lowered  }
0x13: {  	s23 =	simm.s32 $0x1BFF;
	s22 =	sshll.u32 s6, $0x1;
	s3 =	sadd.s32 s4, s20  }
0x14: {  	s7 =	simm.s32 $0x0;
	s21 =	sshll.u32 s5, $0x1;
	s5 =	sadd.s32 s22, s3  }
0x15: {  	[timem:s7], [sflag:s23] =	dma.local [hbm:s5], s21  }
0x16: {  	_ =	swait.ge [sflag:s23], s21  }
0x17: {  	s4 =	ssub.s32 $0x0, s21;
	[sflag:s23] =	ssyncset.done $0x0  }
0x18: {  	[sflag:s23] =	ssyncadd.s32 s4;
	_ =	sdelay $0x1  }
0x19: {  	s24 =	simm.s32 $0x1B8B  }
0x1a: {  	_ =	swait.ge [sflag:s24], $0x1  }
0x1b: {  	[sflag:s24] =	ssyncset.done $0x0  }
0x1c: {  	s26 =	simm.s32 $0x1B8E;
	s25 =	sld [smem:$0x3FFE];
	[sflag:s24] =	ssyncadd.s32 $0xFFFFFFFF  }
0x1d: {  	s27 =	simm.s32 $execute0_lowered;
	[smem:$0x3FD2] =	sst s26  }
0x1e: {  	s5 =	sshll.u32 s27, $0x1;
	_ =	strace $0x8000004C;
	[dreg:$0x1] =	wrdreg $0xFFFFFFFF  }
0x1f: {  	s28 =	simm.s32 $_size_execute0_lowered;
	s3 =	sadd.s32 s3, s5;
	[dreg:$0x0] =	wrdreg $0x0  }
0x20: {  	s5 =	sshll.u32 s28, $0x1;
	[dreg:$0x2] =	wrdreg s3  }
0x21: {  	[dreg:$0x3] =	wrdreg s5  }
0x22: {  	[dreg:$0x4] =	wrdreg $0xC0  }
0x23: {  	_ =	task [dreg:s7], $0x5FFFF  }
0x24: {  	[dreg:$0x1] =	wrdreg $0xFFFFFFFF  }
0x25: {  	[dreg:$0x0] =	wrdreg $0x60  }
0x26: {  	[dreg:$0x2] =	wrdreg s25  }
0x27: {  	[dreg:$0x3] =	wrdreg s2  }
0x28: {  	[dreg:$0x4] =	wrdreg $0x9  }
0x29: {  	_ =	task.clear_ibuf [dreg:s7], $0x5FFFF;
	_ =	strace $0x9000004C  }
0x2a: {  	s29 =	simm.s32 $0x9;
	_ =	strace $0x8000004E  }
0x2b: {  	_ =	swait.ge [sflag:s29], $0x1  }
0x2c: {  	[sflag:s29] =	ssyncadd.s32 $0xFFFFFFFF  }
0x2d: {  	_ =	strace $0x9000004E  }
0x2e: {  	_ =	sfence  }
0x2f: {  	s30 =	sld [smem:$0x0];
	_ =	sdelay $0x2  }
0x30: {  	s31 =	sshll.u32 s1, $0xD;
	s1 =	sshrl.u32 s1, $0x2  }
0x31: {  	s3 =	sand.u32 $0x4000, s31;
	s1 =	sadd.s32 s1, s30  }
0x32: {  	s0 =	sor.u32 s3, s0;
	s1 =	sshll.u32 s1, $0x11  }
0x33: {  	s0 =	sor.u32 s1, s0  }
0x34: {  	s0 =	sadd.s32 $0x8F2B, s0  }
0x35: {  	[sflag:s0] =	ssyncadd.remote.s32 $0x1  }
0x36: {  	_ =	sfence.sel $0xFFFF  }
0x37: {  	[dreg:$0x0] =	wrdreg $0xFFFFFFFF;
	(pc) =	sbr.abs _section_cstart, $3  }
0x38: {  	[dreg:$0x1] =	wrdreg $0xFFFFFFFF  }
0x39: {  	_ =	task.clear_ibuf [dreg:s7], $0x2FFFF;
	_ =	strace $0x9FFFFFFF  }
0x3a: {  	(tm) =	ssettm $0x7FFFFFFF  }
0x3b: {  	_ =	shalt  }
tec
execute0_lowered:
.L_overlay_start_1:
0x0: {  	(tag) =	ssettag $0x1  }
0x1: {  	s0 =	srdreg.scid  }
0x2: {  	s1 =	sshll.u32 s0, $0x4  }
0x3: {  	s0 =	stileid.u32;
	s1 =	sand.u32 $0x10, s1  }
0x4: {  	s1 =	sor.u32 s0, s1  }
0x5: {  	s6 =	rddreg [dreg:$0x0];
	s4 =	simm.s32 $0x1;
	s2 =	sshll.u32 s1, $0x7  }
0x6: {  	s7 =	simm.s32 $0x2;
	s12 =	simm.s32 $0x0;
	s1 =	ssub.s32 $0x1000, s2  }
0x7: {  	s8 =	simm.s32 $0x8000;
	s13 =	simm.s32 $0x0;
	s3 =	sand.u32 $0xF80, s1  }
0x8: {  	s9 =	simm.s32 $0x0;
	s5 =	sshrl.u32 s1, $0xC;
	p0 =	sne.s32 s3, $0x0  }
.Ltmp0:
0x9: {  	s1 =	rddreg [dreg:$0x2];
	s4 =	simm.s32 @!p0 $0x0;
	(pc) =	sbr.rel .LBB1_1-.Ltmp0, $4  }
0xa: {  	s11 =	simm.s32 $0x0;
	s3 =	rddreg [dreg:$0x1];
	s5 =	sadd.s32 s4, s5  }
0xb: {  	_ =	strace $0x8000004D;
	s4 =	simm.s32 $0x1;
	s5 =	smul.u32 $0xC8, s5  }
0xc: {  	s6 =	sadd.s32 $0xE00, s6;
	s10 =	smov.u32 s2;
	[sflag:s4] =	ssyncpa.u1 $0x0  }
0xd: {  	p0 =	por $0x0, $0x0;
	[sflag:s7] =	ssyncpa.u1 $0x0;
	s7 =	sor.u32 $0x1, s5  }
.LBB1_4:
0xe: {  	s16 =	sshll.u32 s13, $0x3;
	s17 =	sand.u32 $0x78, s13  }
0xf: {  	s30 =	sand.u32 $0x7E00, s13;
	s12 =	sshll.u32 s12, $0xF;
	s16 =	sand.u32 $0xC00, s16  }
0x10: {  	[tilespmem:s15+$0x810 ss:$0x81] =	vst.msk $0xffff, v2;
	s31 =	sand.u32 $0x7, s13;
	s16 =	sor.u32 s17, s16;
	s17 =	sadd.s32 s3, s30  }
0x11: {  	[tilespmem:s15+$0x1020 ss:$0x81] =	vst.msk $0xffff, v0;
	s13 =	sshll.u32 s31, $0x12;
	s12 =	sadd.s32 s12, s17;
	s16 =	sshrl.u32 s16, $0x3  }
0x12: {  	[tilespmem:s15+$0x0 ss:$0x81] =	vst.msk $0xffff, v1;
	s13 =	sor.u32 $0x400, s13;
	s12 =	sadd.s32 s16, s12  }
0x13: {  	[hbm4b:s12+s13] =	stream.strided.scatter [tilespmem:s14], [sflag:$0x2], $0x2000, s8, s13, $0x20;
	[tilespmem:$0x8080] =	vst v63  }
.LBB1_5:
0x14: {  	s14 =	sadd.s32 $0x1, s9  }
0x15: {  	s12 =	sadd.s32 $0x1000, s10;
	s16 =	smov.u32 s10;
	p2 =	sgt.s32 s14, $0xC7  }
0x16: {  	s16 =	smov.u32 @p2 s12  }
0x17: {  	s14 =	simm.s32 @p2 $0x0;
	p2 =	sgt.s32 s16, $0xFFF  }
0x18: {  	s16 =	smov.u32 @p2 s2;
	p2 =	sne.s32 s11, s7  }
.Ltmp1:
0x19: {  	p1 =	slt.u32 s11, $0x2;
	(pc) =	sbr.rel @!p2 .LBB1_6-.Ltmp1, $4  }
0x1a: {  	s15 =	simm.s32 @!p1 $0x2  }
0x1b: {  	s13 =	smov.u32 s10;
	p0 =	por !p0, !p0;
	_ =	swait.ge @!p1 [sflag:s15], $0x2000  }
0x1c: {  	s12 =	smov.u32 s9;
	[sflag:s15] =	ssyncset.done @!p1 $0x0;
	s9 =	smov.u32 s14  }
0x1d: {  	s11 =	sadd.s32 $0x1, s11;
	[sflag:s15] =	ssyncadd.s32 @!p1 $0xFFFFE000;
	s10 =	smov.u32 s16  }
.LBB1_1:
0x1e: {  	p1 =	sge.u32 s11, s5  }
0x1f: {  	s14 =	sand.u32 @!p1 $0x1FFFFFF, s9  }
0x20: {  	s15 =	smulhi.u32 @!p1 $0x147AE15, s14;
	_ =	sdelay $0x1  }
0x21: {  	s15 =	smul.u32 @!p1 $0xC8, s15  }
0x22: {  	s16 =	sxor.u32 @!p1 $0xFFFFFFFF, s11;
	s17 =	smul.u32 @!p1 $0xC80, s10  }
0x23: {  	s31 =	sadd.s32 $0xFFFFFFFF, s11;
	s16 =	sshll.u32 @!p1 s16, $0xD;
	s14 =	ssub.s32 @!p1 s14, s15  }
0x24: {  	s15 =	sand.u32 @!p1 $0x2000, s16;
	s16 =	sadd.s32 @!p1 s6, s17;
	s14 =	sshll.u32 @!p1 s14, $0x4  }
0x25: {  	s17 =	simm.s32 @!p1 $0x6400;
	s14 =	sadd.s32 @!p1 s14, s16;
	s16 =	simm.s32 @!p1 $0x40  }
0x26: {  	[tilespmem:s15], [sflag:$0x1] =	stream.strided.gather @!p1 [hbm4b:s14+s16], $0x2000, s17, s16, $0x38;
	[tilespmem:$0x8080] =	vst v63  }
0x27: {  	p1 =	sge.u32 s31, s5  }
.Ltmp2:
0x28: {  	_ = 	snop;
	(pc) =	sbr.rel @p1 .LBB1_5-.Ltmp2, $1  }
0x29: {  	_ =	sdelay $0x3  }
0x2a: {  	s14 =	simm.s32 $0x1  }
0x2b: {  	_ =	swait.ge [sflag:s4], $0x2000;
	s14 =	simm.s32 @!p0 $0x0  }
0x2c: {  	[sflag:s4] =	ssyncset.done $0x0;
	s15 =	sshll.u32 s14, $0xD  }
0x2d: {  	[sflag:s4] =	ssyncadd.s32 $0xFFFFE000;
	s18 =	sor.u32 $0x20, s15  }
0x2e: {  	s14 =	smul.u32 $0x8100, s14;
	v3 =	vld [tilespmem:s18+$0x10]  }
0x2f: {  	s30 =	sand.u32 $0x1, s11;
	v2 =	vld [tilespmem:s18+$0xFFFFFFF0]  }
0x30: {  	s15 =	smul.u32 $0x8100, s30;
	s14 =	sshrl.u32 s14, $0x2;
	v0 =	vld [tilespmem:s18+$0x0]  }
0x31: {  	v1 =	vld [tilespmem:s18+$0xFFFFFFE0];
	s16 =	sor.u32 $0x4000, s14  }
0x32: {  	s31 =	sshrl.u32 s15, $0x2;
	s15 =	sadd.s32 $0x0, s16  }
0x33: {  	s17 =	simm.s32 $0x4;
	s18 =	sadd.s32 $0x40, s18;
	s14 =	sor.u32 $0x4000, s31;
	[tilespmem:s15+$0x1830 ss:$0x81] =	vst.msk $0xffff, v3  }
.LBB1_3:
0x34: {  	v3 =	vld [tilespmem:s18+$0x10];
	p1 =	sne.s32 s17, $0x1FC;
	[tilespmem:s15+$0x810 ss:$0x81] =	vst.msk $0xffff, v2;
	s19 =	smov.u32 s17;
	s17 =	sadd.s32 $0x4, s17  }
.Ltmp3:
0x35: {  	v2 =	vld [tilespmem:s18+$0xFFFFFFF0];
	[tilespmem:s15+$0x1020 ss:$0x81] =	vst.msk $0xffff, v0;
	(pc) =	sbr.rel @p1 .LBB1_3-.Ltmp3, $4  }
0x36: {  	v0 =	vld [tilespmem:s18+$0x0];
	[tilespmem:s15+$0x0 ss:$0x81] =	vst.msk $0xffff, v1  }
0x37: {  	s15 =	sshra.s32 s19, $0x2;
	v1 =	vld [tilespmem:s18+$0xFFFFFFE0]  }
0x38: {  	s15 =	sadd.s32 s15, s16  }
0x39: {  	s18 =	sadd.s32 $0x40, s18;
	[tilespmem:s15+$0x1830 ss:$0x81] =	vst.msk $0xffff, v3  }
.Ltmp4:
0x3a: {  	_ = 	snop;
	(pc) =	sbr.rel .LBB1_4-.Ltmp4, $1  }
0x3b: {  	_ =	sdelay $0x3  }
.LBB1_6:
0x3c: {  	_ =	sfence.sel $0x180000  }
0x3d: {  	s2 =	simm.s32 $0x1;
	[bflag:$0x0] =	sbarrier.arrive $0xFFFF  }
0x3e: {  	s31 =	simm.s32 $0x2;
	[sflag:s2] =	ssyncpa.u1 $0x1  }
0x3f: {  	[sflag:s31] =	ssyncpa.u1 $0x1  }
0x40: {  	p0 =	sne.s32 s0, $0x0;
	_ =	strace $0x9000004D  }
0x41: {  	s0 =	sadd.s32 @!p0 $0x100000, s1;
	[bflag:$0x2] =	sbarrier.arrive $0xFFFF  }
0x42: {  	[sflag:s0] =	ssyncadd.tile.s32 @!p0 $0x1;
	_ =	shalt  }
.Lfunc_end1:
_tile_overlayer_lowered:
.L_overlay_start_2:
0x43: {  	(tag) =	ssettag $0x2  }
0x44: {  	s0 =	rddreg [dreg:$0x0];
	s2 =	stileid.u32  }
0x45: {  	s1 =	rddreg [dreg:$0x1];
	p0 =	sne.s32 s2, $0x0  }
0x46: {  	s3 =	rddreg [dreg:$0x2];
	[bflag:$0x3] =	sbarrier.arrive $0xFFFF;
	s2 =	simm.s32 @!p0 $0x1C01  }
0x47: {  	[timem:s3], [sflag:s2] =	dma.local @!p0 [hbm:s0], s1  }
0x48: {  	s0 =	simm.s32 @!p0 $0x1  }
0x49: {  	_ =	swait.ge @!p0 [sflag:s0], s1  }
0x4a: {  	s1 =	ssub.s32 @!p0 $0x0, s1;
	[sflag:s0] =	ssyncset.done @!p0 $0x0  }
0x4b: {  	[sflag:s0] =	ssyncadd.s32 @!p0 s1  }
0x4c: {  	[bflag:$0x3] =	sbarrier.arrive $0xFFFF  }
0x4d: {  	_ =	shalt  }

</sc_bundles>
